<compile_context>
chip_gen: v7x
topology: tpu7x:2x2x1
jax: 0.10.2.dev20260603
libtpu: 0.0.44.dev20260713+nightly
codegen_flags: <defaults>
</compile_context>

<pallas_src>
import functools
import jax
import jax.numpy as jnp
from jax import lax
from jax.experimental import pallas as pl
from jax.experimental.pallas import tpu as pltpu
from jax.experimental.pallas import tpu_sc as plsc

G = 512
D = 512
V_TOTAL = 100000
NC = 2
NS = 16
NW = NC * NS
SEG_PER_W = G // NW
CHUNK = 64
NL = D // 16
_NEG = -3.0e38


def _sc_kernel(h_hbm, w_hbm, starts_hbm, out_hbm, rows_v, w_v, starts_v,
               acc_v, out_v):
    wid = lax.axis_index("s") * NC + lax.axis_index("c")
    g0 = wid * SEG_PER_W

    pltpu.sync_copy(w_hbm, w_v)
    pltpu.sync_copy(starts_hbm, starts_v)

    def seg_body(gi, _):
        g = g0 + gi
        sv = starts_v[pl.ds(g, 16)]
        s_row = sv[0]
        e_row = sv[1]

        for c in range(NL):
            acc_v[pl.ds(c * 16, 16)] = jnp.zeros((16,), jnp.float32)

        a0 = (s_row // 8) * 8
        nchunks = (e_row - a0 + CHUNK - 1) // CHUNK

        def chunk_body(k, carry):
            m_run, den = carry
            base = a0 + k * CHUNK
            w0 = jnp.minimum(base, V_TOTAL - CHUNK)
            r_lo = jnp.maximum(s_row, base) - w0
            r_hi = jnp.minimum(e_row, base + CHUNK) - w0
            pltpu.sync_copy(h_hbm.at[pl.ds(w0, CHUNK)], rows_v)

            def row_body(off, rcarry):
                m_prev, den_prev = rcarry
                part = jnp.zeros((16,), jnp.float32)
                for c in range(NL):
                    part = part + rows_v[off, pl.ds(c * 16, 16)] * \
                        w_v[pl.ds(c * 16, 16)]
                s_val = part[0]
                for lane in range(1, 16):
                    s_val = s_val + part[lane]
                m_new = jnp.maximum(m_prev, s_val)
                fvec = jnp.exp(jnp.full((16,), m_prev - m_new, jnp.float32))
                pvec = jnp.exp(jnp.full((16,), s_val - m_new, jnp.float32))
                den_new = den_prev * fvec + pvec

                @pl.when(m_new > m_prev)
                def _rescale():
                    for c in range(NL):
                        acc_v[pl.ds(c * 16, 16)] = \
                            acc_v[pl.ds(c * 16, 16)] * fvec

                for c in range(NL):
                    acc_v[pl.ds(c * 16, 16)] = acc_v[pl.ds(c * 16, 16)] + \
                        pvec * rows_v[off, pl.ds(c * 16, 16)]
                return m_new, den_new

            return lax.fori_loop(r_lo, r_hi, row_body, (m_run, den))

        m_fin, den_fin = lax.fori_loop(
            0, nchunks, chunk_body,
            (jnp.float32(_NEG), jnp.zeros((16,), jnp.float32)))
        del m_fin
        inv = jnp.where(den_fin > 0.0, 1.0 / den_fin, 0.0)
        for c in range(NL):
            out_v[gi, pl.ds(c * 16, 16)] = acc_v[pl.ds(c * 16, 16)] * inv
        return 0

    lax.fori_loop(0, SEG_PER_W, seg_body, 0)
    pltpu.sync_copy(out_v, out_hbm.at[pl.ds(g0, SEG_PER_W)])


_sc_call = functools.partial(
    pl.kernel,
    mesh=plsc.VectorSubcoreMesh(core_axis_name="c", subcore_axis_name="s"),
    out_type=jax.ShapeDtypeStruct((G, D), jnp.float32),
    scratch_types=[
        pltpu.VMEM((CHUNK, D), jnp.float32),
        pltpu.VMEM((D,), jnp.float32),
        pltpu.VMEM((G + 32,), jnp.int32),
        pltpu.VMEM((D,), jnp.float32),
        pltpu.VMEM((SEG_PER_W, D), jnp.float32),
    ],
)(_sc_kernel)


@jax.jit
def kernel(H, batch, W, b):
    del b
    batch = batch.astype(jnp.int32)
    starts = jnp.searchsorted(batch, jnp.arange(G + 32, dtype=jnp.int32))
    starts = jnp.minimum(starts, V_TOTAL).astype(jnp.int32)
    return _sc_call(H, W.reshape(D), starts)

# --- scband reference (transcript-rebuilt; emitter-appended) ---
"""Pipeline reference for scband-attentive-aggregation-89283780149690 (READ-ONLY COPY).

The authoritative reference and input builder live on the scoring server;
editing this copy changes nothing except your own understanding.
"""

import jax, jax.numpy as jnp
import numpy as np

NUM_GRAPHS = 512
V = 100000
D = 512

def setup_inputs(seed: int = 0) -> dict:
    key = jax.random.key(seed)
    k1, k2, k3, k4 = jax.random.split(key, 4)
    H = jax.random.normal(k1, (V, D), dtype=jnp.float32)
    batch = jnp.sort(jax.random.randint(k2, (V,), 0, NUM_GRAPHS)).astype(jnp.int64)
    # parameters of nn.Linear(output_size=512, 1)
    W = jax.random.normal(k3, (D, 1), dtype=jnp.float32) * (1.0 / np.sqrt(D))
    b = jax.random.normal(k4, (1,), dtype=jnp.float32) * 0.01
    return {"H": H, "batch": batch, "W": W, "b": b}

def reference(H, batch, W, b):
    # scores = self.W(H): [V, 1]
    scores = H @ W + b
    # scatter softmax over segments (graphs) along dim 0
    max_per_index = jax.ops.segment_max(scores, batch, num_segments=NUM_GRAPHS)  # [b, 1]
    max_per_src = max_per_index[batch]  # gather back to [V, 1]
    recentered_exp = jnp.exp(scores - max_per_src)
    sum_per_index = jax.ops.segment_sum(recentered_exp, batch, num_segments=NUM_GRAPHS)  # [b, 1]
    normalizers = sum_per_index[batch]
    alphas = recentered_exp / normalizers  # [V, 1]
    # attention-weighted segment sum: [b, d]
    out = jax.ops.segment_sum(alphas * H, batch, num_segments=NUM_GRAPHS)
    return out

if __name__ == "__main__":
    import jax
    _d = setup_inputs()
    print(jax.jit(kernel)(*tuple(_d.values())))

</pallas_src>

<mosaic_0001>
#map = affine_map<(d0, d1) -> (0, 0)>
#map1 = affine_map<(d0, d1) -> (0)>
module attributes {stable_mosaic.version = 14 : i64} {
  func.func @_sc_kernel(%arg0: i32, %arg1: i32, %arg2: memref<100000x512xf32, #tpu.memory_space<hbm>>, %arg3: memref<512xf32, #tpu.memory_space<hbm>>, %arg4: memref<544xi32, #tpu.memory_space<hbm>>, %arg5: memref<512x512xf32, #tpu.memory_space<hbm>>, %arg6: memref<64x512xf32, #tpu.memory_space<vmem>>, %arg7: memref<512xf32, #tpu.memory_space<vmem>>, %arg8: memref<544xi32, #tpu.memory_space<vmem>>, %arg9: memref<512xf32, #tpu.memory_space<vmem>>, %arg10: memref<16x512xf32, #tpu.memory_space<vmem>>) attributes {dimension_semantics = [#tpu.dimension_semantics<core_parallel>, #tpu.dimension_semantics<subcore_parallel>], iteration_bounds = array<i64: 2, 16>, scalar_prefetch = 0 : i64, scratch_operands = 5 : i64, tpu.core_type = #tpu.core_type<sc_vector_subcore>, window_params = [{transform_indices = #map}, {transform_indices = #map1}, {transform_indices = #map1}, {transform_indices = #map}]} {
    %mul3A = arith.constant 2 : i32
    %mul3A_0 = arith.muli %arg1, %mul3A : i32
    %add3A = arith.addi %mul3A_0, %arg0 : i32
    %mul3A_1 = arith.constant 16 : i32
    %mul3A_2 = arith.muli %add3A, %mul3A_1 : i32
    "tpu.region"() ({
      %run_scoped3A = tpu.sem_alloc : memref<!tpu.dma_semaphore, #tpu.memory_space<semaphore_mem>>
      tpu.enqueue_dma source(%arg3 : memref<512xf32, #tpu.memory_space<hbm>>) target(%arg7 : memref<512xf32, #tpu.memory_space<vmem>>) target_semaphore(%run_scoped3A : memref<!tpu.dma_semaphore, #tpu.memory_space<semaphore_mem>>)
      tpu.wait_dma2 semaphore(%run_scoped3A : memref<!tpu.dma_semaphore, #tpu.memory_space<semaphore_mem>>) src(%arg3 : memref<512xf32, #tpu.memory_space<hbm>>) dst(%arg7 : memref<512xf32, #tpu.memory_space<vmem>>)
      tpu.yield
    }) : () -> ()
    "tpu.region"() ({
      %run_scoped3A = tpu.sem_alloc : memref<!tpu.dma_semaphore, #tpu.memory_space<semaphore_mem>>
      tpu.enqueue_dma source(%arg4 : memref<544xi32, #tpu.memory_space<hbm>>) target(%arg8 : memref<544xi32, #tpu.memory_space<vmem>>) target_semaphore(%run_scoped3A : memref<!tpu.dma_semaphore, #tpu.memory_space<semaphore_mem>>)
      tpu.wait_dma2 semaphore(%run_scoped3A : memref<!tpu.dma_semaphore, #tpu.memory_space<semaphore_mem>>) src(%arg4 : memref<544xi32, #tpu.memory_space<hbm>>) dst(%arg8 : memref<544xi32, #tpu.memory_space<vmem>>)
      tpu.yield
    }) : () -> ()
    %scan3A = arith.constant 0 : i32
    %scan3A_3 = arith.constant 0 : i32
    %scan3A_4 = arith.constant 16 : i32
    %scan3A_5 = arith.addi %scan3A_3, %scan3A_4 : i32
    %scan3A_6 = arith.constant 1 : i32
    %scan3A_7 = scf.for %scan3A_9 = %scan3A_3 to %scan3A_5 step %scan3A_6 iter_args(%scan3A_10 = %scan3A) -> (i32)  : i32 {
      %add3A_11 = arith.addi %mul3A_2, %scan3A_9 : i32
      %get3A = arith.index_cast %add3A_11 : i32 to index
      %get3A_12 = tpu.vector_load %arg8[%get3A] {strides = array<i32>} : memref<544xi32, #tpu.memory_space<vmem>>, vector<16xi32>,
      %get3A_13 = vector.shape_cast %get3A_12 : vector<16xi32> to vector<16xi32>
      %slice3A = vector.extract_strided_slice %get3A_13 {offsets = [0], sizes = [1], strides = [1]} : vector<16xi32> to vector<1xi32>
      %squeeze3A = vector.extract %slice3A[0] : i32 from vector<1xi32>
      %slice3A_14 = vector.extract_strided_slice %get3A_13 {offsets = [1], sizes = [1], strides = [1]} : vector<16xi32> to vector<1xi32>
      %squeeze3A_15 = vector.extract %slice3A_14[0] : i32 from vector<1xi32>
      %broadcast_in_dim3A = arith.constant 0.000000e+00 : f32
      %broadcast_in_dim3A_16 = vector.broadcast %broadcast_in_dim3A : f32 to vector<16xf32>
      %swap3A = arith.constant 0 : index
      %swap3A_17 = tpu.vector_load %arg9[%swap3A] {strides = array<i32>} : memref<512xf32, #tpu.memory_space<vmem>>, vector<16xf32>,
      %swap3A_18 = vector.shape_cast %swap3A_17 : vector<16xf32> to vector<16xf32>
      %swap3A_19 = vector.shape_cast %broadcast_in_dim3A_16 : vector<16xf32> to vector<16xf32>
      tpu.vector_store %arg9[%swap3A], %swap3A_19 {strides = array<i32>} : memref<512xf32, #tpu.memory_space<vmem>>, vector<16xf32>,
      %broadcast_in_dim3A_20 = arith.constant 0.000000e+00 : f32
      %broadcast_in_dim3A_21 = vector.broadcast %broadcast_in_dim3A_20 : f32 to vector<16xf32>
      %swap3A_22 = arith.constant 16 : index
      %swap3A_23 = tpu.vector_load %arg9[%swap3A_22] {strides = array<i32>} : memref<512xf32, #tpu.memory_space<vmem>>, vector<16xf32>,
      %swap3A_24 = vector.shape_cast %swap3A_23 : vector<16xf32> to vector<16xf32>
      %swap3A_25 = vector.shape_cast %broadcast_in_dim3A_21 : vector<16xf32> to vector<16xf32>
      tpu.vector_store %arg9[%swap3A_22], %swap3A_25 {strides = array<i32>} : memref<512xf32, #tpu.memory_space<vmem>>, vector<16xf32>,
      %broadcast_in_dim3A_26 = arith.constant 0.000000e+00 : f32
      %broadcast_in_dim3A_27 = vector.broadcast %broadcast_in_dim3A_26 : f32 to vector<16xf32>
      %swap3A_28 = arith.constant 32 : index
      %swap3A_29 = tpu.vector_load %arg9[%swap3A_28] {strides = array<i32>} : memref<512xf32, #tpu.memory_space<vmem>>, vector<16xf32>,
      %swap3A_30 = vector.shape_cast %swap3A_29 : vector<16xf32> to vector<16xf32>
      %swap3A_31 = vector.shape_cast %broadcast_in_dim3A_27 : vector<16xf32> to vector<16xf32>
      tpu.vector_store %arg9[%swap3A_28], %swap3A_31 {strides = array<i32>} : memref<512xf32, #tpu.memory_space<vmem>>, vector<16xf32>,
      %broadcast_in_dim3A_32 = arith.constant 0.000000e+00 : f32
      %broadcast_in_dim3A_33 = vector.broadcast %broadcast_in_dim3A_32 : f32 to vector<16xf32>
      %swap3A_34 = arith.constant 48 : index
      %swap3A_35 = tpu.vector_load %arg9[%swap3A_34] {strides = array<i32>} : memref<512xf32, #tpu.memory_space<vmem>>, vector<16xf32>,
      %swap3A_36 = vector.shape_cast %swap3A_35 : vector<16xf32> to vector<16xf32>
      %swap3A_37 = vector.shape_cast %broadcast_in_dim3A_33 : vector<16xf32> to vector<16xf32>
      tpu.vector_store %arg9[%swap3A_34], %swap3A_37 {strides = array<i32>} : memref<512xf32, #tpu.memory_space<vmem>>, vector<16xf32>,
      %broadcast_in_dim3A_38 = arith.constant 0.000000e+00 : f32
      %broadcast_in_dim3A_39 = vector.broadcast %broadcast_in_dim3A_38 : f32 to vector<16xf32>
      %swap3A_40 = arith.constant 64 : index
      %swap3A_41 = tpu.vector_load %arg9[%swap3A_40] {strides = array<i32>} : memref<512xf32, #tpu.memory_space<vmem>>, vector<16xf32>,
      %swap3A_42 = vector.shape_cast %swap3A_41 : vector<16xf32> to vector<16xf32>
      %swap3A_43 = vector.shape_cast %broadcast_in_dim3A_39 : vector<16xf32> to vector<16xf32>
      tpu.vector_store %arg9[%swap3A_40], %swap3A_43 {strides = array<i32>} : memref<512xf32, #tpu.memory_space<vmem>>, vector<16xf32>,
      %broadcast_in_dim3A_44 = arith.constant 0.000000e+00 : f32
      %broadcast_in_dim3A_45 = vector.broadcast %broadcast_in_dim3A_44 : f32 to vector<16xf32>
      %swap3A_46 = arith.constant 80 : index
      %swap3A_47 = tpu.vector_load %arg9[%swap3A_46] {strides = array<i32>} : memref<512xf32, #tpu.memory_space<vmem>>, vector<16xf32>,
      %swap3A_48 = vector.shape_cast %swap3A_47 : vector<16xf32> to vector<16xf32>
      %swap3A_49 = vector.shape_cast %broadcast_in_dim3A_45 : vector<16xf32> to vector<16xf32>
      tpu.vector_store %arg9[%swap3A_46], %swap3A_49 {strides = array<i32>} : memref<512xf32, #tpu.memory_space<vmem>>, vector<16xf32>,
      %broadcast_in_dim3A_50 = arith.constant 0.000000e+00 : f32
      %broadcast_in_dim3A_51 = vector.broadcast %broadcast_in_dim3A_50 : f32 to vector<16xf32>
      %swap3A_52 = arith.constant 96 : index
      %swap3A_53 = tpu.vector_load %arg9[%swap3A_52] {strides = array<i32>} : memref<512xf32, #tpu.memory_space<vmem>>, vector<16xf32>,
      %swap3A_54 = vector.shape_cast %swap3A_53 : vector<16xf32> to vector<16xf32>
      %swap3A_55 = vector.shape_cast %broadcast_in_dim3A_51 : vector<16xf32> to vector<16xf32>
      tpu.vector_store %arg9[%swap3A_52], %swap3A_55 {strides = array<i32>} : memref<512xf32, #tpu.memory_space<vmem>>, vector<16xf32>,
      %broadcast_in_dim3A_56 = arith.constant 0.000000e+00 : f32
      %broadcast_in_dim3A_57 = vector.broadcast %broadcast_in_dim3A_56 : f32 to vector<16xf32>
      %swap3A_58 = arith.constant 112 : index
      %swap3A_59 = tpu.vector_load %arg9[%swap3A_58] {strides = array<i32>} : memref<512xf32, #tpu.memory_space<vmem>>, vector<16xf32>,
      %swap3A_60 = vector.shape_cast %swap3A_59 : vector<16xf32> to vector<16xf32>
      %swap3A_61 = vector.shape_cast %broadcast_in_dim3A_57 : vector<16xf32> to vector<16xf32>
      tpu.vector_store %arg9[%swap3A_58], %swap3A_61 {strides = array<i32>} : memref<512xf32, #tpu.memory_space<vmem>>, vector<16xf32>,
      %broadcast_in_dim3A_62 = arith.constant 0.000000e+00 : f32
      %broadcast_in_dim3A_63 = vector.broadcast %broadcast_in_dim3A_62 : f32 to vector<16xf32>
      %swap3A_64 = arith.constant 128 : index
      %swap3A_65 = tpu.vector_load %arg9[%swap3A_64] {strides = array<i32>} : memref<512xf32, #tpu.memory_space<vmem>>, vector<16xf32>,
      %swap3A_66 = vector.shape_cast %swap3A_65 : vector<16xf32> to vector<16xf32>
      %swap3A_67 = vector.shape_cast %broadcast_in_dim3A_63 : vector<16xf32> to vector<16xf32>
      tpu.vector_store %arg9[%swap3A_64], %swap3A_67 {strides = array<i32>} : memref<512xf32, #tpu.memory_space<vmem>>, vector<16xf32>,
      %broadcast_in_dim3A_68 = arith.constant 0.000000e+00 : f32
      %broadcast_in_dim3A_69 = vector.broadcast %broadcast_in_dim3A_68 : f32 to vector<16xf32>
      %swap3A_70 = arith.constant 144 : index
      %swap3A_71 = tpu.vector_load %arg9[%swap3A_70] {strides = array<i32>} : memref<512xf32, #tpu.memory_space<vmem>>, vector<16xf32>,
      %swap3A_72 = vector.shape_cast %swap3A_71 : vector<16xf32> to vector<16xf32>
      %swap3A_73 = vector.shape_cast %broadcast_in_dim3A_69 : vector<16xf32> to vector<16xf32>
      tpu.vector_store %arg9[%swap3A_70], %swap3A_73 {strides = array<i32>} : memref<512xf32, #tpu.memory_space<vmem>>, vector<16xf32>,
      %broadcast_in_dim3A_74 = arith.constant 0.000000e+00 : f32
      %broadcast_in_dim3A_75 = vector.broadcast %broadcast_in_dim3A_74 : f32 to vector<16xf32>
      %swap3A_76 = arith.constant 160 : index
      %swap3A_77 = tpu.vector_load %arg9[%swap3A_76] {strides = array<i32>} : memref<512xf32, #tpu.memory_space<vmem>>, vector<16xf32>,
      %swap3A_78 = vector.shape_cast %swap3A_77 : vector<16xf32> to vector<16xf32>
      %swap3A_79 = vector.shape_cast %broadcast_in_dim3A_75 : vector<16xf32> to vector<16xf32>
      tpu.vector_store %arg9[%swap3A_76], %swap3A_79 {strides = array<i32>} : memref<512xf32, #tpu.memory_space<vmem>>, vector<16xf32>,
      %broadcast_in_dim3A_80 = arith.constant 0.000000e+00 : f32
      %broadcast_in_dim3A_81 = vector.broadcast %broadcast_in_dim3A_80 : f32 to vector<16xf32>
      %swap3A_82 = arith.constant 176 : index
      %swap3A_83 = tpu.vector_load %arg9[%swap3A_82] {strides = array<i32>} : memref<512xf32, #tpu.memory_space<vmem>>, vector<16xf32>,
      %swap3A_84 = vector.shape_cast %swap3A_83 : vector<16xf32> to vector<16xf32>
      %swap3A_85 = vector.shape_cast %broadcast_in_dim3A_81 : vector<16xf32> to vector<16xf32>
      tpu.vector_store %arg9[%swap3A_82], %swap3A_85 {strides = array<i32>} : memref<512xf32, #tpu.memory_space<vmem>>, vector<16xf32>,
      %broadcast_in_dim3A_86 = arith.constant 0.000000e+00 : f32
      %broadcast_in_dim3A_87 = vector.broadcast %broadcast_in_dim3A_86 : f32 to vector<16xf32>
      %swap3A_88 = arith.constant 192 : index
      %swap3A_89 = tpu.vector_load %arg9[%swap3A_88] {strides = array<i32>} : memref<512xf32, #tpu.memory_space<vmem>>, vector<16xf32>,
      %swap3A_90 = vector.shape_cast %swap3A_89 : vector<16xf32> to vector<16xf32>
      %swap3A_91 = vector.shape_cast %broadcast_in_dim3A_87 : vector<16xf32> to vector<16xf32>
      tpu.vector_store %arg9[%swap3A_88], %swap3A_91 {strides = array<i32>} : memref<512xf32, #tpu.memory_space<vmem>>, vector<16xf32>,
      %broadcast_in_dim3A_92 = arith.constant 0.000000e+00 : f32
      %broadcast_in_dim3A_93 = vector.broadcast %broadcast_in_dim3A_92 : f32 to vector<16xf32>
      %swap3A_94 = arith.constant 208 : index
      %swap3A_95 = tpu.vector_load %arg9[%swap3A_94] {strides = array<i32>} : memref<512xf32, #tpu.memory_space<vmem>>, vector<16xf32>,
      %swap3A_96 = vector.shape_cast %swap3A_95 : vector<16xf32> to vector<16xf32>
      %swap3A_97 = vector.shape_cast %broadcast_in_dim3A_93 : vector<16xf32> to vector<16xf32>
      tpu.vector_store %arg9[%swap3A_94], %swap3A_97 {strides = array<i32>} : memref<512xf32, #tpu.memory_space<vmem>>, vector<16xf32>,
      %broadcast_in_dim3A_98 = arith.constant 0.000000e+00 : f32
      %broadcast_in_dim3A_99 = vector.broadcast %broadcast_in_dim3A_98 : f32 to vector<16xf32>
      %swap3A_100 = arith.constant 224 : index
      %swap3A_101 = tpu.vector_load %arg9[%swap3A_100] {strides = array<i32>} : memref<512xf32, #tpu.memory_space<vmem>>, vector<16xf32>,
      %swap3A_102 = vector.shape_cast %swap3A_101 : vector<16xf32> to vector<16xf32>
      %swap3A_103 = vector.shape_cast %broadcast_in_dim3A_99 : vector<16xf32> to vector<16xf32>
      tpu.vector_store %arg9[%swap3A_100], %swap3A_103 {strides = array<i32>} : memref<512xf32, #tpu.memory_space<vmem>>, vector<16xf32>,
      %broadcast_in_dim3A_104 = arith.constant 0.000000e+00 : f32
      %broadcast_in_dim3A_105 = vector.broadcast %broadcast_in_dim3A_104 : f32 to vector<16xf32>
      %swap3A_106 = arith.constant 240 : index
      %swap3A_107 = tpu.vector_load %arg9[%swap3A_106] {strides = array<i32>} : memref<512xf32, #tpu.memory_space<vmem>>, vector<16xf32>,
      %swap3A_108 = vector.shape_cast %swap3A_107 : vector<16xf32> to vector<16xf32>
      %swap3A_109 = vector.shape_cast %broadcast_in_dim3A_105 : vector<16xf32> to vector<16xf32>
      tpu.vector_store %arg9[%swap3A_106], %swap3A_109 {strides = array<i32>} : memref<512xf32, #tpu.memory_space<vmem>>, vector<16xf32>,
      %broadcast_in_dim3A_110 = arith.constant 0.000000e+00 : f32
      %broadcast_in_dim3A_111 = vector.broadcast %broadcast_in_dim3A_110 : f32 to vector<16xf32>
      %swap3A_112 = arith.constant 256 : index
      %swap3A_113 = tpu.vector_load %arg9[%swap3A_112] {strides = array<i32>} : memref<512xf32, #tpu.memory_space<vmem>>, vector<16xf32>,
      %swap3A_114 = vector.shape_cast %swap3A_113 : vector<16xf32> to vector<16xf32>
      %swap3A_115 = vector.shape_cast %broadcast_in_dim3A_111 : vector<16xf32> to vector<16xf32>
      tpu.vector_store %arg9[%swap3A_112], %swap3A_115 {strides = array<i32>} : memref<512xf32, #tpu.memory_space<vmem>>, vector<16xf32>,
      %broadcast_in_dim3A_116 = arith.constant 0.000000e+00 : f32
      %broadcast_in_dim3A_117 = vector.broadcast %broadcast_in_dim3A_116 : f32 to vector<16xf32>
      %swap3A_118 = arith.constant 272 : index
      %swap3A_119 = tpu.vector_load %arg9[%swap3A_118] {strides = array<i32>} : memref<512xf32, #tpu.memory_space<vmem>>, vector<16xf32>,
      %swap3A_120 = vector.shape_cast %swap3A_119 : vector<16xf32> to vector<16xf32>
      %swap3A_121 = vector.shape_cast %broadcast_in_dim3A_117 : vector<16xf32> to vector<16xf32>
      tpu.vector_store %arg9[%swap3A_118], %swap3A_121 {strides = array<i32>} : memref<512xf32, #tpu.memory_space<vmem>>, vector<16xf32>,
      %broadcast_in_dim3A_122 = arith.constant 0.000000e+00 : f32
      %broadcast_in_dim3A_123 = vector.broadcast %broadcast_in_dim3A_122 : f32 to vector<16xf32>
      %swap3A_124 = arith.constant 288 : index
      %swap3A_125 = tpu.vector_load %arg9[%swap3A_124] {strides = array<i32>} : memref<512xf32, #tpu.memory_space<vmem>>, vector<16xf32>,
      %swap3A_126 = vector.shape_cast %swap3A_125 : vector<16xf32> to vector<16xf32>
      %swap3A_127 = vector.shape_cast %broadcast_in_dim3A_123 : vector<16xf32> to vector<16xf32>
      tpu.vector_store %arg9[%swap3A_124], %swap3A_127 {strides = array<i32>} : memref<512xf32, #tpu.memory_space<vmem>>, vector<16xf32>,
      %broadcast_in_dim3A_128 = arith.constant 0.000000e+00 : f32
      %broadcast_in_dim3A_129 = vector.broadcast %broadcast_in_dim3A_128 : f32 to vector<16xf32>
      %swap3A_130 = arith.constant 304 : index
      %swap3A_131 = tpu.vector_load %arg9[%swap3A_130] {strides = array<i32>} : memref<512xf32, #tpu.memory_space<vmem>>, vector<16xf32>,
      %swap3A_132 = vector.shape_cast %swap3A_131 : vector<16xf32> to vector<16xf32>
      %swap3A_133 = vector.shape_cast %broadcast_in_dim3A_129 : vector<16xf32> to vector<16xf32>
      tpu.vector_store %arg9[%swap3A_130], %swap3A_133 {strides = array<i32>} : memref<512xf32, #tpu.memory_space<vmem>>, vector<16xf32>,
      %broadcast_in_dim3A_134 = arith.constant 0.000000e+00 : f32
      %broadcast_in_dim3A_135 = vector.broadcast %broadcast_in_dim3A_134 : f32 to vector<16xf32>
      %swap3A_136 = arith.constant 320 : index
      %swap3A_137 = tpu.vector_load %arg9[%swap3A_136] {strides = array<i32>} : memref<512xf32, #tpu.memory_space<vmem>>, vector<16xf32>,
      %swap3A_138 = vector.shape_cast %swap3A_137 : vector<16xf32> to vector<16xf32>
      %swap3A_139 = vector.shape_cast %broadcast_in_dim3A_135 : vector<16xf32> to vector<16xf32>
      tpu.vector_store %arg9[%swap3A_136], %swap3A_139 {strides = array<i32>} : memref<512xf32, #tpu.memory_space<vmem>>, vector<16xf32>,
      %broadcast_in_dim3A_140 = arith.constant 0.000000e+00 : f32
      %broadcast_in_dim3A_141 = vector.broadcast %broadcast_in_dim3A_140 : f32 to vector<16xf32>
      %swap3A_142 = arith.constant 336 : index
      %swap3A_143 = tpu.vector_load %arg9[%swap3A_142] {strides = array<i32>} : memref<512xf32, #tpu.memory_space<vmem>>, vector<16xf32>,
      %swap3A_144 = vector.shape_cast %swap3A_143 : vector<16xf32> to vector<16xf32>
      %swap3A_145 = vector.shape_cast %broadcast_in_dim3A_141 : vector<16xf32> to vector<16xf32>
      tpu.vector_store %arg9[%swap3A_142], %swap3A_145 {strides = array<i32>} : memref<512xf32, #tpu.memory_space<vmem>>, vector<16xf32>,
      %broadcast_in_dim3A_146 = arith.constant 0.000000e+00 : f32
      %broadcast_in_dim3A_147 = vector.broadcast %broadcast_in_dim3A_146 : f32 to vector<16xf32>
      %swap3A_148 = arith.constant 352 : index
      %swap3A_149 = tpu.vector_load %arg9[%swap3A_148] {strides = array<i32>} : memref<512xf32, #tpu.memory_space<vmem>>, vector<16xf32>,
      %swap3A_150 = vector.shape_cast %swap3A_149 : vector<16xf32> to vector<16xf32>
      %swap3A_151 = vector.shape_cast %broadcast_in_dim3A_147 : vector<16xf32> to vector<16xf32>
      tpu.vector_store %arg9[%swap3A_148], %swap3A_151 {strides = array<i32>} : memref<512xf32, #tpu.memory_space<vmem>>, vector<16xf32>,
      %broadcast_in_dim3A_152 = arith.constant 0.000000e+00 : f32
      %broadcast_in_dim3A_153 = vector.broadcast %broadcast_in_dim3A_152 : f32 to vector<16xf32>
      %swap3A_154 = arith.constant 368 : index
      %swap3A_155 = tpu.vector_load %arg9[%swap3A_154] {strides = array<i32>} : memref<512xf32, #tpu.memory_space<vmem>>, vector<16xf32>,
      %swap3A_156 = vector.shape_cast %swap3A_155 : vector<16xf32> to vector<16xf32>
      %swap3A_157 = vector.shape_cast %broadcast_in_dim3A_153 : vector<16xf32> to vector<16xf32>
      tpu.vector_store %arg9[%swap3A_154], %swap3A_157 {strides = array<i32>} : memref<512xf32, #tpu.memory_space<vmem>>, vector<16xf32>,
      %broadcast_in_dim3A_158 = arith.constant 0.000000e+00 : f32
      %broadcast_in_dim3A_159 = vector.broadcast %broadcast_in_dim3A_158 : f32 to vector<16xf32>
      %swap3A_160 = arith.constant 384 : index
      %swap3A_161 = tpu.vector_load %arg9[%swap3A_160] {strides = array<i32>} : memref<512xf32, #tpu.memory_space<vmem>>, vector<16xf32>,
      %swap3A_162 = vector.shape_cast %swap3A_161 : vector<16xf32> to vector<16xf32>
      %swap3A_163 = vector.shape_cast %broadcast_in_dim3A_159 : vector<16xf32> to vector<16xf32>
      tpu.vector_store %arg9[%swap3A_160], %swap3A_163 {strides = array<i32>} : memref<512xf32, #tpu.memory_space<vmem>>, vector<16xf32>,
      %broadcast_in_dim3A_164 = arith.constant 0.000000e+00 : f32
      %broadcast_in_dim3A_165 = vector.broadcast %broadcast_in_dim3A_164 : f32 to vector<16xf32>
      %swap3A_166 = arith.constant 400 : index
      %swap3A_167 = tpu.vector_load %arg9[%swap3A_166] {strides = array<i32>} : memref<512xf32, #tpu.memory_space<vmem>>, vector<16xf32>,
      %swap3A_168 = vector.shape_cast %swap3A_167 : vector<16xf32> to vector<16xf32>
      %swap3A_169 = vector.shape_cast %broadcast_in_dim3A_165 : vector<16xf32> to vector<16xf32>
      tpu.vector_store %arg9[%swap3A_166], %swap3A_169 {strides = array<i32>} : memref<512xf32, #tpu.memory_space<vmem>>, vector<16xf32>,
      %broadcast_in_dim3A_170 = arith.constant 0.000000e+00 : f32
      %broadcast_in_dim3A_171 = vector.broadcast %broadcast_in_dim3A_170 : f32 to vector<16xf32>
      %swap3A_172 = arith.constant 416 : index
      %swap3A_173 = tpu.vector_load %arg9[%swap3A_172] {strides = array<i32>} : memref<512xf32, #tpu.memory_space<vmem>>, vector<16xf32>,
      %swap3A_174 = vector.shape_cast %swap3A_173 : vector<16xf32> to vector<16xf32>
      %swap3A_175 = vector.shape_cast %broadcast_in_dim3A_171 : vector<16xf32> to vector<16xf32>
      tpu.vector_store %arg9[%swap3A_172], %swap3A_175 {strides = array<i32>} : memref<512xf32, #tpu.memory_space<vmem>>, vector<16xf32>,
      %broadcast_in_dim3A_176 = arith.constant 0.000000e+00 : f32
      %broadcast_in_dim3A_177 = vector.broadcast %broadcast_in_dim3A_176 : f32 to vector<16xf32>
      %swap3A_178 = arith.constant 432 : index
      %swap3A_179 = tpu.vector_load %arg9[%swap3A_178] {strides = array<i32>} : memref<512xf32, #tpu.memory_space<vmem>>, vector<16xf32>,
      %swap3A_180 = vector.shape_cast %swap3A_179 : vector<16xf32> to vector<16xf32>
      %swap3A_181 = vector.shape_cast %broadcast_in_dim3A_177 : vector<16xf32> to vector<16xf32>
      tpu.vector_store %arg9[%swap3A_178], %swap3A_181 {strides = array<i32>} : memref<512xf32, #tpu.memory_space<vmem>>, vector<16xf32>,
      %broadcast_in_dim3A_182 = arith.constant 0.000000e+00 : f32
      %broadcast_in_dim3A_183 = vector.broadcast %broadcast_in_dim3A_182 : f32 to vector<16xf32>
      %swap3A_184 = arith.constant 448 : index
      %swap3A_185 = tpu.vector_load %arg9[%swap3A_184] {strides = array<i32>} : memref<512xf32, #tpu.memory_space<vmem>>, vector<16xf32>,
      %swap3A_186 = vector.shape_cast %swap3A_185 : vector<16xf32> to vector<16xf32>
      %swap3A_187 = vector.shape_cast %broadcast_in_dim3A_183 : vector<16xf32> to vector<16xf32>
      tpu.vector_store %arg9[%swap3A_184], %swap3A_187 {strides = array<i32>} : memref<512xf32, #tpu.memory_space<vmem>>, vector<16xf32>,
      %broadcast_in_dim3A_188 = arith.constant 0.000000e+00 : f32
      %broadcast_in_dim3A_189 = vector.broadcast %broadcast_in_dim3A_188 : f32 to vector<16xf32>
      %swap3A_190 = arith.constant 464 : index
      %swap3A_191 = tpu.vector_load %arg9[%swap3A_190] {strides = array<i32>} : memref<512xf32, #tpu.memory_space<vmem>>, vector<16xf32>,
      %swap3A_192 = vector.shape_cast %swap3A_191 : vector<16xf32> to vector<16xf32>
      %swap3A_193 = vector.shape_cast %broadcast_in_dim3A_189 : vector<16xf32> to vector<16xf32>
      tpu.vector_store %arg9[%swap3A_190], %swap3A_193 {strides = array<i32>} : memref<512xf32, #tpu.memory_space<vmem>>, vector<16xf32>,
      %broadcast_in_dim3A_194 = arith.constant 0.000000e+00 : f32
      %broadcast_in_dim3A_195 = vector.broadcast %broadcast_in_dim3A_194 : f32 to vector<16xf32>
      %swap3A_196 = arith.constant 480 : index
      %swap3A_197 = tpu.vector_load %arg9[%swap3A_196] {strides = array<i32>} : memref<512xf32, #tpu.memory_space<vmem>>, vector<16xf32>,
      %swap3A_198 = vector.shape_cast %swap3A_197 : vector<16xf32> to vector<16xf32>
      %swap3A_199 = vector.shape_cast %broadcast_in_dim3A_195 : vector<16xf32> to vector<16xf32>
      tpu.vector_store %arg9[%swap3A_196], %swap3A_199 {strides = array<i32>} : memref<512xf32, #tpu.memory_space<vmem>>, vector<16xf32>,
      %broadcast_in_dim3A_200 = arith.constant 0.000000e+00 : f32
      %broadcast_in_dim3A_201 = vector.broadcast %broadcast_in_dim3A_200 : f32 to vector<16xf32>
      %swap3A_202 = arith.constant 496 : index
      %swap3A_203 = tpu.vector_load %arg9[%swap3A_202] {strides = array<i32>} : memref<512xf32, #tpu.memory_space<vmem>>, vector<16xf32>,
      %swap3A_204 = vector.shape_cast %swap3A_203 : vector<16xf32> to vector<16xf32>
      %swap3A_205 = vector.shape_cast %broadcast_in_dim3A_201 : vector<16xf32> to vector<16xf32>
      tpu.vector_store %arg9[%swap3A_202], %swap3A_205 {strides = array<i32>} : memref<512xf32, #tpu.memory_space<vmem>>, vector<16xf32>,
      %jit3A = arith.constant 8 : i32
      %div3A = arith.divsi %squeeze3A, %jit3A : i32
      %sign3A = arith.constant 0 : i32
      %sign3A_206 = arith.cmpi sgt, %squeeze3A, %sign3A : i32
      %sign3A_207 = arith.extui %sign3A_206 : i1 to i32
      %sign3A_208 = arith.constant 0 : i32
      %sign3A_209 = arith.cmpi slt, %squeeze3A, %sign3A_208 : i32
      %sign3A_210 = arith.extui %sign3A_209 : i1 to i32
      %sign3A_211 = arith.subi %sign3A_207, %sign3A_210 : i32
      %sign3A_212 = arith.constant 0 : i32
      %sign3A_213 = arith.cmpi sgt, %jit3A, %sign3A_212 : i32
      %sign3A_214 = arith.extui %sign3A_213 : i1 to i32
      %sign3A_215 = arith.constant 0 : i32
      %sign3A_216 = arith.cmpi slt, %jit3A, %sign3A_215 : i32
      %sign3A_217 = arith.extui %sign3A_216 : i1 to i32
      %sign3A_218 = arith.subi %sign3A_214, %sign3A_217 : i32
      %ne3A = arith.cmpi ne, %sign3A_211, %sign3A_218 : i32
      %rem3A = arith.remsi %squeeze3A, %jit3A : i32
      %ne3A_219 = arith.constant 0 : i32
      %ne3A_220 = arith.cmpi ne, %rem3A, %ne3A_219 : i32
      %and3A = arith.andi %ne3A, %ne3A_220 : i1
      %sub3A = arith.constant 1 : i32
      %sub3A_221 = arith.subi %div3A, %sub3A : i32
      %select_n3A = arith.select %and3A, %sub3A_221, %div3A : i32
      %mul3A_222 = arith.constant 8 : i32
      %mul3A_223 = arith.muli %select_n3A, %mul3A_222 : i32
      %sub3A_224 = arith.subi %squeeze3A_15, %mul3A_223 : i32
      %add3A_225 = arith.constant 64 : i32
      %add3A_226 = arith.addi %sub3A_224, %add3A_225 : i32
      %sub3A_227 = arith.constant 1 : i32
      %sub3A_228 = arith.subi %add3A_226, %sub3A_227 : i32
      %jit3A_229 = arith.constant 64 : i32
      %div3A_230 = arith.divsi %sub3A_228, %jit3A_229 : i32
      %sign3A_231 = arith.constant 0 : i32
      %sign3A_232 = arith.cmpi sgt, %sub3A_228, %sign3A_231 : i32
      %sign3A_233 = arith.extui %sign3A_232 : i1 to i32
      %sign3A_234 = arith.constant 0 : i32
      %sign3A_235 = arith.cmpi slt, %sub3A_228, %sign3A_234 : i32
      %sign3A_236 = arith.extui %sign3A_235 : i1 to i32
      %sign3A_237 = arith.subi %sign3A_233, %sign3A_236 : i32
      %sign3A_238 = arith.constant 0 : i32
      %sign3A_239 = arith.cmpi sgt, %jit3A_229, %sign3A_238 : i32
      %sign3A_240 = arith.extui %sign3A_239 : i1 to i32
      %sign3A_241 = arith.constant 0 : i32
      %sign3A_242 = arith.cmpi slt, %jit3A_229, %sign3A_241 : i32
      %sign3A_243 = arith.extui %sign3A_242 : i1 to i32
      %sign3A_244 = arith.subi %sign3A_240, %sign3A_243 : i32
      %ne3A_245 = arith.cmpi ne, %sign3A_237, %sign3A_244 : i32
      %rem3A_246 = arith.remsi %sub3A_228, %jit3A_229 : i32
      %ne3A_247 = arith.constant 0 : i32
      %ne3A_248 = arith.cmpi ne, %rem3A_246, %ne3A_247 : i32
      %and3A_249 = arith.andi %ne3A_245, %ne3A_248 : i1
      %sub3A_250 = arith.constant 1 : i32
      %sub3A_251 = arith.subi %div3A_230, %sub3A_250 : i32
      %select_n3A_252 = arith.select %and3A_249, %sub3A_251, %div3A_230 : i32
      %broadcast_in_dim3A_253 = arith.constant 0.000000e+00 : f32
      %broadcast_in_dim3A_254 = vector.broadcast %broadcast_in_dim3A_253 : f32 to vector<16xf32>
      %while3A = arith.constant 0 : i32
      %while3A_255 = arith.constant -3.000000e+38 : f32
      %while3A_256 = arith.subi %select_n3A_252, %while3A : i32
      %while3A_257 = arith.addi %while3A, %while3A_256 : i32
      %while3A_258 = arith.constant 1 : i32
      %while3A_259 = arith.divsi %while3A_256, %while3A_258 : i32
      %while3A_260 = arith.muli %while3A_259, %while3A_258 : i32
      %while3A_261 = arith.addi %while3A, %while3A_260 : i32
      %while3A_262 = arith.constant 1 : i32
      %while3A_263:2 = scf.for %while3A_563 = %while3A to %while3A_261 step %while3A_262 iter_args(%while3A_564 = %while3A_255, %while3A_565 = %broadcast_in_dim3A_254) -> (f32, vector<16xf32>)  : i32 {
        %mul3A_566 = arith.constant 64 : i32
        %mul3A_567 = arith.muli %while3A_563, %mul3A_566 : i32
        %add3A_568 = arith.addi %mul3A_223, %mul3A_567 : i32
        %min3A = arith.constant 99936 : i32
        %min3A_569 = arith.minsi %add3A_568, %min3A : i32
        %max3A = arith.maxsi %squeeze3A, %add3A_568 : i32
        %sub3A_570 = arith.subi %max3A, %min3A_569 : i32
        %add3A_571 = arith.constant 64 : i32
        %add3A_572 = arith.addi %add3A_568, %add3A_571 : i32
        %min3A_573 = arith.minsi %squeeze3A_15, %add3A_572 : i32
        %sub3A_574 = arith.subi %min3A_573, %min3A_569 : i32
        "tpu.region"() ({
          %run_scoped3A = tpu.sem_alloc : memref<!tpu.dma_semaphore, #tpu.memory_space<semaphore_mem>>
          %dma_start3A = arith.constant 0 : i32
          %dma_start3A_585 = tpu.memref_slice %arg2[%min3A_569, %dma_start3A] : memref<100000x512xf32, #tpu.memory_space<hbm>> -> memref<64x512xf32, #tpu.memory_space<hbm>>
          %dma_start3A_586 = arith.constant 0 : i32
          %dma_start3A_587 = tpu.memref_slice %arg2[%min3A_569, %dma_start3A_586] : memref<100000x512xf32, #tpu.memory_space<hbm>> -> memref<64x512xf32, #tpu.memory_space<hbm>>
          tpu.enqueue_dma source(%dma_start3A_587 : memref<64x512xf32, #tpu.memory_space<hbm>>) target(%arg6 : memref<64x512xf32, #tpu.memory_space<vmem>>) target_semaphore(%run_scoped3A : memref<!tpu.dma_semaphore, #tpu.memory_space<semaphore_mem>>)
          %dma_wait3A = arith.constant 0 : i32
          %dma_wait3A_588 = tpu.memref_slice %arg2[%min3A_569, %dma_wait3A] : memref<100000x512xf32, #tpu.memory_space<hbm>> -> memref<64x512xf32, #tpu.memory_space<hbm>>
          %dma_wait3A_589 = arith.constant 0 : i32
          %dma_wait3A_590 = tpu.memref_slice %arg2[%min3A_569, %dma_wait3A_589] : memref<100000x512xf32, #tpu.memory_space<hbm>> -> memref<64x512xf32, #tpu.memory_space<hbm>>
          tpu.wait_dma2 semaphore(%run_scoped3A : memref<!tpu.dma_semaphore, #tpu.memory_space<semaphore_mem>>) src(%dma_wait3A_590 : memref<64x512xf32, #tpu.memory_space<hbm>>) dst(%arg6 : memref<64x512xf32, #tpu.memory_space<vmem>>)
          tpu.yield
        }) : () -> ()
        %while3A_575 = arith.subi %sub3A_574, %sub3A_570 : i32
        %while3A_576 = arith.addi %sub3A_570, %while3A_575 : i32
        %while3A_577 = arith.constant 1 : i32
        %while3A_578 = arith.divsi %while3A_575, %while3A_577 : i32
        %while3A_579 = arith.muli %while3A_578, %while3A_577 : i32
        %while3A_580 = arith.addi %sub3A_570, %while3A_579 : i32
        %while3A_581 = arith.constant 1 : i32
        %while3A_582:2 = scf.for %while3A_585 = %sub3A_570 to %while3A_580 step %while3A_581 iter_args(%while3A_586 = %while3A_564, %while3A_587 = %while3A_565) -> (f32, vector<16xf32>)  : i32 {
          %broadcast_in_dim3A_588 = arith.constant 0.000000e+00 : f32
          %broadcast_in_dim3A_589 = vector.broadcast %broadcast_in_dim3A_588 : f32 to vector<16xf32>
          %get3A_590 = arith.index_cast %while3A_585 : i32 to index
          %get3A_591 = arith.constant 0 : index
          %get3A_592 = tpu.vector_load %arg6[%get3A_590, %get3A_591] {strides = array<i32>} : memref<64x512xf32, #tpu.memory_space<vmem>>, vector<1x16xf32>,
          %get3A_593 = vector.shape_cast %get3A_592 : vector<1x16xf32> to vector<16xf32>
          %get3A_594 = arith.constant 0 : index
          %get3A_595 = tpu.vector_load %arg7[%get3A_594] {strides = array<i32>} : memref<512xf32, #tpu.memory_space<vmem>>, vector<16xf32>,
          %get3A_596 = vector.shape_cast %get3A_595 : vector<16xf32> to vector<16xf32>
          %mul3A_597 = arith.mulf %get3A_593, %get3A_596 : vector<16xf32>
          %add3A_598 = arith.addf %broadcast_in_dim3A_589, %mul3A_597 : vector<16xf32>
          %get3A_599 = arith.index_cast %while3A_585 : i32 to index
          %get3A_600 = arith.constant 16 : index
          %get3A_601 = tpu.vector_load %arg6[%get3A_599, %get3A_600] {strides = array<i32>} : memref<64x512xf32, #tpu.memory_space<vmem>>, vector<1x16xf32>,
          %get3A_602 = vector.shape_cast %get3A_601 : vector<1x16xf32> to vector<16xf32>
          %get3A_603 = arith.constant 16 : index
          %get3A_604 = tpu.vector_load %arg7[%get3A_603] {strides = array<i32>} : memref<512xf32, #tpu.memory_space<vmem>>, vector<16xf32>,
          %get3A_605 = vector.shape_cast %get3A_604 : vector<16xf32> to vector<16xf32>
          %mul3A_606 = arith.mulf %get3A_602, %get3A_605 : vector<16xf32>
          %add3A_607 = arith.addf %add3A_598, %mul3A_606 : vector<16xf32>
          %get3A_608 = arith.index_cast %while3A_585 : i32 to index
          %get3A_609 = arith.constant 32 : index
          %get3A_610 = tpu.vector_load %arg6[%get3A_608, %get3A_609] {strides = array<i32>} : memref<64x512xf32, #tpu.memory_space<vmem>>, vector<1x16xf32>,
          %get3A_611 = vector.shape_cast %get3A_610 : vector<1x16xf32> to vector<16xf32>
          %get3A_612 = arith.constant 32 : index
          %get3A_613 = tpu.vector_load %arg7[%get3A_612] {strides = array<i32>} : memref<512xf32, #tpu.memory_space<vmem>>, vector<16xf32>,
          %get3A_614 = vector.shape_cast %get3A_613 : vector<16xf32> to vector<16xf32>
          %mul3A_615 = arith.mulf %get3A_611, %get3A_614 : vector<16xf32>
          %add3A_616 = arith.addf %add3A_607, %mul3A_615 : vector<16xf32>
          %get3A_617 = arith.index_cast %while3A_585 : i32 to index
          %get3A_618 = arith.constant 48 : index
          %get3A_619 = tpu.vector_load %arg6[%get3A_617, %get3A_618] {strides = array<i32>} : memref<64x512xf32, #tpu.memory_space<vmem>>, vector<1x16xf32>,
          %get3A_620 = vector.shape_cast %get3A_619 : vector<1x16xf32> to vector<16xf32>
          %get3A_621 = arith.constant 48 : index
          %get3A_622 = tpu.vector_load %arg7[%get3A_621] {strides = array<i32>} : memref<512xf32, #tpu.memory_space<vmem>>, vector<16xf32>,
          %get3A_623 = vector.shape_cast %get3A_622 : vector<16xf32> to vector<16xf32>
          %mul3A_624 = arith.mulf %get3A_620, %get3A_623 : vector<16xf32>
          %add3A_625 = arith.addf %add3A_616, %mul3A_624 : vector<16xf32>
          %get3A_626 = arith.index_cast %while3A_585 : i32 to index
          %get3A_627 = arith.constant 64 : index
          %get3A_628 = tpu.vector_load %arg6[%get3A_626, %get3A_627] {strides = array<i32>} : memref<64x512xf32, #tpu.memory_space<vmem>>, vector<1x16xf32>,
          %get3A_629 = vector.shape_cast %get3A_628 : vector<1x16xf32> to vector<16xf32>
          %get3A_630 = arith.constant 64 : index
          %get3A_631 = tpu.vector_load %arg7[%get3A_630] {strides = array<i32>} : memref<512xf32, #tpu.memory_space<vmem>>, vector<16xf32>,
          %get3A_632 = vector.shape_cast %get3A_631 : vector<16xf32> to vector<16xf32>
          %mul3A_633 = arith.mulf %get3A_629, %get3A_632 : vector<16xf32>
          %add3A_634 = arith.addf %add3A_625, %mul3A_633 : vector<16xf32>
          %get3A_635 = arith.index_cast %while3A_585 : i32 to index
          %get3A_636 = arith.constant 80 : index
          %get3A_637 = tpu.vector_load %arg6[%get3A_635, %get3A_636] {strides = array<i32>} : memref<64x512xf32, #tpu.memory_space<vmem>>, vector<1x16xf32>,
          %get3A_638 = vector.shape_cast %get3A_637 : vector<1x16xf32> to vector<16xf32>
          %get3A_639 = arith.constant 80 : index
          %get3A_640 = tpu.vector_load %arg7[%get3A_639] {strides = array<i32>} : memref<512xf32, #tpu.memory_space<vmem>>, vector<16xf32>,
          %get3A_641 = vector.shape_cast %get3A_640 : vector<16xf32> to vector<16xf32>
          %mul3A_642 = arith.mulf %get3A_638, %get3A_641 : vector<16xf32>
          %add3A_643 = arith.addf %add3A_634, %mul3A_642 : vector<16xf32>
          %get3A_644 = arith.index_cast %while3A_585 : i32 to index
          %get3A_645 = arith.constant 96 : index
          %get3A_646 = tpu.vector_load %arg6[%get3A_644, %get3A_645] {strides = array<i32>} : memref<64x512xf32, #tpu.memory_space<vmem>>, vector<1x16xf32>,
          %get3A_647 = vector.shape_cast %get3A_646 : vector<1x16xf32> to vector<16xf32>
          %get3A_648 = arith.constant 96 : index
          %get3A_649 = tpu.vector_load %arg7[%get3A_648] {strides = array<i32>} : memref<512xf32, #tpu.memory_space<vmem>>, vector<16xf32>,
          %get3A_650 = vector.shape_cast %get3A_649 : vector<16xf32> to vector<16xf32>
          %mul3A_651 = arith.mulf %get3A_647, %get3A_650 : vector<16xf32>
          %add3A_652 = arith.addf %add3A_643, %mul3A_651 : vector<16xf32>
          %get3A_653 = arith.index_cast %while3A_585 : i32 to index
          %get3A_654 = arith.constant 112 : index
          %get3A_655 = tpu.vector_load %arg6[%get3A_653, %get3A_654] {strides = array<i32>} : memref<64x512xf32, #tpu.memory_space<vmem>>, vector<1x16xf32>,
          %get3A_656 = vector.shape_cast %get3A_655 : vector<1x16xf32> to vector<16xf32>
          %get3A_657 = arith.constant 112 : index
          %get3A_658 = tpu.vector_load %arg7[%get3A_657] {strides = array<i32>} : memref<512xf32, #tpu.memory_space<vmem>>, vector<16xf32>,
          %get3A_659 = vector.shape_cast %get3A_658 : vector<16xf32> to vector<16xf32>
          %mul3A_660 = arith.mulf %get3A_656, %get3A_659 : vector<16xf32>
          %add3A_661 = arith.addf %add3A_652, %mul3A_660 : vector<16xf32>
          %get3A_662 = arith.index_cast %while3A_585 : i32 to index
          %get3A_663 = arith.constant 128 : index
          %get3A_664 = tpu.vector_load %arg6[%get3A_662, %get3A_663] {strides = array<i32>} : memref<64x512xf32, #tpu.memory_space<vmem>>, vector<1x16xf32>,
          %get3A_665 = vector.shape_cast %get3A_664 : vector<1x16xf32> to vector<16xf32>
          %get3A_666 = arith.constant 128 : index
          %get3A_667 = tpu.vector_load %arg7[%get3A_666] {strides = array<i32>} : memref<512xf32, #tpu.memory_space<vmem>>, vector<16xf32>,
          %get3A_668 = vector.shape_cast %get3A_667 : vector<16xf32> to vector<16xf32>
          %mul3A_669 = arith.mulf %get3A_665, %get3A_668 : vector<16xf32>
          %add3A_670 = arith.addf %add3A_661, %mul3A_669 : vector<16xf32>
          %get3A_671 = arith.index_cast %while3A_585 : i32 to index
          %get3A_672 = arith.constant 144 : index
          %get3A_673 = tpu.vector_load %arg6[%get3A_671, %get3A_672] {strides = array<i32>} : memref<64x512xf32, #tpu.memory_space<vmem>>, vector<1x16xf32>,
          %get3A_674 = vector.shape_cast %get3A_673 : vector<1x16xf32> to vector<16xf32>
          %get3A_675 = arith.constant 144 : index
          %get3A_676 = tpu.vector_load %arg7[%get3A_675] {strides = array<i32>} : memref<512xf32, #tpu.memory_space<vmem>>, vector<16xf32>,
          %get3A_677 = vector.shape_cast %get3A_676 : vector<16xf32> to vector<16xf32>
          %mul3A_678 = arith.mulf %get3A_674, %get3A_677 : vector<16xf32>
          %add3A_679 = arith.addf %add3A_670, %mul3A_678 : vector<16xf32>
          %get3A_680 = arith.index_cast %while3A_585 : i32 to index
          %get3A_681 = arith.constant 160 : index
          %get3A_682 = tpu.vector_load %arg6[%get3A_680, %get3A_681] {strides = array<i32>} : memref<64x512xf32, #tpu.memory_space<vmem>>, vector<1x16xf32>,
          %get3A_683 = vector.shape_cast %get3A_682 : vector<1x16xf32> to vector<16xf32>
          %get3A_684 = arith.constant 160 : index
          %get3A_685 = tpu.vector_load %arg7[%get3A_684] {strides = array<i32>} : memref<512xf32, #tpu.memory_space<vmem>>, vector<16xf32>,
          %get3A_686 = vector.shape_cast %get3A_685 : vector<16xf32> to vector<16xf32>
          %mul3A_687 = arith.mulf %get3A_683, %get3A_686 : vector<16xf32>
          %add3A_688 = arith.addf %add3A_679, %mul3A_687 : vector<16xf32>
          %get3A_689 = arith.index_cast %while3A_585 : i32 to index
          %get3A_690 = arith.constant 176 : index
          %get3A_691 = tpu.vector_load %arg6[%get3A_689, %get3A_690] {strides = array<i32>} : memref<64x512xf32, #tpu.memory_space<vmem>>, vector<1x16xf32>,
          %get3A_692 = vector.shape_cast %get3A_691 : vector<1x16xf32> to vector<16xf32>
          %get3A_693 = arith.constant 176 : index
          %get3A_694 = tpu.vector_load %arg7[%get3A_693] {strides = array<i32>} : memref<512xf32, #tpu.memory_space<vmem>>, vector<16xf32>,
          %get3A_695 = vector.shape_cast %get3A_694 : vector<16xf32> to vector<16xf32>
          %mul3A_696 = arith.mulf %get3A_692, %get3A_695 : vector<16xf32>
          %add3A_697 = arith.addf %add3A_688, %mul3A_696 : vector<16xf32>
          %get3A_698 = arith.index_cast %while3A_585 : i32 to index
          %get3A_699 = arith.constant 192 : index
          %get3A_700 = tpu.vector_load %arg6[%get3A_698, %get3A_699] {strides = array<i32>} : memref<64x512xf32, #tpu.memory_space<vmem>>, vector<1x16xf32>,
          %get3A_701 = vector.shape_cast %get3A_700 : vector<1x16xf32> to vector<16xf32>
          %get3A_702 = arith.constant 192 : index
          %get3A_703 = tpu.vector_load %arg7[%get3A_702] {strides = array<i32>} : memref<512xf32, #tpu.memory_space<vmem>>, vector<16xf32>,
          %get3A_704 = vector.shape_cast %get3A_703 : vector<16xf32> to vector<16xf32>
          %mul3A_705 = arith.mulf %get3A_701, %get3A_704 : vector<16xf32>
          %add3A_706 = arith.addf %add3A_697, %mul3A_705 : vector<16xf32>
          %get3A_707 = arith.index_cast %while3A_585 : i32 to index
          %get3A_708 = arith.constant 208 : index
          %get3A_709 = tpu.vector_load %arg6[%get3A_707, %get3A_708] {strides = array<i32>} : memref<64x512xf32, #tpu.memory_space<vmem>>, vector<1x16xf32>,
          %get3A_710 = vector.shape_cast %get3A_709 : vector<1x16xf32> to vector<16xf32>
          %get3A_711 = arith.constant 208 : index
          %get3A_712 = tpu.vector_load %arg7[%get3A_711] {strides = array<i32>} : memref<512xf32, #tpu.memory_space<vmem>>, vector<16xf32>,
          %get3A_713 = vector.shape_cast %get3A_712 : vector<16xf32> to vector<16xf32>
          %mul3A_714 = arith.mulf %get3A_710, %get3A_713 : vector<16xf32>
          %add3A_715 = arith.addf %add3A_706, %mul3A_714 : vector<16xf32>
          %get3A_716 = arith.index_cast %while3A_585 : i32 to index
          %get3A_717 = arith.constant 224 : index
          %get3A_718 = tpu.vector_load %arg6[%get3A_716, %get3A_717] {strides = array<i32>} : memref<64x512xf32, #tpu.memory_space<vmem>>, vector<1x16xf32>,
          %get3A_719 = vector.shape_cast %get3A_718 : vector<1x16xf32> to vector<16xf32>
          %get3A_720 = arith.constant 224 : index
          %get3A_721 = tpu.vector_load %arg7[%get3A_720] {strides = array<i32>} : memref<512xf32, #tpu.memory_space<vmem>>, vector<16xf32>,
          %get3A_722 = vector.shape_cast %get3A_721 : vector<16xf32> to vector<16xf32>
          %mul3A_723 = arith.mulf %get3A_719, %get3A_722 : vector<16xf32>
          %add3A_724 = arith.addf %add3A_715, %mul3A_723 : vector<16xf32>
          %get3A_725 = arith.index_cast %while3A_585 : i32 to index
          %get3A_726 = arith.constant 240 : index
          %get3A_727 = tpu.vector_load %arg6[%get3A_725, %get3A_726] {strides = array<i32>} : memref<64x512xf32, #tpu.memory_space<vmem>>, vector<1x16xf32>,
          %get3A_728 = vector.shape_cast %get3A_727 : vector<1x16xf32> to vector<16xf32>
          %get3A_729 = arith.constant 240 : index
          %get3A_730 = tpu.vector_load %arg7[%get3A_729] {strides = array<i32>} : memref<512xf32, #tpu.memory_space<vmem>>, vector<16xf32>,
          %get3A_731 = vector.shape_cast %get3A_730 : vector<16xf32> to vector<16xf32>
          %mul3A_732 = arith.mulf %get3A_728, %get3A_731 : vector<16xf32>
          %add3A_733 = arith.addf %add3A_724, %mul3A_732 : vector<16xf32>
          %get3A_734 = arith.index_cast %while3A_585 : i32 to index
          %get3A_735 = arith.constant 256 : index
          %get3A_736 = tpu.vector_load %arg6[%get3A_734, %get3A_735] {strides = array<i32>} : memref<64x512xf32, #tpu.memory_space<vmem>>, vector<1x16xf32>,
          %get3A_737 = vector.shape_cast %get3A_736 : vector<1x16xf32> to vector<16xf32>
          %get3A_738 = arith.constant 256 : index
          %get3A_739 = tpu.vector_load %arg7[%get3A_738] {strides = array<i32>} : memref<512xf32, #tpu.memory_space<vmem>>, vector<16xf32>,
          %get3A_740 = vector.shape_cast %get3A_739 : vector<16xf32> to vector<16xf32>
          %mul3A_741 = arith.mulf %get3A_737, %get3A_740 : vector<16xf32>
          %add3A_742 = arith.addf %add3A_733, %mul3A_741 : vector<16xf32>
          %get3A_743 = arith.index_cast %while3A_585 : i32 to index
          %get3A_744 = arith.constant 272 : index
          %get3A_745 = tpu.vector_load %arg6[%get3A_743, %get3A_744] {strides = array<i32>} : memref<64x512xf32, #tpu.memory_space<vmem>>, vector<1x16xf32>,
          %get3A_746 = vector.shape_cast %get3A_745 : vector<1x16xf32> to vector<16xf32>
          %get3A_747 = arith.constant 272 : index
          %get3A_748 = tpu.vector_load %arg7[%get3A_747] {strides = array<i32>} : memref<512xf32, #tpu.memory_space<vmem>>, vector<16xf32>,
          %get3A_749 = vector.shape_cast %get3A_748 : vector<16xf32> to vector<16xf32>
          %mul3A_750 = arith.mulf %get3A_746, %get3A_749 : vector<16xf32>
          %add3A_751 = arith.addf %add3A_742, %mul3A_750 : vector<16xf32>
          %get3A_752 = arith.index_cast %while3A_585 : i32 to index
          %get3A_753 = arith.constant 288 : index
          %get3A_754 = tpu.vector_load %arg6[%get3A_752, %get3A_753] {strides = array<i32>} : memref<64x512xf32, #tpu.memory_space<vmem>>, vector<1x16xf32>,
          %get3A_755 = vector.shape_cast %get3A_754 : vector<1x16xf32> to vector<16xf32>
          %get3A_756 = arith.constant 288 : index
          %get3A_757 = tpu.vector_load %arg7[%get3A_756] {strides = array<i32>} : memref<512xf32, #tpu.memory_space<vmem>>, vector<16xf32>,
          %get3A_758 = vector.shape_cast %get3A_757 : vector<16xf32> to vector<16xf32>
          %mul3A_759 = arith.mulf %get3A_755, %get3A_758 : vector<16xf32>
          %add3A_760 = arith.addf %add3A_751, %mul3A_759 : vector<16xf32>
          %get3A_761 = arith.index_cast %while3A_585 : i32 to index
          %get3A_762 = arith.constant 304 : index
          %get3A_763 = tpu.vector_load %arg6[%get3A_761, %get3A_762] {strides = array<i32>} : memref<64x512xf32, #tpu.memory_space<vmem>>, vector<1x16xf32>,
          %get3A_764 = vector.shape_cast %get3A_763 : vector<1x16xf32> to vector<16xf32>
          %get3A_765 = arith.constant 304 : index
          %get3A_766 = tpu.vector_load %arg7[%get3A_765] {strides = array<i32>} : memref<512xf32, #tpu.memory_space<vmem>>, vector<16xf32>,
          %get3A_767 = vector.shape_cast %get3A_766 : vector<16xf32> to vector<16xf32>
          %mul3A_768 = arith.mulf %get3A_764, %get3A_767 : vector<16xf32>
          %add3A_769 = arith.addf %add3A_760, %mul3A_768 : vector<16xf32>
          %get3A_770 = arith.index_cast %while3A_585 : i32 to index
          %get3A_771 = arith.constant 320 : index
          %get3A_772 = tpu.vector_load %arg6[%get3A_770, %get3A_771] {strides = array<i32>} : memref<64x512xf32, #tpu.memory_space<vmem>>, vector<1x16xf32>,
          %get3A_773 = vector.shape_cast %get3A_772 : vector<1x16xf32> to vector<16xf32>
          %get3A_774 = arith.constant 320 : index
          %get3A_775 = tpu.vector_load %arg7[%get3A_774] {strides = array<i32>} : memref<512xf32, #tpu.memory_space<vmem>>, vector<16xf32>,
          %get3A_776 = vector.shape_cast %get3A_775 : vector<16xf32> to vector<16xf32>
          %mul3A_777 = arith.mulf %get3A_773, %get3A_776 : vector<16xf32>
          %add3A_778 = arith.addf %add3A_769, %mul3A_777 : vector<16xf32>
          %get3A_779 = arith.index_cast %while3A_585 : i32 to index
          %get3A_780 = arith.constant 336 : index
          %get3A_781 = tpu.vector_load %arg6[%get3A_779, %get3A_780] {strides = array<i32>} : memref<64x512xf32, #tpu.memory_space<vmem>>, vector<1x16xf32>,
          %get3A_782 = vector.shape_cast %get3A_781 : vector<1x16xf32> to vector<16xf32>
          %get3A_783 = arith.constant 336 : index
          %get3A_784 = tpu.vector_load %arg7[%get3A_783] {strides = array<i32>} : memref<512xf32, #tpu.memory_space<vmem>>, vector<16xf32>,
          %get3A_785 = vector.shape_cast %get3A_784 : vector<16xf32> to vector<16xf32>
          %mul3A_786 = arith.mulf %get3A_782, %get3A_785 : vector<16xf32>
          %add3A_787 = arith.addf %add3A_778, %mul3A_786 : vector<16xf32>
          %get3A_788 = arith.index_cast %while3A_585 : i32 to index
          %get3A_789 = arith.constant 352 : index
          %get3A_790 = tpu.vector_load %arg6[%get3A_788, %get3A_789] {strides = array<i32>} : memref<64x512xf32, #tpu.memory_space<vmem>>, vector<1x16xf32>,
          %get3A_791 = vector.shape_cast %get3A_790 : vector<1x16xf32> to vector<16xf32>
          %get3A_792 = arith.constant 352 : index
          %get3A_793 = tpu.vector_load %arg7[%get3A_792] {strides = array<i32>} : memref<512xf32, #tpu.memory_space<vmem>>, vector<16xf32>,
          %get3A_794 = vector.shape_cast %get3A_793 : vector<16xf32> to vector<16xf32>
          %mul3A_795 = arith.mulf %get3A_791, %get3A_794 : vector<16xf32>
          %add3A_796 = arith.addf %add3A_787, %mul3A_795 : vector<16xf32>
          %get3A_797 = arith.index_cast %while3A_585 : i32 to index
          %get3A_798 = arith.constant 368 : index
          %get3A_799 = tpu.vector_load %arg6[%get3A_797, %get3A_798] {strides = array<i32>} : memref<64x512xf32, #tpu.memory_space<vmem>>, vector<1x16xf32>,
          %get3A_800 = vector.shape_cast %get3A_799 : vector<1x16xf32> to vector<16xf32>
          %get3A_801 = arith.constant 368 : index
          %get3A_802 = tpu.vector_load %arg7[%get3A_801] {strides = array<i32>} : memref<512xf32, #tpu.memory_space<vmem>>, vector<16xf32>,
          %get3A_803 = vector.shape_cast %get3A_802 : vector<16xf32> to vector<16xf32>
          %mul3A_804 = arith.mulf %get3A_800, %get3A_803 : vector<16xf32>
          %add3A_805 = arith.addf %add3A_796, %mul3A_804 : vector<16xf32>
          %get3A_806 = arith.index_cast %while3A_585 : i32 to index
          %get3A_807 = arith.constant 384 : index
          %get3A_808 = tpu.vector_load %arg6[%get3A_806, %get3A_807] {strides = array<i32>} : memref<64x512xf32, #tpu.memory_space<vmem>>, vector<1x16xf32>,
          %get3A_809 = vector.shape_cast %get3A_808 : vector<1x16xf32> to vector<16xf32>
          %get3A_810 = arith.constant 384 : index
          %get3A_811 = tpu.vector_load %arg7[%get3A_810] {strides = array<i32>} : memref<512xf32, #tpu.memory_space<vmem>>, vector<16xf32>,
          %get3A_812 = vector.shape_cast %get3A_811 : vector<16xf32> to vector<16xf32>
          %mul3A_813 = arith.mulf %get3A_809, %get3A_812 : vector<16xf32>
          %add3A_814 = arith.addf %add3A_805, %mul3A_813 : vector<16xf32>
          %get3A_815 = arith.index_cast %while3A_585 : i32 to index
          %get3A_816 = arith.constant 400 : index
          %get3A_817 = tpu.vector_load %arg6[%get3A_815, %get3A_816] {strides = array<i32>} : memref<64x512xf32, #tpu.memory_space<vmem>>, vector<1x16xf32>,
          %get3A_818 = vector.shape_cast %get3A_817 : vector<1x16xf32> to vector<16xf32>
          %get3A_819 = arith.constant 400 : index
          %get3A_820 = tpu.vector_load %arg7[%get3A_819] {strides = array<i32>} : memref<512xf32, #tpu.memory_space<vmem>>, vector<16xf32>,
          %get3A_821 = vector.shape_cast %get3A_820 : vector<16xf32> to vector<16xf32>
          %mul3A_822 = arith.mulf %get3A_818, %get3A_821 : vector<16xf32>
          %add3A_823 = arith.addf %add3A_814, %mul3A_822 : vector<16xf32>
          %get3A_824 = arith.index_cast %while3A_585 : i32 to index
          %get3A_825 = arith.constant 416 : index
          %get3A_826 = tpu.vector_load %arg6[%get3A_824, %get3A_825] {strides = array<i32>} : memref<64x512xf32, #tpu.memory_space<vmem>>, vector<1x16xf32>,
          %get3A_827 = vector.shape_cast %get3A_826 : vector<1x16xf32> to vector<16xf32>
          %get3A_828 = arith.constant 416 : index
          %get3A_829 = tpu.vector_load %arg7[%get3A_828] {strides = array<i32>} : memref<512xf32, #tpu.memory_space<vmem>>, vector<16xf32>,
          %get3A_830 = vector.shape_cast %get3A_829 : vector<16xf32> to vector<16xf32>
          %mul3A_831 = arith.mulf %get3A_827, %get3A_830 : vector<16xf32>
          %add3A_832 = arith.addf %add3A_823, %mul3A_831 : vector<16xf32>
          %get3A_833 = arith.index_cast %while3A_585 : i32 to index
          %get3A_834 = arith.constant 432 : index
          %get3A_835 = tpu.vector_load %arg6[%get3A_833, %get3A_834] {strides = array<i32>} : memref<64x512xf32, #tpu.memory_space<vmem>>, vector<1x16xf32>,
          %get3A_836 = vector.shape_cast %get3A_835 : vector<1x16xf32> to vector<16xf32>
          %get3A_837 = arith.constant 432 : index
          %get3A_838 = tpu.vector_load %arg7[%get3A_837] {strides = array<i32>} : memref<512xf32, #tpu.memory_space<vmem>>, vector<16xf32>,
          %get3A_839 = vector.shape_cast %get3A_838 : vector<16xf32> to vector<16xf32>
          %mul3A_840 = arith.mulf %get3A_836, %get3A_839 : vector<16xf32>
          %add3A_841 = arith.addf %add3A_832, %mul3A_840 : vector<16xf32>
          %get3A_842 = arith.index_cast %while3A_585 : i32 to index
          %get3A_843 = arith.constant 448 : index
          %get3A_844 = tpu.vector_load %arg6[%get3A_842, %get3A_843] {strides = array<i32>} : memref<64x512xf32, #tpu.memory_space<vmem>>, vector<1x16xf32>,
          %get3A_845 = vector.shape_cast %get3A_844 : vector<1x16xf32> to vector<16xf32>
          %get3A_846 = arith.constant 448 : index
          %get3A_847 = tpu.vector_load %arg7[%get3A_846] {strides = array<i32>} : memref<512xf32, #tpu.memory_space<vmem>>, vector<16xf32>,
          %get3A_848 = vector.shape_cast %get3A_847 : vector<16xf32> to vector<16xf32>
          %mul3A_849 = arith.mulf %get3A_845, %get3A_848 : vector<16xf32>
          %add3A_850 = arith.addf %add3A_841, %mul3A_849 : vector<16xf32>
          %get3A_851 = arith.index_cast %while3A_585 : i32 to index
          %get3A_852 = arith.constant 464 : index
          %get3A_853 = tpu.vector_load %arg6[%get3A_851, %get3A_852] {strides = array<i32>} : memref<64x512xf32, #tpu.memory_space<vmem>>, vector<1x16xf32>,
          %get3A_854 = vector.shape_cast %get3A_853 : vector<1x16xf32> to vector<16xf32>
          %get3A_855 = arith.constant 464 : index
          %get3A_856 = tpu.vector_load %arg7[%get3A_855] {strides = array<i32>} : memref<512xf32, #tpu.memory_space<vmem>>, vector<16xf32>,
          %get3A_857 = vector.shape_cast %get3A_856 : vector<16xf32> to vector<16xf32>
          %mul3A_858 = arith.mulf %get3A_854, %get3A_857 : vector<16xf32>
          %add3A_859 = arith.addf %add3A_850, %mul3A_858 : vector<16xf32>
          %get3A_860 = arith.index_cast %while3A_585 : i32 to index
          %get3A_861 = arith.constant 480 : index
          %get3A_862 = tpu.vector_load %arg6[%get3A_860, %get3A_861] {strides = array<i32>} : memref<64x512xf32, #tpu.memory_space<vmem>>, vector<1x16xf32>,
          %get3A_863 = vector.shape_cast %get3A_862 : vector<1x16xf32> to vector<16xf32>
          %get3A_864 = arith.constant 480 : index
          %get3A_865 = tpu.vector_load %arg7[%get3A_864] {strides = array<i32>} : memref<512xf32, #tpu.memory_space<vmem>>, vector<16xf32>,
          %get3A_866 = vector.shape_cast %get3A_865 : vector<16xf32> to vector<16xf32>
          %mul3A_867 = arith.mulf %get3A_863, %get3A_866 : vector<16xf32>
          %add3A_868 = arith.addf %add3A_859, %mul3A_867 : vector<16xf32>
          %get3A_869 = arith.index_cast %while3A_585 : i32 to index
          %get3A_870 = arith.constant 496 : index
          %get3A_871 = tpu.vector_load %arg6[%get3A_869, %get3A_870] {strides = array<i32>} : memref<64x512xf32, #tpu.memory_space<vmem>>, vector<1x16xf32>,
          %get3A_872 = vector.shape_cast %get3A_871 : vector<1x16xf32> to vector<16xf32>
          %get3A_873 = arith.constant 496 : index
          %get3A_874 = tpu.vector_load %arg7[%get3A_873] {strides = array<i32>} : memref<512xf32, #tpu.memory_space<vmem>>, vector<16xf32>,
          %get3A_875 = vector.shape_cast %get3A_874 : vector<16xf32> to vector<16xf32>
          %mul3A_876 = arith.mulf %get3A_872, %get3A_875 : vector<16xf32>
          %add3A_877 = arith.addf %add3A_868, %mul3A_876 : vector<16xf32>
          %slice3A_878 = vector.extract_strided_slice %add3A_877 {offsets = [0], sizes = [1], strides = [1]} : vector<16xf32> to vector<1xf32>
          %squeeze3A_879 = vector.extract %slice3A_878[0] : f32 from vector<1xf32>
          %slice3A_880 = vector.extract_strided_slice %add3A_877 {offsets = [1], sizes = [1], strides = [1]} : vector<16xf32> to vector<1xf32>
          %squeeze3A_881 = vector.extract %slice3A_880[0] : f32 from vector<1xf32>
          %add3A_882 = arith.addf %squeeze3A_879, %squeeze3A_881 : f32
          %slice3A_883 = vector.extract_strided_slice %add3A_877 {offsets = [2], sizes = [1], strides = [1]} : vector<16xf32> to vector<1xf32>
          %squeeze3A_884 = vector.extract %slice3A_883[0] : f32 from vector<1xf32>
          %add3A_885 = arith.addf %add3A_882, %squeeze3A_884 : f32
          %slice3A_886 = vector.extract_strided_slice %add3A_877 {offsets = [3], sizes = [1], strides = [1]} : vector<16xf32> to vector<1xf32>
          %squeeze3A_887 = vector.extract %slice3A_886[0] : f32 from vector<1xf32>
          %add3A_888 = arith.addf %add3A_885, %squeeze3A_887 : f32
          %slice3A_889 = vector.extract_strided_slice %add3A_877 {offsets = [4], sizes = [1], strides = [1]} : vector<16xf32> to vector<1xf32>
          %squeeze3A_890 = vector.extract %slice3A_889[0] : f32 from vector<1xf32>
          %add3A_891 = arith.addf %add3A_888, %squeeze3A_890 : f32
          %slice3A_892 = vector.extract_strided_slice %add3A_877 {offsets = [5], sizes = [1], strides = [1]} : vector<16xf32> to vector<1xf32>
          %squeeze3A_893 = vector.extract %slice3A_892[0] : f32 from vector<1xf32>
          %add3A_894 = arith.addf %add3A_891, %squeeze3A_893 : f32
          %slice3A_895 = vector.extract_strided_slice %add3A_877 {offsets = [6], sizes = [1], strides = [1]} : vector<16xf32> to vector<1xf32>
          %squeeze3A_896 = vector.extract %slice3A_895[0] : f32 from vector<1xf32>
          %add3A_897 = arith.addf %add3A_894, %squeeze3A_896 : f32
          %slice3A_898 = vector.extract_strided_slice %add3A_877 {offsets = [7], sizes = [1], strides = [1]} : vector<16xf32> to vector<1xf32>
          %squeeze3A_899 = vector.extract %slice3A_898[0] : f32 from vector<1xf32>
          %add3A_900 = arith.addf %add3A_897, %squeeze3A_899 : f32
          %slice3A_901 = vector.extract_strided_slice %add3A_877 {offsets = [8], sizes = [1], strides = [1]} : vector<16xf32> to vector<1xf32>
          %squeeze3A_902 = vector.extract %slice3A_901[0] : f32 from vector<1xf32>
          %add3A_903 = arith.addf %add3A_900, %squeeze3A_902 : f32
          %slice3A_904 = vector.extract_strided_slice %add3A_877 {offsets = [9], sizes = [1], strides = [1]} : vector<16xf32> to vector<1xf32>
          %squeeze3A_905 = vector.extract %slice3A_904[0] : f32 from vector<1xf32>
          %add3A_906 = arith.addf %add3A_903, %squeeze3A_905 : f32
          %slice3A_907 = vector.extract_strided_slice %add3A_877 {offsets = [10], sizes = [1], strides = [1]} : vector<16xf32> to vector<1xf32>
          %squeeze3A_908 = vector.extract %slice3A_907[0] : f32 from vector<1xf32>
          %add3A_909 = arith.addf %add3A_906, %squeeze3A_908 : f32
          %slice3A_910 = vector.extract_strided_slice %add3A_877 {offsets = [11], sizes = [1], strides = [1]} : vector<16xf32> to vector<1xf32>
          %squeeze3A_911 = vector.extract %slice3A_910[0] : f32 from vector<1xf32>
          %add3A_912 = arith.addf %add3A_909, %squeeze3A_911 : f32
          %slice3A_913 = vector.extract_strided_slice %add3A_877 {offsets = [12], sizes = [1], strides = [1]} : vector<16xf32> to vector<1xf32>
          %squeeze3A_914 = vector.extract %slice3A_913[0] : f32 from vector<1xf32>
          %add3A_915 = arith.addf %add3A_912, %squeeze3A_914 : f32
          %slice3A_916 = vector.extract_strided_slice %add3A_877 {offsets = [13], sizes = [1], strides = [1]} : vector<16xf32> to vector<1xf32>
          %squeeze3A_917 = vector.extract %slice3A_916[0] : f32 from vector<1xf32>
          %add3A_918 = arith.addf %add3A_915, %squeeze3A_917 : f32
          %slice3A_919 = vector.extract_strided_slice %add3A_877 {offsets = [14], sizes = [1], strides = [1]} : vector<16xf32> to vector<1xf32>
          %squeeze3A_920 = vector.extract %slice3A_919[0] : f32 from vector<1xf32>
          %add3A_921 = arith.addf %add3A_918, %squeeze3A_920 : f32
          %slice3A_922 = vector.extract_strided_slice %add3A_877 {offsets = [15], sizes = [1], strides = [1]} : vector<16xf32> to vector<1xf32>
          %squeeze3A_923 = vector.extract %slice3A_922[0] : f32 from vector<1xf32>
          %add3A_924 = arith.addf %add3A_921, %squeeze3A_923 : f32
          %max3A_925 = arith.maximumf %while3A_586, %add3A_924 : f32
          %sub3A_926 = arith.subf %while3A_586, %max3A_925 : f32
          %broadcast_in_dim3A_927 = vector.broadcast %sub3A_926 : f32 to vector<16xf32>
          %exp3A = math.exp %broadcast_in_dim3A_927 : vector<16xf32>
          %sub3A_928 = arith.subf %add3A_924, %max3A_925 : f32
          %broadcast_in_dim3A_929 = vector.broadcast %sub3A_928 : f32 to vector<16xf32>
          %exp3A_930 = math.exp %broadcast_in_dim3A_929 : vector<16xf32>
          %mul3A_931 = arith.mulf %while3A_587, %exp3A : vector<16xf32>
          %add3A_932 = arith.addf %mul3A_931, %exp3A_930 : vector<16xf32>
          %gt3A_933 = arith.cmpf ogt, %max3A_925, %while3A_586 : f32
          %convert_element_type3A = arith.extui %gt3A_933 : i1 to i32
          %cond3A = arith.constant 0 : i32
          %cond3A_934 = arith.cmpi ne, %convert_element_type3A, %cond3A : i32
          scf.if %cond3A_934 {
            %get3A_1351 = arith.constant 0 : index
            %get3A_1352 = tpu.vector_load %arg9[%get3A_1351] {strides = array<i32>} : memref<512xf32, #tpu.memory_space<vmem>>, vector<16xf32>,
            %get3A_1353 = vector.shape_cast %get3A_1352 : vector<16xf32> to vector<16xf32>
            %mul3A_1354 = arith.mulf %get3A_1353, %exp3A : vector<16xf32>
            %swap3A_1355 = arith.constant 0 : index
            %swap3A_1356 = tpu.vector_load %arg9[%swap3A_1355] {strides = array<i32>} : memref<512xf32, #tpu.memory_space<vmem>>, vector<16xf32>,
            %swap3A_1357 = vector.shape_cast %swap3A_1356 : vector<16xf32> to vector<16xf32>
            %swap3A_1358 = vector.shape_cast %mul3A_1354 : vector<16xf32> to vector<16xf32>
            tpu.vector_store %arg9[%swap3A_1355], %swap3A_1358 {strides = array<i32>} : memref<512xf32, #tpu.memory_space<vmem>>, vector<16xf32>,
            %get3A_1359 = arith.constant 16 : index
            %get3A_1360 = tpu.vector_load %arg9[%get3A_1359] {strides = array<i32>} : memref<512xf32, #tpu.memory_space<vmem>>, vector<16xf32>,
            %get3A_1361 = vector.shape_cast %get3A_1360 : vector<16xf32> to vector<16xf32>
            %mul3A_1362 = arith.mulf %get3A_1361, %exp3A : vector<16xf32>
            %swap3A_1363 = arith.constant 16 : index
            %swap3A_1364 = tpu.vector_load %arg9[%swap3A_1363] {strides = array<i32>} : memref<512xf32, #tpu.memory_space<vmem>>, vector<16xf32>,
            %swap3A_1365 = vector.shape_cast %swap3A_1364 : vector<16xf32> to vector<16xf32>
            %swap3A_1366 = vector.shape_cast %mul3A_1362 : vector<16xf32> to vector<16xf32>
            tpu.vector_store %arg9[%swap3A_1363], %swap3A_1366 {strides = array<i32>} : memref<512xf32, #tpu.memory_space<vmem>>, vector<16xf32>,
            %get3A_1367 = arith.constant 32 : index
            %get3A_1368 = tpu.vector_load %arg9[%get3A_1367] {strides = array<i32>} : memref<512xf32, #tpu.memory_space<vmem>>, vector<16xf32>,
            %get3A_1369 = vector.shape_cast %get3A_1368 : vector<16xf32> to vector<16xf32>
            %mul3A_1370 = arith.mulf %get3A_1369, %exp3A : vector<16xf32>
            %swap3A_1371 = arith.constant 32 : index
            %swap3A_1372 = tpu.vector_load %arg9[%swap3A_1371] {strides = array<i32>} : memref<512xf32, #tpu.memory_space<vmem>>, vector<16xf32>,
            %swap3A_1373 = vector.shape_cast %swap3A_1372 : vector<16xf32> to vector<16xf32>
            %swap3A_1374 = vector.shape_cast %mul3A_1370 : vector<16xf32> to vector<16xf32>
            tpu.vector_store %arg9[%swap3A_1371], %swap3A_1374 {strides = array<i32>} : memref<512xf32, #tpu.memory_space<vmem>>, vector<16xf32>,
            %get3A_1375 = arith.constant 48 : index
            %get3A_1376 = tpu.vector_load %arg9[%get3A_1375] {strides = array<i32>} : memref<512xf32, #tpu.memory_space<vmem>>, vector<16xf32>,
            %get3A_1377 = vector.shape_cast %get3A_1376 : vector<16xf32> to vector<16xf32>
            %mul3A_1378 = arith.mulf %get3A_1377, %exp3A : vector<16xf32>
            %swap3A_1379 = arith.constant 48 : index
            %swap3A_1380 = tpu.vector_load %arg9[%swap3A_1379] {strides = array<i32>} : memref<512xf32, #tpu.memory_space<vmem>>, vector<16xf32>,
            %swap3A_1381 = vector.shape_cast %swap3A_1380 : vector<16xf32> to vector<16xf32>
            %swap3A_1382 = vector.shape_cast %mul3A_1378 : vector<16xf32> to vector<16xf32>
            tpu.vector_store %arg9[%swap3A_1379], %swap3A_1382 {strides = array<i32>} : memref<512xf32, #tpu.memory_space<vmem>>, vector<16xf32>,
            %get3A_1383 = arith.constant 64 : index
            %get3A_1384 = tpu.vector_load %arg9[%get3A_1383] {strides = array<i32>} : memref<512xf32, #tpu.memory_space<vmem>>, vector<16xf32>,
            %get3A_1385 = vector.shape_cast %get3A_1384 : vector<16xf32> to vector<16xf32>
            %mul3A_1386 = arith.mulf %get3A_1385, %exp3A : vector<16xf32>
            %swap3A_1387 = arith.constant 64 : index
            %swap3A_1388 = tpu.vector_load %arg9[%swap3A_1387] {strides = array<i32>} : memref<512xf32, #tpu.memory_space<vmem>>, vector<16xf32>,
            %swap3A_1389 = vector.shape_cast %swap3A_1388 : vector<16xf32> to vector<16xf32>
            %swap3A_1390 = vector.shape_cast %mul3A_1386 : vector<16xf32> to vector<16xf32>
            tpu.vector_store %arg9[%swap3A_1387], %swap3A_1390 {strides = array<i32>} : memref<512xf32, #tpu.memory_space<vmem>>, vector<16xf32>,
            %get3A_1391 = arith.constant 80 : index
            %get3A_1392 = tpu.vector_load %arg9[%get3A_1391] {strides = array<i32>} : memref<512xf32, #tpu.memory_space<vmem>>, vector<16xf32>,
            %get3A_1393 = vector.shape_cast %get3A_1392 : vector<16xf32> to vector<16xf32>
            %mul3A_1394 = arith.mulf %get3A_1393, %exp3A : vector<16xf32>
            %swap3A_1395 = arith.constant 80 : index
            %swap3A_1396 = tpu.vector_load %arg9[%swap3A_1395] {strides = array<i32>} : memref<512xf32, #tpu.memory_space<vmem>>, vector<16xf32>,
            %swap3A_1397 = vector.shape_cast %swap3A_1396 : vector<16xf32> to vector<16xf32>
            %swap3A_1398 = vector.shape_cast %mul3A_1394 : vector<16xf32> to vector<16xf32>
            tpu.vector_store %arg9[%swap3A_1395], %swap3A_1398 {strides = array<i32>} : memref<512xf32, #tpu.memory_space<vmem>>, vector<16xf32>,
            %get3A_1399 = arith.constant 96 : index
            %get3A_1400 = tpu.vector_load %arg9[%get3A_1399] {strides = array<i32>} : memref<512xf32, #tpu.memory_space<vmem>>, vector<16xf32>,
            %get3A_1401 = vector.shape_cast %get3A_1400 : vector<16xf32> to vector<16xf32>
            %mul3A_1402 = arith.mulf %get3A_1401, %exp3A : vector<16xf32>
            %swap3A_1403 = arith.constant 96 : index
            %swap3A_1404 = tpu.vector_load %arg9[%swap3A_1403] {strides = array<i32>} : memref<512xf32, #tpu.memory_space<vmem>>, vector<16xf32>,
            %swap3A_1405 = vector.shape_cast %swap3A_1404 : vector<16xf32> to vector<16xf32>
            %swap3A_1406 = vector.shape_cast %mul3A_1402 : vector<16xf32> to vector<16xf32>
            tpu.vector_store %arg9[%swap3A_1403], %swap3A_1406 {strides = array<i32>} : memref<512xf32, #tpu.memory_space<vmem>>, vector<16xf32>,
            %get3A_1407 = arith.constant 112 : index
            %get3A_1408 = tpu.vector_load %arg9[%get3A_1407] {strides = array<i32>} : memref<512xf32, #tpu.memory_space<vmem>>, vector<16xf32>,
            %get3A_1409 = vector.shape_cast %get3A_1408 : vector<16xf32> to vector<16xf32>
            %mul3A_1410 = arith.mulf %get3A_1409, %exp3A : vector<16xf32>
            %swap3A_1411 = arith.constant 112 : index
            %swap3A_1412 = tpu.vector_load %arg9[%swap3A_1411] {strides = array<i32>} : memref<512xf32, #tpu.memory_space<vmem>>, vector<16xf32>,
            %swap3A_1413 = vector.shape_cast %swap3A_1412 : vector<16xf32> to vector<16xf32>
            %swap3A_1414 = vector.shape_cast %mul3A_1410 : vector<16xf32> to vector<16xf32>
            tpu.vector_store %arg9[%swap3A_1411], %swap3A_1414 {strides = array<i32>} : memref<512xf32, #tpu.memory_space<vmem>>, vector<16xf32>,
            %get3A_1415 = arith.constant 128 : index
            %get3A_1416 = tpu.vector_load %arg9[%get3A_1415] {strides = array<i32>} : memref<512xf32, #tpu.memory_space<vmem>>, vector<16xf32>,
            %get3A_1417 = vector.shape_cast %get3A_1416 : vector<16xf32> to vector<16xf32>
            %mul3A_1418 = arith.mulf %get3A_1417, %exp3A : vector<16xf32>
            %swap3A_1419 = arith.constant 128 : index
            %swap3A_1420 = tpu.vector_load %arg9[%swap3A_1419] {strides = array<i32>} : memref<512xf32, #tpu.memory_space<vmem>>, vector<16xf32>,
            %swap3A_1421 = vector.shape_cast %swap3A_1420 : vector<16xf32> to vector<16xf32>
            %swap3A_1422 = vector.shape_cast %mul3A_1418 : vector<16xf32> to vector<16xf32>
            tpu.vector_store %arg9[%swap3A_1419], %swap3A_1422 {strides = array<i32>} : memref<512xf32, #tpu.memory_space<vmem>>, vector<16xf32>,
            %get3A_1423 = arith.constant 144 : index
            %get3A_1424 = tpu.vector_load %arg9[%get3A_1423] {strides = array<i32>} : memref<512xf32, #tpu.memory_space<vmem>>, vector<16xf32>,
            %get3A_1425 = vector.shape_cast %get3A_1424 : vector<16xf32> to vector<16xf32>
            %mul3A_1426 = arith.mulf %get3A_1425, %exp3A : vector<16xf32>
            %swap3A_1427 = arith.constant 144 : index
            %swap3A_1428 = tpu.vector_load %arg9[%swap3A_1427] {strides = array<i32>} : memref<512xf32, #tpu.memory_space<vmem>>, vector<16xf32>,
            %swap3A_1429 = vector.shape_cast %swap3A_1428 : vector<16xf32> to vector<16xf32>
            %swap3A_1430 = vector.shape_cast %mul3A_1426 : vector<16xf32> to vector<16xf32>
            tpu.vector_store %arg9[%swap3A_1427], %swap3A_1430 {strides = array<i32>} : memref<512xf32, #tpu.memory_space<vmem>>, vector<16xf32>,
            %get3A_1431 = arith.constant 160 : index
            %get3A_1432 = tpu.vector_load %arg9[%get3A_1431] {strides = array<i32>} : memref<512xf32, #tpu.memory_space<vmem>>, vector<16xf32>,
            %get3A_1433 = vector.shape_cast %get3A_1432 : vector<16xf32> to vector<16xf32>
            %mul3A_1434 = arith.mulf %get3A_1433, %exp3A : vector<16xf32>
            %swap3A_1435 = arith.constant 160 : index
            %swap3A_1436 = tpu.vector_load %arg9[%swap3A_1435] {strides = array<i32>} : memref<512xf32, #tpu.memory_space<vmem>>, vector<16xf32>,
            %swap3A_1437 = vector.shape_cast %swap3A_1436 : vector<16xf32> to vector<16xf32>
            %swap3A_1438 = vector.shape_cast %mul3A_1434 : vector<16xf32> to vector<16xf32>
            tpu.vector_store %arg9[%swap3A_1435], %swap3A_1438 {strides = array<i32>} : memref<512xf32, #tpu.memory_space<vmem>>, vector<16xf32>,
            %get3A_1439 = arith.constant 176 : index
            %get3A_1440 = tpu.vector_load %arg9[%get3A_1439] {strides = array<i32>} : memref<512xf32, #tpu.memory_space<vmem>>, vector<16xf32>,
            %get3A_1441 = vector.shape_cast %get3A_1440 : vector<16xf32> to vector<16xf32>
            %mul3A_1442 = arith.mulf %get3A_1441, %exp3A : vector<16xf32>
            %swap3A_1443 = arith.constant 176 : index
            %swap3A_1444 = tpu.vector_load %arg9[%swap3A_1443] {strides = array<i32>} : memref<512xf32, #tpu.memory_space<vmem>>, vector<16xf32>,
            %swap3A_1445 = vector.shape_cast %swap3A_1444 : vector<16xf32> to vector<16xf32>
            %swap3A_1446 = vector.shape_cast %mul3A_1442 : vector<16xf32> to vector<16xf32>
            tpu.vector_store %arg9[%swap3A_1443], %swap3A_1446 {strides = array<i32>} : memref<512xf32, #tpu.memory_space<vmem>>, vector<16xf32>,
            %get3A_1447 = arith.constant 192 : index
            %get3A_1448 = tpu.vector_load %arg9[%get3A_1447] {strides = array<i32>} : memref<512xf32, #tpu.memory_space<vmem>>, vector<16xf32>,
            %get3A_1449 = vector.shape_cast %get3A_1448 : vector<16xf32> to vector<16xf32>
            %mul3A_1450 = arith.mulf %get3A_1449, %exp3A : vector<16xf32>
            %swap3A_1451 = arith.constant 192 : index
            %swap3A_1452 = tpu.vector_load %arg9[%swap3A_1451] {strides = array<i32>} : memref<512xf32, #tpu.memory_space<vmem>>, vector<16xf32>,
            %swap3A_1453 = vector.shape_cast %swap3A_1452 : vector<16xf32> to vector<16xf32>
            %swap3A_1454 = vector.shape_cast %mul3A_1450 : vector<16xf32> to vector<16xf32>
            tpu.vector_store %arg9[%swap3A_1451], %swap3A_1454 {strides = array<i32>} : memref<512xf32, #tpu.memory_space<vmem>>, vector<16xf32>,
            %get3A_1455 = arith.constant 208 : index
            %get3A_1456 = tpu.vector_load %arg9[%get3A_1455] {strides = array<i32>} : memref<512xf32, #tpu.memory_space<vmem>>, vector<16xf32>,
            %get3A_1457 = vector.shape_cast %get3A_1456 : vector<16xf32> to vector<16xf32>
            %mul3A_1458 = arith.mulf %get3A_1457, %exp3A : vector<16xf32>
            %swap3A_1459 = arith.constant 208 : index
            %swap3A_1460 = tpu.vector_load %arg9[%swap3A_1459] {strides = array<i32>} : memref<512xf32, #tpu.memory_space<vmem>>, vector<16xf32>,
            %swap3A_1461 = vector.shape_cast %swap3A_1460 : vector<16xf32> to vector<16xf32>
            %swap3A_1462 = vector.shape_cast %mul3A_1458 : vector<16xf32> to vector<16xf32>
            tpu.vector_store %arg9[%swap3A_1459], %swap3A_1462 {strides = array<i32>} : memref<512xf32, #tpu.memory_space<vmem>>, vector<16xf32>,
            %get3A_1463 = arith.constant 224 : index
            %get3A_1464 = tpu.vector_load %arg9[%get3A_1463] {strides = array<i32>} : memref<512xf32, #tpu.memory_space<vmem>>, vector<16xf32>,
            %get3A_1465 = vector.shape_cast %get3A_1464 : vector<16xf32> to vector<16xf32>
            %mul3A_1466 = arith.mulf %get3A_1465, %exp3A : vector<16xf32>
            %swap3A_1467 = arith.constant 224 : index
            %swap3A_1468 = tpu.vector_load %arg9[%swap3A_1467] {strides = array<i32>} : memref<512xf32, #tpu.memory_space<vmem>>, vector<16xf32>,
            %swap3A_1469 = vector.shape_cast %swap3A_1468 : vector<16xf32> to vector<16xf32>
            %swap3A_1470 = vector.shape_cast %mul3A_1466 : vector<16xf32> to vector<16xf32>
            tpu.vector_store %arg9[%swap3A_1467], %swap3A_1470 {strides = array<i32>} : memref<512xf32, #tpu.memory_space<vmem>>, vector<16xf32>,
            %get3A_1471 = arith.constant 240 : index
            %get3A_1472 = tpu.vector_load %arg9[%get3A_1471] {strides = array<i32>} : memref<512xf32, #tpu.memory_space<vmem>>, vector<16xf32>,
            %get3A_1473 = vector.shape_cast %get3A_1472 : vector<16xf32> to vector<16xf32>
            %mul3A_1474 = arith.mulf %get3A_1473, %exp3A : vector<16xf32>
            %swap3A_1475 = arith.constant 240 : index
            %swap3A_1476 = tpu.vector_load %arg9[%swap3A_1475] {strides = array<i32>} : memref<512xf32, #tpu.memory_space<vmem>>, vector<16xf32>,
            %swap3A_1477 = vector.shape_cast %swap3A_1476 : vector<16xf32> to vector<16xf32>
            %swap3A_1478 = vector.shape_cast %mul3A_1474 : vector<16xf32> to vector<16xf32>
            tpu.vector_store %arg9[%swap3A_1475], %swap3A_1478 {strides = array<i32>} : memref<512xf32, #tpu.memory_space<vmem>>, vector<16xf32>,
            %get3A_1479 = arith.constant 256 : index
            %get3A_1480 = tpu.vector_load %arg9[%get3A_1479] {strides = array<i32>} : memref<512xf32, #tpu.memory_space<vmem>>, vector<16xf32>,
            %get3A_1481 = vector.shape_cast %get3A_1480 : vector<16xf32> to vector<16xf32>
            %mul3A_1482 = arith.mulf %get3A_1481, %exp3A : vector<16xf32>
            %swap3A_1483 = arith.constant 256 : index
            %swap3A_1484 = tpu.vector_load %arg9[%swap3A_1483] {strides = array<i32>} : memref<512xf32, #tpu.memory_space<vmem>>, vector<16xf32>,
            %swap3A_1485 = vector.shape_cast %swap3A_1484 : vector<16xf32> to vector<16xf32>
            %swap3A_1486 = vector.shape_cast %mul3A_1482 : vector<16xf32> to vector<16xf32>
            tpu.vector_store %arg9[%swap3A_1483], %swap3A_1486 {strides = array<i32>} : memref<512xf32, #tpu.memory_space<vmem>>, vector<16xf32>,
            %get3A_1487 = arith.constant 272 : index
            %get3A_1488 = tpu.vector_load %arg9[%get3A_1487] {strides = array<i32>} : memref<512xf32, #tpu.memory_space<vmem>>, vector<16xf32>,
            %get3A_1489 = vector.shape_cast %get3A_1488 : vector<16xf32> to vector<16xf32>
            %mul3A_1490 = arith.mulf %get3A_1489, %exp3A : vector<16xf32>
            %swap3A_1491 = arith.constant 272 : index
            %swap3A_1492 = tpu.vector_load %arg9[%swap3A_1491] {strides = array<i32>} : memref<512xf32, #tpu.memory_space<vmem>>, vector<16xf32>,
            %swap3A_1493 = vector.shape_cast %swap3A_1492 : vector<16xf32> to vector<16xf32>
            %swap3A_1494 = vector.shape_cast %mul3A_1490 : vector<16xf32> to vector<16xf32>
            tpu.vector_store %arg9[%swap3A_1491], %swap3A_1494 {strides = array<i32>} : memref<512xf32, #tpu.memory_space<vmem>>, vector<16xf32>,
            %get3A_1495 = arith.constant 288 : index
            %get3A_1496 = tpu.vector_load %arg9[%get3A_1495] {strides = array<i32>} : memref<512xf32, #tpu.memory_space<vmem>>, vector<16xf32>,
            %get3A_1497 = vector.shape_cast %get3A_1496 : vector<16xf32> to vector<16xf32>
            %mul3A_1498 = arith.mulf %get3A_1497, %exp3A : vector<16xf32>
            %swap3A_1499 = arith.constant 288 : index
            %swap3A_1500 = tpu.vector_load %arg9[%swap3A_1499] {strides = array<i32>} : memref<512xf32, #tpu.memory_space<vmem>>, vector<16xf32>,
            %swap3A_1501 = vector.shape_cast %swap3A_1500 : vector<16xf32> to vector<16xf32>
            %swap3A_1502 = vector.shape_cast %mul3A_1498 : vector<16xf32> to vector<16xf32>
            tpu.vector_store %arg9[%swap3A_1499], %swap3A_1502 {strides = array<i32>} : memref<512xf32, #tpu.memory_space<vmem>>, vector<16xf32>,
            %get3A_1503 = arith.constant 304 : index
            %get3A_1504 = tpu.vector_load %arg9[%get3A_1503] {strides = array<i32>} : memref<512xf32, #tpu.memory_space<vmem>>, vector<16xf32>,
            %get3A_1505 = vector.shape_cast %get3A_1504 : vector<16xf32> to vector<16xf32>
            %mul3A_1506 = arith.mulf %get3A_1505, %exp3A : vector<16xf32>
            %swap3A_1507 = arith.constant 304 : index
            %swap3A_1508 = tpu.vector_load %arg9[%swap3A_1507] {strides = array<i32>} : memref<512xf32, #tpu.memory_space<vmem>>, vector<16xf32>,
            %swap3A_1509 = vector.shape_cast %swap3A_1508 : vector<16xf32> to vector<16xf32>
            %swap3A_1510 = vector.shape_cast %mul3A_1506 : vector<16xf32> to vector<16xf32>
            tpu.vector_store %arg9[%swap3A_1507], %swap3A_1510 {strides = array<i32>} : memref<512xf32, #tpu.memory_space<vmem>>, vector<16xf32>,
            %get3A_1511 = arith.constant 320 : index
            %get3A_1512 = tpu.vector_load %arg9[%get3A_1511] {strides = array<i32>} : memref<512xf32, #tpu.memory_space<vmem>>, vector<16xf32>,
            %get3A_1513 = vector.shape_cast %get3A_1512 : vector<16xf32> to vector<16xf32>
            %mul3A_1514 = arith.mulf %get3A_1513, %exp3A : vector<16xf32>
            %swap3A_1515 = arith.constant 320 : index
            %swap3A_1516 = tpu.vector_load %arg9[%swap3A_1515] {strides = array<i32>} : memref<512xf32, #tpu.memory_space<vmem>>, vector<16xf32>,
            %swap3A_1517 = vector.shape_cast %swap3A_1516 : vector<16xf32> to vector<16xf32>
            %swap3A_1518 = vector.shape_cast %mul3A_1514 : vector<16xf32> to vector<16xf32>
            tpu.vector_store %arg9[%swap3A_1515], %swap3A_1518 {strides = array<i32>} : memref<512xf32, #tpu.memory_space<vmem>>, vector<16xf32>,
            %get3A_1519 = arith.constant 336 : index
            %get3A_1520 = tpu.vector_load %arg9[%get3A_1519] {strides = array<i32>} : memref<512xf32, #tpu.memory_space<vmem>>, vector<16xf32>,
            %get3A_1521 = vector.shape_cast %get3A_1520 : vector<16xf32> to vector<16xf32>
            %mul3A_1522 = arith.mulf %get3A_1521, %exp3A : vector<16xf32>
            %swap3A_1523 = arith.constant 336 : index
            %swap3A_1524 = tpu.vector_load %arg9[%swap3A_1523] {strides = array<i32>} : memref<512xf32, #tpu.memory_space<vmem>>, vector<16xf32>,
            %swap3A_1525 = vector.shape_cast %swap3A_1524 : vector<16xf32> to vector<16xf32>
            %swap3A_1526 = vector.shape_cast %mul3A_1522 : vector<16xf32> to vector<16xf32>
            tpu.vector_store %arg9[%swap3A_1523], %swap3A_1526 {strides = array<i32>} : memref<512xf32, #tpu.memory_space<vmem>>, vector<16xf32>,
            %get3A_1527 = arith.constant 352 : index
            %get3A_1528 = tpu.vector_load %arg9[%get3A_1527] {strides = array<i32>} : memref<512xf32, #tpu.memory_space<vmem>>, vector<16xf32>,
            %get3A_1529 = vector.shape_cast %get3A_1528 : vector<16xf32> to vector<16xf32>
            %mul3A_1530 = arith.mulf %get3A_1529, %exp3A : vector<16xf32>
            %swap3A_1531 = arith.constant 352 : index
            %swap3A_1532 = tpu.vector_load %arg9[%swap3A_1531] {strides = array<i32>} : memref<512xf32, #tpu.memory_space<vmem>>, vector<16xf32>,
            %swap3A_1533 = vector.shape_cast %swap3A_1532 : vector<16xf32> to vector<16xf32>
            %swap3A_1534 = vector.shape_cast %mul3A_1530 : vector<16xf32> to vector<16xf32>
            tpu.vector_store %arg9[%swap3A_1531], %swap3A_1534 {strides = array<i32>} : memref<512xf32, #tpu.memory_space<vmem>>, vector<16xf32>,
            %get3A_1535 = arith.constant 368 : index
            %get3A_1536 = tpu.vector_load %arg9[%get3A_1535] {strides = array<i32>} : memref<512xf32, #tpu.memory_space<vmem>>, vector<16xf32>,
            %get3A_1537 = vector.shape_cast %get3A_1536 : vector<16xf32> to vector<16xf32>
            %mul3A_1538 = arith.mulf %get3A_1537, %exp3A : vector<16xf32>
            %swap3A_1539 = arith.constant 368 : index
            %swap3A_1540 = tpu.vector_load %arg9[%swap3A_1539] {strides = array<i32>} : memref<512xf32, #tpu.memory_space<vmem>>, vector<16xf32>,
            %swap3A_1541 = vector.shape_cast %swap3A_1540 : vector<16xf32> to vector<16xf32>
            %swap3A_1542 = vector.shape_cast %mul3A_1538 : vector<16xf32> to vector<16xf32>
            tpu.vector_store %arg9[%swap3A_1539], %swap3A_1542 {strides = array<i32>} : memref<512xf32, #tpu.memory_space<vmem>>, vector<16xf32>,
            %get3A_1543 = arith.constant 384 : index
            %get3A_1544 = tpu.vector_load %arg9[%get3A_1543] {strides = array<i32>} : memref<512xf32, #tpu.memory_space<vmem>>, vector<16xf32>,
            %get3A_1545 = vector.shape_cast %get3A_1544 : vector<16xf32> to vector<16xf32>
            %mul3A_1546 = arith.mulf %get3A_1545, %exp3A : vector<16xf32>
            %swap3A_1547 = arith.constant 384 : index
            %swap3A_1548 = tpu.vector_load %arg9[%swap3A_1547] {strides = array<i32>} : memref<512xf32, #tpu.memory_space<vmem>>, vector<16xf32>,
            %swap3A_1549 = vector.shape_cast %swap3A_1548 : vector<16xf32> to vector<16xf32>
            %swap3A_1550 = vector.shape_cast %mul3A_1546 : vector<16xf32> to vector<16xf32>
            tpu.vector_store %arg9[%swap3A_1547], %swap3A_1550 {strides = array<i32>} : memref<512xf32, #tpu.memory_space<vmem>>, vector<16xf32>,
            %get3A_1551 = arith.constant 400 : index
            %get3A_1552 = tpu.vector_load %arg9[%get3A_1551] {strides = array<i32>} : memref<512xf32, #tpu.memory_space<vmem>>, vector<16xf32>,
            %get3A_1553 = vector.shape_cast %get3A_1552 : vector<16xf32> to vector<16xf32>
            %mul3A_1554 = arith.mulf %get3A_1553, %exp3A : vector<16xf32>
            %swap3A_1555 = arith.constant 400 : index
            %swap3A_1556 = tpu.vector_load %arg9[%swap3A_1555] {strides = array<i32>} : memref<512xf32, #tpu.memory_space<vmem>>, vector<16xf32>,
            %swap3A_1557 = vector.shape_cast %swap3A_1556 : vector<16xf32> to vector<16xf32>
            %swap3A_1558 = vector.shape_cast %mul3A_1554 : vector<16xf32> to vector<16xf32>
            tpu.vector_store %arg9[%swap3A_1555], %swap3A_1558 {strides = array<i32>} : memref<512xf32, #tpu.memory_space<vmem>>, vector<16xf32>,
            %get3A_1559 = arith.constant 416 : index
            %get3A_1560 = tpu.vector_load %arg9[%get3A_1559] {strides = array<i32>} : memref<512xf32, #tpu.memory_space<vmem>>, vector<16xf32>,
            %get3A_1561 = vector.shape_cast %get3A_1560 : vector<16xf32> to vector<16xf32>
            %mul3A_1562 = arith.mulf %get3A_1561, %exp3A : vector<16xf32>
            %swap3A_1563 = arith.constant 416 : index
            %swap3A_1564 = tpu.vector_load %arg9[%swap3A_1563] {strides = array<i32>} : memref<512xf32, #tpu.memory_space<vmem>>, vector<16xf32>,
            %swap3A_1565 = vector.shape_cast %swap3A_1564 : vector<16xf32> to vector<16xf32>
            %swap3A_1566 = vector.shape_cast %mul3A_1562 : vector<16xf32> to vector<16xf32>
            tpu.vector_store %arg9[%swap3A_1563], %swap3A_1566 {strides = array<i32>} : memref<512xf32, #tpu.memory_space<vmem>>, vector<16xf32>,
            %get3A_1567 = arith.constant 432 : index
            %get3A_1568 = tpu.vector_load %arg9[%get3A_1567] {strides = array<i32>} : memref<512xf32, #tpu.memory_space<vmem>>, vector<16xf32>,
            %get3A_1569 = vector.shape_cast %get3A_1568 : vector<16xf32> to vector<16xf32>
            %mul3A_1570 = arith.mulf %get3A_1569, %exp3A : vector<16xf32>
            %swap3A_1571 = arith.constant 432 : index
            %swap3A_1572 = tpu.vector_load %arg9[%swap3A_1571] {strides = array<i32>} : memref<512xf32, #tpu.memory_space<vmem>>, vector<16xf32>,
            %swap3A_1573 = vector.shape_cast %swap3A_1572 : vector<16xf32> to vector<16xf32>
            %swap3A_1574 = vector.shape_cast %mul3A_1570 : vector<16xf32> to vector<16xf32>
            tpu.vector_store %arg9[%swap3A_1571], %swap3A_1574 {strides = array<i32>} : memref<512xf32, #tpu.memory_space<vmem>>, vector<16xf32>,
            %get3A_1575 = arith.constant 448 : index
            %get3A_1576 = tpu.vector_load %arg9[%get3A_1575] {strides = array<i32>} : memref<512xf32, #tpu.memory_space<vmem>>, vector<16xf32>,
            %get3A_1577 = vector.shape_cast %get3A_1576 : vector<16xf32> to vector<16xf32>
            %mul3A_1578 = arith.mulf %get3A_1577, %exp3A : vector<16xf32>
            %swap3A_1579 = arith.constant 448 : index
            %swap3A_1580 = tpu.vector_load %arg9[%swap3A_1579] {strides = array<i32>} : memref<512xf32, #tpu.memory_space<vmem>>, vector<16xf32>,
            %swap3A_1581 = vector.shape_cast %swap3A_1580 : vector<16xf32> to vector<16xf32>
            %swap3A_1582 = vector.shape_cast %mul3A_1578 : vector<16xf32> to vector<16xf32>
            tpu.vector_store %arg9[%swap3A_1579], %swap3A_1582 {strides = array<i32>} : memref<512xf32, #tpu.memory_space<vmem>>, vector<16xf32>,
            %get3A_1583 = arith.constant 464 : index
            %get3A_1584 = tpu.vector_load %arg9[%get3A_1583] {strides = array<i32>} : memref<512xf32, #tpu.memory_space<vmem>>, vector<16xf32>,
            %get3A_1585 = vector.shape_cast %get3A_1584 : vector<16xf32> to vector<16xf32>
            %mul3A_1586 = arith.mulf %get3A_1585, %exp3A : vector<16xf32>
            %swap3A_1587 = arith.constant 464 : index
            %swap3A_1588 = tpu.vector_load %arg9[%swap3A_1587] {strides = array<i32>} : memref<512xf32, #tpu.memory_space<vmem>>, vector<16xf32>,
            %swap3A_1589 = vector.shape_cast %swap3A_1588 : vector<16xf32> to vector<16xf32>
            %swap3A_1590 = vector.shape_cast %mul3A_1586 : vector<16xf32> to vector<16xf32>
            tpu.vector_store %arg9[%swap3A_1587], %swap3A_1590 {strides = array<i32>} : memref<512xf32, #tpu.memory_space<vmem>>, vector<16xf32>,
            %get3A_1591 = arith.constant 480 : index
            %get3A_1592 = tpu.vector_load %arg9[%get3A_1591] {strides = array<i32>} : memref<512xf32, #tpu.memory_space<vmem>>, vector<16xf32>,
            %get3A_1593 = vector.shape_cast %get3A_1592 : vector<16xf32> to vector<16xf32>
            %mul3A_1594 = arith.mulf %get3A_1593, %exp3A : vector<16xf32>
            %swap3A_1595 = arith.constant 480 : index
            %swap3A_1596 = tpu.vector_load %arg9[%swap3A_1595] {strides = array<i32>} : memref<512xf32, #tpu.memory_space<vmem>>, vector<16xf32>,
            %swap3A_1597 = vector.shape_cast %swap3A_1596 : vector<16xf32> to vector<16xf32>
            %swap3A_1598 = vector.shape_cast %mul3A_1594 : vector<16xf32> to vector<16xf32>
            tpu.vector_store %arg9[%swap3A_1595], %swap3A_1598 {strides = array<i32>} : memref<512xf32, #tpu.memory_space<vmem>>, vector<16xf32>,
            %get3A_1599 = arith.constant 496 : index
            %get3A_1600 = tpu.vector_load %arg9[%get3A_1599] {strides = array<i32>} : memref<512xf32, #tpu.memory_space<vmem>>, vector<16xf32>,
            %get3A_1601 = vector.shape_cast %get3A_1600 : vector<16xf32> to vector<16xf32>
            %mul3A_1602 = arith.mulf %get3A_1601, %exp3A : vector<16xf32>
            %swap3A_1603 = arith.constant 496 : index
            %swap3A_1604 = tpu.vector_load %arg9[%swap3A_1603] {strides = array<i32>} : memref<512xf32, #tpu.memory_space<vmem>>, vector<16xf32>,
            %swap3A_1605 = vector.shape_cast %swap3A_1604 : vector<16xf32> to vector<16xf32>
            %swap3A_1606 = vector.shape_cast %mul3A_1602 : vector<16xf32> to vector<16xf32>
            tpu.vector_store %arg9[%swap3A_1603], %swap3A_1606 {strides = array<i32>} : memref<512xf32, #tpu.memory_space<vmem>>, vector<16xf32>,
          } else {
          }
          %get3A_935 = arith.constant 0 : index
          %get3A_936 = tpu.vector_load %arg9[%get3A_935] {strides = array<i32>} : memref<512xf32, #tpu.memory_space<vmem>>, vector<16xf32>,
          %get3A_937 = vector.shape_cast %get3A_936 : vector<16xf32> to vector<16xf32>
          %get3A_938 = arith.index_cast %while3A_585 : i32 to index
          %get3A_939 = arith.constant 0 : index
          %get3A_940 = tpu.vector_load %arg6[%get3A_938, %get3A_939] {strides = array<i32>} : memref<64x512xf32, #tpu.memory_space<vmem>>, vector<1x16xf32>,
          %get3A_941 = vector.shape_cast %get3A_940 : vector<1x16xf32> to vector<16xf32>
          %mul3A_942 = arith.mulf %exp3A_930, %get3A_941 : vector<16xf32>
          %add3A_943 = arith.addf %get3A_937, %mul3A_942 : vector<16xf32>
          %swap3A_944 = arith.constant 0 : index
          %swap3A_945 = tpu.vector_load %arg9[%swap3A_944] {strides = array<i32>} : memref<512xf32, #tpu.memory_space<vmem>>, vector<16xf32>,
          %swap3A_946 = vector.shape_cast %swap3A_945 : vector<16xf32> to vector<16xf32>
          %swap3A_947 = vector.shape_cast %add3A_943 : vector<16xf32> to vector<16xf32>
          tpu.vector_store %arg9[%swap3A_944], %swap3A_947 {strides = array<i32>} : memref<512xf32, #tpu.memory_space<vmem>>, vector<16xf32>,
          %get3A_948 = arith.constant 16 : index
          %get3A_949 = tpu.vector_load %arg9[%get3A_948] {strides = array<i32>} : memref<512xf32, #tpu.memory_space<vmem>>, vector<16xf32>,
          %get3A_950 = vector.shape_cast %get3A_949 : vector<16xf32> to vector<16xf32>
          %get3A_951 = arith.index_cast %while3A_585 : i32 to index
          %get3A_952 = arith.constant 16 : index
          %get3A_953 = tpu.vector_load %arg6[%get3A_951, %get3A_952] {strides = array<i32>} : memref<64x512xf32, #tpu.memory_space<vmem>>, vector<1x16xf32>,
          %get3A_954 = vector.shape_cast %get3A_953 : vector<1x16xf32> to vector<16xf32>
          %mul3A_955 = arith.mulf %exp3A_930, %get3A_954 : vector<16xf32>
          %add3A_956 = arith.addf %get3A_950, %mul3A_955 : vector<16xf32>
          %swap3A_957 = arith.constant 16 : index
          %swap3A_958 = tpu.vector_load %arg9[%swap3A_957] {strides = array<i32>} : memref<512xf32, #tpu.memory_space<vmem>>, vector<16xf32>,
          %swap3A_959 = vector.shape_cast %swap3A_958 : vector<16xf32> to vector<16xf32>
          %swap3A_960 = vector.shape_cast %add3A_956 : vector<16xf32> to vector<16xf32>
          tpu.vector_store %arg9[%swap3A_957], %swap3A_960 {strides = array<i32>} : memref<512xf32, #tpu.memory_space<vmem>>, vector<16xf32>,
          %get3A_961 = arith.constant 32 : index
          %get3A_962 = tpu.vector_load %arg9[%get3A_961] {strides = array<i32>} : memref<512xf32, #tpu.memory_space<vmem>>, vector<16xf32>,
          %get3A_963 = vector.shape_cast %get3A_962 : vector<16xf32> to vector<16xf32>
          %get3A_964 = arith.index_cast %while3A_585 : i32 to index
          %get3A_965 = arith.constant 32 : index
          %get3A_966 = tpu.vector_load %arg6[%get3A_964, %get3A_965] {strides = array<i32>} : memref<64x512xf32, #tpu.memory_space<vmem>>, vector<1x16xf32>,
          %get3A_967 = vector.shape_cast %get3A_966 : vector<1x16xf32> to vector<16xf32>
          %mul3A_968 = arith.mulf %exp3A_930, %get3A_967 : vector<16xf32>
          %add3A_969 = arith.addf %get3A_963, %mul3A_968 : vector<16xf32>
          %swap3A_970 = arith.constant 32 : index
          %swap3A_971 = tpu.vector_load %arg9[%swap3A_970] {strides = array<i32>} : memref<512xf32, #tpu.memory_space<vmem>>, vector<16xf32>,
          %swap3A_972 = vector.shape_cast %swap3A_971 : vector<16xf32> to vector<16xf32>
          %swap3A_973 = vector.shape_cast %add3A_969 : vector<16xf32> to vector<16xf32>
          tpu.vector_store %arg9[%swap3A_970], %swap3A_973 {strides = array<i32>} : memref<512xf32, #tpu.memory_space<vmem>>, vector<16xf32>,
          %get3A_974 = arith.constant 48 : index
          %get3A_975 = tpu.vector_load %arg9[%get3A_974] {strides = array<i32>} : memref<512xf32, #tpu.memory_space<vmem>>, vector<16xf32>,
          %get3A_976 = vector.shape_cast %get3A_975 : vector<16xf32> to vector<16xf32>
          %get3A_977 = arith.index_cast %while3A_585 : i32 to index
          %get3A_978 = arith.constant 48 : index
          %get3A_979 = tpu.vector_load %arg6[%get3A_977, %get3A_978] {strides = array<i32>} : memref<64x512xf32, #tpu.memory_space<vmem>>, vector<1x16xf32>,
          %get3A_980 = vector.shape_cast %get3A_979 : vector<1x16xf32> to vector<16xf32>
          %mul3A_981 = arith.mulf %exp3A_930, %get3A_980 : vector<16xf32>
          %add3A_982 = arith.addf %get3A_976, %mul3A_981 : vector<16xf32>
          %swap3A_983 = arith.constant 48 : index
          %swap3A_984 = tpu.vector_load %arg9[%swap3A_983] {strides = array<i32>} : memref<512xf32, #tpu.memory_space<vmem>>, vector<16xf32>,
          %swap3A_985 = vector.shape_cast %swap3A_984 : vector<16xf32> to vector<16xf32>
          %swap3A_986 = vector.shape_cast %add3A_982 : vector<16xf32> to vector<16xf32>
          tpu.vector_store %arg9[%swap3A_983], %swap3A_986 {strides = array<i32>} : memref<512xf32, #tpu.memory_space<vmem>>, vector<16xf32>,
          %get3A_987 = arith.constant 64 : index
          %get3A_988 = tpu.vector_load %arg9[%get3A_987] {strides = array<i32>} : memref<512xf32, #tpu.memory_space<vmem>>, vector<16xf32>,
          %get3A_989 = vector.shape_cast %get3A_988 : vector<16xf32> to vector<16xf32>
          %get3A_990 = arith.index_cast %while3A_585 : i32 to index
          %get3A_991 = arith.constant 64 : index
          %get3A_992 = tpu.vector_load %arg6[%get3A_990, %get3A_991] {strides = array<i32>} : memref<64x512xf32, #tpu.memory_space<vmem>>, vector<1x16xf32>,
          %get3A_993 = vector.shape_cast %get3A_992 : vector<1x16xf32> to vector<16xf32>
          %mul3A_994 = arith.mulf %exp3A_930, %get3A_993 : vector<16xf32>
          %add3A_995 = arith.addf %get3A_989, %mul3A_994 : vector<16xf32>
          %swap3A_996 = arith.constant 64 : index
          %swap3A_997 = tpu.vector_load %arg9[%swap3A_996] {strides = array<i32>} : memref<512xf32, #tpu.memory_space<vmem>>, vector<16xf32>,
          %swap3A_998 = vector.shape_cast %swap3A_997 : vector<16xf32> to vector<16xf32>
          %swap3A_999 = vector.shape_cast %add3A_995 : vector<16xf32> to vector<16xf32>
          tpu.vector_store %arg9[%swap3A_996], %swap3A_999 {strides = array<i32>} : memref<512xf32, #tpu.memory_space<vmem>>, vector<16xf32>,
          %get3A_1000 = arith.constant 80 : index
          %get3A_1001 = tpu.vector_load %arg9[%get3A_1000] {strides = array<i32>} : memref<512xf32, #tpu.memory_space<vmem>>, vector<16xf32>,
          %get3A_1002 = vector.shape_cast %get3A_1001 : vector<16xf32> to vector<16xf32>
          %get3A_1003 = arith.index_cast %while3A_585 : i32 to index
          %get3A_1004 = arith.constant 80 : index
          %get3A_1005 = tpu.vector_load %arg6[%get3A_1003, %get3A_1004] {strides = array<i32>} : memref<64x512xf32, #tpu.memory_space<vmem>>, vector<1x16xf32>,
          %get3A_1006 = vector.shape_cast %get3A_1005 : vector<1x16xf32> to vector<16xf32>
          %mul3A_1007 = arith.mulf %exp3A_930, %get3A_1006 : vector<16xf32>
          %add3A_1008 = arith.addf %get3A_1002, %mul3A_1007 : vector<16xf32>
          %swap3A_1009 = arith.constant 80 : index
          %swap3A_1010 = tpu.vector_load %arg9[%swap3A_1009] {strides = array<i32>} : memref<512xf32, #tpu.memory_space<vmem>>, vector<16xf32>,
          %swap3A_1011 = vector.shape_cast %swap3A_1010 : vector<16xf32> to vector<16xf32>
          %swap3A_1012 = vector.shape_cast %add3A_1008 : vector<16xf32> to vector<16xf32>
          tpu.vector_store %arg9[%swap3A_1009], %swap3A_1012 {strides = array<i32>} : memref<512xf32, #tpu.memory_space<vmem>>, vector<16xf32>,
          %get3A_1013 = arith.constant 96 : index
          %get3A_1014 = tpu.vector_load %arg9[%get3A_1013] {strides = array<i32>} : memref<512xf32, #tpu.memory_space<vmem>>, vector<16xf32>,
          %get3A_1015 = vector.shape_cast %get3A_1014 : vector<16xf32> to vector<16xf32>
          %get3A_1016 = arith.index_cast %while3A_585 : i32 to index
          %get3A_1017 = arith.constant 96 : index
          %get3A_1018 = tpu.vector_load %arg6[%get3A_1016, %get3A_1017] {strides = array<i32>} : memref<64x512xf32, #tpu.memory_space<vmem>>, vector<1x16xf32>,
          %get3A_1019 = vector.shape_cast %get3A_1018 : vector<1x16xf32> to vector<16xf32>
          %mul3A_1020 = arith.mulf %exp3A_930, %get3A_1019 : vector<16xf32>
          %add3A_1021 = arith.addf %get3A_1015, %mul3A_1020 : vector<16xf32>
          %swap3A_1022 = arith.constant 96 : index
          %swap3A_1023 = tpu.vector_load %arg9[%swap3A_1022] {strides = array<i32>} : memref<512xf32, #tpu.memory_space<vmem>>, vector<16xf32>,
          %swap3A_1024 = vector.shape_cast %swap3A_1023 : vector<16xf32> to vector<16xf32>
          %swap3A_1025 = vector.shape_cast %add3A_1021 : vector<16xf32> to vector<16xf32>
          tpu.vector_store %arg9[%swap3A_1022], %swap3A_1025 {strides = array<i32>} : memref<512xf32, #tpu.memory_space<vmem>>, vector<16xf32>,
          %get3A_1026 = arith.constant 112 : index
          %get3A_1027 = tpu.vector_load %arg9[%get3A_1026] {strides = array<i32>} : memref<512xf32, #tpu.memory_space<vmem>>, vector<16xf32>,
          %get3A_1028 = vector.shape_cast %get3A_1027 : vector<16xf32> to vector<16xf32>
          %get3A_1029 = arith.index_cast %while3A_585 : i32 to index
          %get3A_1030 = arith.constant 112 : index
          %get3A_1031 = tpu.vector_load %arg6[%get3A_1029, %get3A_1030] {strides = array<i32>} : memref<64x512xf32, #tpu.memory_space<vmem>>, vector<1x16xf32>,
          %get3A_1032 = vector.shape_cast %get3A_1031 : vector<1x16xf32> to vector<16xf32>
          %mul3A_1033 = arith.mulf %exp3A_930, %get3A_1032 : vector<16xf32>
          %add3A_1034 = arith.addf %get3A_1028, %mul3A_1033 : vector<16xf32>
          %swap3A_1035 = arith.constant 112 : index
          %swap3A_1036 = tpu.vector_load %arg9[%swap3A_1035] {strides = array<i32>} : memref<512xf32, #tpu.memory_space<vmem>>, vector<16xf32>,
          %swap3A_1037 = vector.shape_cast %swap3A_1036 : vector<16xf32> to vector<16xf32>
          %swap3A_1038 = vector.shape_cast %add3A_1034 : vector<16xf32> to vector<16xf32>
          tpu.vector_store %arg9[%swap3A_1035], %swap3A_1038 {strides = array<i32>} : memref<512xf32, #tpu.memory_space<vmem>>, vector<16xf32>,
          %get3A_1039 = arith.constant 128 : index
          %get3A_1040 = tpu.vector_load %arg9[%get3A_1039] {strides = array<i32>} : memref<512xf32, #tpu.memory_space<vmem>>, vector<16xf32>,
          %get3A_1041 = vector.shape_cast %get3A_1040 : vector<16xf32> to vector<16xf32>
          %get3A_1042 = arith.index_cast %while3A_585 : i32 to index
          %get3A_1043 = arith.constant 128 : index
          %get3A_1044 = tpu.vector_load %arg6[%get3A_1042, %get3A_1043] {strides = array<i32>} : memref<64x512xf32, #tpu.memory_space<vmem>>, vector<1x16xf32>,
          %get3A_1045 = vector.shape_cast %get3A_1044 : vector<1x16xf32> to vector<16xf32>
          %mul3A_1046 = arith.mulf %exp3A_930, %get3A_1045 : vector<16xf32>
          %add3A_1047 = arith.addf %get3A_1041, %mul3A_1046 : vector<16xf32>
          %swap3A_1048 = arith.constant 128 : index
          %swap3A_1049 = tpu.vector_load %arg9[%swap3A_1048] {strides = array<i32>} : memref<512xf32, #tpu.memory_space<vmem>>, vector<16xf32>,
          %swap3A_1050 = vector.shape_cast %swap3A_1049 : vector<16xf32> to vector<16xf32>
          %swap3A_1051 = vector.shape_cast %add3A_1047 : vector<16xf32> to vector<16xf32>
          tpu.vector_store %arg9[%swap3A_1048], %swap3A_1051 {strides = array<i32>} : memref<512xf32, #tpu.memory_space<vmem>>, vector<16xf32>,
          %get3A_1052 = arith.constant 144 : index
          %get3A_1053 = tpu.vector_load %arg9[%get3A_1052] {strides = array<i32>} : memref<512xf32, #tpu.memory_space<vmem>>, vector<16xf32>,
          %get3A_1054 = vector.shape_cast %get3A_1053 : vector<16xf32> to vector<16xf32>
          %get3A_1055 = arith.index_cast %while3A_585 : i32 to index
          %get3A_1056 = arith.constant 144 : index
          %get3A_1057 = tpu.vector_load %arg6[%get3A_1055, %get3A_1056] {strides = array<i32>} : memref<64x512xf32, #tpu.memory_space<vmem>>, vector<1x16xf32>,
          %get3A_1058 = vector.shape_cast %get3A_1057 : vector<1x16xf32> to vector<16xf32>
          %mul3A_1059 = arith.mulf %exp3A_930, %get3A_1058 : vector<16xf32>
          %add3A_1060 = arith.addf %get3A_1054, %mul3A_1059 : vector<16xf32>
          %swap3A_1061 = arith.constant 144 : index
          %swap3A_1062 = tpu.vector_load %arg9[%swap3A_1061] {strides = array<i32>} : memref<512xf32, #tpu.memory_space<vmem>>, vector<16xf32>,
          %swap3A_1063 = vector.shape_cast %swap3A_1062 : vector<16xf32> to vector<16xf32>
          %swap3A_1064 = vector.shape_cast %add3A_1060 : vector<16xf32> to vector<16xf32>
          tpu.vector_store %arg9[%swap3A_1061], %swap3A_1064 {strides = array<i32>} : memref<512xf32, #tpu.memory_space<vmem>>, vector<16xf32>,
          %get3A_1065 = arith.constant 160 : index
          %get3A_1066 = tpu.vector_load %arg9[%get3A_1065] {strides = array<i32>} : memref<512xf32, #tpu.memory_space<vmem>>, vector<16xf32>,
          %get3A_1067 = vector.shape_cast %get3A_1066 : vector<16xf32> to vector<16xf32>
          %get3A_1068 = arith.index_cast %while3A_585 : i32 to index
          %get3A_1069 = arith.constant 160 : index
          %get3A_1070 = tpu.vector_load %arg6[%get3A_1068, %get3A_1069] {strides = array<i32>} : memref<64x512xf32, #tpu.memory_space<vmem>>, vector<1x16xf32>,
          %get3A_1071 = vector.shape_cast %get3A_1070 : vector<1x16xf32> to vector<16xf32>
          %mul3A_1072 = arith.mulf %exp3A_930, %get3A_1071 : vector<16xf32>
          %add3A_1073 = arith.addf %get3A_1067, %mul3A_1072 : vector<16xf32>
          %swap3A_1074 = arith.constant 160 : index
          %swap3A_1075 = tpu.vector_load %arg9[%swap3A_1074] {strides = array<i32>} : memref<512xf32, #tpu.memory_space<vmem>>, vector<16xf32>,
          %swap3A_1076 = vector.shape_cast %swap3A_1075 : vector<16xf32> to vector<16xf32>
          %swap3A_1077 = vector.shape_cast %add3A_1073 : vector<16xf32> to vector<16xf32>
          tpu.vector_store %arg9[%swap3A_1074], %swap3A_1077 {strides = array<i32>} : memref<512xf32, #tpu.memory_space<vmem>>, vector<16xf32>,
          %get3A_1078 = arith.constant 176 : index
          %get3A_1079 = tpu.vector_load %arg9[%get3A_1078] {strides = array<i32>} : memref<512xf32, #tpu.memory_space<vmem>>, vector<16xf32>,
          %get3A_1080 = vector.shape_cast %get3A_1079 : vector<16xf32> to vector<16xf32>
          %get3A_1081 = arith.index_cast %while3A_585 : i32 to index
          %get3A_1082 = arith.constant 176 : index
          %get3A_1083 = tpu.vector_load %arg6[%get3A_1081, %get3A_1082] {strides = array<i32>} : memref<64x512xf32, #tpu.memory_space<vmem>>, vector<1x16xf32>,
          %get3A_1084 = vector.shape_cast %get3A_1083 : vector<1x16xf32> to vector<16xf32>
          %mul3A_1085 = arith.mulf %exp3A_930, %get3A_1084 : vector<16xf32>
          %add3A_1086 = arith.addf %get3A_1080, %mul3A_1085 : vector<16xf32>
          %swap3A_1087 = arith.constant 176 : index
          %swap3A_1088 = tpu.vector_load %arg9[%swap3A_1087] {strides = array<i32>} : memref<512xf32, #tpu.memory_space<vmem>>, vector<16xf32>,
          %swap3A_1089 = vector.shape_cast %swap3A_1088 : vector<16xf32> to vector<16xf32>
          %swap3A_1090 = vector.shape_cast %add3A_1086 : vector<16xf32> to vector<16xf32>
          tpu.vector_store %arg9[%swap3A_1087], %swap3A_1090 {strides = array<i32>} : memref<512xf32, #tpu.memory_space<vmem>>, vector<16xf32>,
          %get3A_1091 = arith.constant 192 : index
          %get3A_1092 = tpu.vector_load %arg9[%get3A_1091] {strides = array<i32>} : memref<512xf32, #tpu.memory_space<vmem>>, vector<16xf32>,
          %get3A_1093 = vector.shape_cast %get3A_1092 : vector<16xf32> to vector<16xf32>
          %get3A_1094 = arith.index_cast %while3A_585 : i32 to index
          %get3A_1095 = arith.constant 192 : index
          %get3A_1096 = tpu.vector_load %arg6[%get3A_1094, %get3A_1095] {strides = array<i32>} : memref<64x512xf32, #tpu.memory_space<vmem>>, vector<1x16xf32>,
          %get3A_1097 = vector.shape_cast %get3A_1096 : vector<1x16xf32> to vector<16xf32>
          %mul3A_1098 = arith.mulf %exp3A_930, %get3A_1097 : vector<16xf32>
          %add3A_1099 = arith.addf %get3A_1093, %mul3A_1098 : vector<16xf32>
          %swap3A_1100 = arith.constant 192 : index
          %swap3A_1101 = tpu.vector_load %arg9[%swap3A_1100] {strides = array<i32>} : memref<512xf32, #tpu.memory_space<vmem>>, vector<16xf32>,
          %swap3A_1102 = vector.shape_cast %swap3A_1101 : vector<16xf32> to vector<16xf32>
          %swap3A_1103 = vector.shape_cast %add3A_1099 : vector<16xf32> to vector<16xf32>
          tpu.vector_store %arg9[%swap3A_1100], %swap3A_1103 {strides = array<i32>} : memref<512xf32, #tpu.memory_space<vmem>>, vector<16xf32>,
          %get3A_1104 = arith.constant 208 : index
          %get3A_1105 = tpu.vector_load %arg9[%get3A_1104] {strides = array<i32>} : memref<512xf32, #tpu.memory_space<vmem>>, vector<16xf32>,
          %get3A_1106 = vector.shape_cast %get3A_1105 : vector<16xf32> to vector<16xf32>
          %get3A_1107 = arith.index_cast %while3A_585 : i32 to index
          %get3A_1108 = arith.constant 208 : index
          %get3A_1109 = tpu.vector_load %arg6[%get3A_1107, %get3A_1108] {strides = array<i32>} : memref<64x512xf32, #tpu.memory_space<vmem>>, vector<1x16xf32>,
          %get3A_1110 = vector.shape_cast %get3A_1109 : vector<1x16xf32> to vector<16xf32>
          %mul3A_1111 = arith.mulf %exp3A_930, %get3A_1110 : vector<16xf32>
          %add3A_1112 = arith.addf %get3A_1106, %mul3A_1111 : vector<16xf32>
          %swap3A_1113 = arith.constant 208 : index
          %swap3A_1114 = tpu.vector_load %arg9[%swap3A_1113] {strides = array<i32>} : memref<512xf32, #tpu.memory_space<vmem>>, vector<16xf32>,
          %swap3A_1115 = vector.shape_cast %swap3A_1114 : vector<16xf32> to vector<16xf32>
          %swap3A_1116 = vector.shape_cast %add3A_1112 : vector<16xf32> to vector<16xf32>
          tpu.vector_store %arg9[%swap3A_1113], %swap3A_1116 {strides = array<i32>} : memref<512xf32, #tpu.memory_space<vmem>>, vector<16xf32>,
          %get3A_1117 = arith.constant 224 : index
          %get3A_1118 = tpu.vector_load %arg9[%get3A_1117] {strides = array<i32>} : memref<512xf32, #tpu.memory_space<vmem>>, vector<16xf32>,
          %get3A_1119 = vector.shape_cast %get3A_1118 : vector<16xf32> to vector<16xf32>
          %get3A_1120 = arith.index_cast %while3A_585 : i32 to index
          %get3A_1121 = arith.constant 224 : index
          %get3A_1122 = tpu.vector_load %arg6[%get3A_1120, %get3A_1121] {strides = array<i32>} : memref<64x512xf32, #tpu.memory_space<vmem>>, vector<1x16xf32>,
          %get3A_1123 = vector.shape_cast %get3A_1122 : vector<1x16xf32> to vector<16xf32>
          %mul3A_1124 = arith.mulf %exp3A_930, %get3A_1123 : vector<16xf32>
          %add3A_1125 = arith.addf %get3A_1119, %mul3A_1124 : vector<16xf32>
          %swap3A_1126 = arith.constant 224 : index
          %swap3A_1127 = tpu.vector_load %arg9[%swap3A_1126] {strides = array<i32>} : memref<512xf32, #tpu.memory_space<vmem>>, vector<16xf32>,
          %swap3A_1128 = vector.shape_cast %swap3A_1127 : vector<16xf32> to vector<16xf32>
          %swap3A_1129 = vector.shape_cast %add3A_1125 : vector<16xf32> to vector<16xf32>
          tpu.vector_store %arg9[%swap3A_1126], %swap3A_1129 {strides = array<i32>} : memref<512xf32, #tpu.memory_space<vmem>>, vector<16xf32>,
          %get3A_1130 = arith.constant 240 : index
          %get3A_1131 = tpu.vector_load %arg9[%get3A_1130] {strides = array<i32>} : memref<512xf32, #tpu.memory_space<vmem>>, vector<16xf32>,
          %get3A_1132 = vector.shape_cast %get3A_1131 : vector<16xf32> to vector<16xf32>
          %get3A_1133 = arith.index_cast %while3A_585 : i32 to index
          %get3A_1134 = arith.constant 240 : index
          %get3A_1135 = tpu.vector_load %arg6[%get3A_1133, %get3A_1134] {strides = array<i32>} : memref<64x512xf32, #tpu.memory_space<vmem>>, vector<1x16xf32>,
          %get3A_1136 = vector.shape_cast %get3A_1135 : vector<1x16xf32> to vector<16xf32>
          %mul3A_1137 = arith.mulf %exp3A_930, %get3A_1136 : vector<16xf32>
          %add3A_1138 = arith.addf %get3A_1132, %mul3A_1137 : vector<16xf32>
          %swap3A_1139 = arith.constant 240 : index
          %swap3A_1140 = tpu.vector_load %arg9[%swap3A_1139] {strides = array<i32>} : memref<512xf32, #tpu.memory_space<vmem>>, vector<16xf32>,
          %swap3A_1141 = vector.shape_cast %swap3A_1140 : vector<16xf32> to vector<16xf32>
          %swap3A_1142 = vector.shape_cast %add3A_1138 : vector<16xf32> to vector<16xf32>
          tpu.vector_store %arg9[%swap3A_1139], %swap3A_1142 {strides = array<i32>} : memref<512xf32, #tpu.memory_space<vmem>>, vector<16xf32>,
          %get3A_1143 = arith.constant 256 : index
          %get3A_1144 = tpu.vector_load %arg9[%get3A_1143] {strides = array<i32>} : memref<512xf32, #tpu.memory_space<vmem>>, vector<16xf32>,
          %get3A_1145 = vector.shape_cast %get3A_1144 : vector<16xf32> to vector<16xf32>
          %get3A_1146 = arith.index_cast %while3A_585 : i32 to index
          %get3A_1147 = arith.constant 256 : index
          %get3A_1148 = tpu.vector_load %arg6[%get3A_1146, %get3A_1147] {strides = array<i32>} : memref<64x512xf32, #tpu.memory_space<vmem>>, vector<1x16xf32>,
          %get3A_1149 = vector.shape_cast %get3A_1148 : vector<1x16xf32> to vector<16xf32>
          %mul3A_1150 = arith.mulf %exp3A_930, %get3A_1149 : vector<16xf32>
          %add3A_1151 = arith.addf %get3A_1145, %mul3A_1150 : vector<16xf32>
          %swap3A_1152 = arith.constant 256 : index
          %swap3A_1153 = tpu.vector_load %arg9[%swap3A_1152] {strides = array<i32>} : memref<512xf32, #tpu.memory_space<vmem>>, vector<16xf32>,
          %swap3A_1154 = vector.shape_cast %swap3A_1153 : vector<16xf32> to vector<16xf32>
          %swap3A_1155 = vector.shape_cast %add3A_1151 : vector<16xf32> to vector<16xf32>
          tpu.vector_store %arg9[%swap3A_1152], %swap3A_1155 {strides = array<i32>} : memref<512xf32, #tpu.memory_space<vmem>>, vector<16xf32>,
          %get3A_1156 = arith.constant 272 : index
          %get3A_1157 = tpu.vector_load %arg9[%get3A_1156] {strides = array<i32>} : memref<512xf32, #tpu.memory_space<vmem>>, vector<16xf32>,
          %get3A_1158 = vector.shape_cast %get3A_1157 : vector<16xf32> to vector<16xf32>
          %get3A_1159 = arith.index_cast %while3A_585 : i32 to index
          %get3A_1160 = arith.constant 272 : index
          %get3A_1161 = tpu.vector_load %arg6[%get3A_1159, %get3A_1160] {strides = array<i32>} : memref<64x512xf32, #tpu.memory_space<vmem>>, vector<1x16xf32>,
          %get3A_1162 = vector.shape_cast %get3A_1161 : vector<1x16xf32> to vector<16xf32>
          %mul3A_1163 = arith.mulf %exp3A_930, %get3A_1162 : vector<16xf32>
          %add3A_1164 = arith.addf %get3A_1158, %mul3A_1163 : vector<16xf32>
          %swap3A_1165 = arith.constant 272 : index
          %swap3A_1166 = tpu.vector_load %arg9[%swap3A_1165] {strides = array<i32>} : memref<512xf32, #tpu.memory_space<vmem>>, vector<16xf32>,
          %swap3A_1167 = vector.shape_cast %swap3A_1166 : vector<16xf32> to vector<16xf32>
          %swap3A_1168 = vector.shape_cast %add3A_1164 : vector<16xf32> to vector<16xf32>
          tpu.vector_store %arg9[%swap3A_1165], %swap3A_1168 {strides = array<i32>} : memref<512xf32, #tpu.memory_space<vmem>>, vector<16xf32>,
          %get3A_1169 = arith.constant 288 : index
          %get3A_1170 = tpu.vector_load %arg9[%get3A_1169] {strides = array<i32>} : memref<512xf32, #tpu.memory_space<vmem>>, vector<16xf32>,
          %get3A_1171 = vector.shape_cast %get3A_1170 : vector<16xf32> to vector<16xf32>
          %get3A_1172 = arith.index_cast %while3A_585 : i32 to index
          %get3A_1173 = arith.constant 288 : index
          %get3A_1174 = tpu.vector_load %arg6[%get3A_1172, %get3A_1173] {strides = array<i32>} : memref<64x512xf32, #tpu.memory_space<vmem>>, vector<1x16xf32>,
          %get3A_1175 = vector.shape_cast %get3A_1174 : vector<1x16xf32> to vector<16xf32>
          %mul3A_1176 = arith.mulf %exp3A_930, %get3A_1175 : vector<16xf32>
          %add3A_1177 = arith.addf %get3A_1171, %mul3A_1176 : vector<16xf32>
          %swap3A_1178 = arith.constant 288 : index
          %swap3A_1179 = tpu.vector_load %arg9[%swap3A_1178] {strides = array<i32>} : memref<512xf32, #tpu.memory_space<vmem>>, vector<16xf32>,
          %swap3A_1180 = vector.shape_cast %swap3A_1179 : vector<16xf32> to vector<16xf32>
          %swap3A_1181 = vector.shape_cast %add3A_1177 : vector<16xf32> to vector<16xf32>
          tpu.vector_store %arg9[%swap3A_1178], %swap3A_1181 {strides = array<i32>} : memref<512xf32, #tpu.memory_space<vmem>>, vector<16xf32>,
          %get3A_1182 = arith.constant 304 : index
          %get3A_1183 = tpu.vector_load %arg9[%get3A_1182] {strides = array<i32>} : memref<512xf32, #tpu.memory_space<vmem>>, vector<16xf32>,
          %get3A_1184 = vector.shape_cast %get3A_1183 : vector<16xf32> to vector<16xf32>
          %get3A_1185 = arith.index_cast %while3A_585 : i32 to index
          %get3A_1186 = arith.constant 304 : index
          %get3A_1187 = tpu.vector_load %arg6[%get3A_1185, %get3A_1186] {strides = array<i32>} : memref<64x512xf32, #tpu.memory_space<vmem>>, vector<1x16xf32>,
          %get3A_1188 = vector.shape_cast %get3A_1187 : vector<1x16xf32> to vector<16xf32>
          %mul3A_1189 = arith.mulf %exp3A_930, %get3A_1188 : vector<16xf32>
          %add3A_1190 = arith.addf %get3A_1184, %mul3A_1189 : vector<16xf32>
          %swap3A_1191 = arith.constant 304 : index
          %swap3A_1192 = tpu.vector_load %arg9[%swap3A_1191] {strides = array<i32>} : memref<512xf32, #tpu.memory_space<vmem>>, vector<16xf32>,
          %swap3A_1193 = vector.shape_cast %swap3A_1192 : vector<16xf32> to vector<16xf32>
          %swap3A_1194 = vector.shape_cast %add3A_1190 : vector<16xf32> to vector<16xf32>
          tpu.vector_store %arg9[%swap3A_1191], %swap3A_1194 {strides = array<i32>} : memref<512xf32, #tpu.memory_space<vmem>>, vector<16xf32>,
          %get3A_1195 = arith.constant 320 : index
          %get3A_1196 = tpu.vector_load %arg9[%get3A_1195] {strides = array<i32>} : memref<512xf32, #tpu.memory_space<vmem>>, vector<16xf32>,
          %get3A_1197 = vector.shape_cast %get3A_1196 : vector<16xf32> to vector<16xf32>
          %get3A_1198 = arith.index_cast %while3A_585 : i32 to index
          %get3A_1199 = arith.constant 320 : index
          %get3A_1200 = tpu.vector_load %arg6[%get3A_1198, %get3A_1199] {strides = array<i32>} : memref<64x512xf32, #tpu.memory_space<vmem>>, vector<1x16xf32>,
          %get3A_1201 = vector.shape_cast %get3A_1200 : vector<1x16xf32> to vector<16xf32>
          %mul3A_1202 = arith.mulf %exp3A_930, %get3A_1201 : vector<16xf32>
          %add3A_1203 = arith.addf %get3A_1197, %mul3A_1202 : vector<16xf32>
          %swap3A_1204 = arith.constant 320 : index
          %swap3A_1205 = tpu.vector_load %arg9[%swap3A_1204] {strides = array<i32>} : memref<512xf32, #tpu.memory_space<vmem>>, vector<16xf32>,
          %swap3A_1206 = vector.shape_cast %swap3A_1205 : vector<16xf32> to vector<16xf32>
          %swap3A_1207 = vector.shape_cast %add3A_1203 : vector<16xf32> to vector<16xf32>
          tpu.vector_store %arg9[%swap3A_1204], %swap3A_1207 {strides = array<i32>} : memref<512xf32, #tpu.memory_space<vmem>>, vector<16xf32>,
          %get3A_1208 = arith.constant 336 : index
          %get3A_1209 = tpu.vector_load %arg9[%get3A_1208] {strides = array<i32>} : memref<512xf32, #tpu.memory_space<vmem>>, vector<16xf32>,
          %get3A_1210 = vector.shape_cast %get3A_1209 : vector<16xf32> to vector<16xf32>
          %get3A_1211 = arith.index_cast %while3A_585 : i32 to index
          %get3A_1212 = arith.constant 336 : index
          %get3A_1213 = tpu.vector_load %arg6[%get3A_1211, %get3A_1212] {strides = array<i32>} : memref<64x512xf32, #tpu.memory_space<vmem>>, vector<1x16xf32>,
          %get3A_1214 = vector.shape_cast %get3A_1213 : vector<1x16xf32> to vector<16xf32>
          %mul3A_1215 = arith.mulf %exp3A_930, %get3A_1214 : vector<16xf32>
          %add3A_1216 = arith.addf %get3A_1210, %mul3A_1215 : vector<16xf32>
          %swap3A_1217 = arith.constant 336 : index
          %swap3A_1218 = tpu.vector_load %arg9[%swap3A_1217] {strides = array<i32>} : memref<512xf32, #tpu.memory_space<vmem>>, vector<16xf32>,
          %swap3A_1219 = vector.shape_cast %swap3A_1218 : vector<16xf32> to vector<16xf32>
          %swap3A_1220 = vector.shape_cast %add3A_1216 : vector<16xf32> to vector<16xf32>
          tpu.vector_store %arg9[%swap3A_1217], %swap3A_1220 {strides = array<i32>} : memref<512xf32, #tpu.memory_space<vmem>>, vector<16xf32>,
          %get3A_1221 = arith.constant 352 : index
          %get3A_1222 = tpu.vector_load %arg9[%get3A_1221] {strides = array<i32>} : memref<512xf32, #tpu.memory_space<vmem>>, vector<16xf32>,
          %get3A_1223 = vector.shape_cast %get3A_1222 : vector<16xf32> to vector<16xf32>
          %get3A_1224 = arith.index_cast %while3A_585 : i32 to index
          %get3A_1225 = arith.constant 352 : index
          %get3A_1226 = tpu.vector_load %arg6[%get3A_1224, %get3A_1225] {strides = array<i32>} : memref<64x512xf32, #tpu.memory_space<vmem>>, vector<1x16xf32>,
          %get3A_1227 = vector.shape_cast %get3A_1226 : vector<1x16xf32> to vector<16xf32>
          %mul3A_1228 = arith.mulf %exp3A_930, %get3A_1227 : vector<16xf32>
          %add3A_1229 = arith.addf %get3A_1223, %mul3A_1228 : vector<16xf32>
          %swap3A_1230 = arith.constant 352 : index
          %swap3A_1231 = tpu.vector_load %arg9[%swap3A_1230] {strides = array<i32>} : memref<512xf32, #tpu.memory_space<vmem>>, vector<16xf32>,
          %swap3A_1232 = vector.shape_cast %swap3A_1231 : vector<16xf32> to vector<16xf32>
          %swap3A_1233 = vector.shape_cast %add3A_1229 : vector<16xf32> to vector<16xf32>
          tpu.vector_store %arg9[%swap3A_1230], %swap3A_1233 {strides = array<i32>} : memref<512xf32, #tpu.memory_space<vmem>>, vector<16xf32>,
          %get3A_1234 = arith.constant 368 : index
          %get3A_1235 = tpu.vector_load %arg9[%get3A_1234] {strides = array<i32>} : memref<512xf32, #tpu.memory_space<vmem>>, vector<16xf32>,
          %get3A_1236 = vector.shape_cast %get3A_1235 : vector<16xf32> to vector<16xf32>
          %get3A_1237 = arith.index_cast %while3A_585 : i32 to index
          %get3A_1238 = arith.constant 368 : index
          %get3A_1239 = tpu.vector_load %arg6[%get3A_1237, %get3A_1238] {strides = array<i32>} : memref<64x512xf32, #tpu.memory_space<vmem>>, vector<1x16xf32>,
          %get3A_1240 = vector.shape_cast %get3A_1239 : vector<1x16xf32> to vector<16xf32>
          %mul3A_1241 = arith.mulf %exp3A_930, %get3A_1240 : vector<16xf32>
          %add3A_1242 = arith.addf %get3A_1236, %mul3A_1241 : vector<16xf32>
          %swap3A_1243 = arith.constant 368 : index
          %swap3A_1244 = tpu.vector_load %arg9[%swap3A_1243] {strides = array<i32>} : memref<512xf32, #tpu.memory_space<vmem>>, vector<16xf32>,
          %swap3A_1245 = vector.shape_cast %swap3A_1244 : vector<16xf32> to vector<16xf32>
          %swap3A_1246 = vector.shape_cast %add3A_1242 : vector<16xf32> to vector<16xf32>
          tpu.vector_store %arg9[%swap3A_1243], %swap3A_1246 {strides = array<i32>} : memref<512xf32, #tpu.memory_space<vmem>>, vector<16xf32>,
          %get3A_1247 = arith.constant 384 : index
          %get3A_1248 = tpu.vector_load %arg9[%get3A_1247] {strides = array<i32>} : memref<512xf32, #tpu.memory_space<vmem>>, vector<16xf32>,
          %get3A_1249 = vector.shape_cast %get3A_1248 : vector<16xf32> to vector<16xf32>
          %get3A_1250 = arith.index_cast %while3A_585 : i32 to index
          %get3A_1251 = arith.constant 384 : index
          %get3A_1252 = tpu.vector_load %arg6[%get3A_1250, %get3A_1251] {strides = array<i32>} : memref<64x512xf32, #tpu.memory_space<vmem>>, vector<1x16xf32>,
          %get3A_1253 = vector.shape_cast %get3A_1252 : vector<1x16xf32> to vector<16xf32>
          %mul3A_1254 = arith.mulf %exp3A_930, %get3A_1253 : vector<16xf32>
          %add3A_1255 = arith.addf %get3A_1249, %mul3A_1254 : vector<16xf32>
          %swap3A_1256 = arith.constant 384 : index
          %swap3A_1257 = tpu.vector_load %arg9[%swap3A_1256] {strides = array<i32>} : memref<512xf32, #tpu.memory_space<vmem>>, vector<16xf32>,
          %swap3A_1258 = vector.shape_cast %swap3A_1257 : vector<16xf32> to vector<16xf32>
          %swap3A_1259 = vector.shape_cast %add3A_1255 : vector<16xf32> to vector<16xf32>
          tpu.vector_store %arg9[%swap3A_1256], %swap3A_1259 {strides = array<i32>} : memref<512xf32, #tpu.memory_space<vmem>>, vector<16xf32>,
          %get3A_1260 = arith.constant 400 : index
          %get3A_1261 = tpu.vector_load %arg9[%get3A_1260] {strides = array<i32>} : memref<512xf32, #tpu.memory_space<vmem>>, vector<16xf32>,
          %get3A_1262 = vector.shape_cast %get3A_1261 : vector<16xf32> to vector<16xf32>
          %get3A_1263 = arith.index_cast %while3A_585 : i32 to index
          %get3A_1264 = arith.constant 400 : index
          %get3A_1265 = tpu.vector_load %arg6[%get3A_1263, %get3A_1264] {strides = array<i32>} : memref<64x512xf32, #tpu.memory_space<vmem>>, vector<1x16xf32>,
          %get3A_1266 = vector.shape_cast %get3A_1265 : vector<1x16xf32> to vector<16xf32>
          %mul3A_1267 = arith.mulf %exp3A_930, %get3A_1266 : vector<16xf32>
          %add3A_1268 = arith.addf %get3A_1262, %mul3A_1267 : vector<16xf32>
          %swap3A_1269 = arith.constant 400 : index
          %swap3A_1270 = tpu.vector_load %arg9[%swap3A_1269] {strides = array<i32>} : memref<512xf32, #tpu.memory_space<vmem>>, vector<16xf32>,
          %swap3A_1271 = vector.shape_cast %swap3A_1270 : vector<16xf32> to vector<16xf32>
          %swap3A_1272 = vector.shape_cast %add3A_1268 : vector<16xf32> to vector<16xf32>
          tpu.vector_store %arg9[%swap3A_1269], %swap3A_1272 {strides = array<i32>} : memref<512xf32, #tpu.memory_space<vmem>>, vector<16xf32>,
          %get3A_1273 = arith.constant 416 : index
          %get3A_1274 = tpu.vector_load %arg9[%get3A_1273] {strides = array<i32>} : memref<512xf32, #tpu.memory_space<vmem>>, vector<16xf32>,
          %get3A_1275 = vector.shape_cast %get3A_1274 : vector<16xf32> to vector<16xf32>
          %get3A_1276 = arith.index_cast %while3A_585 : i32 to index
          %get3A_1277 = arith.constant 416 : index
          %get3A_1278 = tpu.vector_load %arg6[%get3A_1276, %get3A_1277] {strides = array<i32>} : memref<64x512xf32, #tpu.memory_space<vmem>>, vector<1x16xf32>,
          %get3A_1279 = vector.shape_cast %get3A_1278 : vector<1x16xf32> to vector<16xf32>
          %mul3A_1280 = arith.mulf %exp3A_930, %get3A_1279 : vector<16xf32>
          %add3A_1281 = arith.addf %get3A_1275, %mul3A_1280 : vector<16xf32>
          %swap3A_1282 = arith.constant 416 : index
          %swap3A_1283 = tpu.vector_load %arg9[%swap3A_1282] {strides = array<i32>} : memref<512xf32, #tpu.memory_space<vmem>>, vector<16xf32>,
          %swap3A_1284 = vector.shape_cast %swap3A_1283 : vector<16xf32> to vector<16xf32>
          %swap3A_1285 = vector.shape_cast %add3A_1281 : vector<16xf32> to vector<16xf32>
          tpu.vector_store %arg9[%swap3A_1282], %swap3A_1285 {strides = array<i32>} : memref<512xf32, #tpu.memory_space<vmem>>, vector<16xf32>,
          %get3A_1286 = arith.constant 432 : index
          %get3A_1287 = tpu.vector_load %arg9[%get3A_1286] {strides = array<i32>} : memref<512xf32, #tpu.memory_space<vmem>>, vector<16xf32>,
          %get3A_1288 = vector.shape_cast %get3A_1287 : vector<16xf32> to vector<16xf32>
          %get3A_1289 = arith.index_cast %while3A_585 : i32 to index
          %get3A_1290 = arith.constant 432 : index
          %get3A_1291 = tpu.vector_load %arg6[%get3A_1289, %get3A_1290] {strides = array<i32>} : memref<64x512xf32, #tpu.memory_space<vmem>>, vector<1x16xf32>,
          %get3A_1292 = vector.shape_cast %get3A_1291 : vector<1x16xf32> to vector<16xf32>
          %mul3A_1293 = arith.mulf %exp3A_930, %get3A_1292 : vector<16xf32>
          %add3A_1294 = arith.addf %get3A_1288, %mul3A_1293 : vector<16xf32>
          %swap3A_1295 = arith.constant 432 : index
          %swap3A_1296 = tpu.vector_load %arg9[%swap3A_1295] {strides = array<i32>} : memref<512xf32, #tpu.memory_space<vmem>>, vector<16xf32>,
          %swap3A_1297 = vector.shape_cast %swap3A_1296 : vector<16xf32> to vector<16xf32>
          %swap3A_1298 = vector.shape_cast %add3A_1294 : vector<16xf32> to vector<16xf32>
          tpu.vector_store %arg9[%swap3A_1295], %swap3A_1298 {strides = array<i32>} : memref<512xf32, #tpu.memory_space<vmem>>, vector<16xf32>,
          %get3A_1299 = arith.constant 448 : index
          %get3A_1300 = tpu.vector_load %arg9[%get3A_1299] {strides = array<i32>} : memref<512xf32, #tpu.memory_space<vmem>>, vector<16xf32>,
          %get3A_1301 = vector.shape_cast %get3A_1300 : vector<16xf32> to vector<16xf32>
          %get3A_1302 = arith.index_cast %while3A_585 : i32 to index
          %get3A_1303 = arith.constant 448 : index
          %get3A_1304 = tpu.vector_load %arg6[%get3A_1302, %get3A_1303] {strides = array<i32>} : memref<64x512xf32, #tpu.memory_space<vmem>>, vector<1x16xf32>,
          %get3A_1305 = vector.shape_cast %get3A_1304 : vector<1x16xf32> to vector<16xf32>
          %mul3A_1306 = arith.mulf %exp3A_930, %get3A_1305 : vector<16xf32>
          %add3A_1307 = arith.addf %get3A_1301, %mul3A_1306 : vector<16xf32>
          %swap3A_1308 = arith.constant 448 : index
          %swap3A_1309 = tpu.vector_load %arg9[%swap3A_1308] {strides = array<i32>} : memref<512xf32, #tpu.memory_space<vmem>>, vector<16xf32>,
          %swap3A_1310 = vector.shape_cast %swap3A_1309 : vector<16xf32> to vector<16xf32>
          %swap3A_1311 = vector.shape_cast %add3A_1307 : vector<16xf32> to vector<16xf32>
          tpu.vector_store %arg9[%swap3A_1308], %swap3A_1311 {strides = array<i32>} : memref<512xf32, #tpu.memory_space<vmem>>, vector<16xf32>,
          %get3A_1312 = arith.constant 464 : index
          %get3A_1313 = tpu.vector_load %arg9[%get3A_1312] {strides = array<i32>} : memref<512xf32, #tpu.memory_space<vmem>>, vector<16xf32>,
          %get3A_1314 = vector.shape_cast %get3A_1313 : vector<16xf32> to vector<16xf32>
          %get3A_1315 = arith.index_cast %while3A_585 : i32 to index
          %get3A_1316 = arith.constant 464 : index
          %get3A_1317 = tpu.vector_load %arg6[%get3A_1315, %get3A_1316] {strides = array<i32>} : memref<64x512xf32, #tpu.memory_space<vmem>>, vector<1x16xf32>,
          %get3A_1318 = vector.shape_cast %get3A_1317 : vector<1x16xf32> to vector<16xf32>
          %mul3A_1319 = arith.mulf %exp3A_930, %get3A_1318 : vector<16xf32>
          %add3A_1320 = arith.addf %get3A_1314, %mul3A_1319 : vector<16xf32>
          %swap3A_1321 = arith.constant 464 : index
          %swap3A_1322 = tpu.vector_load %arg9[%swap3A_1321] {strides = array<i32>} : memref<512xf32, #tpu.memory_space<vmem>>, vector<16xf32>,
          %swap3A_1323 = vector.shape_cast %swap3A_1322 : vector<16xf32> to vector<16xf32>
          %swap3A_1324 = vector.shape_cast %add3A_1320 : vector<16xf32> to vector<16xf32>
          tpu.vector_store %arg9[%swap3A_1321], %swap3A_1324 {strides = array<i32>} : memref<512xf32, #tpu.memory_space<vmem>>, vector<16xf32>,
          %get3A_1325 = arith.constant 480 : index
          %get3A_1326 = tpu.vector_load %arg9[%get3A_1325] {strides = array<i32>} : memref<512xf32, #tpu.memory_space<vmem>>, vector<16xf32>,
          %get3A_1327 = vector.shape_cast %get3A_1326 : vector<16xf32> to vector<16xf32>
          %get3A_1328 = arith.index_cast %while3A_585 : i32 to index
          %get3A_1329 = arith.constant 480 : index
          %get3A_1330 = tpu.vector_load %arg6[%get3A_1328, %get3A_1329] {strides = array<i32>} : memref<64x512xf32, #tpu.memory_space<vmem>>, vector<1x16xf32>,
          %get3A_1331 = vector.shape_cast %get3A_1330 : vector<1x16xf32> to vector<16xf32>
          %mul3A_1332 = arith.mulf %exp3A_930, %get3A_1331 : vector<16xf32>
          %add3A_1333 = arith.addf %get3A_1327, %mul3A_1332 : vector<16xf32>
          %swap3A_1334 = arith.constant 480 : index
          %swap3A_1335 = tpu.vector_load %arg9[%swap3A_1334] {strides = array<i32>} : memref<512xf32, #tpu.memory_space<vmem>>, vector<16xf32>,
          %swap3A_1336 = vector.shape_cast %swap3A_1335 : vector<16xf32> to vector<16xf32>
          %swap3A_1337 = vector.shape_cast %add3A_1333 : vector<16xf32> to vector<16xf32>
          tpu.vector_store %arg9[%swap3A_1334], %swap3A_1337 {strides = array<i32>} : memref<512xf32, #tpu.memory_space<vmem>>, vector<16xf32>,
          %get3A_1338 = arith.constant 496 : index
          %get3A_1339 = tpu.vector_load %arg9[%get3A_1338] {strides = array<i32>} : memref<512xf32, #tpu.memory_space<vmem>>, vector<16xf32>,
          %get3A_1340 = vector.shape_cast %get3A_1339 : vector<16xf32> to vector<16xf32>
          %get3A_1341 = arith.index_cast %while3A_585 : i32 to index
          %get3A_1342 = arith.constant 496 : index
          %get3A_1343 = tpu.vector_load %arg6[%get3A_1341, %get3A_1342] {strides = array<i32>} : memref<64x512xf32, #tpu.memory_space<vmem>>, vector<1x16xf32>,
          %get3A_1344 = vector.shape_cast %get3A_1343 : vector<1x16xf32> to vector<16xf32>
          %mul3A_1345 = arith.mulf %exp3A_930, %get3A_1344 : vector<16xf32>
          %add3A_1346 = arith.addf %get3A_1340, %mul3A_1345 : vector<16xf32>
          %swap3A_1347 = arith.constant 496 : index
          %swap3A_1348 = tpu.vector_load %arg9[%swap3A_1347] {strides = array<i32>} : memref<512xf32, #tpu.memory_space<vmem>>, vector<16xf32>,
          %swap3A_1349 = vector.shape_cast %swap3A_1348 : vector<16xf32> to vector<16xf32>
          %swap3A_1350 = vector.shape_cast %add3A_1346 : vector<16xf32> to vector<16xf32>
          tpu.vector_store %arg9[%swap3A_1347], %swap3A_1350 {strides = array<i32>} : memref<512xf32, #tpu.memory_space<vmem>>, vector<16xf32>,
          scf.yield %max3A_925, %add3A_932 : f32, vector<16xf32>
        }
        %while3A_583 = arith.constant 1 : i32
        %while3A_584:2 = scf.for %while3A_585 = %while3A_580 to %while3A_576 step %while3A_583 iter_args(%while3A_586 = %while3A_582#0, %while3A_587 = %while3A_582#1) -> (f32, vector<16xf32>)  : i32 {
          %broadcast_in_dim3A_588 = arith.constant 0.000000e+00 : f32
          %broadcast_in_dim3A_589 = vector.broadcast %broadcast_in_dim3A_588 : f32 to vector<16xf32>
          %get3A_590 = arith.index_cast %while3A_585 : i32 to index
          %get3A_591 = arith.constant 0 : index
          %get3A_592 = tpu.vector_load %arg6[%get3A_590, %get3A_591] {strides = array<i32>} : memref<64x512xf32, #tpu.memory_space<vmem>>, vector<1x16xf32>,
          %get3A_593 = vector.shape_cast %get3A_592 : vector<1x16xf32> to vector<16xf32>
          %get3A_594 = arith.constant 0 : index
          %get3A_595 = tpu.vector_load %arg7[%get3A_594] {strides = array<i32>} : memref<512xf32, #tpu.memory_space<vmem>>, vector<16xf32>,
          %get3A_596 = vector.shape_cast %get3A_595 : vector<16xf32> to vector<16xf32>
          %mul3A_597 = arith.mulf %get3A_593, %get3A_596 : vector<16xf32>
          %add3A_598 = arith.addf %broadcast_in_dim3A_589, %mul3A_597 : vector<16xf32>
          %get3A_599 = arith.index_cast %while3A_585 : i32 to index
          %get3A_600 = arith.constant 16 : index
          %get3A_601 = tpu.vector_load %arg6[%get3A_599, %get3A_600] {strides = array<i32>} : memref<64x512xf32, #tpu.memory_space<vmem>>, vector<1x16xf32>,
          %get3A_602 = vector.shape_cast %get3A_601 : vector<1x16xf32> to vector<16xf32>
          %get3A_603 = arith.constant 16 : index
          %get3A_604 = tpu.vector_load %arg7[%get3A_603] {strides = array<i32>} : memref<512xf32, #tpu.memory_space<vmem>>, vector<16xf32>,
          %get3A_605 = vector.shape_cast %get3A_604 : vector<16xf32> to vector<16xf32>
          %mul3A_606 = arith.mulf %get3A_602, %get3A_605 : vector<16xf32>
          %add3A_607 = arith.addf %add3A_598, %mul3A_606 : vector<16xf32>
          %get3A_608 = arith.index_cast %while3A_585 : i32 to index
          %get3A_609 = arith.constant 32 : index
          %get3A_610 = tpu.vector_load %arg6[%get3A_608, %get3A_609] {strides = array<i32>} : memref<64x512xf32, #tpu.memory_space<vmem>>, vector<1x16xf32>,
          %get3A_611 = vector.shape_cast %get3A_610 : vector<1x16xf32> to vector<16xf32>
          %get3A_612 = arith.constant 32 : index
          %get3A_613 = tpu.vector_load %arg7[%get3A_612] {strides = array<i32>} : memref<512xf32, #tpu.memory_space<vmem>>, vector<16xf32>,
          %get3A_614 = vector.shape_cast %get3A_613 : vector<16xf32> to vector<16xf32>
          %mul3A_615 = arith.mulf %get3A_611, %get3A_614 : vector<16xf32>
          %add3A_616 = arith.addf %add3A_607, %mul3A_615 : vector<16xf32>
          %get3A_617 = arith.index_cast %while3A_585 : i32 to index
          %get3A_618 = arith.constant 48 : index
          %get3A_619 = tpu.vector_load %arg6[%get3A_617, %get3A_618] {strides = array<i32>} : memref<64x512xf32, #tpu.memory_space<vmem>>, vector<1x16xf32>,
          %get3A_620 = vector.shape_cast %get3A_619 : vector<1x16xf32> to vector<16xf32>
          %get3A_621 = arith.constant 48 : index
          %get3A_622 = tpu.vector_load %arg7[%get3A_621] {strides = array<i32>} : memref<512xf32, #tpu.memory_space<vmem>>, vector<16xf32>,
          %get3A_623 = vector.shape_cast %get3A_622 : vector<16xf32> to vector<16xf32>
          %mul3A_624 = arith.mulf %get3A_620, %get3A_623 : vector<16xf32>
          %add3A_625 = arith.addf %add3A_616, %mul3A_624 : vector<16xf32>
          %get3A_626 = arith.index_cast %while3A_585 : i32 to index
          %get3A_627 = arith.constant 64 : index
          %get3A_628 = tpu.vector_load %arg6[%get3A_626, %get3A_627] {strides = array<i32>} : memref<64x512xf32, #tpu.memory_space<vmem>>, vector<1x16xf32>,
          %get3A_629 = vector.shape_cast %get3A_628 : vector<1x16xf32> to vector<16xf32>
          %get3A_630 = arith.constant 64 : index
          %get3A_631 = tpu.vector_load %arg7[%get3A_630] {strides = array<i32>} : memref<512xf32, #tpu.memory_space<vmem>>, vector<16xf32>,
          %get3A_632 = vector.shape_cast %get3A_631 : vector<16xf32> to vector<16xf32>
          %mul3A_633 = arith.mulf %get3A_629, %get3A_632 : vector<16xf32>
          %add3A_634 = arith.addf %add3A_625, %mul3A_633 : vector<16xf32>
          %get3A_635 = arith.index_cast %while3A_585 : i32 to index
          %get3A_636 = arith.constant 80 : index
          %get3A_637 = tpu.vector_load %arg6[%get3A_635, %get3A_636] {strides = array<i32>} : memref<64x512xf32, #tpu.memory_space<vmem>>, vector<1x16xf32>,
          %get3A_638 = vector.shape_cast %get3A_637 : vector<1x16xf32> to vector<16xf32>
          %get3A_639 = arith.constant 80 : index
          %get3A_640 = tpu.vector_load %arg7[%get3A_639] {strides = array<i32>} : memref<512xf32, #tpu.memory_space<vmem>>, vector<16xf32>,
          %get3A_641 = vector.shape_cast %get3A_640 : vector<16xf32> to vector<16xf32>
          %mul3A_642 = arith.mulf %get3A_638, %get3A_641 : vector<16xf32>
          %add3A_643 = arith.addf %add3A_634, %mul3A_642 : vector<16xf32>
          %get3A_644 = arith.index_cast %while3A_585 : i32 to index
          %get3A_645 = arith.constant 96 : index
          %get3A_646 = tpu.vector_load %arg6[%get3A_644, %get3A_645] {strides = array<i32>} : memref<64x512xf32, #tpu.memory_space<vmem>>, vector<1x16xf32>,
          %get3A_647 = vector.shape_cast %get3A_646 : vector<1x16xf32> to vector<16xf32>
          %get3A_648 = arith.constant 96 : index
          %get3A_649 = tpu.vector_load %arg7[%get3A_648] {strides = array<i32>} : memref<512xf32, #tpu.memory_space<vmem>>, vector<16xf32>,
          %get3A_650 = vector.shape_cast %get3A_649 : vector<16xf32> to vector<16xf32>
          %mul3A_651 = arith.mulf %get3A_647, %get3A_650 : vector<16xf32>
          %add3A_652 = arith.addf %add3A_643, %mul3A_651 : vector<16xf32>
          %get3A_653 = arith.index_cast %while3A_585 : i32 to index
          %get3A_654 = arith.constant 112 : index
          %get3A_655 = tpu.vector_load %arg6[%get3A_653, %get3A_654] {strides = array<i32>} : memref<64x512xf32, #tpu.memory_space<vmem>>, vector<1x16xf32>,
          %get3A_656 = vector.shape_cast %get3A_655 : vector<1x16xf32> to vector<16xf32>
          %get3A_657 = arith.constant 112 : index
          %get3A_658 = tpu.vector_load %arg7[%get3A_657] {strides = array<i32>} : memref<512xf32, #tpu.memory_space<vmem>>, vector<16xf32>,
          %get3A_659 = vector.shape_cast %get3A_658 : vector<16xf32> to vector<16xf32>
          %mul3A_660 = arith.mulf %get3A_656, %get3A_659 : vector<16xf32>
          %add3A_661 = arith.addf %add3A_652, %mul3A_660 : vector<16xf32>
          %get3A_662 = arith.index_cast %while3A_585 : i32 to index
          %get3A_663 = arith.constant 128 : index
          %get3A_664 = tpu.vector_load %arg6[%get3A_662, %get3A_663] {strides = array<i32>} : memref<64x512xf32, #tpu.memory_space<vmem>>, vector<1x16xf32>,
          %get3A_665 = vector.shape_cast %get3A_664 : vector<1x16xf32> to vector<16xf32>
          %get3A_666 = arith.constant 128 : index
          %get3A_667 = tpu.vector_load %arg7[%get3A_666] {strides = array<i32>} : memref<512xf32, #tpu.memory_space<vmem>>, vector<16xf32>,
          %get3A_668 = vector.shape_cast %get3A_667 : vector<16xf32> to vector<16xf32>
          %mul3A_669 = arith.mulf %get3A_665, %get3A_668 : vector<16xf32>
          %add3A_670 = arith.addf %add3A_661, %mul3A_669 : vector<16xf32>
          %get3A_671 = arith.index_cast %while3A_585 : i32 to index
          %get3A_672 = arith.constant 144 : index
          %get3A_673 = tpu.vector_load %arg6[%get3A_671, %get3A_672] {strides = array<i32>} : memref<64x512xf32, #tpu.memory_space<vmem>>, vector<1x16xf32>,
          %get3A_674 = vector.shape_cast %get3A_673 : vector<1x16xf32> to vector<16xf32>
          %get3A_675 = arith.constant 144 : index
          %get3A_676 = tpu.vector_load %arg7[%get3A_675] {strides = array<i32>} : memref<512xf32, #tpu.memory_space<vmem>>, vector<16xf32>,
          %get3A_677 = vector.shape_cast %get3A_676 : vector<16xf32> to vector<16xf32>
          %mul3A_678 = arith.mulf %get3A_674, %get3A_677 : vector<16xf32>
          %add3A_679 = arith.addf %add3A_670, %mul3A_678 : vector<16xf32>
          %get3A_680 = arith.index_cast %while3A_585 : i32 to index
          %get3A_681 = arith.constant 160 : index
          %get3A_682 = tpu.vector_load %arg6[%get3A_680, %get3A_681] {strides = array<i32>} : memref<64x512xf32, #tpu.memory_space<vmem>>, vector<1x16xf32>,
          %get3A_683 = vector.shape_cast %get3A_682 : vector<1x16xf32> to vector<16xf32>
          %get3A_684 = arith.constant 160 : index
          %get3A_685 = tpu.vector_load %arg7[%get3A_684] {strides = array<i32>} : memref<512xf32, #tpu.memory_space<vmem>>, vector<16xf32>,
          %get3A_686 = vector.shape_cast %get3A_685 : vector<16xf32> to vector<16xf32>
          %mul3A_687 = arith.mulf %get3A_683, %get3A_686 : vector<16xf32>
          %add3A_688 = arith.addf %add3A_679, %mul3A_687 : vector<16xf32>
          %get3A_689 = arith.index_cast %while3A_585 : i32 to index
          %get3A_690 = arith.constant 176 : index
          %get3A_691 = tpu.vector_load %arg6[%get3A_689, %get3A_690] {strides = array<i32>} : memref<64x512xf32, #tpu.memory_space<vmem>>, vector<1x16xf32>,
          %get3A_692 = vector.shape_cast %get3A_691 : vector<1x16xf32> to vector<16xf32>
          %get3A_693 = arith.constant 176 : index
          %get3A_694 = tpu.vector_load %arg7[%get3A_693] {strides = array<i32>} : memref<512xf32, #tpu.memory_space<vmem>>, vector<16xf32>,
          %get3A_695 = vector.shape_cast %get3A_694 : vector<16xf32> to vector<16xf32>
          %mul3A_696 = arith.mulf %get3A_692, %get3A_695 : vector<16xf32>
          %add3A_697 = arith.addf %add3A_688, %mul3A_696 : vector<16xf32>
          %get3A_698 = arith.index_cast %while3A_585 : i32 to index
          %get3A_699 = arith.constant 192 : index
          %get3A_700 = tpu.vector_load %arg6[%get3A_698, %get3A_699] {strides = array<i32>} : memref<64x512xf32, #tpu.memory_space<vmem>>, vector<1x16xf32>,
          %get3A_701 = vector.shape_cast %get3A_700 : vector<1x16xf32> to vector<16xf32>
          %get3A_702 = arith.constant 192 : index
          %get3A_703 = tpu.vector_load %arg7[%get3A_702] {strides = array<i32>} : memref<512xf32, #tpu.memory_space<vmem>>, vector<16xf32>,
          %get3A_704 = vector.shape_cast %get3A_703 : vector<16xf32> to vector<16xf32>
          %mul3A_705 = arith.mulf %get3A_701, %get3A_704 : vector<16xf32>
          %add3A_706 = arith.addf %add3A_697, %mul3A_705 : vector<16xf32>
          %get3A_707 = arith.index_cast %while3A_585 : i32 to index
          %get3A_708 = arith.constant 208 : index
          %get3A_709 = tpu.vector_load %arg6[%get3A_707, %get3A_708] {strides = array<i32>} : memref<64x512xf32, #tpu.memory_space<vmem>>, vector<1x16xf32>,
          %get3A_710 = vector.shape_cast %get3A_709 : vector<1x16xf32> to vector<16xf32>
          %get3A_711 = arith.constant 208 : index
          %get3A_712 = tpu.vector_load %arg7[%get3A_711] {strides = array<i32>} : memref<512xf32, #tpu.memory_space<vmem>>, vector<16xf32>,
          %get3A_713 = vector.shape_cast %get3A_712 : vector<16xf32> to vector<16xf32>
          %mul3A_714 = arith.mulf %get3A_710, %get3A_713 : vector<16xf32>
          %add3A_715 = arith.addf %add3A_706, %mul3A_714 : vector<16xf32>
          %get3A_716 = arith.index_cast %while3A_585 : i32 to index
          %get3A_717 = arith.constant 224 : index
          %get3A_718 = tpu.vector_load %arg6[%get3A_716, %get3A_717] {strides = array<i32>} : memref<64x512xf32, #tpu.memory_space<vmem>>, vector<1x16xf32>,
          %get3A_719 = vector.shape_cast %get3A_718 : vector<1x16xf32> to vector<16xf32>
          %get3A_720 = arith.constant 224 : index
          %get3A_721 = tpu.vector_load %arg7[%get3A_720] {strides = array<i32>} : memref<512xf32, #tpu.memory_space<vmem>>, vector<16xf32>,
          %get3A_722 = vector.shape_cast %get3A_721 : vector<16xf32> to vector<16xf32>
          %mul3A_723 = arith.mulf %get3A_719, %get3A_722 : vector<16xf32>
          %add3A_724 = arith.addf %add3A_715, %mul3A_723 : vector<16xf32>
          %get3A_725 = arith.index_cast %while3A_585 : i32 to index
          %get3A_726 = arith.constant 240 : index
          %get3A_727 = tpu.vector_load %arg6[%get3A_725, %get3A_726] {strides = array<i32>} : memref<64x512xf32, #tpu.memory_space<vmem>>, vector<1x16xf32>,
          %get3A_728 = vector.shape_cast %get3A_727 : vector<1x16xf32> to vector<16xf32>
          %get3A_729 = arith.constant 240 : index
          %get3A_730 = tpu.vector_load %arg7[%get3A_729] {strides = array<i32>} : memref<512xf32, #tpu.memory_space<vmem>>, vector<16xf32>,
          %get3A_731 = vector.shape_cast %get3A_730 : vector<16xf32> to vector<16xf32>
          %mul3A_732 = arith.mulf %get3A_728, %get3A_731 : vector<16xf32>
          %add3A_733 = arith.addf %add3A_724, %mul3A_732 : vector<16xf32>
          %get3A_734 = arith.index_cast %while3A_585 : i32 to index
          %get3A_735 = arith.constant 256 : index
          %get3A_736 = tpu.vector_load %arg6[%get3A_734, %get3A_735] {strides = array<i32>} : memref<64x512xf32, #tpu.memory_space<vmem>>, vector<1x16xf32>,
          %get3A_737 = vector.shape_cast %get3A_736 : vector<1x16xf32> to vector<16xf32>
          %get3A_738 = arith.constant 256 : index
          %get3A_739 = tpu.vector_load %arg7[%get3A_738] {strides = array<i32>} : memref<512xf32, #tpu.memory_space<vmem>>, vector<16xf32>,
          %get3A_740 = vector.shape_cast %get3A_739 : vector<16xf32> to vector<16xf32>
          %mul3A_741 = arith.mulf %get3A_737, %get3A_740 : vector<16xf32>
          %add3A_742 = arith.addf %add3A_733, %mul3A_741 : vector<16xf32>
          %get3A_743 = arith.index_cast %while3A_585 : i32 to index
          %get3A_744 = arith.constant 272 : index
          %get3A_745 = tpu.vector_load %arg6[%get3A_743, %get3A_744] {strides = array<i32>} : memref<64x512xf32, #tpu.memory_space<vmem>>, vector<1x16xf32>,
          %get3A_746 = vector.shape_cast %get3A_745 : vector<1x16xf32> to vector<16xf32>
          %get3A_747 = arith.constant 272 : index
          %get3A_748 = tpu.vector_load %arg7[%get3A_747] {strides = array<i32>} : memref<512xf32, #tpu.memory_space<vmem>>, vector<16xf32>,
          %get3A_749 = vector.shape_cast %get3A_748 : vector<16xf32> to vector<16xf32>
          %mul3A_750 = arith.mulf %get3A_746, %get3A_749 : vector<16xf32>
          %add3A_751 = arith.addf %add3A_742, %mul3A_750 : vector<16xf32>
          %get3A_752 = arith.index_cast %while3A_585 : i32 to index
          %get3A_753 = arith.constant 288 : index
          %get3A_754 = tpu.vector_load %arg6[%get3A_752, %get3A_753] {strides = array<i32>} : memref<64x512xf32, #tpu.memory_space<vmem>>, vector<1x16xf32>,
          %get3A_755 = vector.shape_cast %get3A_754 : vector<1x16xf32> to vector<16xf32>
          %get3A_756 = arith.constant 288 : index
          %get3A_757 = tpu.vector_load %arg7[%get3A_756] {strides = array<i32>} : memref<512xf32, #tpu.memory_space<vmem>>, vector<16xf32>,
          %get3A_758 = vector.shape_cast %get3A_757 : vector<16xf32> to vector<16xf32>
          %mul3A_759 = arith.mulf %get3A_755, %get3A_758 : vector<16xf32>
          %add3A_760 = arith.addf %add3A_751, %mul3A_759 : vector<16xf32>
          %get3A_761 = arith.index_cast %while3A_585 : i32 to index
          %get3A_762 = arith.constant 304 : index
          %get3A_763 = tpu.vector_load %arg6[%get3A_761, %get3A_762] {strides = array<i32>} : memref<64x512xf32, #tpu.memory_space<vmem>>, vector<1x16xf32>,
          %get3A_764 = vector.shape_cast %get3A_763 : vector<1x16xf32> to vector<16xf32>
          %get3A_765 = arith.constant 304 : index
          %get3A_766 = tpu.vector_load %arg7[%get3A_765] {strides = array<i32>} : memref<512xf32, #tpu.memory_space<vmem>>, vector<16xf32>,
          %get3A_767 = vector.shape_cast %get3A_766 : vector<16xf32> to vector<16xf32>
          %mul3A_768 = arith.mulf %get3A_764, %get3A_767 : vector<16xf32>
          %add3A_769 = arith.addf %add3A_760, %mul3A_768 : vector<16xf32>
          %get3A_770 = arith.index_cast %while3A_585 : i32 to index
          %get3A_771 = arith.constant 320 : index
          %get3A_772 = tpu.vector_load %arg6[%get3A_770, %get3A_771] {strides = array<i32>} : memref<64x512xf32, #tpu.memory_space<vmem>>, vector<1x16xf32>,
          %get3A_773 = vector.shape_cast %get3A_772 : vector<1x16xf32> to vector<16xf32>
          %get3A_774 = arith.constant 320 : index
          %get3A_775 = tpu.vector_load %arg7[%get3A_774] {strides = array<i32>} : memref<512xf32, #tpu.memory_space<vmem>>, vector<16xf32>,
          %get3A_776 = vector.shape_cast %get3A_775 : vector<16xf32> to vector<16xf32>
          %mul3A_777 = arith.mulf %get3A_773, %get3A_776 : vector<16xf32>
          %add3A_778 = arith.addf %add3A_769, %mul3A_777 : vector<16xf32>
          %get3A_779 = arith.index_cast %while3A_585 : i32 to index
          %get3A_780 = arith.constant 336 : index
          %get3A_781 = tpu.vector_load %arg6[%get3A_779, %get3A_780] {strides = array<i32>} : memref<64x512xf32, #tpu.memory_space<vmem>>, vector<1x16xf32>,
          %get3A_782 = vector.shape_cast %get3A_781 : vector<1x16xf32> to vector<16xf32>
          %get3A_783 = arith.constant 336 : index
          %get3A_784 = tpu.vector_load %arg7[%get3A_783] {strides = array<i32>} : memref<512xf32, #tpu.memory_space<vmem>>, vector<16xf32>,
          %get3A_785 = vector.shape_cast %get3A_784 : vector<16xf32> to vector<16xf32>
          %mul3A_786 = arith.mulf %get3A_782, %get3A_785 : vector<16xf32>
          %add3A_787 = arith.addf %add3A_778, %mul3A_786 : vector<16xf32>
          %get3A_788 = arith.index_cast %while3A_585 : i32 to index
          %get3A_789 = arith.constant 352 : index
          %get3A_790 = tpu.vector_load %arg6[%get3A_788, %get3A_789] {strides = array<i32>} : memref<64x512xf32, #tpu.memory_space<vmem>>, vector<1x16xf32>,
          %get3A_791 = vector.shape_cast %get3A_790 : vector<1x16xf32> to vector<16xf32>
          %get3A_792 = arith.constant 352 : index
          %get3A_793 = tpu.vector_load %arg7[%get3A_792] {strides = array<i32>} : memref<512xf32, #tpu.memory_space<vmem>>, vector<16xf32>,
          %get3A_794 = vector.shape_cast %get3A_793 : vector<16xf32> to vector<16xf32>
          %mul3A_795 = arith.mulf %get3A_791, %get3A_794 : vector<16xf32>
          %add3A_796 = arith.addf %add3A_787, %mul3A_795 : vector<16xf32>
          %get3A_797 = arith.index_cast %while3A_585 : i32 to index
          %get3A_798 = arith.constant 368 : index
          %get3A_799 = tpu.vector_load %arg6[%get3A_797, %get3A_798] {strides = array<i32>} : memref<64x512xf32, #tpu.memory_space<vmem>>, vector<1x16xf32>,
          %get3A_800 = vector.shape_cast %get3A_799 : vector<1x16xf32> to vector<16xf32>
          %get3A_801 = arith.constant 368 : index
          %get3A_802 = tpu.vector_load %arg7[%get3A_801] {strides = array<i32>} : memref<512xf32, #tpu.memory_space<vmem>>, vector<16xf32>,
          %get3A_803 = vector.shape_cast %get3A_802 : vector<16xf32> to vector<16xf32>
          %mul3A_804 = arith.mulf %get3A_800, %get3A_803 : vector<16xf32>
          %add3A_805 = arith.addf %add3A_796, %mul3A_804 : vector<16xf32>
          %get3A_806 = arith.index_cast %while3A_585 : i32 to index
          %get3A_807 = arith.constant 384 : index
          %get3A_808 = tpu.vector_load %arg6[%get3A_806, %get3A_807] {strides = array<i32>} : memref<64x512xf32, #tpu.memory_space<vmem>>, vector<1x16xf32>,
          %get3A_809 = vector.shape_cast %get3A_808 : vector<1x16xf32> to vector<16xf32>
          %get3A_810 = arith.constant 384 : index
          %get3A_811 = tpu.vector_load %arg7[%get3A_810] {strides = array<i32>} : memref<512xf32, #tpu.memory_space<vmem>>, vector<16xf32>,
          %get3A_812 = vector.shape_cast %get3A_811 : vector<16xf32> to vector<16xf32>
          %mul3A_813 = arith.mulf %get3A_809, %get3A_812 : vector<16xf32>
          %add3A_814 = arith.addf %add3A_805, %mul3A_813 : vector<16xf32>
          %get3A_815 = arith.index_cast %while3A_585 : i32 to index
          %get3A_816 = arith.constant 400 : index
          %get3A_817 = tpu.vector_load %arg6[%get3A_815, %get3A_816] {strides = array<i32>} : memref<64x512xf32, #tpu.memory_space<vmem>>, vector<1x16xf32>,
          %get3A_818 = vector.shape_cast %get3A_817 : vector<1x16xf32> to vector<16xf32>
          %get3A_819 = arith.constant 400 : index
          %get3A_820 = tpu.vector_load %arg7[%get3A_819] {strides = array<i32>} : memref<512xf32, #tpu.memory_space<vmem>>, vector<16xf32>,
          %get3A_821 = vector.shape_cast %get3A_820 : vector<16xf32> to vector<16xf32>
          %mul3A_822 = arith.mulf %get3A_818, %get3A_821 : vector<16xf32>
          %add3A_823 = arith.addf %add3A_814, %mul3A_822 : vector<16xf32>
          %get3A_824 = arith.index_cast %while3A_585 : i32 to index
          %get3A_825 = arith.constant 416 : index
          %get3A_826 = tpu.vector_load %arg6[%get3A_824, %get3A_825] {strides = array<i32>} : memref<64x512xf32, #tpu.memory_space<vmem>>, vector<1x16xf32>,
          %get3A_827 = vector.shape_cast %get3A_826 : vector<1x16xf32> to vector<16xf32>
          %get3A_828 = arith.constant 416 : index
          %get3A_829 = tpu.vector_load %arg7[%get3A_828] {strides = array<i32>} : memref<512xf32, #tpu.memory_space<vmem>>, vector<16xf32>,
          %get3A_830 = vector.shape_cast %get3A_829 : vector<16xf32> to vector<16xf32>
          %mul3A_831 = arith.mulf %get3A_827, %get3A_830 : vector<16xf32>
          %add3A_832 = arith.addf %add3A_823, %mul3A_831 : vector<16xf32>
          %get3A_833 = arith.index_cast %while3A_585 : i32 to index
          %get3A_834 = arith.constant 432 : index
          %get3A_835 = tpu.vector_load %arg6[%get3A_833, %get3A_834] {strides = array<i32>} : memref<64x512xf32, #tpu.memory_space<vmem>>, vector<1x16xf32>,
          %get3A_836 = vector.shape_cast %get3A_835 : vector<1x16xf32> to vector<16xf32>
          %get3A_837 = arith.constant 432 : index
          %get3A_838 = tpu.vector_load %arg7[%get3A_837] {strides = array<i32>} : memref<512xf32, #tpu.memory_space<vmem>>, vector<16xf32>,
          %get3A_839 = vector.shape_cast %get3A_838 : vector<16xf32> to vector<16xf32>
          %mul3A_840 = arith.mulf %get3A_836, %get3A_839 : vector<16xf32>
          %add3A_841 = arith.addf %add3A_832, %mul3A_840 : vector<16xf32>
          %get3A_842 = arith.index_cast %while3A_585 : i32 to index
          %get3A_843 = arith.constant 448 : index
          %get3A_844 = tpu.vector_load %arg6[%get3A_842, %get3A_843] {strides = array<i32>} : memref<64x512xf32, #tpu.memory_space<vmem>>, vector<1x16xf32>,
          %get3A_845 = vector.shape_cast %get3A_844 : vector<1x16xf32> to vector<16xf32>
          %get3A_846 = arith.constant 448 : index
          %get3A_847 = tpu.vector_load %arg7[%get3A_846] {strides = array<i32>} : memref<512xf32, #tpu.memory_space<vmem>>, vector<16xf32>,
          %get3A_848 = vector.shape_cast %get3A_847 : vector<16xf32> to vector<16xf32>
          %mul3A_849 = arith.mulf %get3A_845, %get3A_848 : vector<16xf32>
          %add3A_850 = arith.addf %add3A_841, %mul3A_849 : vector<16xf32>
          %get3A_851 = arith.index_cast %while3A_585 : i32 to index
          %get3A_852 = arith.constant 464 : index
          %get3A_853 = tpu.vector_load %arg6[%get3A_851, %get3A_852] {strides = array<i32>} : memref<64x512xf32, #tpu.memory_space<vmem>>, vector<1x16xf32>,
          %get3A_854 = vector.shape_cast %get3A_853 : vector<1x16xf32> to vector<16xf32>
          %get3A_855 = arith.constant 464 : index
          %get3A_856 = tpu.vector_load %arg7[%get3A_855] {strides = array<i32>} : memref<512xf32, #tpu.memory_space<vmem>>, vector<16xf32>,
          %get3A_857 = vector.shape_cast %get3A_856 : vector<16xf32> to vector<16xf32>
          %mul3A_858 = arith.mulf %get3A_854, %get3A_857 : vector<16xf32>
          %add3A_859 = arith.addf %add3A_850, %mul3A_858 : vector<16xf32>
          %get3A_860 = arith.index_cast %while3A_585 : i32 to index
          %get3A_861 = arith.constant 480 : index
          %get3A_862 = tpu.vector_load %arg6[%get3A_860, %get3A_861] {strides = array<i32>} : memref<64x512xf32, #tpu.memory_space<vmem>>, vector<1x16xf32>,
          %get3A_863 = vector.shape_cast %get3A_862 : vector<1x16xf32> to vector<16xf32>
          %get3A_864 = arith.constant 480 : index
          %get3A_865 = tpu.vector_load %arg7[%get3A_864] {strides = array<i32>} : memref<512xf32, #tpu.memory_space<vmem>>, vector<16xf32>,
          %get3A_866 = vector.shape_cast %get3A_865 : vector<16xf32> to vector<16xf32>
          %mul3A_867 = arith.mulf %get3A_863, %get3A_866 : vector<16xf32>
          %add3A_868 = arith.addf %add3A_859, %mul3A_867 : vector<16xf32>
          %get3A_869 = arith.index_cast %while3A_585 : i32 to index
          %get3A_870 = arith.constant 496 : index
          %get3A_871 = tpu.vector_load %arg6[%get3A_869, %get3A_870] {strides = array<i32>} : memref<64x512xf32, #tpu.memory_space<vmem>>, vector<1x16xf32>,
          %get3A_872 = vector.shape_cast %get3A_871 : vector<1x16xf32> to vector<16xf32>
          %get3A_873 = arith.constant 496 : index
          %get3A_874 = tpu.vector_load %arg7[%get3A_873] {strides = array<i32>} : memref<512xf32, #tpu.memory_space<vmem>>, vector<16xf32>,
          %get3A_875 = vector.shape_cast %get3A_874 : vector<16xf32> to vector<16xf32>
          %mul3A_876 = arith.mulf %get3A_872, %get3A_875 : vector<16xf32>
          %add3A_877 = arith.addf %add3A_868, %mul3A_876 : vector<16xf32>
          %slice3A_878 = vector.extract_strided_slice %add3A_877 {offsets = [0], sizes = [1], strides = [1]} : vector<16xf32> to vector<1xf32>
          %squeeze3A_879 = vector.extract %slice3A_878[0] : f32 from vector<1xf32>
          %slice3A_880 = vector.extract_strided_slice %add3A_877 {offsets = [1], sizes = [1], strides = [1]} : vector<16xf32> to vector<1xf32>
          %squeeze3A_881 = vector.extract %slice3A_880[0] : f32 from vector<1xf32>
          %add3A_882 = arith.addf %squeeze3A_879, %squeeze3A_881 : f32
          %slice3A_883 = vector.extract_strided_slice %add3A_877 {offsets = [2], sizes = [1], strides = [1]} : vector<16xf32> to vector<1xf32>
          %squeeze3A_884 = vector.extract %slice3A_883[0] : f32 from vector<1xf32>
          %add3A_885 = arith.addf %add3A_882, %squeeze3A_884 : f32
          %slice3A_886 = vector.extract_strided_slice %add3A_877 {offsets = [3], sizes = [1], strides = [1]} : vector<16xf32> to vector<1xf32>
          %squeeze3A_887 = vector.extract %slice3A_886[0] : f32 from vector<1xf32>
          %add3A_888 = arith.addf %add3A_885, %squeeze3A_887 : f32
          %slice3A_889 = vector.extract_strided_slice %add3A_877 {offsets = [4], sizes = [1], strides = [1]} : vector<16xf32> to vector<1xf32>
          %squeeze3A_890 = vector.extract %slice3A_889[0] : f32 from vector<1xf32>
          %add3A_891 = arith.addf %add3A_888, %squeeze3A_890 : f32
          %slice3A_892 = vector.extract_strided_slice %add3A_877 {offsets = [5], sizes = [1], strides = [1]} : vector<16xf32> to vector<1xf32>
          %squeeze3A_893 = vector.extract %slice3A_892[0] : f32 from vector<1xf32>
          %add3A_894 = arith.addf %add3A_891, %squeeze3A_893 : f32
          %slice3A_895 = vector.extract_strided_slice %add3A_877 {offsets = [6], sizes = [1], strides = [1]} : vector<16xf32> to vector<1xf32>
          %squeeze3A_896 = vector.extract %slice3A_895[0] : f32 from vector<1xf32>
          %add3A_897 = arith.addf %add3A_894, %squeeze3A_896 : f32
          %slice3A_898 = vector.extract_strided_slice %add3A_877 {offsets = [7], sizes = [1], strides = [1]} : vector<16xf32> to vector<1xf32>
          %squeeze3A_899 = vector.extract %slice3A_898[0] : f32 from vector<1xf32>
          %add3A_900 = arith.addf %add3A_897, %squeeze3A_899 : f32
          %slice3A_901 = vector.extract_strided_slice %add3A_877 {offsets = [8], sizes = [1], strides = [1]} : vector<16xf32> to vector<1xf32>
          %squeeze3A_902 = vector.extract %slice3A_901[0] : f32 from vector<1xf32>
          %add3A_903 = arith.addf %add3A_900, %squeeze3A_902 : f32
          %slice3A_904 = vector.extract_strided_slice %add3A_877 {offsets = [9], sizes = [1], strides = [1]} : vector<16xf32> to vector<1xf32>
          %squeeze3A_905 = vector.extract %slice3A_904[0] : f32 from vector<1xf32>
          %add3A_906 = arith.addf %add3A_903, %squeeze3A_905 : f32
          %slice3A_907 = vector.extract_strided_slice %add3A_877 {offsets = [10], sizes = [1], strides = [1]} : vector<16xf32> to vector<1xf32>
          %squeeze3A_908 = vector.extract %slice3A_907[0] : f32 from vector<1xf32>
          %add3A_909 = arith.addf %add3A_906, %squeeze3A_908 : f32
          %slice3A_910 = vector.extract_strided_slice %add3A_877 {offsets = [11], sizes = [1], strides = [1]} : vector<16xf32> to vector<1xf32>
          %squeeze3A_911 = vector.extract %slice3A_910[0] : f32 from vector<1xf32>
          %add3A_912 = arith.addf %add3A_909, %squeeze3A_911 : f32
          %slice3A_913 = vector.extract_strided_slice %add3A_877 {offsets = [12], sizes = [1], strides = [1]} : vector<16xf32> to vector<1xf32>
          %squeeze3A_914 = vector.extract %slice3A_913[0] : f32 from vector<1xf32>
          %add3A_915 = arith.addf %add3A_912, %squeeze3A_914 : f32
          %slice3A_916 = vector.extract_strided_slice %add3A_877 {offsets = [13], sizes = [1], strides = [1]} : vector<16xf32> to vector<1xf32>
          %squeeze3A_917 = vector.extract %slice3A_916[0] : f32 from vector<1xf32>
          %add3A_918 = arith.addf %add3A_915, %squeeze3A_917 : f32
          %slice3A_919 = vector.extract_strided_slice %add3A_877 {offsets = [14], sizes = [1], strides = [1]} : vector<16xf32> to vector<1xf32>
          %squeeze3A_920 = vector.extract %slice3A_919[0] : f32 from vector<1xf32>
          %add3A_921 = arith.addf %add3A_918, %squeeze3A_920 : f32
          %slice3A_922 = vector.extract_strided_slice %add3A_877 {offsets = [15], sizes = [1], strides = [1]} : vector<16xf32> to vector<1xf32>
          %squeeze3A_923 = vector.extract %slice3A_922[0] : f32 from vector<1xf32>
          %add3A_924 = arith.addf %add3A_921, %squeeze3A_923 : f32
          %max3A_925 = arith.maximumf %while3A_586, %add3A_924 : f32
          %sub3A_926 = arith.subf %while3A_586, %max3A_925 : f32
          %broadcast_in_dim3A_927 = vector.broadcast %sub3A_926 : f32 to vector<16xf32>
          %exp3A = math.exp %broadcast_in_dim3A_927 : vector<16xf32>
          %sub3A_928 = arith.subf %add3A_924, %max3A_925 : f32
          %broadcast_in_dim3A_929 = vector.broadcast %sub3A_928 : f32 to vector<16xf32>
          %exp3A_930 = math.exp %broadcast_in_dim3A_929 : vector<16xf32>
          %mul3A_931 = arith.mulf %while3A_587, %exp3A : vector<16xf32>
          %add3A_932 = arith.addf %mul3A_931, %exp3A_930 : vector<16xf32>
          %gt3A_933 = arith.cmpf ogt, %max3A_925, %while3A_586 : f32
          %convert_element_type3A = arith.extui %gt3A_933 : i1 to i32
          %cond3A = arith.constant 0 : i32
          %cond3A_934 = arith.cmpi ne, %convert_element_type3A, %cond3A : i32
          scf.if %cond3A_934 {
            %get3A_1351 = arith.constant 0 : index
            %get3A_1352 = tpu.vector_load %arg9[%get3A_1351] {strides = array<i32>} : memref<512xf32, #tpu.memory_space<vmem>>, vector<16xf32>,
            %get3A_1353 = vector.shape_cast %get3A_1352 : vector<16xf32> to vector<16xf32>
            %mul3A_1354 = arith.mulf %get3A_1353, %exp3A : vector<16xf32>
            %swap3A_1355 = arith.constant 0 : index
            %swap3A_1356 = tpu.vector_load %arg9[%swap3A_1355] {strides = array<i32>} : memref<512xf32, #tpu.memory_space<vmem>>, vector<16xf32>,
            %swap3A_1357 = vector.shape_cast %swap3A_1356 : vector<16xf32> to vector<16xf32>
            %swap3A_1358 = vector.shape_cast %mul3A_1354 : vector<16xf32> to vector<16xf32>
            tpu.vector_store %arg9[%swap3A_1355], %swap3A_1358 {strides = array<i32>} : memref<512xf32, #tpu.memory_space<vmem>>, vector<16xf32>,
            %get3A_1359 = arith.constant 16 : index
            %get3A_1360 = tpu.vector_load %arg9[%get3A_1359] {strides = array<i32>} : memref<512xf32, #tpu.memory_space<vmem>>, vector<16xf32>,
            %get3A_1361 = vector.shape_cast %get3A_1360 : vector<16xf32> to vector<16xf32>
            %mul3A_1362 = arith.mulf %get3A_1361, %exp3A : vector<16xf32>
            %swap3A_1363 = arith.constant 16 : index
            %swap3A_1364 = tpu.vector_load %arg9[%swap3A_1363] {strides = array<i32>} : memref<512xf32, #tpu.memory_space<vmem>>, vector<16xf32>,
            %swap3A_1365 = vector.shape_cast %swap3A_1364 : vector<16xf32> to vector<16xf32>
            %swap3A_1366 = vector.shape_cast %mul3A_1362 : vector<16xf32> to vector<16xf32>
            tpu.vector_store %arg9[%swap3A_1363], %swap3A_1366 {strides = array<i32>} : memref<512xf32, #tpu.memory_space<vmem>>, vector<16xf32>,
            %get3A_1367 = arith.constant 32 : index
            %get3A_1368 = tpu.vector_load %arg9[%get3A_1367] {strides = array<i32>} : memref<512xf32, #tpu.memory_space<vmem>>, vector<16xf32>,
            %get3A_1369 = vector.shape_cast %get3A_1368 : vector<16xf32> to vector<16xf32>
            %mul3A_1370 = arith.mulf %get3A_1369, %exp3A : vector<16xf32>
            %swap3A_1371 = arith.constant 32 : index
            %swap3A_1372 = tpu.vector_load %arg9[%swap3A_1371] {strides = array<i32>} : memref<512xf32, #tpu.memory_space<vmem>>, vector<16xf32>,
            %swap3A_1373 = vector.shape_cast %swap3A_1372 : vector<16xf32> to vector<16xf32>
            %swap3A_1374 = vector.shape_cast %mul3A_1370 : vector<16xf32> to vector<16xf32>
            tpu.vector_store %arg9[%swap3A_1371], %swap3A_1374 {strides = array<i32>} : memref<512xf32, #tpu.memory_space<vmem>>, vector<16xf32>,
            %get3A_1375 = arith.constant 48 : index
            %get3A_1376 = tpu.vector_load %arg9[%get3A_1375] {strides = array<i32>} : memref<512xf32, #tpu.memory_space<vmem>>, vector<16xf32>,
            %get3A_1377 = vector.shape_cast %get3A_1376 : vector<16xf32> to vector<16xf32>
            %mul3A_1378 = arith.mulf %get3A_1377, %exp3A : vector<16xf32>
            %swap3A_1379 = arith.constant 48 : index
            %swap3A_1380 = tpu.vector_load %arg9[%swap3A_1379] {strides = array<i32>} : memref<512xf32, #tpu.memory_space<vmem>>, vector<16xf32>,
            %swap3A_1381 = vector.shape_cast %swap3A_1380 : vector<16xf32> to vector<16xf32>
            %swap3A_1382 = vector.shape_cast %mul3A_1378 : vector<16xf32> to vector<16xf32>
            tpu.vector_store %arg9[%swap3A_1379], %swap3A_1382 {strides = array<i32>} : memref<512xf32, #tpu.memory_space<vmem>>, vector<16xf32>,
            %get3A_1383 = arith.constant 64 : index
            %get3A_1384 = tpu.vector_load %arg9[%get3A_1383] {strides = array<i32>} : memref<512xf32, #tpu.memory_space<vmem>>, vector<16xf32>,
            %get3A_1385 = vector.shape_cast %get3A_1384 : vector<16xf32> to vector<16xf32>
            %mul3A_1386 = arith.mulf %get3A_1385, %exp3A : vector<16xf32>
            %swap3A_1387 = arith.constant 64 : index
            %swap3A_1388 = tpu.vector_load %arg9[%swap3A_1387] {strides = array<i32>} : memref<512xf32, #tpu.memory_space<vmem>>, vector<16xf32>,
            %swap3A_1389 = vector.shape_cast %swap3A_1388 : vector<16xf32> to vector<16xf32>
            %swap3A_1390 = vector.shape_cast %mul3A_1386 : vector<16xf32> to vector<16xf32>
            tpu.vector_store %arg9[%swap3A_1387], %swap3A_1390 {strides = array<i32>} : memref<512xf32, #tpu.memory_space<vmem>>, vector<16xf32>,
            %get3A_1391 = arith.constant 80 : index
            %get3A_1392 = tpu.vector_load %arg9[%get3A_1391] {strides = array<i32>} : memref<512xf32, #tpu.memory_space<vmem>>, vector<16xf32>,
            %get3A_1393 = vector.shape_cast %get3A_1392 : vector<16xf32> to vector<16xf32>
            %mul3A_1394 = arith.mulf %get3A_1393, %exp3A : vector<16xf32>
            %swap3A_1395 = arith.constant 80 : index
            %swap3A_1396 = tpu.vector_load %arg9[%swap3A_1395] {strides = array<i32>} : memref<512xf32, #tpu.memory_space<vmem>>, vector<16xf32>,
            %swap3A_1397 = vector.shape_cast %swap3A_1396 : vector<16xf32> to vector<16xf32>
            %swap3A_1398 = vector.shape_cast %mul3A_1394 : vector<16xf32> to vector<16xf32>
            tpu.vector_store %arg9[%swap3A_1395], %swap3A_1398 {strides = array<i32>} : memref<512xf32, #tpu.memory_space<vmem>>, vector<16xf32>,
            %get3A_1399 = arith.constant 96 : index
            %get3A_1400 = tpu.vector_load %arg9[%get3A_1399] {strides = array<i32>} : memref<512xf32, #tpu.memory_space<vmem>>, vector<16xf32>,
            %get3A_1401 = vector.shape_cast %get3A_1400 : vector<16xf32> to vector<16xf32>
            %mul3A_1402 = arith.mulf %get3A_1401, %exp3A : vector<16xf32>
            %swap3A_1403 = arith.constant 96 : index
            %swap3A_1404 = tpu.vector_load %arg9[%swap3A_1403] {strides = array<i32>} : memref<512xf32, #tpu.memory_space<vmem>>, vector<16xf32>,
            %swap3A_1405 = vector.shape_cast %swap3A_1404 : vector<16xf32> to vector<16xf32>
            %swap3A_1406 = vector.shape_cast %mul3A_1402 : vector<16xf32> to vector<16xf32>
            tpu.vector_store %arg9[%swap3A_1403], %swap3A_1406 {strides = array<i32>} : memref<512xf32, #tpu.memory_space<vmem>>, vector<16xf32>,
            %get3A_1407 = arith.constant 112 : index
            %get3A_1408 = tpu.vector_load %arg9[%get3A_1407] {strides = array<i32>} : memref<512xf32, #tpu.memory_space<vmem>>, vector<16xf32>,
            %get3A_1409 = vector.shape_cast %get3A_1408 : vector<16xf32> to vector<16xf32>
            %mul3A_1410 = arith.mulf %get3A_1409, %exp3A : vector<16xf32>
            %swap3A_1411 = arith.constant 112 : index
            %swap3A_1412 = tpu.vector_load %arg9[%swap3A_1411] {strides = array<i32>} : memref<512xf32, #tpu.memory_space<vmem>>, vector<16xf32>,
            %swap3A_1413 = vector.shape_cast %swap3A_1412 : vector<16xf32> to vector<16xf32>
            %swap3A_1414 = vector.shape_cast %mul3A_1410 : vector<16xf32> to vector<16xf32>
            tpu.vector_store %arg9[%swap3A_1411], %swap3A_1414 {strides = array<i32>} : memref<512xf32, #tpu.memory_space<vmem>>, vector<16xf32>,
            %get3A_1415 = arith.constant 128 : index
            %get3A_1416 = tpu.vector_load %arg9[%get3A_1415] {strides = array<i32>} : memref<512xf32, #tpu.memory_space<vmem>>, vector<16xf32>,
            %get3A_1417 = vector.shape_cast %get3A_1416 : vector<16xf32> to vector<16xf32>
            %mul3A_1418 = arith.mulf %get3A_1417, %exp3A : vector<16xf32>
            %swap3A_1419 = arith.constant 128 : index
            %swap3A_1420 = tpu.vector_load %arg9[%swap3A_1419] {strides = array<i32>} : memref<512xf32, #tpu.memory_space<vmem>>, vector<16xf32>,
            %swap3A_1421 = vector.shape_cast %swap3A_1420 : vector<16xf32> to vector<16xf32>
            %swap3A_1422 = vector.shape_cast %mul3A_1418 : vector<16xf32> to vector<16xf32>
            tpu.vector_store %arg9[%swap3A_1419], %swap3A_1422 {strides = array<i32>} : memref<512xf32, #tpu.memory_space<vmem>>, vector<16xf32>,
            %get3A_1423 = arith.constant 144 : index
            %get3A_1424 = tpu.vector_load %arg9[%get3A_1423] {strides = array<i32>} : memref<512xf32, #tpu.memory_space<vmem>>, vector<16xf32>,
            %get3A_1425 = vector.shape_cast %get3A_1424 : vector<16xf32> to vector<16xf32>
            %mul3A_1426 = arith.mulf %get3A_1425, %exp3A : vector<16xf32>
            %swap3A_1427 = arith.constant 144 : index
            %swap3A_1428 = tpu.vector_load %arg9[%swap3A_1427] {strides = array<i32>} : memref<512xf32, #tpu.memory_space<vmem>>, vector<16xf32>,
            %swap3A_1429 = vector.shape_cast %swap3A_1428 : vector<16xf32> to vector<16xf32>
            %swap3A_1430 = vector.shape_cast %mul3A_1426 : vector<16xf32> to vector<16xf32>
            tpu.vector_store %arg9[%swap3A_1427], %swap3A_1430 {strides = array<i32>} : memref<512xf32, #tpu.memory_space<vmem>>, vector<16xf32>,
            %get3A_1431 = arith.constant 160 : index
            %get3A_1432 = tpu.vector_load %arg9[%get3A_1431] {strides = array<i32>} : memref<512xf32, #tpu.memory_space<vmem>>, vector<16xf32>,
            %get3A_1433 = vector.shape_cast %get3A_1432 : vector<16xf32> to vector<16xf32>
            %mul3A_1434 = arith.mulf %get3A_1433, %exp3A : vector<16xf32>
            %swap3A_1435 = arith.constant 160 : index
            %swap3A_1436 = tpu.vector_load %arg9[%swap3A_1435] {strides = array<i32>} : memref<512xf32, #tpu.memory_space<vmem>>, vector<16xf32>,
            %swap3A_1437 = vector.shape_cast %swap3A_1436 : vector<16xf32> to vector<16xf32>
            %swap3A_1438 = vector.shape_cast %mul3A_1434 : vector<16xf32> to vector<16xf32>
            tpu.vector_store %arg9[%swap3A_1435], %swap3A_1438 {strides = array<i32>} : memref<512xf32, #tpu.memory_space<vmem>>, vector<16xf32>,
            %get3A_1439 = arith.constant 176 : index
            %get3A_1440 = tpu.vector_load %arg9[%get3A_1439] {strides = array<i32>} : memref<512xf32, #tpu.memory_space<vmem>>, vector<16xf32>,
            %get3A_1441 = vector.shape_cast %get3A_1440 : vector<16xf32> to vector<16xf32>
            %mul3A_1442 = arith.mulf %get3A_1441, %exp3A : vector<16xf32>
            %swap3A_1443 = arith.constant 176 : index
            %swap3A_1444 = tpu.vector_load %arg9[%swap3A_1443] {strides = array<i32>} : memref<512xf32, #tpu.memory_space<vmem>>, vector<16xf32>,
            %swap3A_1445 = vector.shape_cast %swap3A_1444 : vector<16xf32> to vector<16xf32>
            %swap3A_1446 = vector.shape_cast %mul3A_1442 : vector<16xf32> to vector<16xf32>
            tpu.vector_store %arg9[%swap3A_1443], %swap3A_1446 {strides = array<i32>} : memref<512xf32, #tpu.memory_space<vmem>>, vector<16xf32>,
            %get3A_1447 = arith.constant 192 : index
            %get3A_1448 = tpu.vector_load %arg9[%get3A_1447] {strides = array<i32>} : memref<512xf32, #tpu.memory_space<vmem>>, vector<16xf32>,
            %get3A_1449 = vector.shape_cast %get3A_1448 : vector<16xf32> to vector<16xf32>
            %mul3A_1450 = arith.mulf %get3A_1449, %exp3A : vector<16xf32>
            %swap3A_1451 = arith.constant 192 : index
            %swap3A_1452 = tpu.vector_load %arg9[%swap3A_1451] {strides = array<i32>} : memref<512xf32, #tpu.memory_space<vmem>>, vector<16xf32>,
            %swap3A_1453 = vector.shape_cast %swap3A_1452 : vector<16xf32> to vector<16xf32>
            %swap3A_1454 = vector.shape_cast %mul3A_1450 : vector<16xf32> to vector<16xf32>
            tpu.vector_store %arg9[%swap3A_1451], %swap3A_1454 {strides = array<i32>} : memref<512xf32, #tpu.memory_space<vmem>>, vector<16xf32>,
            %get3A_1455 = arith.constant 208 : index
            %get3A_1456 = tpu.vector_load %arg9[%get3A_1455] {strides = array<i32>} : memref<512xf32, #tpu.memory_space<vmem>>, vector<16xf32>,
            %get3A_1457 = vector.shape_cast %get3A_1456 : vector<16xf32> to vector<16xf32>
            %mul3A_1458 = arith.mulf %get3A_1457, %exp3A : vector<16xf32>
            %swap3A_1459 = arith.constant 208 : index
            %swap3A_1460 = tpu.vector_load %arg9[%swap3A_1459] {strides = array<i32>} : memref<512xf32, #tpu.memory_space<vmem>>, vector<16xf32>,
            %swap3A_1461 = vector.shape_cast %swap3A_1460 : vector<16xf32> to vector<16xf32>
            %swap3A_1462 = vector.shape_cast %mul3A_1458 : vector<16xf32> to vector<16xf32>
            tpu.vector_store %arg9[%swap3A_1459], %swap3A_1462 {strides = array<i32>} : memref<512xf32, #tpu.memory_space<vmem>>, vector<16xf32>,
            %get3A_1463 = arith.constant 224 : index
            %get3A_1464 = tpu.vector_load %arg9[%get3A_1463] {strides = array<i32>} : memref<512xf32, #tpu.memory_space<vmem>>, vector<16xf32>,
            %get3A_1465 = vector.shape_cast %get3A_1464 : vector<16xf32> to vector<16xf32>
            %mul3A_1466 = arith.mulf %get3A_1465, %exp3A : vector<16xf32>
            %swap3A_1467 = arith.constant 224 : index
            %swap3A_1468 = tpu.vector_load %arg9[%swap3A_1467] {strides = array<i32>} : memref<512xf32, #tpu.memory_space<vmem>>, vector<16xf32>,
            %swap3A_1469 = vector.shape_cast %swap3A_1468 : vector<16xf32> to vector<16xf32>
            %swap3A_1470 = vector.shape_cast %mul3A_1466 : vector<16xf32> to vector<16xf32>
            tpu.vector_store %arg9[%swap3A_1467], %swap3A_1470 {strides = array<i32>} : memref<512xf32, #tpu.memory_space<vmem>>, vector<16xf32>,
            %get3A_1471 = arith.constant 240 : index
            %get3A_1472 = tpu.vector_load %arg9[%get3A_1471] {strides = array<i32>} : memref<512xf32, #tpu.memory_space<vmem>>, vector<16xf32>,
            %get3A_1473 = vector.shape_cast %get3A_1472 : vector<16xf32> to vector<16xf32>
            %mul3A_1474 = arith.mulf %get3A_1473, %exp3A : vector<16xf32>
            %swap3A_1475 = arith.constant 240 : index
            %swap3A_1476 = tpu.vector_load %arg9[%swap3A_1475] {strides = array<i32>} : memref<512xf32, #tpu.memory_space<vmem>>, vector<16xf32>,
            %swap3A_1477 = vector.shape_cast %swap3A_1476 : vector<16xf32> to vector<16xf32>
            %swap3A_1478 = vector.shape_cast %mul3A_1474 : vector<16xf32> to vector<16xf32>
            tpu.vector_store %arg9[%swap3A_1475], %swap3A_1478 {strides = array<i32>} : memref<512xf32, #tpu.memory_space<vmem>>, vector<16xf32>,
            %get3A_1479 = arith.constant 256 : index
            %get3A_1480 = tpu.vector_load %arg9[%get3A_1479] {strides = array<i32>} : memref<512xf32, #tpu.memory_space<vmem>>, vector<16xf32>,
            %get3A_1481 = vector.shape_cast %get3A_1480 : vector<16xf32> to vector<16xf32>
            %mul3A_1482 = arith.mulf %get3A_1481, %exp3A : vector<16xf32>
            %swap3A_1483 = arith.constant 256 : index
            %swap3A_1484 = tpu.vector_load %arg9[%swap3A_1483] {strides = array<i32>} : memref<512xf32, #tpu.memory_space<vmem>>, vector<16xf32>,
            %swap3A_1485 = vector.shape_cast %swap3A_1484 : vector<16xf32> to vector<16xf32>
            %swap3A_1486 = vector.shape_cast %mul3A_1482 : vector<16xf32> to vector<16xf32>
            tpu.vector_store %arg9[%swap3A_1483], %swap3A_1486 {strides = array<i32>} : memref<512xf32, #tpu.memory_space<vmem>>, vector<16xf32>,
            %get3A_1487 = arith.constant 272 : index
            %get3A_1488 = tpu.vector_load %arg9[%get3A_1487] {strides = array<i32>} : memref<512xf32, #tpu.memory_space<vmem>>, vector<16xf32>,
            %get3A_1489 = vector.shape_cast %get3A_1488 : vector<16xf32> to vector<16xf32>
            %mul3A_1490 = arith.mulf %get3A_1489, %exp3A : vector<16xf32>
            %swap3A_1491 = arith.constant 272 : index
            %swap3A_1492 = tpu.vector_load %arg9[%swap3A_1491] {strides = array<i32>} : memref<512xf32, #tpu.memory_space<vmem>>, vector<16xf32>,
            %swap3A_1493 = vector.shape_cast %swap3A_1492 : vector<16xf32> to vector<16xf32>
            %swap3A_1494 = vector.shape_cast %mul3A_1490 : vector<16xf32> to vector<16xf32>
            tpu.vector_store %arg9[%swap3A_1491], %swap3A_1494 {strides = array<i32>} : memref<512xf32, #tpu.memory_space<vmem>>, vector<16xf32>,
            %get3A_1495 = arith.constant 288 : index
            %get3A_1496 = tpu.vector_load %arg9[%get3A_1495] {strides = array<i32>} : memref<512xf32, #tpu.memory_space<vmem>>, vector<16xf32>,
            %get3A_1497 = vector.shape_cast %get3A_1496 : vector<16xf32> to vector<16xf32>
            %mul3A_1498 = arith.mulf %get3A_1497, %exp3A : vector<16xf32>
            %swap3A_1499 = arith.constant 288 : index
            %swap3A_1500 = tpu.vector_load %arg9[%swap3A_1499] {strides = array<i32>} : memref<512xf32, #tpu.memory_space<vmem>>, vector<16xf32>,
            %swap3A_1501 = vector.shape_cast %swap3A_1500 : vector<16xf32> to vector<16xf32>
            %swap3A_1502 = vector.shape_cast %mul3A_1498 : vector<16xf32> to vector<16xf32>
            tpu.vector_store %arg9[%swap3A_1499], %swap3A_1502 {strides = array<i32>} : memref<512xf32, #tpu.memory_space<vmem>>, vector<16xf32>,
            %get3A_1503 = arith.constant 304 : index
            %get3A_1504 = tpu.vector_load %arg9[%get3A_1503] {strides = array<i32>} : memref<512xf32, #tpu.memory_space<vmem>>, vector<16xf32>,
            %get3A_1505 = vector.shape_cast %get3A_1504 : vector<16xf32> to vector<16xf32>
            %mul3A_1506 = arith.mulf %get3A_1505, %exp3A : vector<16xf32>
            %swap3A_1507 = arith.constant 304 : index
            %swap3A_1508 = tpu.vector_load %arg9[%swap3A_1507] {strides = array<i32>} : memref<512xf32, #tpu.memory_space<vmem>>, vector<16xf32>,
            %swap3A_1509 = vector.shape_cast %swap3A_1508 : vector<16xf32> to vector<16xf32>
            %swap3A_1510 = vector.shape_cast %mul3A_1506 : vector<16xf32> to vector<16xf32>
            tpu.vector_store %arg9[%swap3A_1507], %swap3A_1510 {strides = array<i32>} : memref<512xf32, #tpu.memory_space<vmem>>, vector<16xf32>,
            %get3A_1511 = arith.constant 320 : index
            %get3A_1512 = tpu.vector_load %arg9[%get3A_1511] {strides = array<i32>} : memref<512xf32, #tpu.memory_space<vmem>>, vector<16xf32>,
            %get3A_1513 = vector.shape_cast %get3A_1512 : vector<16xf32> to vector<16xf32>
            %mul3A_1514 = arith.mulf %get3A_1513, %exp3A : vector<16xf32>
            %swap3A_1515 = arith.constant 320 : index
            %swap3A_1516 = tpu.vector_load %arg9[%swap3A_1515] {strides = array<i32>} : memref<512xf32, #tpu.memory_space<vmem>>, vector<16xf32>,
            %swap3A_1517 = vector.shape_cast %swap3A_1516 : vector<16xf32> to vector<16xf32>
            %swap3A_1518 = vector.shape_cast %mul3A_1514 : vector<16xf32> to vector<16xf32>
            tpu.vector_store %arg9[%swap3A_1515], %swap3A_1518 {strides = array<i32>} : memref<512xf32, #tpu.memory_space<vmem>>, vector<16xf32>,
            %get3A_1519 = arith.constant 336 : index
            %get3A_1520 = tpu.vector_load %arg9[%get3A_1519] {strides = array<i32>} : memref<512xf32, #tpu.memory_space<vmem>>, vector<16xf32>,
            %get3A_1521 = vector.shape_cast %get3A_1520 : vector<16xf32> to vector<16xf32>
            %mul3A_1522 = arith.mulf %get3A_1521, %exp3A : vector<16xf32>
            %swap3A_1523 = arith.constant 336 : index
            %swap3A_1524 = tpu.vector_load %arg9[%swap3A_1523] {strides = array<i32>} : memref<512xf32, #tpu.memory_space<vmem>>, vector<16xf32>,
            %swap3A_1525 = vector.shape_cast %swap3A_1524 : vector<16xf32> to vector<16xf32>
            %swap3A_1526 = vector.shape_cast %mul3A_1522 : vector<16xf32> to vector<16xf32>
            tpu.vector_store %arg9[%swap3A_1523], %swap3A_1526 {strides = array<i32>} : memref<512xf32, #tpu.memory_space<vmem>>, vector<16xf32>,
            %get3A_1527 = arith.constant 352 : index
            %get3A_1528 = tpu.vector_load %arg9[%get3A_1527] {strides = array<i32>} : memref<512xf32, #tpu.memory_space<vmem>>, vector<16xf32>,
            %get3A_1529 = vector.shape_cast %get3A_1528 : vector<16xf32> to vector<16xf32>
            %mul3A_1530 = arith.mulf %get3A_1529, %exp3A : vector<16xf32>
            %swap3A_1531 = arith.constant 352 : index
            %swap3A_1532 = tpu.vector_load %arg9[%swap3A_1531] {strides = array<i32>} : memref<512xf32, #tpu.memory_space<vmem>>, vector<16xf32>,
            %swap3A_1533 = vector.shape_cast %swap3A_1532 : vector<16xf32> to vector<16xf32>
            %swap3A_1534 = vector.shape_cast %mul3A_1530 : vector<16xf32> to vector<16xf32>
            tpu.vector_store %arg9[%swap3A_1531], %swap3A_1534 {strides = array<i32>} : memref<512xf32, #tpu.memory_space<vmem>>, vector<16xf32>,
            %get3A_1535 = arith.constant 368 : index
            %get3A_1536 = tpu.vector_load %arg9[%get3A_1535] {strides = array<i32>} : memref<512xf32, #tpu.memory_space<vmem>>, vector<16xf32>,
            %get3A_1537 = vector.shape_cast %get3A_1536 : vector<16xf32> to vector<16xf32>
            %mul3A_1538 = arith.mulf %get3A_1537, %exp3A : vector<16xf32>
            %swap3A_1539 = arith.constant 368 : index
            %swap3A_1540 = tpu.vector_load %arg9[%swap3A_1539] {strides = array<i32>} : memref<512xf32, #tpu.memory_space<vmem>>, vector<16xf32>,
            %swap3A_1541 = vector.shape_cast %swap3A_1540 : vector<16xf32> to vector<16xf32>
            %swap3A_1542 = vector.shape_cast %mul3A_1538 : vector<16xf32> to vector<16xf32>
            tpu.vector_store %arg9[%swap3A_1539], %swap3A_1542 {strides = array<i32>} : memref<512xf32, #tpu.memory_space<vmem>>, vector<16xf32>,
            %get3A_1543 = arith.constant 384 : index
            %get3A_1544 = tpu.vector_load %arg9[%get3A_1543] {strides = array<i32>} : memref<512xf32, #tpu.memory_space<vmem>>, vector<16xf32>,
            %get3A_1545 = vector.shape_cast %get3A_1544 : vector<16xf32> to vector<16xf32>
            %mul3A_1546 = arith.mulf %get3A_1545, %exp3A : vector<16xf32>
            %swap3A_1547 = arith.constant 384 : index
            %swap3A_1548 = tpu.vector_load %arg9[%swap3A_1547] {strides = array<i32>} : memref<512xf32, #tpu.memory_space<vmem>>, vector<16xf32>,
            %swap3A_1549 = vector.shape_cast %swap3A_1548 : vector<16xf32> to vector<16xf32>
            %swap3A_1550 = vector.shape_cast %mul3A_1546 : vector<16xf32> to vector<16xf32>
            tpu.vector_store %arg9[%swap3A_1547], %swap3A_1550 {strides = array<i32>} : memref<512xf32, #tpu.memory_space<vmem>>, vector<16xf32>,
            %get3A_1551 = arith.constant 400 : index
            %get3A_1552 = tpu.vector_load %arg9[%get3A_1551] {strides = array<i32>} : memref<512xf32, #tpu.memory_space<vmem>>, vector<16xf32>,
            %get3A_1553 = vector.shape_cast %get3A_1552 : vector<16xf32> to vector<16xf32>
            %mul3A_1554 = arith.mulf %get3A_1553, %exp3A : vector<16xf32>
            %swap3A_1555 = arith.constant 400 : index
            %swap3A_1556 = tpu.vector_load %arg9[%swap3A_1555] {strides = array<i32>} : memref<512xf32, #tpu.memory_space<vmem>>, vector<16xf32>,
            %swap3A_1557 = vector.shape_cast %swap3A_1556 : vector<16xf32> to vector<16xf32>
            %swap3A_1558 = vector.shape_cast %mul3A_1554 : vector<16xf32> to vector<16xf32>
            tpu.vector_store %arg9[%swap3A_1555], %swap3A_1558 {strides = array<i32>} : memref<512xf32, #tpu.memory_space<vmem>>, vector<16xf32>,
            %get3A_1559 = arith.constant 416 : index
            %get3A_1560 = tpu.vector_load %arg9[%get3A_1559] {strides = array<i32>} : memref<512xf32, #tpu.memory_space<vmem>>, vector<16xf32>,
            %get3A_1561 = vector.shape_cast %get3A_1560 : vector<16xf32> to vector<16xf32>
            %mul3A_1562 = arith.mulf %get3A_1561, %exp3A : vector<16xf32>
            %swap3A_1563 = arith.constant 416 : index
            %swap3A_1564 = tpu.vector_load %arg9[%swap3A_1563] {strides = array<i32>} : memref<512xf32, #tpu.memory_space<vmem>>, vector<16xf32>,
            %swap3A_1565 = vector.shape_cast %swap3A_1564 : vector<16xf32> to vector<16xf32>
            %swap3A_1566 = vector.shape_cast %mul3A_1562 : vector<16xf32> to vector<16xf32>
            tpu.vector_store %arg9[%swap3A_1563], %swap3A_1566 {strides = array<i32>} : memref<512xf32, #tpu.memory_space<vmem>>, vector<16xf32>,
            %get3A_1567 = arith.constant 432 : index
            %get3A_1568 = tpu.vector_load %arg9[%get3A_1567] {strides = array<i32>} : memref<512xf32, #tpu.memory_space<vmem>>, vector<16xf32>,
            %get3A_1569 = vector.shape_cast %get3A_1568 : vector<16xf32> to vector<16xf32>
            %mul3A_1570 = arith.mulf %get3A_1569, %exp3A : vector<16xf32>
            %swap3A_1571 = arith.constant 432 : index
            %swap3A_1572 = tpu.vector_load %arg9[%swap3A_1571] {strides = array<i32>} : memref<512xf32, #tpu.memory_space<vmem>>, vector<16xf32>,
            %swap3A_1573 = vector.shape_cast %swap3A_1572 : vector<16xf32> to vector<16xf32>
            %swap3A_1574 = vector.shape_cast %mul3A_1570 : vector<16xf32> to vector<16xf32>
            tpu.vector_store %arg9[%swap3A_1571], %swap3A_1574 {strides = array<i32>} : memref<512xf32, #tpu.memory_space<vmem>>, vector<16xf32>,
            %get3A_1575 = arith.constant 448 : index
            %get3A_1576 = tpu.vector_load %arg9[%get3A_1575] {strides = array<i32>} : memref<512xf32, #tpu.memory_space<vmem>>, vector<16xf32>,
            %get3A_1577 = vector.shape_cast %get3A_1576 : vector<16xf32> to vector<16xf32>
            %mul3A_1578 = arith.mulf %get3A_1577, %exp3A : vector<16xf32>
            %swap3A_1579 = arith.constant 448 : index
            %swap3A_1580 = tpu.vector_load %arg9[%swap3A_1579] {strides = array<i32>} : memref<512xf32, #tpu.memory_space<vmem>>, vector<16xf32>,
            %swap3A_1581 = vector.shape_cast %swap3A_1580 : vector<16xf32> to vector<16xf32>
            %swap3A_1582 = vector.shape_cast %mul3A_1578 : vector<16xf32> to vector<16xf32>
            tpu.vector_store %arg9[%swap3A_1579], %swap3A_1582 {strides = array<i32>} : memref<512xf32, #tpu.memory_space<vmem>>, vector<16xf32>,
            %get3A_1583 = arith.constant 464 : index
            %get3A_1584 = tpu.vector_load %arg9[%get3A_1583] {strides = array<i32>} : memref<512xf32, #tpu.memory_space<vmem>>, vector<16xf32>,
            %get3A_1585 = vector.shape_cast %get3A_1584 : vector<16xf32> to vector<16xf32>
            %mul3A_1586 = arith.mulf %get3A_1585, %exp3A : vector<16xf32>
            %swap3A_1587 = arith.constant 464 : index
            %swap3A_1588 = tpu.vector_load %arg9[%swap3A_1587] {strides = array<i32>} : memref<512xf32, #tpu.memory_space<vmem>>, vector<16xf32>,
            %swap3A_1589 = vector.shape_cast %swap3A_1588 : vector<16xf32> to vector<16xf32>
            %swap3A_1590 = vector.shape_cast %mul3A_1586 : vector<16xf32> to vector<16xf32>
            tpu.vector_store %arg9[%swap3A_1587], %swap3A_1590 {strides = array<i32>} : memref<512xf32, #tpu.memory_space<vmem>>, vector<16xf32>,
            %get3A_1591 = arith.constant 480 : index
            %get3A_1592 = tpu.vector_load %arg9[%get3A_1591] {strides = array<i32>} : memref<512xf32, #tpu.memory_space<vmem>>, vector<16xf32>,
            %get3A_1593 = vector.shape_cast %get3A_1592 : vector<16xf32> to vector<16xf32>
            %mul3A_1594 = arith.mulf %get3A_1593, %exp3A : vector<16xf32>
            %swap3A_1595 = arith.constant 480 : index
            %swap3A_1596 = tpu.vector_load %arg9[%swap3A_1595] {strides = array<i32>} : memref<512xf32, #tpu.memory_space<vmem>>, vector<16xf32>,
            %swap3A_1597 = vector.shape_cast %swap3A_1596 : vector<16xf32> to vector<16xf32>
            %swap3A_1598 = vector.shape_cast %mul3A_1594 : vector<16xf32> to vector<16xf32>
            tpu.vector_store %arg9[%swap3A_1595], %swap3A_1598 {strides = array<i32>} : memref<512xf32, #tpu.memory_space<vmem>>, vector<16xf32>,
            %get3A_1599 = arith.constant 496 : index
            %get3A_1600 = tpu.vector_load %arg9[%get3A_1599] {strides = array<i32>} : memref<512xf32, #tpu.memory_space<vmem>>, vector<16xf32>,
            %get3A_1601 = vector.shape_cast %get3A_1600 : vector<16xf32> to vector<16xf32>
            %mul3A_1602 = arith.mulf %get3A_1601, %exp3A : vector<16xf32>
            %swap3A_1603 = arith.constant 496 : index
            %swap3A_1604 = tpu.vector_load %arg9[%swap3A_1603] {strides = array<i32>} : memref<512xf32, #tpu.memory_space<vmem>>, vector<16xf32>,
            %swap3A_1605 = vector.shape_cast %swap3A_1604 : vector<16xf32> to vector<16xf32>
            %swap3A_1606 = vector.shape_cast %mul3A_1602 : vector<16xf32> to vector<16xf32>
            tpu.vector_store %arg9[%swap3A_1603], %swap3A_1606 {strides = array<i32>} : memref<512xf32, #tpu.memory_space<vmem>>, vector<16xf32>,
          } else {
          }
          %get3A_935 = arith.constant 0 : index
          %get3A_936 = tpu.vector_load %arg9[%get3A_935] {strides = array<i32>} : memref<512xf32, #tpu.memory_space<vmem>>, vector<16xf32>,
          %get3A_937 = vector.shape_cast %get3A_936 : vector<16xf32> to vector<16xf32>
          %get3A_938 = arith.index_cast %while3A_585 : i32 to index
          %get3A_939 = arith.constant 0 : index
          %get3A_940 = tpu.vector_load %arg6[%get3A_938, %get3A_939] {strides = array<i32>} : memref<64x512xf32, #tpu.memory_space<vmem>>, vector<1x16xf32>,
          %get3A_941 = vector.shape_cast %get3A_940 : vector<1x16xf32> to vector<16xf32>
          %mul3A_942 = arith.mulf %exp3A_930, %get3A_941 : vector<16xf32>
          %add3A_943 = arith.addf %get3A_937, %mul3A_942 : vector<16xf32>
          %swap3A_944 = arith.constant 0 : index
          %swap3A_945 = tpu.vector_load %arg9[%swap3A_944] {strides = array<i32>} : memref<512xf32, #tpu.memory_space<vmem>>, vector<16xf32>,
          %swap3A_946 = vector.shape_cast %swap3A_945 : vector<16xf32> to vector<16xf32>
          %swap3A_947 = vector.shape_cast %add3A_943 : vector<16xf32> to vector<16xf32>
          tpu.vector_store %arg9[%swap3A_944], %swap3A_947 {strides = array<i32>} : memref<512xf32, #tpu.memory_space<vmem>>, vector<16xf32>,
          %get3A_948 = arith.constant 16 : index
          %get3A_949 = tpu.vector_load %arg9[%get3A_948] {strides = array<i32>} : memref<512xf32, #tpu.memory_space<vmem>>, vector<16xf32>,
          %get3A_950 = vector.shape_cast %get3A_949 : vector<16xf32> to vector<16xf32>
          %get3A_951 = arith.index_cast %while3A_585 : i32 to index
          %get3A_952 = arith.constant 16 : index
          %get3A_953 = tpu.vector_load %arg6[%get3A_951, %get3A_952] {strides = array<i32>} : memref<64x512xf32, #tpu.memory_space<vmem>>, vector<1x16xf32>,
          %get3A_954 = vector.shape_cast %get3A_953 : vector<1x16xf32> to vector<16xf32>
          %mul3A_955 = arith.mulf %exp3A_930, %get3A_954 : vector<16xf32>
          %add3A_956 = arith.addf %get3A_950, %mul3A_955 : vector<16xf32>
          %swap3A_957 = arith.constant 16 : index
          %swap3A_958 = tpu.vector_load %arg9[%swap3A_957] {strides = array<i32>} : memref<512xf32, #tpu.memory_space<vmem>>, vector<16xf32>,
          %swap3A_959 = vector.shape_cast %swap3A_958 : vector<16xf32> to vector<16xf32>
          %swap3A_960 = vector.shape_cast %add3A_956 : vector<16xf32> to vector<16xf32>
          tpu.vector_store %arg9[%swap3A_957], %swap3A_960 {strides = array<i32>} : memref<512xf32, #tpu.memory_space<vmem>>, vector<16xf32>,
          %get3A_961 = arith.constant 32 : index
          %get3A_962 = tpu.vector_load %arg9[%get3A_961] {strides = array<i32>} : memref<512xf32, #tpu.memory_space<vmem>>, vector<16xf32>,
          %get3A_963 = vector.shape_cast %get3A_962 : vector<16xf32> to vector<16xf32>
          %get3A_964 = arith.index_cast %while3A_585 : i32 to index
          %get3A_965 = arith.constant 32 : index
          %get3A_966 = tpu.vector_load %arg6[%get3A_964, %get3A_965] {strides = array<i32>} : memref<64x512xf32, #tpu.memory_space<vmem>>, vector<1x16xf32>,
          %get3A_967 = vector.shape_cast %get3A_966 : vector<1x16xf32> to vector<16xf32>
          %mul3A_968 = arith.mulf %exp3A_930, %get3A_967 : vector<16xf32>
          %add3A_969 = arith.addf %get3A_963, %mul3A_968 : vector<16xf32>
          %swap3A_970 = arith.constant 32 : index
          %swap3A_971 = tpu.vector_load %arg9[%swap3A_970] {strides = array<i32>} : memref<512xf32, #tpu.memory_space<vmem>>, vector<16xf32>,
          %swap3A_972 = vector.shape_cast %swap3A_971 : vector<16xf32> to vector<16xf32>
          %swap3A_973 = vector.shape_cast %add3A_969 : vector<16xf32> to vector<16xf32>
          tpu.vector_store %arg9[%swap3A_970], %swap3A_973 {strides = array<i32>} : memref<512xf32, #tpu.memory_space<vmem>>, vector<16xf32>,
          %get3A_974 = arith.constant 48 : index
          %get3A_975 = tpu.vector_load %arg9[%get3A_974] {strides = array<i32>} : memref<512xf32, #tpu.memory_space<vmem>>, vector<16xf32>,
          %get3A_976 = vector.shape_cast %get3A_975 : vector<16xf32> to vector<16xf32>
          %get3A_977 = arith.index_cast %while3A_585 : i32 to index
          %get3A_978 = arith.constant 48 : index
          %get3A_979 = tpu.vector_load %arg6[%get3A_977, %get3A_978] {strides = array<i32>} : memref<64x512xf32, #tpu.memory_space<vmem>>, vector<1x16xf32>,
          %get3A_980 = vector.shape_cast %get3A_979 : vector<1x16xf32> to vector<16xf32>
          %mul3A_981 = arith.mulf %exp3A_930, %get3A_980 : vector<16xf32>
          %add3A_982 = arith.addf %get3A_976, %mul3A_981 : vector<16xf32>
          %swap3A_983 = arith.constant 48 : index
          %swap3A_984 = tpu.vector_load %arg9[%swap3A_983] {strides = array<i32>} : memref<512xf32, #tpu.memory_space<vmem>>, vector<16xf32>,
          %swap3A_985 = vector.shape_cast %swap3A_984 : vector<16xf32> to vector<16xf32>
          %swap3A_986 = vector.shape_cast %add3A_982 : vector<16xf32> to vector<16xf32>
          tpu.vector_store %arg9[%swap3A_983], %swap3A_986 {strides = array<i32>} : memref<512xf32, #tpu.memory_space<vmem>>, vector<16xf32>,
          %get3A_987 = arith.constant 64 : index
          %get3A_988 = tpu.vector_load %arg9[%get3A_987] {strides = array<i32>} : memref<512xf32, #tpu.memory_space<vmem>>, vector<16xf32>,
          %get3A_989 = vector.shape_cast %get3A_988 : vector<16xf32> to vector<16xf32>
          %get3A_990 = arith.index_cast %while3A_585 : i32 to index
          %get3A_991 = arith.constant 64 : index
          %get3A_992 = tpu.vector_load %arg6[%get3A_990, %get3A_991] {strides = array<i32>} : memref<64x512xf32, #tpu.memory_space<vmem>>, vector<1x16xf32>,
          %get3A_993 = vector.shape_cast %get3A_992 : vector<1x16xf32> to vector<16xf32>
          %mul3A_994 = arith.mulf %exp3A_930, %get3A_993 : vector<16xf32>
          %add3A_995 = arith.addf %get3A_989, %mul3A_994 : vector<16xf32>
          %swap3A_996 = arith.constant 64 : index
          %swap3A_997 = tpu.vector_load %arg9[%swap3A_996] {strides = array<i32>} : memref<512xf32, #tpu.memory_space<vmem>>, vector<16xf32>,
          %swap3A_998 = vector.shape_cast %swap3A_997 : vector<16xf32> to vector<16xf32>
          %swap3A_999 = vector.shape_cast %add3A_995 : vector<16xf32> to vector<16xf32>
          tpu.vector_store %arg9[%swap3A_996], %swap3A_999 {strides = array<i32>} : memref<512xf32, #tpu.memory_space<vmem>>, vector<16xf32>,
          %get3A_1000 = arith.constant 80 : index
          %get3A_1001 = tpu.vector_load %arg9[%get3A_1000] {strides = array<i32>} : memref<512xf32, #tpu.memory_space<vmem>>, vector<16xf32>,
          %get3A_1002 = vector.shape_cast %get3A_1001 : vector<16xf32> to vector<16xf32>
          %get3A_1003 = arith.index_cast %while3A_585 : i32 to index
          %get3A_1004 = arith.constant 80 : index
          %get3A_1005 = tpu.vector_load %arg6[%get3A_1003, %get3A_1004] {strides = array<i32>} : memref<64x512xf32, #tpu.memory_space<vmem>>, vector<1x16xf32>,
          %get3A_1006 = vector.shape_cast %get3A_1005 : vector<1x16xf32> to vector<16xf32>
          %mul3A_1007 = arith.mulf %exp3A_930, %get3A_1006 : vector<16xf32>
          %add3A_1008 = arith.addf %get3A_1002, %mul3A_1007 : vector<16xf32>
          %swap3A_1009 = arith.constant 80 : index
          %swap3A_1010 = tpu.vector_load %arg9[%swap3A_1009] {strides = array<i32>} : memref<512xf32, #tpu.memory_space<vmem>>, vector<16xf32>,
          %swap3A_1011 = vector.shape_cast %swap3A_1010 : vector<16xf32> to vector<16xf32>
          %swap3A_1012 = vector.shape_cast %add3A_1008 : vector<16xf32> to vector<16xf32>
          tpu.vector_store %arg9[%swap3A_1009], %swap3A_1012 {strides = array<i32>} : memref<512xf32, #tpu.memory_space<vmem>>, vector<16xf32>,
          %get3A_1013 = arith.constant 96 : index
          %get3A_1014 = tpu.vector_load %arg9[%get3A_1013] {strides = array<i32>} : memref<512xf32, #tpu.memory_space<vmem>>, vector<16xf32>,
          %get3A_1015 = vector.shape_cast %get3A_1014 : vector<16xf32> to vector<16xf32>
          %get3A_1016 = arith.index_cast %while3A_585 : i32 to index
          %get3A_1017 = arith.constant 96 : index
          %get3A_1018 = tpu.vector_load %arg6[%get3A_1016, %get3A_1017] {strides = array<i32>} : memref<64x512xf32, #tpu.memory_space<vmem>>, vector<1x16xf32>,
          %get3A_1019 = vector.shape_cast %get3A_1018 : vector<1x16xf32> to vector<16xf32>
          %mul3A_1020 = arith.mulf %exp3A_930, %get3A_1019 : vector<16xf32>
          %add3A_1021 = arith.addf %get3A_1015, %mul3A_1020 : vector<16xf32>
          %swap3A_1022 = arith.constant 96 : index
          %swap3A_1023 = tpu.vector_load %arg9[%swap3A_1022] {strides = array<i32>} : memref<512xf32, #tpu.memory_space<vmem>>, vector<16xf32>,
          %swap3A_1024 = vector.shape_cast %swap3A_1023 : vector<16xf32> to vector<16xf32>
          %swap3A_1025 = vector.shape_cast %add3A_1021 : vector<16xf32> to vector<16xf32>
          tpu.vector_store %arg9[%swap3A_1022], %swap3A_1025 {strides = array<i32>} : memref<512xf32, #tpu.memory_space<vmem>>, vector<16xf32>,
          %get3A_1026 = arith.constant 112 : index
          %get3A_1027 = tpu.vector_load %arg9[%get3A_1026] {strides = array<i32>} : memref<512xf32, #tpu.memory_space<vmem>>, vector<16xf32>,
          %get3A_1028 = vector.shape_cast %get3A_1027 : vector<16xf32> to vector<16xf32>
          %get3A_1029 = arith.index_cast %while3A_585 : i32 to index
          %get3A_1030 = arith.constant 112 : index
          %get3A_1031 = tpu.vector_load %arg6[%get3A_1029, %get3A_1030] {strides = array<i32>} : memref<64x512xf32, #tpu.memory_space<vmem>>, vector<1x16xf32>,
          %get3A_1032 = vector.shape_cast %get3A_1031 : vector<1x16xf32> to vector<16xf32>
          %mul3A_1033 = arith.mulf %exp3A_930, %get3A_1032 : vector<16xf32>
          %add3A_1034 = arith.addf %get3A_1028, %mul3A_1033 : vector<16xf32>
          %swap3A_1035 = arith.constant 112 : index
          %swap3A_1036 = tpu.vector_load %arg9[%swap3A_1035] {strides = array<i32>} : memref<512xf32, #tpu.memory_space<vmem>>, vector<16xf32>,
          %swap3A_1037 = vector.shape_cast %swap3A_1036 : vector<16xf32> to vector<16xf32>
          %swap3A_1038 = vector.shape_cast %add3A_1034 : vector<16xf32> to vector<16xf32>
          tpu.vector_store %arg9[%swap3A_1035], %swap3A_1038 {strides = array<i32>} : memref<512xf32, #tpu.memory_space<vmem>>, vector<16xf32>,
          %get3A_1039 = arith.constant 128 : index
          %get3A_1040 = tpu.vector_load %arg9[%get3A_1039] {strides = array<i32>} : memref<512xf32, #tpu.memory_space<vmem>>, vector<16xf32>,
          %get3A_1041 = vector.shape_cast %get3A_1040 : vector<16xf32> to vector<16xf32>
          %get3A_1042 = arith.index_cast %while3A_585 : i32 to index
          %get3A_1043 = arith.constant 128 : index
          %get3A_1044 = tpu.vector_load %arg6[%get3A_1042, %get3A_1043] {strides = array<i32>} : memref<64x512xf32, #tpu.memory_space<vmem>>, vector<1x16xf32>,
          %get3A_1045 = vector.shape_cast %get3A_1044 : vector<1x16xf32> to vector<16xf32>
          %mul3A_1046 = arith.mulf %exp3A_930, %get3A_1045 : vector<16xf32>
          %add3A_1047 = arith.addf %get3A_1041, %mul3A_1046 : vector<16xf32>
          %swap3A_1048 = arith.constant 128 : index
          %swap3A_1049 = tpu.vector_load %arg9[%swap3A_1048] {strides = array<i32>} : memref<512xf32, #tpu.memory_space<vmem>>, vector<16xf32>,
          %swap3A_1050 = vector.shape_cast %swap3A_1049 : vector<16xf32> to vector<16xf32>
          %swap3A_1051 = vector.shape_cast %add3A_1047 : vector<16xf32> to vector<16xf32>
          tpu.vector_store %arg9[%swap3A_1048], %swap3A_1051 {strides = array<i32>} : memref<512xf32, #tpu.memory_space<vmem>>, vector<16xf32>,
          %get3A_1052 = arith.constant 144 : index
          %get3A_1053 = tpu.vector_load %arg9[%get3A_1052] {strides = array<i32>} : memref<512xf32, #tpu.memory_space<vmem>>, vector<16xf32>,
          %get3A_1054 = vector.shape_cast %get3A_1053 : vector<16xf32> to vector<16xf32>
          %get3A_1055 = arith.index_cast %while3A_585 : i32 to index
          %get3A_1056 = arith.constant 144 : index
          %get3A_1057 = tpu.vector_load %arg6[%get3A_1055, %get3A_1056] {strides = array<i32>} : memref<64x512xf32, #tpu.memory_space<vmem>>, vector<1x16xf32>,
          %get3A_1058 = vector.shape_cast %get3A_1057 : vector<1x16xf32> to vector<16xf32>
          %mul3A_1059 = arith.mulf %exp3A_930, %get3A_1058 : vector<16xf32>
          %add3A_1060 = arith.addf %get3A_1054, %mul3A_1059 : vector<16xf32>
          %swap3A_1061 = arith.constant 144 : index
          %swap3A_1062 = tpu.vector_load %arg9[%swap3A_1061] {strides = array<i32>} : memref<512xf32, #tpu.memory_space<vmem>>, vector<16xf32>,
          %swap3A_1063 = vector.shape_cast %swap3A_1062 : vector<16xf32> to vector<16xf32>
          %swap3A_1064 = vector.shape_cast %add3A_1060 : vector<16xf32> to vector<16xf32>
          tpu.vector_store %arg9[%swap3A_1061], %swap3A_1064 {strides = array<i32>} : memref<512xf32, #tpu.memory_space<vmem>>, vector<16xf32>,
          %get3A_1065 = arith.constant 160 : index
          %get3A_1066 = tpu.vector_load %arg9[%get3A_1065] {strides = array<i32>} : memref<512xf32, #tpu.memory_space<vmem>>, vector<16xf32>,
          %get3A_1067 = vector.shape_cast %get3A_1066 : vector<16xf32> to vector<16xf32>
          %get3A_1068 = arith.index_cast %while3A_585 : i32 to index
          %get3A_1069 = arith.constant 160 : index
          %get3A_1070 = tpu.vector_load %arg6[%get3A_1068, %get3A_1069] {strides = array<i32>} : memref<64x512xf32, #tpu.memory_space<vmem>>, vector<1x16xf32>,
          %get3A_1071 = vector.shape_cast %get3A_1070 : vector<1x16xf32> to vector<16xf32>
          %mul3A_1072 = arith.mulf %exp3A_930, %get3A_1071 : vector<16xf32>
          %add3A_1073 = arith.addf %get3A_1067, %mul3A_1072 : vector<16xf32>
          %swap3A_1074 = arith.constant 160 : index
          %swap3A_1075 = tpu.vector_load %arg9[%swap3A_1074] {strides = array<i32>} : memref<512xf32, #tpu.memory_space<vmem>>, vector<16xf32>,
          %swap3A_1076 = vector.shape_cast %swap3A_1075 : vector<16xf32> to vector<16xf32>
          %swap3A_1077 = vector.shape_cast %add3A_1073 : vector<16xf32> to vector<16xf32>
          tpu.vector_store %arg9[%swap3A_1074], %swap3A_1077 {strides = array<i32>} : memref<512xf32, #tpu.memory_space<vmem>>, vector<16xf32>,
          %get3A_1078 = arith.constant 176 : index
          %get3A_1079 = tpu.vector_load %arg9[%get3A_1078] {strides = array<i32>} : memref<512xf32, #tpu.memory_space<vmem>>, vector<16xf32>,
          %get3A_1080 = vector.shape_cast %get3A_1079 : vector<16xf32> to vector<16xf32>
          %get3A_1081 = arith.index_cast %while3A_585 : i32 to index
          %get3A_1082 = arith.constant 176 : index
          %get3A_1083 = tpu.vector_load %arg6[%get3A_1081, %get3A_1082] {strides = array<i32>} : memref<64x512xf32, #tpu.memory_space<vmem>>, vector<1x16xf32>,
          %get3A_1084 = vector.shape_cast %get3A_1083 : vector<1x16xf32> to vector<16xf32>
          %mul3A_1085 = arith.mulf %exp3A_930, %get3A_1084 : vector<16xf32>
          %add3A_1086 = arith.addf %get3A_1080, %mul3A_1085 : vector<16xf32>
          %swap3A_1087 = arith.constant 176 : index
          %swap3A_1088 = tpu.vector_load %arg9[%swap3A_1087] {strides = array<i32>} : memref<512xf32, #tpu.memory_space<vmem>>, vector<16xf32>,
          %swap3A_1089 = vector.shape_cast %swap3A_1088 : vector<16xf32> to vector<16xf32>
          %swap3A_1090 = vector.shape_cast %add3A_1086 : vector<16xf32> to vector<16xf32>
          tpu.vector_store %arg9[%swap3A_1087], %swap3A_1090 {strides = array<i32>} : memref<512xf32, #tpu.memory_space<vmem>>, vector<16xf32>,
          %get3A_1091 = arith.constant 192 : index
          %get3A_1092 = tpu.vector_load %arg9[%get3A_1091] {strides = array<i32>} : memref<512xf32, #tpu.memory_space<vmem>>, vector<16xf32>,
          %get3A_1093 = vector.shape_cast %get3A_1092 : vector<16xf32> to vector<16xf32>
          %get3A_1094 = arith.index_cast %while3A_585 : i32 to index
          %get3A_1095 = arith.constant 192 : index
          %get3A_1096 = tpu.vector_load %arg6[%get3A_1094, %get3A_1095] {strides = array<i32>} : memref<64x512xf32, #tpu.memory_space<vmem>>, vector<1x16xf32>,
          %get3A_1097 = vector.shape_cast %get3A_1096 : vector<1x16xf32> to vector<16xf32>
          %mul3A_1098 = arith.mulf %exp3A_930, %get3A_1097 : vector<16xf32>
          %add3A_1099 = arith.addf %get3A_1093, %mul3A_1098 : vector<16xf32>
          %swap3A_1100 = arith.constant 192 : index
          %swap3A_1101 = tpu.vector_load %arg9[%swap3A_1100] {strides = array<i32>} : memref<512xf32, #tpu.memory_space<vmem>>, vector<16xf32>,
          %swap3A_1102 = vector.shape_cast %swap3A_1101 : vector<16xf32> to vector<16xf32>
          %swap3A_1103 = vector.shape_cast %add3A_1099 : vector<16xf32> to vector<16xf32>
          tpu.vector_store %arg9[%swap3A_1100], %swap3A_1103 {strides = array<i32>} : memref<512xf32, #tpu.memory_space<vmem>>, vector<16xf32>,
          %get3A_1104 = arith.constant 208 : index
          %get3A_1105 = tpu.vector_load %arg9[%get3A_1104] {strides = array<i32>} : memref<512xf32, #tpu.memory_space<vmem>>, vector<16xf32>,
          %get3A_1106 = vector.shape_cast %get3A_1105 : vector<16xf32> to vector<16xf32>
          %get3A_1107 = arith.index_cast %while3A_585 : i32 to index
          %get3A_1108 = arith.constant 208 : index
          %get3A_1109 = tpu.vector_load %arg6[%get3A_1107, %get3A_1108] {strides = array<i32>} : memref<64x512xf32, #tpu.memory_space<vmem>>, vector<1x16xf32>,
          %get3A_1110 = vector.shape_cast %get3A_1109 : vector<1x16xf32> to vector<16xf32>
          %mul3A_1111 = arith.mulf %exp3A_930, %get3A_1110 : vector<16xf32>
          %add3A_1112 = arith.addf %get3A_1106, %mul3A_1111 : vector<16xf32>
          %swap3A_1113 = arith.constant 208 : index
          %swap3A_1114 = tpu.vector_load %arg9[%swap3A_1113] {strides = array<i32>} : memref<512xf32, #tpu.memory_space<vmem>>, vector<16xf32>,
          %swap3A_1115 = vector.shape_cast %swap3A_1114 : vector<16xf32> to vector<16xf32>
          %swap3A_1116 = vector.shape_cast %add3A_1112 : vector<16xf32> to vector<16xf32>
          tpu.vector_store %arg9[%swap3A_1113], %swap3A_1116 {strides = array<i32>} : memref<512xf32, #tpu.memory_space<vmem>>, vector<16xf32>,
          %get3A_1117 = arith.constant 224 : index
          %get3A_1118 = tpu.vector_load %arg9[%get3A_1117] {strides = array<i32>} : memref<512xf32, #tpu.memory_space<vmem>>, vector<16xf32>,
          %get3A_1119 = vector.shape_cast %get3A_1118 : vector<16xf32> to vector<16xf32>
          %get3A_1120 = arith.index_cast %while3A_585 : i32 to index
          %get3A_1121 = arith.constant 224 : index
          %get3A_1122 = tpu.vector_load %arg6[%get3A_1120, %get3A_1121] {strides = array<i32>} : memref<64x512xf32, #tpu.memory_space<vmem>>, vector<1x16xf32>,
          %get3A_1123 = vector.shape_cast %get3A_1122 : vector<1x16xf32> to vector<16xf32>
          %mul3A_1124 = arith.mulf %exp3A_930, %get3A_1123 : vector<16xf32>
          %add3A_1125 = arith.addf %get3A_1119, %mul3A_1124 : vector<16xf32>
          %swap3A_1126 = arith.constant 224 : index
          %swap3A_1127 = tpu.vector_load %arg9[%swap3A_1126] {strides = array<i32>} : memref<512xf32, #tpu.memory_space<vmem>>, vector<16xf32>,
          %swap3A_1128 = vector.shape_cast %swap3A_1127 : vector<16xf32> to vector<16xf32>
          %swap3A_1129 = vector.shape_cast %add3A_1125 : vector<16xf32> to vector<16xf32>
          tpu.vector_store %arg9[%swap3A_1126], %swap3A_1129 {strides = array<i32>} : memref<512xf32, #tpu.memory_space<vmem>>, vector<16xf32>,
          %get3A_1130 = arith.constant 240 : index
          %get3A_1131 = tpu.vector_load %arg9[%get3A_1130] {strides = array<i32>} : memref<512xf32, #tpu.memory_space<vmem>>, vector<16xf32>,
          %get3A_1132 = vector.shape_cast %get3A_1131 : vector<16xf32> to vector<16xf32>
          %get3A_1133 = arith.index_cast %while3A_585 : i32 to index
          %get3A_1134 = arith.constant 240 : index
          %get3A_1135 = tpu.vector_load %arg6[%get3A_1133, %get3A_1134] {strides = array<i32>} : memref<64x512xf32, #tpu.memory_space<vmem>>, vector<1x16xf32>,
          %get3A_1136 = vector.shape_cast %get3A_1135 : vector<1x16xf32> to vector<16xf32>
          %mul3A_1137 = arith.mulf %exp3A_930, %get3A_1136 : vector<16xf32>
          %add3A_1138 = arith.addf %get3A_1132, %mul3A_1137 : vector<16xf32>
          %swap3A_1139 = arith.constant 240 : index
          %swap3A_1140 = tpu.vector_load %arg9[%swap3A_1139] {strides = array<i32>} : memref<512xf32, #tpu.memory_space<vmem>>, vector<16xf32>,
          %swap3A_1141 = vector.shape_cast %swap3A_1140 : vector<16xf32> to vector<16xf32>
          %swap3A_1142 = vector.shape_cast %add3A_1138 : vector<16xf32> to vector<16xf32>
          tpu.vector_store %arg9[%swap3A_1139], %swap3A_1142 {strides = array<i32>} : memref<512xf32, #tpu.memory_space<vmem>>, vector<16xf32>,
          %get3A_1143 = arith.constant 256 : index
          %get3A_1144 = tpu.vector_load %arg9[%get3A_1143] {strides = array<i32>} : memref<512xf32, #tpu.memory_space<vmem>>, vector<16xf32>,
          %get3A_1145 = vector.shape_cast %get3A_1144 : vector<16xf32> to vector<16xf32>
          %get3A_1146 = arith.index_cast %while3A_585 : i32 to index
          %get3A_1147 = arith.constant 256 : index
          %get3A_1148 = tpu.vector_load %arg6[%get3A_1146, %get3A_1147] {strides = array<i32>} : memref<64x512xf32, #tpu.memory_space<vmem>>, vector<1x16xf32>,
          %get3A_1149 = vector.shape_cast %get3A_1148 : vector<1x16xf32> to vector<16xf32>
          %mul3A_1150 = arith.mulf %exp3A_930, %get3A_1149 : vector<16xf32>
          %add3A_1151 = arith.addf %get3A_1145, %mul3A_1150 : vector<16xf32>
          %swap3A_1152 = arith.constant 256 : index
          %swap3A_1153 = tpu.vector_load %arg9[%swap3A_1152] {strides = array<i32>} : memref<512xf32, #tpu.memory_space<vmem>>, vector<16xf32>,
          %swap3A_1154 = vector.shape_cast %swap3A_1153 : vector<16xf32> to vector<16xf32>
          %swap3A_1155 = vector.shape_cast %add3A_1151 : vector<16xf32> to vector<16xf32>
          tpu.vector_store %arg9[%swap3A_1152], %swap3A_1155 {strides = array<i32>} : memref<512xf32, #tpu.memory_space<vmem>>, vector<16xf32>,
          %get3A_1156 = arith.constant 272 : index
          %get3A_1157 = tpu.vector_load %arg9[%get3A_1156] {strides = array<i32>} : memref<512xf32, #tpu.memory_space<vmem>>, vector<16xf32>,
          %get3A_1158 = vector.shape_cast %get3A_1157 : vector<16xf32> to vector<16xf32>
          %get3A_1159 = arith.index_cast %while3A_585 : i32 to index
          %get3A_1160 = arith.constant 272 : index
          %get3A_1161 = tpu.vector_load %arg6[%get3A_1159, %get3A_1160] {strides = array<i32>} : memref<64x512xf32, #tpu.memory_space<vmem>>, vector<1x16xf32>,
          %get3A_1162 = vector.shape_cast %get3A_1161 : vector<1x16xf32> to vector<16xf32>
          %mul3A_1163 = arith.mulf %exp3A_930, %get3A_1162 : vector<16xf32>
          %add3A_1164 = arith.addf %get3A_1158, %mul3A_1163 : vector<16xf32>
          %swap3A_1165 = arith.constant 272 : index
          %swap3A_1166 = tpu.vector_load %arg9[%swap3A_1165] {strides = array<i32>} : memref<512xf32, #tpu.memory_space<vmem>>, vector<16xf32>,
          %swap3A_1167 = vector.shape_cast %swap3A_1166 : vector<16xf32> to vector<16xf32>
          %swap3A_1168 = vector.shape_cast %add3A_1164 : vector<16xf32> to vector<16xf32>
          tpu.vector_store %arg9[%swap3A_1165], %swap3A_1168 {strides = array<i32>} : memref<512xf32, #tpu.memory_space<vmem>>, vector<16xf32>,
          %get3A_1169 = arith.constant 288 : index
          %get3A_1170 = tpu.vector_load %arg9[%get3A_1169] {strides = array<i32>} : memref<512xf32, #tpu.memory_space<vmem>>, vector<16xf32>,
          %get3A_1171 = vector.shape_cast %get3A_1170 : vector<16xf32> to vector<16xf32>
          %get3A_1172 = arith.index_cast %while3A_585 : i32 to index
          %get3A_1173 = arith.constant 288 : index
          %get3A_1174 = tpu.vector_load %arg6[%get3A_1172, %get3A_1173] {strides = array<i32>} : memref<64x512xf32, #tpu.memory_space<vmem>>, vector<1x16xf32>,
          %get3A_1175 = vector.shape_cast %get3A_1174 : vector<1x16xf32> to vector<16xf32>
          %mul3A_1176 = arith.mulf %exp3A_930, %get3A_1175 : vector<16xf32>
          %add3A_1177 = arith.addf %get3A_1171, %mul3A_1176 : vector<16xf32>
          %swap3A_1178 = arith.constant 288 : index
          %swap3A_1179 = tpu.vector_load %arg9[%swap3A_1178] {strides = array<i32>} : memref<512xf32, #tpu.memory_space<vmem>>, vector<16xf32>,
          %swap3A_1180 = vector.shape_cast %swap3A_1179 : vector<16xf32> to vector<16xf32>
          %swap3A_1181 = vector.shape_cast %add3A_1177 : vector<16xf32> to vector<16xf32>
          tpu.vector_store %arg9[%swap3A_1178], %swap3A_1181 {strides = array<i32>} : memref<512xf32, #tpu.memory_space<vmem>>, vector<16xf32>,
          %get3A_1182 = arith.constant 304 : index
          %get3A_1183 = tpu.vector_load %arg9[%get3A_1182] {strides = array<i32>} : memref<512xf32, #tpu.memory_space<vmem>>, vector<16xf32>,
          %get3A_1184 = vector.shape_cast %get3A_1183 : vector<16xf32> to vector<16xf32>
          %get3A_1185 = arith.index_cast %while3A_585 : i32 to index
          %get3A_1186 = arith.constant 304 : index
          %get3A_1187 = tpu.vector_load %arg6[%get3A_1185, %get3A_1186] {strides = array<i32>} : memref<64x512xf32, #tpu.memory_space<vmem>>, vector<1x16xf32>,
          %get3A_1188 = vector.shape_cast %get3A_1187 : vector<1x16xf32> to vector<16xf32>
          %mul3A_1189 = arith.mulf %exp3A_930, %get3A_1188 : vector<16xf32>
          %add3A_1190 = arith.addf %get3A_1184, %mul3A_1189 : vector<16xf32>
          %swap3A_1191 = arith.constant 304 : index
          %swap3A_1192 = tpu.vector_load %arg9[%swap3A_1191] {strides = array<i32>} : memref<512xf32, #tpu.memory_space<vmem>>, vector<16xf32>,
          %swap3A_1193 = vector.shape_cast %swap3A_1192 : vector<16xf32> to vector<16xf32>
          %swap3A_1194 = vector.shape_cast %add3A_1190 : vector<16xf32> to vector<16xf32>
          tpu.vector_store %arg9[%swap3A_1191], %swap3A_1194 {strides = array<i32>} : memref<512xf32, #tpu.memory_space<vmem>>, vector<16xf32>,
          %get3A_1195 = arith.constant 320 : index
          %get3A_1196 = tpu.vector_load %arg9[%get3A_1195] {strides = array<i32>} : memref<512xf32, #tpu.memory_space<vmem>>, vector<16xf32>,
          %get3A_1197 = vector.shape_cast %get3A_1196 : vector<16xf32> to vector<16xf32>
          %get3A_1198 = arith.index_cast %while3A_585 : i32 to index
          %get3A_1199 = arith.constant 320 : index
          %get3A_1200 = tpu.vector_load %arg6[%get3A_1198, %get3A_1199] {strides = array<i32>} : memref<64x512xf32, #tpu.memory_space<vmem>>, vector<1x16xf32>,
          %get3A_1201 = vector.shape_cast %get3A_1200 : vector<1x16xf32> to vector<16xf32>
          %mul3A_1202 = arith.mulf %exp3A_930, %get3A_1201 : vector<16xf32>
          %add3A_1203 = arith.addf %get3A_1197, %mul3A_1202 : vector<16xf32>
          %swap3A_1204 = arith.constant 320 : index
          %swap3A_1205 = tpu.vector_load %arg9[%swap3A_1204] {strides = array<i32>} : memref<512xf32, #tpu.memory_space<vmem>>, vector<16xf32>,
          %swap3A_1206 = vector.shape_cast %swap3A_1205 : vector<16xf32> to vector<16xf32>
          %swap3A_1207 = vector.shape_cast %add3A_1203 : vector<16xf32> to vector<16xf32>
          tpu.vector_store %arg9[%swap3A_1204], %swap3A_1207 {strides = array<i32>} : memref<512xf32, #tpu.memory_space<vmem>>, vector<16xf32>,
          %get3A_1208 = arith.constant 336 : index
          %get3A_1209 = tpu.vector_load %arg9[%get3A_1208] {strides = array<i32>} : memref<512xf32, #tpu.memory_space<vmem>>, vector<16xf32>,
          %get3A_1210 = vector.shape_cast %get3A_1209 : vector<16xf32> to vector<16xf32>
          %get3A_1211 = arith.index_cast %while3A_585 : i32 to index
          %get3A_1212 = arith.constant 336 : index
          %get3A_1213 = tpu.vector_load %arg6[%get3A_1211, %get3A_1212] {strides = array<i32>} : memref<64x512xf32, #tpu.memory_space<vmem>>, vector<1x16xf32>,
          %get3A_1214 = vector.shape_cast %get3A_1213 : vector<1x16xf32> to vector<16xf32>
          %mul3A_1215 = arith.mulf %exp3A_930, %get3A_1214 : vector<16xf32>
          %add3A_1216 = arith.addf %get3A_1210, %mul3A_1215 : vector<16xf32>
          %swap3A_1217 = arith.constant 336 : index
          %swap3A_1218 = tpu.vector_load %arg9[%swap3A_1217] {strides = array<i32>} : memref<512xf32, #tpu.memory_space<vmem>>, vector<16xf32>,
          %swap3A_1219 = vector.shape_cast %swap3A_1218 : vector<16xf32> to vector<16xf32>
          %swap3A_1220 = vector.shape_cast %add3A_1216 : vector<16xf32> to vector<16xf32>
          tpu.vector_store %arg9[%swap3A_1217], %swap3A_1220 {strides = array<i32>} : memref<512xf32, #tpu.memory_space<vmem>>, vector<16xf32>,
          %get3A_1221 = arith.constant 352 : index
          %get3A_1222 = tpu.vector_load %arg9[%get3A_1221] {strides = array<i32>} : memref<512xf32, #tpu.memory_space<vmem>>, vector<16xf32>,
          %get3A_1223 = vector.shape_cast %get3A_1222 : vector<16xf32> to vector<16xf32>
          %get3A_1224 = arith.index_cast %while3A_585 : i32 to index
          %get3A_1225 = arith.constant 352 : index
          %get3A_1226 = tpu.vector_load %arg6[%get3A_1224, %get3A_1225] {strides = array<i32>} : memref<64x512xf32, #tpu.memory_space<vmem>>, vector<1x16xf32>,
          %get3A_1227 = vector.shape_cast %get3A_1226 : vector<1x16xf32> to vector<16xf32>
          %mul3A_1228 = arith.mulf %exp3A_930, %get3A_1227 : vector<16xf32>
          %add3A_1229 = arith.addf %get3A_1223, %mul3A_1228 : vector<16xf32>
          %swap3A_1230 = arith.constant 352 : index
          %swap3A_1231 = tpu.vector_load %arg9[%swap3A_1230] {strides = array<i32>} : memref<512xf32, #tpu.memory_space<vmem>>, vector<16xf32>,
          %swap3A_1232 = vector.shape_cast %swap3A_1231 : vector<16xf32> to vector<16xf32>
          %swap3A_1233 = vector.shape_cast %add3A_1229 : vector<16xf32> to vector<16xf32>
          tpu.vector_store %arg9[%swap3A_1230], %swap3A_1233 {strides = array<i32>} : memref<512xf32, #tpu.memory_space<vmem>>, vector<16xf32>,
          %get3A_1234 = arith.constant 368 : index
          %get3A_1235 = tpu.vector_load %arg9[%get3A_1234] {strides = array<i32>} : memref<512xf32, #tpu.memory_space<vmem>>, vector<16xf32>,
          %get3A_1236 = vector.shape_cast %get3A_1235 : vector<16xf32> to vector<16xf32>
          %get3A_1237 = arith.index_cast %while3A_585 : i32 to index
          %get3A_1238 = arith.constant 368 : index
          %get3A_1239 = tpu.vector_load %arg6[%get3A_1237, %get3A_1238] {strides = array<i32>} : memref<64x512xf32, #tpu.memory_space<vmem>>, vector<1x16xf32>,
          %get3A_1240 = vector.shape_cast %get3A_1239 : vector<1x16xf32> to vector<16xf32>
          %mul3A_1241 = arith.mulf %exp3A_930, %get3A_1240 : vector<16xf32>
          %add3A_1242 = arith.addf %get3A_1236, %mul3A_1241 : vector<16xf32>
          %swap3A_1243 = arith.constant 368 : index
          %swap3A_1244 = tpu.vector_load %arg9[%swap3A_1243] {strides = array<i32>} : memref<512xf32, #tpu.memory_space<vmem>>, vector<16xf32>,
          %swap3A_1245 = vector.shape_cast %swap3A_1244 : vector<16xf32> to vector<16xf32>
          %swap3A_1246 = vector.shape_cast %add3A_1242 : vector<16xf32> to vector<16xf32>
          tpu.vector_store %arg9[%swap3A_1243], %swap3A_1246 {strides = array<i32>} : memref<512xf32, #tpu.memory_space<vmem>>, vector<16xf32>,
          %get3A_1247 = arith.constant 384 : index
          %get3A_1248 = tpu.vector_load %arg9[%get3A_1247] {strides = array<i32>} : memref<512xf32, #tpu.memory_space<vmem>>, vector<16xf32>,
          %get3A_1249 = vector.shape_cast %get3A_1248 : vector<16xf32> to vector<16xf32>
          %get3A_1250 = arith.index_cast %while3A_585 : i32 to index
          %get3A_1251 = arith.constant 384 : index
          %get3A_1252 = tpu.vector_load %arg6[%get3A_1250, %get3A_1251] {strides = array<i32>} : memref<64x512xf32, #tpu.memory_space<vmem>>, vector<1x16xf32>,
          %get3A_1253 = vector.shape_cast %get3A_1252 : vector<1x16xf32> to vector<16xf32>
          %mul3A_1254 = arith.mulf %exp3A_930, %get3A_1253 : vector<16xf32>
          %add3A_1255 = arith.addf %get3A_1249, %mul3A_1254 : vector<16xf32>
          %swap3A_1256 = arith.constant 384 : index
          %swap3A_1257 = tpu.vector_load %arg9[%swap3A_1256] {strides = array<i32>} : memref<512xf32, #tpu.memory_space<vmem>>, vector<16xf32>,
          %swap3A_1258 = vector.shape_cast %swap3A_1257 : vector<16xf32> to vector<16xf32>
          %swap3A_1259 = vector.shape_cast %add3A_1255 : vector<16xf32> to vector<16xf32>
          tpu.vector_store %arg9[%swap3A_1256], %swap3A_1259 {strides = array<i32>} : memref<512xf32, #tpu.memory_space<vmem>>, vector<16xf32>,
          %get3A_1260 = arith.constant 400 : index
          %get3A_1261 = tpu.vector_load %arg9[%get3A_1260] {strides = array<i32>} : memref<512xf32, #tpu.memory_space<vmem>>, vector<16xf32>,
          %get3A_1262 = vector.shape_cast %get3A_1261 : vector<16xf32> to vector<16xf32>
          %get3A_1263 = arith.index_cast %while3A_585 : i32 to index
          %get3A_1264 = arith.constant 400 : index
          %get3A_1265 = tpu.vector_load %arg6[%get3A_1263, %get3A_1264] {strides = array<i32>} : memref<64x512xf32, #tpu.memory_space<vmem>>, vector<1x16xf32>,
          %get3A_1266 = vector.shape_cast %get3A_1265 : vector<1x16xf32> to vector<16xf32>
          %mul3A_1267 = arith.mulf %exp3A_930, %get3A_1266 : vector<16xf32>
          %add3A_1268 = arith.addf %get3A_1262, %mul3A_1267 : vector<16xf32>
          %swap3A_1269 = arith.constant 400 : index
          %swap3A_1270 = tpu.vector_load %arg9[%swap3A_1269] {strides = array<i32>} : memref<512xf32, #tpu.memory_space<vmem>>, vector<16xf32>,
          %swap3A_1271 = vector.shape_cast %swap3A_1270 : vector<16xf32> to vector<16xf32>
          %swap3A_1272 = vector.shape_cast %add3A_1268 : vector<16xf32> to vector<16xf32>
          tpu.vector_store %arg9[%swap3A_1269], %swap3A_1272 {strides = array<i32>} : memref<512xf32, #tpu.memory_space<vmem>>, vector<16xf32>,
          %get3A_1273 = arith.constant 416 : index
          %get3A_1274 = tpu.vector_load %arg9[%get3A_1273] {strides = array<i32>} : memref<512xf32, #tpu.memory_space<vmem>>, vector<16xf32>,
          %get3A_1275 = vector.shape_cast %get3A_1274 : vector<16xf32> to vector<16xf32>
          %get3A_1276 = arith.index_cast %while3A_585 : i32 to index
          %get3A_1277 = arith.constant 416 : index
          %get3A_1278 = tpu.vector_load %arg6[%get3A_1276, %get3A_1277] {strides = array<i32>} : memref<64x512xf32, #tpu.memory_space<vmem>>, vector<1x16xf32>,
          %get3A_1279 = vector.shape_cast %get3A_1278 : vector<1x16xf32> to vector<16xf32>
          %mul3A_1280 = arith.mulf %exp3A_930, %get3A_1279 : vector<16xf32>
          %add3A_1281 = arith.addf %get3A_1275, %mul3A_1280 : vector<16xf32>
          %swap3A_1282 = arith.constant 416 : index
          %swap3A_1283 = tpu.vector_load %arg9[%swap3A_1282] {strides = array<i32>} : memref<512xf32, #tpu.memory_space<vmem>>, vector<16xf32>,
          %swap3A_1284 = vector.shape_cast %swap3A_1283 : vector<16xf32> to vector<16xf32>
          %swap3A_1285 = vector.shape_cast %add3A_1281 : vector<16xf32> to vector<16xf32>
          tpu.vector_store %arg9[%swap3A_1282], %swap3A_1285 {strides = array<i32>} : memref<512xf32, #tpu.memory_space<vmem>>, vector<16xf32>,
          %get3A_1286 = arith.constant 432 : index
          %get3A_1287 = tpu.vector_load %arg9[%get3A_1286] {strides = array<i32>} : memref<512xf32, #tpu.memory_space<vmem>>, vector<16xf32>,
          %get3A_1288 = vector.shape_cast %get3A_1287 : vector<16xf32> to vector<16xf32>
          %get3A_1289 = arith.index_cast %while3A_585 : i32 to index
          %get3A_1290 = arith.constant 432 : index
          %get3A_1291 = tpu.vector_load %arg6[%get3A_1289, %get3A_1290] {strides = array<i32>} : memref<64x512xf32, #tpu.memory_space<vmem>>, vector<1x16xf32>,
          %get3A_1292 = vector.shape_cast %get3A_1291 : vector<1x16xf32> to vector<16xf32>
          %mul3A_1293 = arith.mulf %exp3A_930, %get3A_1292 : vector<16xf32>
          %add3A_1294 = arith.addf %get3A_1288, %mul3A_1293 : vector<16xf32>
          %swap3A_1295 = arith.constant 432 : index
          %swap3A_1296 = tpu.vector_load %arg9[%swap3A_1295] {strides = array<i32>} : memref<512xf32, #tpu.memory_space<vmem>>, vector<16xf32>,
          %swap3A_1297 = vector.shape_cast %swap3A_1296 : vector<16xf32> to vector<16xf32>
          %swap3A_1298 = vector.shape_cast %add3A_1294 : vector<16xf32> to vector<16xf32>
          tpu.vector_store %arg9[%swap3A_1295], %swap3A_1298 {strides = array<i32>} : memref<512xf32, #tpu.memory_space<vmem>>, vector<16xf32>,
          %get3A_1299 = arith.constant 448 : index
          %get3A_1300 = tpu.vector_load %arg9[%get3A_1299] {strides = array<i32>} : memref<512xf32, #tpu.memory_space<vmem>>, vector<16xf32>,
          %get3A_1301 = vector.shape_cast %get3A_1300 : vector<16xf32> to vector<16xf32>
          %get3A_1302 = arith.index_cast %while3A_585 : i32 to index
          %get3A_1303 = arith.constant 448 : index
          %get3A_1304 = tpu.vector_load %arg6[%get3A_1302, %get3A_1303] {strides = array<i32>} : memref<64x512xf32, #tpu.memory_space<vmem>>, vector<1x16xf32>,
          %get3A_1305 = vector.shape_cast %get3A_1304 : vector<1x16xf32> to vector<16xf32>
          %mul3A_1306 = arith.mulf %exp3A_930, %get3A_1305 : vector<16xf32>
          %add3A_1307 = arith.addf %get3A_1301, %mul3A_1306 : vector<16xf32>
          %swap3A_1308 = arith.constant 448 : index
          %swap3A_1309 = tpu.vector_load %arg9[%swap3A_1308] {strides = array<i32>} : memref<512xf32, #tpu.memory_space<vmem>>, vector<16xf32>,
          %swap3A_1310 = vector.shape_cast %swap3A_1309 : vector<16xf32> to vector<16xf32>
          %swap3A_1311 = vector.shape_cast %add3A_1307 : vector<16xf32> to vector<16xf32>
          tpu.vector_store %arg9[%swap3A_1308], %swap3A_1311 {strides = array<i32>} : memref<512xf32, #tpu.memory_space<vmem>>, vector<16xf32>,
          %get3A_1312 = arith.constant 464 : index
          %get3A_1313 = tpu.vector_load %arg9[%get3A_1312] {strides = array<i32>} : memref<512xf32, #tpu.memory_space<vmem>>, vector<16xf32>,
          %get3A_1314 = vector.shape_cast %get3A_1313 : vector<16xf32> to vector<16xf32>
          %get3A_1315 = arith.index_cast %while3A_585 : i32 to index
          %get3A_1316 = arith.constant 464 : index
          %get3A_1317 = tpu.vector_load %arg6[%get3A_1315, %get3A_1316] {strides = array<i32>} : memref<64x512xf32, #tpu.memory_space<vmem>>, vector<1x16xf32>,
          %get3A_1318 = vector.shape_cast %get3A_1317 : vector<1x16xf32> to vector<16xf32>
          %mul3A_1319 = arith.mulf %exp3A_930, %get3A_1318 : vector<16xf32>
          %add3A_1320 = arith.addf %get3A_1314, %mul3A_1319 : vector<16xf32>
          %swap3A_1321 = arith.constant 464 : index
          %swap3A_1322 = tpu.vector_load %arg9[%swap3A_1321] {strides = array<i32>} : memref<512xf32, #tpu.memory_space<vmem>>, vector<16xf32>,
          %swap3A_1323 = vector.shape_cast %swap3A_1322 : vector<16xf32> to vector<16xf32>
          %swap3A_1324 = vector.shape_cast %add3A_1320 : vector<16xf32> to vector<16xf32>
          tpu.vector_store %arg9[%swap3A_1321], %swap3A_1324 {strides = array<i32>} : memref<512xf32, #tpu.memory_space<vmem>>, vector<16xf32>,
          %get3A_1325 = arith.constant 480 : index
          %get3A_1326 = tpu.vector_load %arg9[%get3A_1325] {strides = array<i32>} : memref<512xf32, #tpu.memory_space<vmem>>, vector<16xf32>,
          %get3A_1327 = vector.shape_cast %get3A_1326 : vector<16xf32> to vector<16xf32>
          %get3A_1328 = arith.index_cast %while3A_585 : i32 to index
          %get3A_1329 = arith.constant 480 : index
          %get3A_1330 = tpu.vector_load %arg6[%get3A_1328, %get3A_1329] {strides = array<i32>} : memref<64x512xf32, #tpu.memory_space<vmem>>, vector<1x16xf32>,
          %get3A_1331 = vector.shape_cast %get3A_1330 : vector<1x16xf32> to vector<16xf32>
          %mul3A_1332 = arith.mulf %exp3A_930, %get3A_1331 : vector<16xf32>
          %add3A_1333 = arith.addf %get3A_1327, %mul3A_1332 : vector<16xf32>
          %swap3A_1334 = arith.constant 480 : index
          %swap3A_1335 = tpu.vector_load %arg9[%swap3A_1334] {strides = array<i32>} : memref<512xf32, #tpu.memory_space<vmem>>, vector<16xf32>,
          %swap3A_1336 = vector.shape_cast %swap3A_1335 : vector<16xf32> to vector<16xf32>
          %swap3A_1337 = vector.shape_cast %add3A_1333 : vector<16xf32> to vector<16xf32>
          tpu.vector_store %arg9[%swap3A_1334], %swap3A_1337 {strides = array<i32>} : memref<512xf32, #tpu.memory_space<vmem>>, vector<16xf32>,
          %get3A_1338 = arith.constant 496 : index
          %get3A_1339 = tpu.vector_load %arg9[%get3A_1338] {strides = array<i32>} : memref<512xf32, #tpu.memory_space<vmem>>, vector<16xf32>,
          %get3A_1340 = vector.shape_cast %get3A_1339 : vector<16xf32> to vector<16xf32>
          %get3A_1341 = arith.index_cast %while3A_585 : i32 to index
          %get3A_1342 = arith.constant 496 : index
          %get3A_1343 = tpu.vector_load %arg6[%get3A_1341, %get3A_1342] {strides = array<i32>} : memref<64x512xf32, #tpu.memory_space<vmem>>, vector<1x16xf32>,
          %get3A_1344 = vector.shape_cast %get3A_1343 : vector<1x16xf32> to vector<16xf32>
          %mul3A_1345 = arith.mulf %exp3A_930, %get3A_1344 : vector<16xf32>
          %add3A_1346 = arith.addf %get3A_1340, %mul3A_1345 : vector<16xf32>
          %swap3A_1347 = arith.constant 496 : index
          %swap3A_1348 = tpu.vector_load %arg9[%swap3A_1347] {strides = array<i32>} : memref<512xf32, #tpu.memory_space<vmem>>, vector<16xf32>,
          %swap3A_1349 = vector.shape_cast %swap3A_1348 : vector<16xf32> to vector<16xf32>
          %swap3A_1350 = vector.shape_cast %add3A_1346 : vector<16xf32> to vector<16xf32>
          tpu.vector_store %arg9[%swap3A_1347], %swap3A_1350 {strides = array<i32>} : memref<512xf32, #tpu.memory_space<vmem>>, vector<16xf32>,
          scf.yield %max3A_925, %add3A_932 : f32, vector<16xf32>
        }
        scf.yield %while3A_584#0, %while3A_584#1 : f32, vector<16xf32>
      }
      %while3A_264 = arith.constant 1 : i32
      %while3A_265:2 = scf.for %while3A_563 = %while3A_261 to %while3A_257 step %while3A_264 iter_args(%while3A_564 = %while3A_263#0, %while3A_565 = %while3A_263#1) -> (f32, vector<16xf32>)  : i32 {
        %mul3A_566 = arith.constant 64 : i32
        %mul3A_567 = arith.muli %while3A_563, %mul3A_566 : i32
        %add3A_568 = arith.addi %mul3A_223, %mul3A_567 : i32
        %min3A = arith.constant 99936 : i32
        %min3A_569 = arith.minsi %add3A_568, %min3A : i32
        %max3A = arith.maxsi %squeeze3A, %add3A_568 : i32
        %sub3A_570 = arith.subi %max3A, %min3A_569 : i32
        %add3A_571 = arith.constant 64 : i32
        %add3A_572 = arith.addi %add3A_568, %add3A_571 : i32
        %min3A_573 = arith.minsi %squeeze3A_15, %add3A_572 : i32
        %sub3A_574 = arith.subi %min3A_573, %min3A_569 : i32
        "tpu.region"() ({
          %run_scoped3A = tpu.sem_alloc : memref<!tpu.dma_semaphore, #tpu.memory_space<semaphore_mem>>
          %dma_start3A = arith.constant 0 : i32
          %dma_start3A_585 = tpu.memref_slice %arg2[%min3A_569, %dma_start3A] : memref<100000x512xf32, #tpu.memory_space<hbm>> -> memref<64x512xf32, #tpu.memory_space<hbm>>
          %dma_start3A_586 = arith.constant 0 : i32
          %dma_start3A_587 = tpu.memref_slice %arg2[%min3A_569, %dma_start3A_586] : memref<100000x512xf32, #tpu.memory_space<hbm>> -> memref<64x512xf32, #tpu.memory_space<hbm>>
          tpu.enqueue_dma source(%dma_start3A_587 : memref<64x512xf32, #tpu.memory_space<hbm>>) target(%arg6 : memref<64x512xf32, #tpu.memory_space<vmem>>) target_semaphore(%run_scoped3A : memref<!tpu.dma_semaphore, #tpu.memory_space<semaphore_mem>>)
          %dma_wait3A = arith.constant 0 : i32
          %dma_wait3A_588 = tpu.memref_slice %arg2[%min3A_569, %dma_wait3A] : memref<100000x512xf32, #tpu.memory_space<hbm>> -> memref<64x512xf32, #tpu.memory_space<hbm>>
          %dma_wait3A_589 = arith.constant 0 : i32
          %dma_wait3A_590 = tpu.memref_slice %arg2[%min3A_569, %dma_wait3A_589] : memref<100000x512xf32, #tpu.memory_space<hbm>> -> memref<64x512xf32, #tpu.memory_space<hbm>>
          tpu.wait_dma2 semaphore(%run_scoped3A : memref<!tpu.dma_semaphore, #tpu.memory_space<semaphore_mem>>) src(%dma_wait3A_590 : memref<64x512xf32, #tpu.memory_space<hbm>>) dst(%arg6 : memref<64x512xf32, #tpu.memory_space<vmem>>)
          tpu.yield
        }) : () -> ()
        %while3A_575 = arith.subi %sub3A_574, %sub3A_570 : i32
        %while3A_576 = arith.addi %sub3A_570, %while3A_575 : i32
        %while3A_577 = arith.constant 1 : i32
        %while3A_578 = arith.divsi %while3A_575, %while3A_577 : i32
        %while3A_579 = arith.muli %while3A_578, %while3A_577 : i32
        %while3A_580 = arith.addi %sub3A_570, %while3A_579 : i32
        %while3A_581 = arith.constant 1 : i32
        %while3A_582:2 = scf.for %while3A_585 = %sub3A_570 to %while3A_580 step %while3A_581 iter_args(%while3A_586 = %while3A_564, %while3A_587 = %while3A_565) -> (f32, vector<16xf32>)  : i32 {
          %broadcast_in_dim3A_588 = arith.constant 0.000000e+00 : f32
          %broadcast_in_dim3A_589 = vector.broadcast %broadcast_in_dim3A_588 : f32 to vector<16xf32>
          %get3A_590 = arith.index_cast %while3A_585 : i32 to index
          %get3A_591 = arith.constant 0 : index
          %get3A_592 = tpu.vector_load %arg6[%get3A_590, %get3A_591] {strides = array<i32>} : memref<64x512xf32, #tpu.memory_space<vmem>>, vector<1x16xf32>,
          %get3A_593 = vector.shape_cast %get3A_592 : vector<1x16xf32> to vector<16xf32>
          %get3A_594 = arith.constant 0 : index
          %get3A_595 = tpu.vector_load %arg7[%get3A_594] {strides = array<i32>} : memref<512xf32, #tpu.memory_space<vmem>>, vector<16xf32>,
          %get3A_596 = vector.shape_cast %get3A_595 : vector<16xf32> to vector<16xf32>
          %mul3A_597 = arith.mulf %get3A_593, %get3A_596 : vector<16xf32>
          %add3A_598 = arith.addf %broadcast_in_dim3A_589, %mul3A_597 : vector<16xf32>
          %get3A_599 = arith.index_cast %while3A_585 : i32 to index
          %get3A_600 = arith.constant 16 : index
          %get3A_601 = tpu.vector_load %arg6[%get3A_599, %get3A_600] {strides = array<i32>} : memref<64x512xf32, #tpu.memory_space<vmem>>, vector<1x16xf32>,
          %get3A_602 = vector.shape_cast %get3A_601 : vector<1x16xf32> to vector<16xf32>
          %get3A_603 = arith.constant 16 : index
          %get3A_604 = tpu.vector_load %arg7[%get3A_603] {strides = array<i32>} : memref<512xf32, #tpu.memory_space<vmem>>, vector<16xf32>,
          %get3A_605 = vector.shape_cast %get3A_604 : vector<16xf32> to vector<16xf32>
          %mul3A_606 = arith.mulf %get3A_602, %get3A_605 : vector<16xf32>
          %add3A_607 = arith.addf %add3A_598, %mul3A_606 : vector<16xf32>
          %get3A_608 = arith.index_cast %while3A_585 : i32 to index
          %get3A_609 = arith.constant 32 : index
          %get3A_610 = tpu.vector_load %arg6[%get3A_608, %get3A_609] {strides = array<i32>} : memref<64x512xf32, #tpu.memory_space<vmem>>, vector<1x16xf32>,
          %get3A_611 = vector.shape_cast %get3A_610 : vector<1x16xf32> to vector<16xf32>
          %get3A_612 = arith.constant 32 : index
          %get3A_613 = tpu.vector_load %arg7[%get3A_612] {strides = array<i32>} : memref<512xf32, #tpu.memory_space<vmem>>, vector<16xf32>,
          %get3A_614 = vector.shape_cast %get3A_613 : vector<16xf32> to vector<16xf32>
          %mul3A_615 = arith.mulf %get3A_611, %get3A_614 : vector<16xf32>
          %add3A_616 = arith.addf %add3A_607, %mul3A_615 : vector<16xf32>
          %get3A_617 = arith.index_cast %while3A_585 : i32 to index
          %get3A_618 = arith.constant 48 : index
          %get3A_619 = tpu.vector_load %arg6[%get3A_617, %get3A_618] {strides = array<i32>} : memref<64x512xf32, #tpu.memory_space<vmem>>, vector<1x16xf32>,
          %get3A_620 = vector.shape_cast %get3A_619 : vector<1x16xf32> to vector<16xf32>
          %get3A_621 = arith.constant 48 : index
          %get3A_622 = tpu.vector_load %arg7[%get3A_621] {strides = array<i32>} : memref<512xf32, #tpu.memory_space<vmem>>, vector<16xf32>,
          %get3A_623 = vector.shape_cast %get3A_622 : vector<16xf32> to vector<16xf32>
          %mul3A_624 = arith.mulf %get3A_620, %get3A_623 : vector<16xf32>
          %add3A_625 = arith.addf %add3A_616, %mul3A_624 : vector<16xf32>
          %get3A_626 = arith.index_cast %while3A_585 : i32 to index
          %get3A_627 = arith.constant 64 : index
          %get3A_628 = tpu.vector_load %arg6[%get3A_626, %get3A_627] {strides = array<i32>} : memref<64x512xf32, #tpu.memory_space<vmem>>, vector<1x16xf32>,
          %get3A_629 = vector.shape_cast %get3A_628 : vector<1x16xf32> to vector<16xf32>
          %get3A_630 = arith.constant 64 : index
          %get3A_631 = tpu.vector_load %arg7[%get3A_630] {strides = array<i32>} : memref<512xf32, #tpu.memory_space<vmem>>, vector<16xf32>,
          %get3A_632 = vector.shape_cast %get3A_631 : vector<16xf32> to vector<16xf32>
          %mul3A_633 = arith.mulf %get3A_629, %get3A_632 : vector<16xf32>
          %add3A_634 = arith.addf %add3A_625, %mul3A_633 : vector<16xf32>
          %get3A_635 = arith.index_cast %while3A_585 : i32 to index
          %get3A_636 = arith.constant 80 : index
          %get3A_637 = tpu.vector_load %arg6[%get3A_635, %get3A_636] {strides = array<i32>} : memref<64x512xf32, #tpu.memory_space<vmem>>, vector<1x16xf32>,
          %get3A_638 = vector.shape_cast %get3A_637 : vector<1x16xf32> to vector<16xf32>
          %get3A_639 = arith.constant 80 : index
          %get3A_640 = tpu.vector_load %arg7[%get3A_639] {strides = array<i32>} : memref<512xf32, #tpu.memory_space<vmem>>, vector<16xf32>,
          %get3A_641 = vector.shape_cast %get3A_640 : vector<16xf32> to vector<16xf32>
          %mul3A_642 = arith.mulf %get3A_638, %get3A_641 : vector<16xf32>
          %add3A_643 = arith.addf %add3A_634, %mul3A_642 : vector<16xf32>
          %get3A_644 = arith.index_cast %while3A_585 : i32 to index
          %get3A_645 = arith.constant 96 : index
          %get3A_646 = tpu.vector_load %arg6[%get3A_644, %get3A_645] {strides = array<i32>} : memref<64x512xf32, #tpu.memory_space<vmem>>, vector<1x16xf32>,
          %get3A_647 = vector.shape_cast %get3A_646 : vector<1x16xf32> to vector<16xf32>
          %get3A_648 = arith.constant 96 : index
          %get3A_649 = tpu.vector_load %arg7[%get3A_648] {strides = array<i32>} : memref<512xf32, #tpu.memory_space<vmem>>, vector<16xf32>,
          %get3A_650 = vector.shape_cast %get3A_649 : vector<16xf32> to vector<16xf32>
          %mul3A_651 = arith.mulf %get3A_647, %get3A_650 : vector<16xf32>
          %add3A_652 = arith.addf %add3A_643, %mul3A_651 : vector<16xf32>
          %get3A_653 = arith.index_cast %while3A_585 : i32 to index
          %get3A_654 = arith.constant 112 : index
          %get3A_655 = tpu.vector_load %arg6[%get3A_653, %get3A_654] {strides = array<i32>} : memref<64x512xf32, #tpu.memory_space<vmem>>, vector<1x16xf32>,
          %get3A_656 = vector.shape_cast %get3A_655 : vector<1x16xf32> to vector<16xf32>
          %get3A_657 = arith.constant 112 : index
          %get3A_658 = tpu.vector_load %arg7[%get3A_657] {strides = array<i32>} : memref<512xf32, #tpu.memory_space<vmem>>, vector<16xf32>,
          %get3A_659 = vector.shape_cast %get3A_658 : vector<16xf32> to vector<16xf32>
          %mul3A_660 = arith.mulf %get3A_656, %get3A_659 : vector<16xf32>
          %add3A_661 = arith.addf %add3A_652, %mul3A_660 : vector<16xf32>
          %get3A_662 = arith.index_cast %while3A_585 : i32 to index
          %get3A_663 = arith.constant 128 : index
          %get3A_664 = tpu.vector_load %arg6[%get3A_662, %get3A_663] {strides = array<i32>} : memref<64x512xf32, #tpu.memory_space<vmem>>, vector<1x16xf32>,
          %get3A_665 = vector.shape_cast %get3A_664 : vector<1x16xf32> to vector<16xf32>
          %get3A_666 = arith.constant 128 : index
          %get3A_667 = tpu.vector_load %arg7[%get3A_666] {strides = array<i32>} : memref<512xf32, #tpu.memory_space<vmem>>, vector<16xf32>,
          %get3A_668 = vector.shape_cast %get3A_667 : vector<16xf32> to vector<16xf32>
          %mul3A_669 = arith.mulf %get3A_665, %get3A_668 : vector<16xf32>
          %add3A_670 = arith.addf %add3A_661, %mul3A_669 : vector<16xf32>
          %get3A_671 = arith.index_cast %while3A_585 : i32 to index
          %get3A_672 = arith.constant 144 : index
          %get3A_673 = tpu.vector_load %arg6[%get3A_671, %get3A_672] {strides = array<i32>} : memref<64x512xf32, #tpu.memory_space<vmem>>, vector<1x16xf32>,
          %get3A_674 = vector.shape_cast %get3A_673 : vector<1x16xf32> to vector<16xf32>
          %get3A_675 = arith.constant 144 : index
          %get3A_676 = tpu.vector_load %arg7[%get3A_675] {strides = array<i32>} : memref<512xf32, #tpu.memory_space<vmem>>, vector<16xf32>,
          %get3A_677 = vector.shape_cast %get3A_676 : vector<16xf32> to vector<16xf32>
          %mul3A_678 = arith.mulf %get3A_674, %get3A_677 : vector<16xf32>
          %add3A_679 = arith.addf %add3A_670, %mul3A_678 : vector<16xf32>
          %get3A_680 = arith.index_cast %while3A_585 : i32 to index
          %get3A_681 = arith.constant 160 : index
          %get3A_682 = tpu.vector_load %arg6[%get3A_680, %get3A_681] {strides = array<i32>} : memref<64x512xf32, #tpu.memory_space<vmem>>, vector<1x16xf32>,
          %get3A_683 = vector.shape_cast %get3A_682 : vector<1x16xf32> to vector<16xf32>
          %get3A_684 = arith.constant 160 : index
          %get3A_685 = tpu.vector_load %arg7[%get3A_684] {strides = array<i32>} : memref<512xf32, #tpu.memory_space<vmem>>, vector<16xf32>,
          %get3A_686 = vector.shape_cast %get3A_685 : vector<16xf32> to vector<16xf32>
          %mul3A_687 = arith.mulf %get3A_683, %get3A_686 : vector<16xf32>
          %add3A_688 = arith.addf %add3A_679, %mul3A_687 : vector<16xf32>
          %get3A_689 = arith.index_cast %while3A_585 : i32 to index
          %get3A_690 = arith.constant 176 : index
          %get3A_691 = tpu.vector_load %arg6[%get3A_689, %get3A_690] {strides = array<i32>} : memref<64x512xf32, #tpu.memory_space<vmem>>, vector<1x16xf32>,
          %get3A_692 = vector.shape_cast %get3A_691 : vector<1x16xf32> to vector<16xf32>
          %get3A_693 = arith.constant 176 : index
          %get3A_694 = tpu.vector_load %arg7[%get3A_693] {strides = array<i32>} : memref<512xf32, #tpu.memory_space<vmem>>, vector<16xf32>,
          %get3A_695 = vector.shape_cast %get3A_694 : vector<16xf32> to vector<16xf32>
          %mul3A_696 = arith.mulf %get3A_692, %get3A_695 : vector<16xf32>
          %add3A_697 = arith.addf %add3A_688, %mul3A_696 : vector<16xf32>
          %get3A_698 = arith.index_cast %while3A_585 : i32 to index
          %get3A_699 = arith.constant 192 : index
          %get3A_700 = tpu.vector_load %arg6[%get3A_698, %get3A_699] {strides = array<i32>} : memref<64x512xf32, #tpu.memory_space<vmem>>, vector<1x16xf32>,
          %get3A_701 = vector.shape_cast %get3A_700 : vector<1x16xf32> to vector<16xf32>
          %get3A_702 = arith.constant 192 : index
          %get3A_703 = tpu.vector_load %arg7[%get3A_702] {strides = array<i32>} : memref<512xf32, #tpu.memory_space<vmem>>, vector<16xf32>,
          %get3A_704 = vector.shape_cast %get3A_703 : vector<16xf32> to vector<16xf32>
          %mul3A_705 = arith.mulf %get3A_701, %get3A_704 : vector<16xf32>
          %add3A_706 = arith.addf %add3A_697, %mul3A_705 : vector<16xf32>
          %get3A_707 = arith.index_cast %while3A_585 : i32 to index
          %get3A_708 = arith.constant 208 : index
          %get3A_709 = tpu.vector_load %arg6[%get3A_707, %get3A_708] {strides = array<i32>} : memref<64x512xf32, #tpu.memory_space<vmem>>, vector<1x16xf32>,
          %get3A_710 = vector.shape_cast %get3A_709 : vector<1x16xf32> to vector<16xf32>
          %get3A_711 = arith.constant 208 : index
          %get3A_712 = tpu.vector_load %arg7[%get3A_711] {strides = array<i32>} : memref<512xf32, #tpu.memory_space<vmem>>, vector<16xf32>,
          %get3A_713 = vector.shape_cast %get3A_712 : vector<16xf32> to vector<16xf32>
          %mul3A_714 = arith.mulf %get3A_710, %get3A_713 : vector<16xf32>
          %add3A_715 = arith.addf %add3A_706, %mul3A_714 : vector<16xf32>
          %get3A_716 = arith.index_cast %while3A_585 : i32 to index
          %get3A_717 = arith.constant 224 : index
          %get3A_718 = tpu.vector_load %arg6[%get3A_716, %get3A_717] {strides = array<i32>} : memref<64x512xf32, #tpu.memory_space<vmem>>, vector<1x16xf32>,
          %get3A_719 = vector.shape_cast %get3A_718 : vector<1x16xf32> to vector<16xf32>
          %get3A_720 = arith.constant 224 : index
          %get3A_721 = tpu.vector_load %arg7[%get3A_720] {strides = array<i32>} : memref<512xf32, #tpu.memory_space<vmem>>, vector<16xf32>,
          %get3A_722 = vector.shape_cast %get3A_721 : vector<16xf32> to vector<16xf32>
          %mul3A_723 = arith.mulf %get3A_719, %get3A_722 : vector<16xf32>
          %add3A_724 = arith.addf %add3A_715, %mul3A_723 : vector<16xf32>
          %get3A_725 = arith.index_cast %while3A_585 : i32 to index
          %get3A_726 = arith.constant 240 : index
          %get3A_727 = tpu.vector_load %arg6[%get3A_725, %get3A_726] {strides = array<i32>} : memref<64x512xf32, #tpu.memory_space<vmem>>, vector<1x16xf32>,
          %get3A_728 = vector.shape_cast %get3A_727 : vector<1x16xf32> to vector<16xf32>
          %get3A_729 = arith.constant 240 : index
          %get3A_730 = tpu.vector_load %arg7[%get3A_729] {strides = array<i32>} : memref<512xf32, #tpu.memory_space<vmem>>, vector<16xf32>,
          %get3A_731 = vector.shape_cast %get3A_730 : vector<16xf32> to vector<16xf32>
          %mul3A_732 = arith.mulf %get3A_728, %get3A_731 : vector<16xf32>
          %add3A_733 = arith.addf %add3A_724, %mul3A_732 : vector<16xf32>
          %get3A_734 = arith.index_cast %while3A_585 : i32 to index
          %get3A_735 = arith.constant 256 : index
          %get3A_736 = tpu.vector_load %arg6[%get3A_734, %get3A_735] {strides = array<i32>} : memref<64x512xf32, #tpu.memory_space<vmem>>, vector<1x16xf32>,
          %get3A_737 = vector.shape_cast %get3A_736 : vector<1x16xf32> to vector<16xf32>
          %get3A_738 = arith.constant 256 : index
          %get3A_739 = tpu.vector_load %arg7[%get3A_738] {strides = array<i32>} : memref<512xf32, #tpu.memory_space<vmem>>, vector<16xf32>,
          %get3A_740 = vector.shape_cast %get3A_739 : vector<16xf32> to vector<16xf32>
          %mul3A_741 = arith.mulf %get3A_737, %get3A_740 : vector<16xf32>
          %add3A_742 = arith.addf %add3A_733, %mul3A_741 : vector<16xf32>
          %get3A_743 = arith.index_cast %while3A_585 : i32 to index
          %get3A_744 = arith.constant 272 : index
          %get3A_745 = tpu.vector_load %arg6[%get3A_743, %get3A_744] {strides = array<i32>} : memref<64x512xf32, #tpu.memory_space<vmem>>, vector<1x16xf32>,
          %get3A_746 = vector.shape_cast %get3A_745 : vector<1x16xf32> to vector<16xf32>
          %get3A_747 = arith.constant 272 : index
          %get3A_748 = tpu.vector_load %arg7[%get3A_747] {strides = array<i32>} : memref<512xf32, #tpu.memory_space<vmem>>, vector<16xf32>,
          %get3A_749 = vector.shape_cast %get3A_748 : vector<16xf32> to vector<16xf32>
          %mul3A_750 = arith.mulf %get3A_746, %get3A_749 : vector<16xf32>
          %add3A_751 = arith.addf %add3A_742, %mul3A_750 : vector<16xf32>
          %get3A_752 = arith.index_cast %while3A_585 : i32 to index
          %get3A_753 = arith.constant 288 : index
          %get3A_754 = tpu.vector_load %arg6[%get3A_752, %get3A_753] {strides = array<i32>} : memref<64x512xf32, #tpu.memory_space<vmem>>, vector<1x16xf32>,
          %get3A_755 = vector.shape_cast %get3A_754 : vector<1x16xf32> to vector<16xf32>
          %get3A_756 = arith.constant 288 : index
          %get3A_757 = tpu.vector_load %arg7[%get3A_756] {strides = array<i32>} : memref<512xf32, #tpu.memory_space<vmem>>, vector<16xf32>,
          %get3A_758 = vector.shape_cast %get3A_757 : vector<16xf32> to vector<16xf32>
          %mul3A_759 = arith.mulf %get3A_755, %get3A_758 : vector<16xf32>
          %add3A_760 = arith.addf %add3A_751, %mul3A_759 : vector<16xf32>
          %get3A_761 = arith.index_cast %while3A_585 : i32 to index
          %get3A_762 = arith.constant 304 : index
          %get3A_763 = tpu.vector_load %arg6[%get3A_761, %get3A_762] {strides = array<i32>} : memref<64x512xf32, #tpu.memory_space<vmem>>, vector<1x16xf32>,
          %get3A_764 = vector.shape_cast %get3A_763 : vector<1x16xf32> to vector<16xf32>
          %get3A_765 = arith.constant 304 : index
          %get3A_766 = tpu.vector_load %arg7[%get3A_765] {strides = array<i32>} : memref<512xf32, #tpu.memory_space<vmem>>, vector<16xf32>,
          %get3A_767 = vector.shape_cast %get3A_766 : vector<16xf32> to vector<16xf32>
          %mul3A_768 = arith.mulf %get3A_764, %get3A_767 : vector<16xf32>
          %add3A_769 = arith.addf %add3A_760, %mul3A_768 : vector<16xf32>
          %get3A_770 = arith.index_cast %while3A_585 : i32 to index
          %get3A_771 = arith.constant 320 : index
          %get3A_772 = tpu.vector_load %arg6[%get3A_770, %get3A_771] {strides = array<i32>} : memref<64x512xf32, #tpu.memory_space<vmem>>, vector<1x16xf32>,
          %get3A_773 = vector.shape_cast %get3A_772 : vector<1x16xf32> to vector<16xf32>
          %get3A_774 = arith.constant 320 : index
          %get3A_775 = tpu.vector_load %arg7[%get3A_774] {strides = array<i32>} : memref<512xf32, #tpu.memory_space<vmem>>, vector<16xf32>,
          %get3A_776 = vector.shape_cast %get3A_775 : vector<16xf32> to vector<16xf32>
          %mul3A_777 = arith.mulf %get3A_773, %get3A_776 : vector<16xf32>
          %add3A_778 = arith.addf %add3A_769, %mul3A_777 : vector<16xf32>
          %get3A_779 = arith.index_cast %while3A_585 : i32 to index
          %get3A_780 = arith.constant 336 : index
          %get3A_781 = tpu.vector_load %arg6[%get3A_779, %get3A_780] {strides = array<i32>} : memref<64x512xf32, #tpu.memory_space<vmem>>, vector<1x16xf32>,
          %get3A_782 = vector.shape_cast %get3A_781 : vector<1x16xf32> to vector<16xf32>
          %get3A_783 = arith.constant 336 : index
          %get3A_784 = tpu.vector_load %arg7[%get3A_783] {strides = array<i32>} : memref<512xf32, #tpu.memory_space<vmem>>, vector<16xf32>,
          %get3A_785 = vector.shape_cast %get3A_784 : vector<16xf32> to vector<16xf32>
          %mul3A_786 = arith.mulf %get3A_782, %get3A_785 : vector<16xf32>
          %add3A_787 = arith.addf %add3A_778, %mul3A_786 : vector<16xf32>
          %get3A_788 = arith.index_cast %while3A_585 : i32 to index
          %get3A_789 = arith.constant 352 : index
          %get3A_790 = tpu.vector_load %arg6[%get3A_788, %get3A_789] {strides = array<i32>} : memref<64x512xf32, #tpu.memory_space<vmem>>, vector<1x16xf32>,
          %get3A_791 = vector.shape_cast %get3A_790 : vector<1x16xf32> to vector<16xf32>
          %get3A_792 = arith.constant 352 : index
          %get3A_793 = tpu.vector_load %arg7[%get3A_792] {strides = array<i32>} : memref<512xf32, #tpu.memory_space<vmem>>, vector<16xf32>,
          %get3A_794 = vector.shape_cast %get3A_793 : vector<16xf32> to vector<16xf32>
          %mul3A_795 = arith.mulf %get3A_791, %get3A_794 : vector<16xf32>
          %add3A_796 = arith.addf %add3A_787, %mul3A_795 : vector<16xf32>
          %get3A_797 = arith.index_cast %while3A_585 : i32 to index
          %get3A_798 = arith.constant 368 : index
          %get3A_799 = tpu.vector_load %arg6[%get3A_797, %get3A_798] {strides = array<i32>} : memref<64x512xf32, #tpu.memory_space<vmem>>, vector<1x16xf32>,
          %get3A_800 = vector.shape_cast %get3A_799 : vector<1x16xf32> to vector<16xf32>
          %get3A_801 = arith.constant 368 : index
          %get3A_802 = tpu.vector_load %arg7[%get3A_801] {strides = array<i32>} : memref<512xf32, #tpu.memory_space<vmem>>, vector<16xf32>,
          %get3A_803 = vector.shape_cast %get3A_802 : vector<16xf32> to vector<16xf32>
          %mul3A_804 = arith.mulf %get3A_800, %get3A_803 : vector<16xf32>
          %add3A_805 = arith.addf %add3A_796, %mul3A_804 : vector<16xf32>
          %get3A_806 = arith.index_cast %while3A_585 : i32 to index
          %get3A_807 = arith.constant 384 : index
          %get3A_808 = tpu.vector_load %arg6[%get3A_806, %get3A_807] {strides = array<i32>} : memref<64x512xf32, #tpu.memory_space<vmem>>, vector<1x16xf32>,
          %get3A_809 = vector.shape_cast %get3A_808 : vector<1x16xf32> to vector<16xf32>
          %get3A_810 = arith.constant 384 : index
          %get3A_811 = tpu.vector_load %arg7[%get3A_810] {strides = array<i32>} : memref<512xf32, #tpu.memory_space<vmem>>, vector<16xf32>,
          %get3A_812 = vector.shape_cast %get3A_811 : vector<16xf32> to vector<16xf32>
          %mul3A_813 = arith.mulf %get3A_809, %get3A_812 : vector<16xf32>
          %add3A_814 = arith.addf %add3A_805, %mul3A_813 : vector<16xf32>
          %get3A_815 = arith.index_cast %while3A_585 : i32 to index
          %get3A_816 = arith.constant 400 : index
          %get3A_817 = tpu.vector_load %arg6[%get3A_815, %get3A_816] {strides = array<i32>} : memref<64x512xf32, #tpu.memory_space<vmem>>, vector<1x16xf32>,
          %get3A_818 = vector.shape_cast %get3A_817 : vector<1x16xf32> to vector<16xf32>
          %get3A_819 = arith.constant 400 : index
          %get3A_820 = tpu.vector_load %arg7[%get3A_819] {strides = array<i32>} : memref<512xf32, #tpu.memory_space<vmem>>, vector<16xf32>,
          %get3A_821 = vector.shape_cast %get3A_820 : vector<16xf32> to vector<16xf32>
          %mul3A_822 = arith.mulf %get3A_818, %get3A_821 : vector<16xf32>
          %add3A_823 = arith.addf %add3A_814, %mul3A_822 : vector<16xf32>
          %get3A_824 = arith.index_cast %while3A_585 : i32 to index
          %get3A_825 = arith.constant 416 : index
          %get3A_826 = tpu.vector_load %arg6[%get3A_824, %get3A_825] {strides = array<i32>} : memref<64x512xf32, #tpu.memory_space<vmem>>, vector<1x16xf32>,
          %get3A_827 = vector.shape_cast %get3A_826 : vector<1x16xf32> to vector<16xf32>
          %get3A_828 = arith.constant 416 : index
          %get3A_829 = tpu.vector_load %arg7[%get3A_828] {strides = array<i32>} : memref<512xf32, #tpu.memory_space<vmem>>, vector<16xf32>,
          %get3A_830 = vector.shape_cast %get3A_829 : vector<16xf32> to vector<16xf32>
          %mul3A_831 = arith.mulf %get3A_827, %get3A_830 : vector<16xf32>
          %add3A_832 = arith.addf %add3A_823, %mul3A_831 : vector<16xf32>
          %get3A_833 = arith.index_cast %while3A_585 : i32 to index
          %get3A_834 = arith.constant 432 : index
          %get3A_835 = tpu.vector_load %arg6[%get3A_833, %get3A_834] {strides = array<i32>} : memref<64x512xf32, #tpu.memory_space<vmem>>, vector<1x16xf32>,
          %get3A_836 = vector.shape_cast %get3A_835 : vector<1x16xf32> to vector<16xf32>
          %get3A_837 = arith.constant 432 : index
          %get3A_838 = tpu.vector_load %arg7[%get3A_837] {strides = array<i32>} : memref<512xf32, #tpu.memory_space<vmem>>, vector<16xf32>,
          %get3A_839 = vector.shape_cast %get3A_838 : vector<16xf32> to vector<16xf32>
          %mul3A_840 = arith.mulf %get3A_836, %get3A_839 : vector<16xf32>
          %add3A_841 = arith.addf %add3A_832, %mul3A_840 : vector<16xf32>
          %get3A_842 = arith.index_cast %while3A_585 : i32 to index
          %get3A_843 = arith.constant 448 : index
          %get3A_844 = tpu.vector_load %arg6[%get3A_842, %get3A_843] {strides = array<i32>} : memref<64x512xf32, #tpu.memory_space<vmem>>, vector<1x16xf32>,
          %get3A_845 = vector.shape_cast %get3A_844 : vector<1x16xf32> to vector<16xf32>
          %get3A_846 = arith.constant 448 : index
          %get3A_847 = tpu.vector_load %arg7[%get3A_846] {strides = array<i32>} : memref<512xf32, #tpu.memory_space<vmem>>, vector<16xf32>,
          %get3A_848 = vector.shape_cast %get3A_847 : vector<16xf32> to vector<16xf32>
          %mul3A_849 = arith.mulf %get3A_845, %get3A_848 : vector<16xf32>
          %add3A_850 = arith.addf %add3A_841, %mul3A_849 : vector<16xf32>
          %get3A_851 = arith.index_cast %while3A_585 : i32 to index
          %get3A_852 = arith.constant 464 : index
          %get3A_853 = tpu.vector_load %arg6[%get3A_851, %get3A_852] {strides = array<i32>} : memref<64x512xf32, #tpu.memory_space<vmem>>, vector<1x16xf32>,
          %get3A_854 = vector.shape_cast %get3A_853 : vector<1x16xf32> to vector<16xf32>
          %get3A_855 = arith.constant 464 : index
          %get3A_856 = tpu.vector_load %arg7[%get3A_855] {strides = array<i32>} : memref<512xf32, #tpu.memory_space<vmem>>, vector<16xf32>,
          %get3A_857 = vector.shape_cast %get3A_856 : vector<16xf32> to vector<16xf32>
          %mul3A_858 = arith.mulf %get3A_854, %get3A_857 : vector<16xf32>
          %add3A_859 = arith.addf %add3A_850, %mul3A_858 : vector<16xf32>
          %get3A_860 = arith.index_cast %while3A_585 : i32 to index
          %get3A_861 = arith.constant 480 : index
          %get3A_862 = tpu.vector_load %arg6[%get3A_860, %get3A_861] {strides = array<i32>} : memref<64x512xf32, #tpu.memory_space<vmem>>, vector<1x16xf32>,
          %get3A_863 = vector.shape_cast %get3A_862 : vector<1x16xf32> to vector<16xf32>
          %get3A_864 = arith.constant 480 : index
          %get3A_865 = tpu.vector_load %arg7[%get3A_864] {strides = array<i32>} : memref<512xf32, #tpu.memory_space<vmem>>, vector<16xf32>,
          %get3A_866 = vector.shape_cast %get3A_865 : vector<16xf32> to vector<16xf32>
          %mul3A_867 = arith.mulf %get3A_863, %get3A_866 : vector<16xf32>
          %add3A_868 = arith.addf %add3A_859, %mul3A_867 : vector<16xf32>
          %get3A_869 = arith.index_cast %while3A_585 : i32 to index
          %get3A_870 = arith.constant 496 : index
          %get3A_871 = tpu.vector_load %arg6[%get3A_869, %get3A_870] {strides = array<i32>} : memref<64x512xf32, #tpu.memory_space<vmem>>, vector<1x16xf32>,
          %get3A_872 = vector.shape_cast %get3A_871 : vector<1x16xf32> to vector<16xf32>
          %get3A_873 = arith.constant 496 : index
          %get3A_874 = tpu.vector_load %arg7[%get3A_873] {strides = array<i32>} : memref<512xf32, #tpu.memory_space<vmem>>, vector<16xf32>,
          %get3A_875 = vector.shape_cast %get3A_874 : vector<16xf32> to vector<16xf32>
          %mul3A_876 = arith.mulf %get3A_872, %get3A_875 : vector<16xf32>
          %add3A_877 = arith.addf %add3A_868, %mul3A_876 : vector<16xf32>
          %slice3A_878 = vector.extract_strided_slice %add3A_877 {offsets = [0], sizes = [1], strides = [1]} : vector<16xf32> to vector<1xf32>
          %squeeze3A_879 = vector.extract %slice3A_878[0] : f32 from vector<1xf32>
          %slice3A_880 = vector.extract_strided_slice %add3A_877 {offsets = [1], sizes = [1], strides = [1]} : vector<16xf32> to vector<1xf32>
          %squeeze3A_881 = vector.extract %slice3A_880[0] : f32 from vector<1xf32>
          %add3A_882 = arith.addf %squeeze3A_879, %squeeze3A_881 : f32
          %slice3A_883 = vector.extract_strided_slice %add3A_877 {offsets = [2], sizes = [1], strides = [1]} : vector<16xf32> to vector<1xf32>
          %squeeze3A_884 = vector.extract %slice3A_883[0] : f32 from vector<1xf32>
          %add3A_885 = arith.addf %add3A_882, %squeeze3A_884 : f32
          %slice3A_886 = vector.extract_strided_slice %add3A_877 {offsets = [3], sizes = [1], strides = [1]} : vector<16xf32> to vector<1xf32>
          %squeeze3A_887 = vector.extract %slice3A_886[0] : f32 from vector<1xf32>
          %add3A_888 = arith.addf %add3A_885, %squeeze3A_887 : f32
          %slice3A_889 = vector.extract_strided_slice %add3A_877 {offsets = [4], sizes = [1], strides = [1]} : vector<16xf32> to vector<1xf32>
          %squeeze3A_890 = vector.extract %slice3A_889[0] : f32 from vector<1xf32>
          %add3A_891 = arith.addf %add3A_888, %squeeze3A_890 : f32
          %slice3A_892 = vector.extract_strided_slice %add3A_877 {offsets = [5], sizes = [1], strides = [1]} : vector<16xf32> to vector<1xf32>
          %squeeze3A_893 = vector.extract %slice3A_892[0] : f32 from vector<1xf32>
          %add3A_894 = arith.addf %add3A_891, %squeeze3A_893 : f32
          %slice3A_895 = vector.extract_strided_slice %add3A_877 {offsets = [6], sizes = [1], strides = [1]} : vector<16xf32> to vector<1xf32>
          %squeeze3A_896 = vector.extract %slice3A_895[0] : f32 from vector<1xf32>
          %add3A_897 = arith.addf %add3A_894, %squeeze3A_896 : f32
          %slice3A_898 = vector.extract_strided_slice %add3A_877 {offsets = [7], sizes = [1], strides = [1]} : vector<16xf32> to vector<1xf32>
          %squeeze3A_899 = vector.extract %slice3A_898[0] : f32 from vector<1xf32>
          %add3A_900 = arith.addf %add3A_897, %squeeze3A_899 : f32
          %slice3A_901 = vector.extract_strided_slice %add3A_877 {offsets = [8], sizes = [1], strides = [1]} : vector<16xf32> to vector<1xf32>
          %squeeze3A_902 = vector.extract %slice3A_901[0] : f32 from vector<1xf32>
          %add3A_903 = arith.addf %add3A_900, %squeeze3A_902 : f32
          %slice3A_904 = vector.extract_strided_slice %add3A_877 {offsets = [9], sizes = [1], strides = [1]} : vector<16xf32> to vector<1xf32>
          %squeeze3A_905 = vector.extract %slice3A_904[0] : f32 from vector<1xf32>
          %add3A_906 = arith.addf %add3A_903, %squeeze3A_905 : f32
          %slice3A_907 = vector.extract_strided_slice %add3A_877 {offsets = [10], sizes = [1], strides = [1]} : vector<16xf32> to vector<1xf32>
          %squeeze3A_908 = vector.extract %slice3A_907[0] : f32 from vector<1xf32>
          %add3A_909 = arith.addf %add3A_906, %squeeze3A_908 : f32
          %slice3A_910 = vector.extract_strided_slice %add3A_877 {offsets = [11], sizes = [1], strides = [1]} : vector<16xf32> to vector<1xf32>
          %squeeze3A_911 = vector.extract %slice3A_910[0] : f32 from vector<1xf32>
          %add3A_912 = arith.addf %add3A_909, %squeeze3A_911 : f32
          %slice3A_913 = vector.extract_strided_slice %add3A_877 {offsets = [12], sizes = [1], strides = [1]} : vector<16xf32> to vector<1xf32>
          %squeeze3A_914 = vector.extract %slice3A_913[0] : f32 from vector<1xf32>
          %add3A_915 = arith.addf %add3A_912, %squeeze3A_914 : f32
          %slice3A_916 = vector.extract_strided_slice %add3A_877 {offsets = [13], sizes = [1], strides = [1]} : vector<16xf32> to vector<1xf32>
          %squeeze3A_917 = vector.extract %slice3A_916[0] : f32 from vector<1xf32>
          %add3A_918 = arith.addf %add3A_915, %squeeze3A_917 : f32
          %slice3A_919 = vector.extract_strided_slice %add3A_877 {offsets = [14], sizes = [1], strides = [1]} : vector<16xf32> to vector<1xf32>
          %squeeze3A_920 = vector.extract %slice3A_919[0] : f32 from vector<1xf32>
          %add3A_921 = arith.addf %add3A_918, %squeeze3A_920 : f32
          %slice3A_922 = vector.extract_strided_slice %add3A_877 {offsets = [15], sizes = [1], strides = [1]} : vector<16xf32> to vector<1xf32>
          %squeeze3A_923 = vector.extract %slice3A_922[0] : f32 from vector<1xf32>
          %add3A_924 = arith.addf %add3A_921, %squeeze3A_923 : f32
          %max3A_925 = arith.maximumf %while3A_586, %add3A_924 : f32
          %sub3A_926 = arith.subf %while3A_586, %max3A_925 : f32
          %broadcast_in_dim3A_927 = vector.broadcast %sub3A_926 : f32 to vector<16xf32>
          %exp3A = math.exp %broadcast_in_dim3A_927 : vector<16xf32>
          %sub3A_928 = arith.subf %add3A_924, %max3A_925 : f32
          %broadcast_in_dim3A_929 = vector.broadcast %sub3A_928 : f32 to vector<16xf32>
          %exp3A_930 = math.exp %broadcast_in_dim3A_929 : vector<16xf32>
          %mul3A_931 = arith.mulf %while3A_587, %exp3A : vector<16xf32>
          %add3A_932 = arith.addf %mul3A_931, %exp3A_930 : vector<16xf32>
          %gt3A_933 = arith.cmpf ogt, %max3A_925, %while3A_586 : f32
          %convert_element_type3A = arith.extui %gt3A_933 : i1 to i32
          %cond3A = arith.constant 0 : i32
          %cond3A_934 = arith.cmpi ne, %convert_element_type3A, %cond3A : i32
          scf.if %cond3A_934 {
            %get3A_1351 = arith.constant 0 : index
            %get3A_1352 = tpu.vector_load %arg9[%get3A_1351] {strides = array<i32>} : memref<512xf32, #tpu.memory_space<vmem>>, vector<16xf32>,
            %get3A_1353 = vector.shape_cast %get3A_1352 : vector<16xf32> to vector<16xf32>
            %mul3A_1354 = arith.mulf %get3A_1353, %exp3A : vector<16xf32>
            %swap3A_1355 = arith.constant 0 : index
            %swap3A_1356 = tpu.vector_load %arg9[%swap3A_1355] {strides = array<i32>} : memref<512xf32, #tpu.memory_space<vmem>>, vector<16xf32>,
            %swap3A_1357 = vector.shape_cast %swap3A_1356 : vector<16xf32> to vector<16xf32>
            %swap3A_1358 = vector.shape_cast %mul3A_1354 : vector<16xf32> to vector<16xf32>
            tpu.vector_store %arg9[%swap3A_1355], %swap3A_1358 {strides = array<i32>} : memref<512xf32, #tpu.memory_space<vmem>>, vector<16xf32>,
            %get3A_1359 = arith.constant 16 : index
            %get3A_1360 = tpu.vector_load %arg9[%get3A_1359] {strides = array<i32>} : memref<512xf32, #tpu.memory_space<vmem>>, vector<16xf32>,
            %get3A_1361 = vector.shape_cast %get3A_1360 : vector<16xf32> to vector<16xf32>
            %mul3A_1362 = arith.mulf %get3A_1361, %exp3A : vector<16xf32>
            %swap3A_1363 = arith.constant 16 : index
            %swap3A_1364 = tpu.vector_load %arg9[%swap3A_1363] {strides = array<i32>} : memref<512xf32, #tpu.memory_space<vmem>>, vector<16xf32>,
            %swap3A_1365 = vector.shape_cast %swap3A_1364 : vector<16xf32> to vector<16xf32>
            %swap3A_1366 = vector.shape_cast %mul3A_1362 : vector<16xf32> to vector<16xf32>
            tpu.vector_store %arg9[%swap3A_1363], %swap3A_1366 {strides = array<i32>} : memref<512xf32, #tpu.memory_space<vmem>>, vector<16xf32>,
            %get3A_1367 = arith.constant 32 : index
            %get3A_1368 = tpu.vector_load %arg9[%get3A_1367] {strides = array<i32>} : memref<512xf32, #tpu.memory_space<vmem>>, vector<16xf32>,
            %get3A_1369 = vector.shape_cast %get3A_1368 : vector<16xf32> to vector<16xf32>
            %mul3A_1370 = arith.mulf %get3A_1369, %exp3A : vector<16xf32>
            %swap3A_1371 = arith.constant 32 : index
            %swap3A_1372 = tpu.vector_load %arg9[%swap3A_1371] {strides = array<i32>} : memref<512xf32, #tpu.memory_space<vmem>>, vector<16xf32>,
            %swap3A_1373 = vector.shape_cast %swap3A_1372 : vector<16xf32> to vector<16xf32>
            %swap3A_1374 = vector.shape_cast %mul3A_1370 : vector<16xf32> to vector<16xf32>
            tpu.vector_store %arg9[%swap3A_1371], %swap3A_1374 {strides = array<i32>} : memref<512xf32, #tpu.memory_space<vmem>>, vector<16xf32>,
            %get3A_1375 = arith.constant 48 : index
            %get3A_1376 = tpu.vector_load %arg9[%get3A_1375] {strides = array<i32>} : memref<512xf32, #tpu.memory_space<vmem>>, vector<16xf32>,
            %get3A_1377 = vector.shape_cast %get3A_1376 : vector<16xf32> to vector<16xf32>
            %mul3A_1378 = arith.mulf %get3A_1377, %exp3A : vector<16xf32>
            %swap3A_1379 = arith.constant 48 : index
            %swap3A_1380 = tpu.vector_load %arg9[%swap3A_1379] {strides = array<i32>} : memref<512xf32, #tpu.memory_space<vmem>>, vector<16xf32>,
            %swap3A_1381 = vector.shape_cast %swap3A_1380 : vector<16xf32> to vector<16xf32>
            %swap3A_1382 = vector.shape_cast %mul3A_1378 : vector<16xf32> to vector<16xf32>
            tpu.vector_store %arg9[%swap3A_1379], %swap3A_1382 {strides = array<i32>} : memref<512xf32, #tpu.memory_space<vmem>>, vector<16xf32>,
            %get3A_1383 = arith.constant 64 : index
            %get3A_1384 = tpu.vector_load %arg9[%get3A_1383] {strides = array<i32>} : memref<512xf32, #tpu.memory_space<vmem>>, vector<16xf32>,
            %get3A_1385 = vector.shape_cast %get3A_1384 : vector<16xf32> to vector<16xf32>
            %mul3A_1386 = arith.mulf %get3A_1385, %exp3A : vector<16xf32>
            %swap3A_1387 = arith.constant 64 : index
            %swap3A_1388 = tpu.vector_load %arg9[%swap3A_1387] {strides = array<i32>} : memref<512xf32, #tpu.memory_space<vmem>>, vector<16xf32>,
            %swap3A_1389 = vector.shape_cast %swap3A_1388 : vector<16xf32> to vector<16xf32>
            %swap3A_1390 = vector.shape_cast %mul3A_1386 : vector<16xf32> to vector<16xf32>
            tpu.vector_store %arg9[%swap3A_1387], %swap3A_1390 {strides = array<i32>} : memref<512xf32, #tpu.memory_space<vmem>>, vector<16xf32>,
            %get3A_1391 = arith.constant 80 : index
            %get3A_1392 = tpu.vector_load %arg9[%get3A_1391] {strides = array<i32>} : memref<512xf32, #tpu.memory_space<vmem>>, vector<16xf32>,
            %get3A_1393 = vector.shape_cast %get3A_1392 : vector<16xf32> to vector<16xf32>
            %mul3A_1394 = arith.mulf %get3A_1393, %exp3A : vector<16xf32>
            %swap3A_1395 = arith.constant 80 : index
            %swap3A_1396 = tpu.vector_load %arg9[%swap3A_1395] {strides = array<i32>} : memref<512xf32, #tpu.memory_space<vmem>>, vector<16xf32>,
            %swap3A_1397 = vector.shape_cast %swap3A_1396 : vector<16xf32> to vector<16xf32>
            %swap3A_1398 = vector.shape_cast %mul3A_1394 : vector<16xf32> to vector<16xf32>
            tpu.vector_store %arg9[%swap3A_1395], %swap3A_1398 {strides = array<i32>} : memref<512xf32, #tpu.memory_space<vmem>>, vector<16xf32>,
            %get3A_1399 = arith.constant 96 : index
            %get3A_1400 = tpu.vector_load %arg9[%get3A_1399] {strides = array<i32>} : memref<512xf32, #tpu.memory_space<vmem>>, vector<16xf32>,
            %get3A_1401 = vector.shape_cast %get3A_1400 : vector<16xf32> to vector<16xf32>
            %mul3A_1402 = arith.mulf %get3A_1401, %exp3A : vector<16xf32>
            %swap3A_1403 = arith.constant 96 : index
            %swap3A_1404 = tpu.vector_load %arg9[%swap3A_1403] {strides = array<i32>} : memref<512xf32, #tpu.memory_space<vmem>>, vector<16xf32>,
            %swap3A_1405 = vector.shape_cast %swap3A_1404 : vector<16xf32> to vector<16xf32>
            %swap3A_1406 = vector.shape_cast %mul3A_1402 : vector<16xf32> to vector<16xf32>
            tpu.vector_store %arg9[%swap3A_1403], %swap3A_1406 {strides = array<i32>} : memref<512xf32, #tpu.memory_space<vmem>>, vector<16xf32>,
            %get3A_1407 = arith.constant 112 : index
            %get3A_1408 = tpu.vector_load %arg9[%get3A_1407] {strides = array<i32>} : memref<512xf32, #tpu.memory_space<vmem>>, vector<16xf32>,
            %get3A_1409 = vector.shape_cast %get3A_1408 : vector<16xf32> to vector<16xf32>
            %mul3A_1410 = arith.mulf %get3A_1409, %exp3A : vector<16xf32>
            %swap3A_1411 = arith.constant 112 : index
            %swap3A_1412 = tpu.vector_load %arg9[%swap3A_1411] {strides = array<i32>} : memref<512xf32, #tpu.memory_space<vmem>>, vector<16xf32>,
            %swap3A_1413 = vector.shape_cast %swap3A_1412 : vector<16xf32> to vector<16xf32>
            %swap3A_1414 = vector.shape_cast %mul3A_1410 : vector<16xf32> to vector<16xf32>
            tpu.vector_store %arg9[%swap3A_1411], %swap3A_1414 {strides = array<i32>} : memref<512xf32, #tpu.memory_space<vmem>>, vector<16xf32>,
            %get3A_1415 = arith.constant 128 : index
            %get3A_1416 = tpu.vector_load %arg9[%get3A_1415] {strides = array<i32>} : memref<512xf32, #tpu.memory_space<vmem>>, vector<16xf32>,
            %get3A_1417 = vector.shape_cast %get3A_1416 : vector<16xf32> to vector<16xf32>
            %mul3A_1418 = arith.mulf %get3A_1417, %exp3A : vector<16xf32>
            %swap3A_1419 = arith.constant 128 : index
            %swap3A_1420 = tpu.vector_load %arg9[%swap3A_1419] {strides = array<i32>} : memref<512xf32, #tpu.memory_space<vmem>>, vector<16xf32>,
            %swap3A_1421 = vector.shape_cast %swap3A_1420 : vector<16xf32> to vector<16xf32>
            %swap3A_1422 = vector.shape_cast %mul3A_1418 : vector<16xf32> to vector<16xf32>
            tpu.vector_store %arg9[%swap3A_1419], %swap3A_1422 {strides = array<i32>} : memref<512xf32, #tpu.memory_space<vmem>>, vector<16xf32>,
            %get3A_1423 = arith.constant 144 : index
            %get3A_1424 = tpu.vector_load %arg9[%get3A_1423] {strides = array<i32>} : memref<512xf32, #tpu.memory_space<vmem>>, vector<16xf32>,
            %get3A_1425 = vector.shape_cast %get3A_1424 : vector<16xf32> to vector<16xf32>
            %mul3A_1426 = arith.mulf %get3A_1425, %exp3A : vector<16xf32>
            %swap3A_1427 = arith.constant 144 : index
            %swap3A_1428 = tpu.vector_load %arg9[%swap3A_1427] {strides = array<i32>} : memref<512xf32, #tpu.memory_space<vmem>>, vector<16xf32>,
            %swap3A_1429 = vector.shape_cast %swap3A_1428 : vector<16xf32> to vector<16xf32>
            %swap3A_1430 = vector.shape_cast %mul3A_1426 : vector<16xf32> to vector<16xf32>
            tpu.vector_store %arg9[%swap3A_1427], %swap3A_1430 {strides = array<i32>} : memref<512xf32, #tpu.memory_space<vmem>>, vector<16xf32>,
            %get3A_1431 = arith.constant 160 : index
            %get3A_1432 = tpu.vector_load %arg9[%get3A_1431] {strides = array<i32>} : memref<512xf32, #tpu.memory_space<vmem>>, vector<16xf32>,
            %get3A_1433 = vector.shape_cast %get3A_1432 : vector<16xf32> to vector<16xf32>
            %mul3A_1434 = arith.mulf %get3A_1433, %exp3A : vector<16xf32>
            %swap3A_1435 = arith.constant 160 : index
            %swap3A_1436 = tpu.vector_load %arg9[%swap3A_1435] {strides = array<i32>} : memref<512xf32, #tpu.memory_space<vmem>>, vector<16xf32>,
            %swap3A_1437 = vector.shape_cast %swap3A_1436 : vector<16xf32> to vector<16xf32>
            %swap3A_1438 = vector.shape_cast %mul3A_1434 : vector<16xf32> to vector<16xf32>
            tpu.vector_store %arg9[%swap3A_1435], %swap3A_1438 {strides = array<i32>} : memref<512xf32, #tpu.memory_space<vmem>>, vector<16xf32>,
            %get3A_1439 = arith.constant 176 : index
            %get3A_1440 = tpu.vector_load %arg9[%get3A_1439] {strides = array<i32>} : memref<512xf32, #tpu.memory_space<vmem>>, vector<16xf32>,
            %get3A_1441 = vector.shape_cast %get3A_1440 : vector<16xf32> to vector<16xf32>
            %mul3A_1442 = arith.mulf %get3A_1441, %exp3A : vector<16xf32>
            %swap3A_1443 = arith.constant 176 : index
            %swap3A_1444 = tpu.vector_load %arg9[%swap3A_1443] {strides = array<i32>} : memref<512xf32, #tpu.memory_space<vmem>>, vector<16xf32>,
            %swap3A_1445 = vector.shape_cast %swap3A_1444 : vector<16xf32> to vector<16xf32>
            %swap3A_1446 = vector.shape_cast %mul3A_1442 : vector<16xf32> to vector<16xf32>
            tpu.vector_store %arg9[%swap3A_1443], %swap3A_1446 {strides = array<i32>} : memref<512xf32, #tpu.memory_space<vmem>>, vector<16xf32>,
            %get3A_1447 = arith.constant 192 : index
            %get3A_1448 = tpu.vector_load %arg9[%get3A_1447] {strides = array<i32>} : memref<512xf32, #tpu.memory_space<vmem>>, vector<16xf32>,
            %get3A_1449 = vector.shape_cast %get3A_1448 : vector<16xf32> to vector<16xf32>
            %mul3A_1450 = arith.mulf %get3A_1449, %exp3A : vector<16xf32>
            %swap3A_1451 = arith.constant 192 : index
            %swap3A_1452 = tpu.vector_load %arg9[%swap3A_1451] {strides = array<i32>} : memref<512xf32, #tpu.memory_space<vmem>>, vector<16xf32>,
            %swap3A_1453 = vector.shape_cast %swap3A_1452 : vector<16xf32> to vector<16xf32>
            %swap3A_1454 = vector.shape_cast %mul3A_1450 : vector<16xf32> to vector<16xf32>
            tpu.vector_store %arg9[%swap3A_1451], %swap3A_1454 {strides = array<i32>} : memref<512xf32, #tpu.memory_space<vmem>>, vector<16xf32>,
            %get3A_1455 = arith.constant 208 : index
            %get3A_1456 = tpu.vector_load %arg9[%get3A_1455] {strides = array<i32>} : memref<512xf32, #tpu.memory_space<vmem>>, vector<16xf32>,
            %get3A_1457 = vector.shape_cast %get3A_1456 : vector<16xf32> to vector<16xf32>
            %mul3A_1458 = arith.mulf %get3A_1457, %exp3A : vector<16xf32>
            %swap3A_1459 = arith.constant 208 : index
            %swap3A_1460 = tpu.vector_load %arg9[%swap3A_1459] {strides = array<i32>} : memref<512xf32, #tpu.memory_space<vmem>>, vector<16xf32>,
            %swap3A_1461 = vector.shape_cast %swap3A_1460 : vector<16xf32> to vector<16xf32>
            %swap3A_1462 = vector.shape_cast %mul3A_1458 : vector<16xf32> to vector<16xf32>
            tpu.vector_store %arg9[%swap3A_1459], %swap3A_1462 {strides = array<i32>} : memref<512xf32, #tpu.memory_space<vmem>>, vector<16xf32>,
            %get3A_1463 = arith.constant 224 : index
            %get3A_1464 = tpu.vector_load %arg9[%get3A_1463] {strides = array<i32>} : memref<512xf32, #tpu.memory_space<vmem>>, vector<16xf32>,
            %get3A_1465 = vector.shape_cast %get3A_1464 : vector<16xf32> to vector<16xf32>
            %mul3A_1466 = arith.mulf %get3A_1465, %exp3A : vector<16xf32>
            %swap3A_1467 = arith.constant 224 : index
            %swap3A_1468 = tpu.vector_load %arg9[%swap3A_1467] {strides = array<i32>} : memref<512xf32, #tpu.memory_space<vmem>>, vector<16xf32>,
            %swap3A_1469 = vector.shape_cast %swap3A_1468 : vector<16xf32> to vector<16xf32>
            %swap3A_1470 = vector.shape_cast %mul3A_1466 : vector<16xf32> to vector<16xf32>
            tpu.vector_store %arg9[%swap3A_1467], %swap3A_1470 {strides = array<i32>} : memref<512xf32, #tpu.memory_space<vmem>>, vector<16xf32>,
            %get3A_1471 = arith.constant 240 : index
            %get3A_1472 = tpu.vector_load %arg9[%get3A_1471] {strides = array<i32>} : memref<512xf32, #tpu.memory_space<vmem>>, vector<16xf32>,
            %get3A_1473 = vector.shape_cast %get3A_1472 : vector<16xf32> to vector<16xf32>
            %mul3A_1474 = arith.mulf %get3A_1473, %exp3A : vector<16xf32>
            %swap3A_1475 = arith.constant 240 : index
            %swap3A_1476 = tpu.vector_load %arg9[%swap3A_1475] {strides = array<i32>} : memref<512xf32, #tpu.memory_space<vmem>>, vector<16xf32>,
            %swap3A_1477 = vector.shape_cast %swap3A_1476 : vector<16xf32> to vector<16xf32>
            %swap3A_1478 = vector.shape_cast %mul3A_1474 : vector<16xf32> to vector<16xf32>
            tpu.vector_store %arg9[%swap3A_1475], %swap3A_1478 {strides = array<i32>} : memref<512xf32, #tpu.memory_space<vmem>>, vector<16xf32>,
            %get3A_1479 = arith.constant 256 : index
            %get3A_1480 = tpu.vector_load %arg9[%get3A_1479] {strides = array<i32>} : memref<512xf32, #tpu.memory_space<vmem>>, vector<16xf32>,
            %get3A_1481 = vector.shape_cast %get3A_1480 : vector<16xf32> to vector<16xf32>
            %mul3A_1482 = arith.mulf %get3A_1481, %exp3A : vector<16xf32>
            %swap3A_1483 = arith.constant 256 : index
            %swap3A_1484 = tpu.vector_load %arg9[%swap3A_1483] {strides = array<i32>} : memref<512xf32, #tpu.memory_space<vmem>>, vector<16xf32>,
            %swap3A_1485 = vector.shape_cast %swap3A_1484 : vector<16xf32> to vector<16xf32>
            %swap3A_1486 = vector.shape_cast %mul3A_1482 : vector<16xf32> to vector<16xf32>
            tpu.vector_store %arg9[%swap3A_1483], %swap3A_1486 {strides = array<i32>} : memref<512xf32, #tpu.memory_space<vmem>>, vector<16xf32>,
            %get3A_1487 = arith.constant 272 : index
            %get3A_1488 = tpu.vector_load %arg9[%get3A_1487] {strides = array<i32>} : memref<512xf32, #tpu.memory_space<vmem>>, vector<16xf32>,
            %get3A_1489 = vector.shape_cast %get3A_1488 : vector<16xf32> to vector<16xf32>
            %mul3A_1490 = arith.mulf %get3A_1489, %exp3A : vector<16xf32>
            %swap3A_1491 = arith.constant 272 : index
            %swap3A_1492 = tpu.vector_load %arg9[%swap3A_1491] {strides = array<i32>} : memref<512xf32, #tpu.memory_space<vmem>>, vector<16xf32>,
            %swap3A_1493 = vector.shape_cast %swap3A_1492 : vector<16xf32> to vector<16xf32>
            %swap3A_1494 = vector.shape_cast %mul3A_1490 : vector<16xf32> to vector<16xf32>
            tpu.vector_store %arg9[%swap3A_1491], %swap3A_1494 {strides = array<i32>} : memref<512xf32, #tpu.memory_space<vmem>>, vector<16xf32>,
            %get3A_1495 = arith.constant 288 : index
            %get3A_1496 = tpu.vector_load %arg9[%get3A_1495] {strides = array<i32>} : memref<512xf32, #tpu.memory_space<vmem>>, vector<16xf32>,
            %get3A_1497 = vector.shape_cast %get3A_1496 : vector<16xf32> to vector<16xf32>
            %mul3A_1498 = arith.mulf %get3A_1497, %exp3A : vector<16xf32>
            %swap3A_1499 = arith.constant 288 : index
            %swap3A_1500 = tpu.vector_load %arg9[%swap3A_1499] {strides = array<i32>} : memref<512xf32, #tpu.memory_space<vmem>>, vector<16xf32>,
            %swap3A_1501 = vector.shape_cast %swap3A_1500 : vector<16xf32> to vector<16xf32>
            %swap3A_1502 = vector.shape_cast %mul3A_1498 : vector<16xf32> to vector<16xf32>
            tpu.vector_store %arg9[%swap3A_1499], %swap3A_1502 {strides = array<i32>} : memref<512xf32, #tpu.memory_space<vmem>>, vector<16xf32>,
            %get3A_1503 = arith.constant 304 : index
            %get3A_1504 = tpu.vector_load %arg9[%get3A_1503] {strides = array<i32>} : memref<512xf32, #tpu.memory_space<vmem>>, vector<16xf32>,
            %get3A_1505 = vector.shape_cast %get3A_1504 : vector<16xf32> to vector<16xf32>
            %mul3A_1506 = arith.mulf %get3A_1505, %exp3A : vector<16xf32>
            %swap3A_1507 = arith.constant 304 : index
            %swap3A_1508 = tpu.vector_load %arg9[%swap3A_1507] {strides = array<i32>} : memref<512xf32, #tpu.memory_space<vmem>>, vector<16xf32>,
            %swap3A_1509 = vector.shape_cast %swap3A_1508 : vector<16xf32> to vector<16xf32>
            %swap3A_1510 = vector.shape_cast %mul3A_1506 : vector<16xf32> to vector<16xf32>
            tpu.vector_store %arg9[%swap3A_1507], %swap3A_1510 {strides = array<i32>} : memref<512xf32, #tpu.memory_space<vmem>>, vector<16xf32>,
            %get3A_1511 = arith.constant 320 : index
            %get3A_1512 = tpu.vector_load %arg9[%get3A_1511] {strides = array<i32>} : memref<512xf32, #tpu.memory_space<vmem>>, vector<16xf32>,
            %get3A_1513 = vector.shape_cast %get3A_1512 : vector<16xf32> to vector<16xf32>
            %mul3A_1514 = arith.mulf %get3A_1513, %exp3A : vector<16xf32>
            %swap3A_1515 = arith.constant 320 : index
            %swap3A_1516 = tpu.vector_load %arg9[%swap3A_1515] {strides = array<i32>} : memref<512xf32, #tpu.memory_space<vmem>>, vector<16xf32>,
            %swap3A_1517 = vector.shape_cast %swap3A_1516 : vector<16xf32> to vector<16xf32>
            %swap3A_1518 = vector.shape_cast %mul3A_1514 : vector<16xf32> to vector<16xf32>
            tpu.vector_store %arg9[%swap3A_1515], %swap3A_1518 {strides = array<i32>} : memref<512xf32, #tpu.memory_space<vmem>>, vector<16xf32>,
            %get3A_1519 = arith.constant 336 : index
            %get3A_1520 = tpu.vector_load %arg9[%get3A_1519] {strides = array<i32>} : memref<512xf32, #tpu.memory_space<vmem>>, vector<16xf32>,
            %get3A_1521 = vector.shape_cast %get3A_1520 : vector<16xf32> to vector<16xf32>
            %mul3A_1522 = arith.mulf %get3A_1521, %exp3A : vector<16xf32>
            %swap3A_1523 = arith.constant 336 : index
            %swap3A_1524 = tpu.vector_load %arg9[%swap3A_1523] {strides = array<i32>} : memref<512xf32, #tpu.memory_space<vmem>>, vector<16xf32>,
            %swap3A_1525 = vector.shape_cast %swap3A_1524 : vector<16xf32> to vector<16xf32>
            %swap3A_1526 = vector.shape_cast %mul3A_1522 : vector<16xf32> to vector<16xf32>
            tpu.vector_store %arg9[%swap3A_1523], %swap3A_1526 {strides = array<i32>} : memref<512xf32, #tpu.memory_space<vmem>>, vector<16xf32>,
            %get3A_1527 = arith.constant 352 : index
            %get3A_1528 = tpu.vector_load %arg9[%get3A_1527] {strides = array<i32>} : memref<512xf32, #tpu.memory_space<vmem>>, vector<16xf32>,
            %get3A_1529 = vector.shape_cast %get3A_1528 : vector<16xf32> to vector<16xf32>
            %mul3A_1530 = arith.mulf %get3A_1529, %exp3A : vector<16xf32>
            %swap3A_1531 = arith.constant 352 : index
            %swap3A_1532 = tpu.vector_load %arg9[%swap3A_1531] {strides = array<i32>} : memref<512xf32, #tpu.memory_space<vmem>>, vector<16xf32>,
            %swap3A_1533 = vector.shape_cast %swap3A_1532 : vector<16xf32> to vector<16xf32>
            %swap3A_1534 = vector.shape_cast %mul3A_1530 : vector<16xf32> to vector<16xf32>
            tpu.vector_store %arg9[%swap3A_1531], %swap3A_1534 {strides = array<i32>} : memref<512xf32, #tpu.memory_space<vmem>>, vector<16xf32>,
            %get3A_1535 = arith.constant 368 : index
            %get3A_1536 = tpu.vector_load %arg9[%get3A_1535] {strides = array<i32>} : memref<512xf32, #tpu.memory_space<vmem>>, vector<16xf32>,
            %get3A_1537 = vector.shape_cast %get3A_1536 : vector<16xf32> to vector<16xf32>
            %mul3A_1538 = arith.mulf %get3A_1537, %exp3A : vector<16xf32>
            %swap3A_1539 = arith.constant 368 : index
            %swap3A_1540 = tpu.vector_load %arg9[%swap3A_1539] {strides = array<i32>} : memref<512xf32, #tpu.memory_space<vmem>>, vector<16xf32>,
            %swap3A_1541 = vector.shape_cast %swap3A_1540 : vector<16xf32> to vector<16xf32>
            %swap3A_1542 = vector.shape_cast %mul3A_1538 : vector<16xf32> to vector<16xf32>
            tpu.vector_store %arg9[%swap3A_1539], %swap3A_1542 {strides = array<i32>} : memref<512xf32, #tpu.memory_space<vmem>>, vector<16xf32>,
            %get3A_1543 = arith.constant 384 : index
            %get3A_1544 = tpu.vector_load %arg9[%get3A_1543] {strides = array<i32>} : memref<512xf32, #tpu.memory_space<vmem>>, vector<16xf32>,
            %get3A_1545 = vector.shape_cast %get3A_1544 : vector<16xf32> to vector<16xf32>
            %mul3A_1546 = arith.mulf %get3A_1545, %exp3A : vector<16xf32>
            %swap3A_1547 = arith.constant 384 : index
            %swap3A_1548 = tpu.vector_load %arg9[%swap3A_1547] {strides = array<i32>} : memref<512xf32, #tpu.memory_space<vmem>>, vector<16xf32>,
            %swap3A_1549 = vector.shape_cast %swap3A_1548 : vector<16xf32> to vector<16xf32>
            %swap3A_1550 = vector.shape_cast %mul3A_1546 : vector<16xf32> to vector<16xf32>
            tpu.vector_store %arg9[%swap3A_1547], %swap3A_1550 {strides = array<i32>} : memref<512xf32, #tpu.memory_space<vmem>>, vector<16xf32>,
            %get3A_1551 = arith.constant 400 : index
            %get3A_1552 = tpu.vector_load %arg9[%get3A_1551] {strides = array<i32>} : memref<512xf32, #tpu.memory_space<vmem>>, vector<16xf32>,
            %get3A_1553 = vector.shape_cast %get3A_1552 : vector<16xf32> to vector<16xf32>
            %mul3A_1554 = arith.mulf %get3A_1553, %exp3A : vector<16xf32>
            %swap3A_1555 = arith.constant 400 : index
            %swap3A_1556 = tpu.vector_load %arg9[%swap3A_1555] {strides = array<i32>} : memref<512xf32, #tpu.memory_space<vmem>>, vector<16xf32>,
            %swap3A_1557 = vector.shape_cast %swap3A_1556 : vector<16xf32> to vector<16xf32>
            %swap3A_1558 = vector.shape_cast %mul3A_1554 : vector<16xf32> to vector<16xf32>
            tpu.vector_store %arg9[%swap3A_1555], %swap3A_1558 {strides = array<i32>} : memref<512xf32, #tpu.memory_space<vmem>>, vector<16xf32>,
            %get3A_1559 = arith.constant 416 : index
            %get3A_1560 = tpu.vector_load %arg9[%get3A_1559] {strides = array<i32>} : memref<512xf32, #tpu.memory_space<vmem>>, vector<16xf32>,
            %get3A_1561 = vector.shape_cast %get3A_1560 : vector<16xf32> to vector<16xf32>
            %mul3A_1562 = arith.mulf %get3A_1561, %exp3A : vector<16xf32>
            %swap3A_1563 = arith.constant 416 : index
            %swap3A_1564 = tpu.vector_load %arg9[%swap3A_1563] {strides = array<i32>} : memref<512xf32, #tpu.memory_space<vmem>>, vector<16xf32>,
            %swap3A_1565 = vector.shape_cast %swap3A_1564 : vector<16xf32> to vector<16xf32>
            %swap3A_1566 = vector.shape_cast %mul3A_1562 : vector<16xf32> to vector<16xf32>
            tpu.vector_store %arg9[%swap3A_1563], %swap3A_1566 {strides = array<i32>} : memref<512xf32, #tpu.memory_space<vmem>>, vector<16xf32>,
            %get3A_1567 = arith.constant 432 : index
            %get3A_1568 = tpu.vector_load %arg9[%get3A_1567] {strides = array<i32>} : memref<512xf32, #tpu.memory_space<vmem>>, vector<16xf32>,
            %get3A_1569 = vector.shape_cast %get3A_1568 : vector<16xf32> to vector<16xf32>
            %mul3A_1570 = arith.mulf %get3A_1569, %exp3A : vector<16xf32>
            %swap3A_1571 = arith.constant 432 : index
            %swap3A_1572 = tpu.vector_load %arg9[%swap3A_1571] {strides = array<i32>} : memref<512xf32, #tpu.memory_space<vmem>>, vector<16xf32>,
            %swap3A_1573 = vector.shape_cast %swap3A_1572 : vector<16xf32> to vector<16xf32>
            %swap3A_1574 = vector.shape_cast %mul3A_1570 : vector<16xf32> to vector<16xf32>
            tpu.vector_store %arg9[%swap3A_1571], %swap3A_1574 {strides = array<i32>} : memref<512xf32, #tpu.memory_space<vmem>>, vector<16xf32>,
            %get3A_1575 = arith.constant 448 : index
            %get3A_1576 = tpu.vector_load %arg9[%get3A_1575] {strides = array<i32>} : memref<512xf32, #tpu.memory_space<vmem>>, vector<16xf32>,
            %get3A_1577 = vector.shape_cast %get3A_1576 : vector<16xf32> to vector<16xf32>
            %mul3A_1578 = arith.mulf %get3A_1577, %exp3A : vector<16xf32>
            %swap3A_1579 = arith.constant 448 : index
            %swap3A_1580 = tpu.vector_load %arg9[%swap3A_1579] {strides = array<i32>} : memref<512xf32, #tpu.memory_space<vmem>>, vector<16xf32>,
            %swap3A_1581 = vector.shape_cast %swap3A_1580 : vector<16xf32> to vector<16xf32>
            %swap3A_1582 = vector.shape_cast %mul3A_1578 : vector<16xf32> to vector<16xf32>
            tpu.vector_store %arg9[%swap3A_1579], %swap3A_1582 {strides = array<i32>} : memref<512xf32, #tpu.memory_space<vmem>>, vector<16xf32>,
            %get3A_1583 = arith.constant 464 : index
            %get3A_1584 = tpu.vector_load %arg9[%get3A_1583] {strides = array<i32>} : memref<512xf32, #tpu.memory_space<vmem>>, vector<16xf32>,
            %get3A_1585 = vector.shape_cast %get3A_1584 : vector<16xf32> to vector<16xf32>
            %mul3A_1586 = arith.mulf %get3A_1585, %exp3A : vector<16xf32>
            %swap3A_1587 = arith.constant 464 : index
            %swap3A_1588 = tpu.vector_load %arg9[%swap3A_1587] {strides = array<i32>} : memref<512xf32, #tpu.memory_space<vmem>>, vector<16xf32>,
            %swap3A_1589 = vector.shape_cast %swap3A_1588 : vector<16xf32> to vector<16xf32>
            %swap3A_1590 = vector.shape_cast %mul3A_1586 : vector<16xf32> to vector<16xf32>
            tpu.vector_store %arg9[%swap3A_1587], %swap3A_1590 {strides = array<i32>} : memref<512xf32, #tpu.memory_space<vmem>>, vector<16xf32>,
            %get3A_1591 = arith.constant 480 : index
            %get3A_1592 = tpu.vector_load %arg9[%get3A_1591] {strides = array<i32>} : memref<512xf32, #tpu.memory_space<vmem>>, vector<16xf32>,
            %get3A_1593 = vector.shape_cast %get3A_1592 : vector<16xf32> to vector<16xf32>
            %mul3A_1594 = arith.mulf %get3A_1593, %exp3A : vector<16xf32>
            %swap3A_1595 = arith.constant 480 : index
            %swap3A_1596 = tpu.vector_load %arg9[%swap3A_1595] {strides = array<i32>} : memref<512xf32, #tpu.memory_space<vmem>>, vector<16xf32>,
            %swap3A_1597 = vector.shape_cast %swap3A_1596 : vector<16xf32> to vector<16xf32>
            %swap3A_1598 = vector.shape_cast %mul3A_1594 : vector<16xf32> to vector<16xf32>
            tpu.vector_store %arg9[%swap3A_1595], %swap3A_1598 {strides = array<i32>} : memref<512xf32, #tpu.memory_space<vmem>>, vector<16xf32>,
            %get3A_1599 = arith.constant 496 : index
            %get3A_1600 = tpu.vector_load %arg9[%get3A_1599] {strides = array<i32>} : memref<512xf32, #tpu.memory_space<vmem>>, vector<16xf32>,
            %get3A_1601 = vector.shape_cast %get3A_1600 : vector<16xf32> to vector<16xf32>
            %mul3A_1602 = arith.mulf %get3A_1601, %exp3A : vector<16xf32>
            %swap3A_1603 = arith.constant 496 : index
            %swap3A_1604 = tpu.vector_load %arg9[%swap3A_1603] {strides = array<i32>} : memref<512xf32, #tpu.memory_space<vmem>>, vector<16xf32>,
            %swap3A_1605 = vector.shape_cast %swap3A_1604 : vector<16xf32> to vector<16xf32>
            %swap3A_1606 = vector.shape_cast %mul3A_1602 : vector<16xf32> to vector<16xf32>
            tpu.vector_store %arg9[%swap3A_1603], %swap3A_1606 {strides = array<i32>} : memref<512xf32, #tpu.memory_space<vmem>>, vector<16xf32>,
          } else {
          }
          %get3A_935 = arith.constant 0 : index
          %get3A_936 = tpu.vector_load %arg9[%get3A_935] {strides = array<i32>} : memref<512xf32, #tpu.memory_space<vmem>>, vector<16xf32>,
          %get3A_937 = vector.shape_cast %get3A_936 : vector<16xf32> to vector<16xf32>
          %get3A_938 = arith.index_cast %while3A_585 : i32 to index
          %get3A_939 = arith.constant 0 : index
          %get3A_940 = tpu.vector_load %arg6[%get3A_938, %get3A_939] {strides = array<i32>} : memref<64x512xf32, #tpu.memory_space<vmem>>, vector<1x16xf32>,
          %get3A_941 = vector.shape_cast %get3A_940 : vector<1x16xf32> to vector<16xf32>
          %mul3A_942 = arith.mulf %exp3A_930, %get3A_941 : vector<16xf32>
          %add3A_943 = arith.addf %get3A_937, %mul3A_942 : vector<16xf32>
          %swap3A_944 = arith.constant 0 : index
          %swap3A_945 = tpu.vector_load %arg9[%swap3A_944] {strides = array<i32>} : memref<512xf32, #tpu.memory_space<vmem>>, vector<16xf32>,
          %swap3A_946 = vector.shape_cast %swap3A_945 : vector<16xf32> to vector<16xf32>
          %swap3A_947 = vector.shape_cast %add3A_943 : vector<16xf32> to vector<16xf32>
          tpu.vector_store %arg9[%swap3A_944], %swap3A_947 {strides = array<i32>} : memref<512xf32, #tpu.memory_space<vmem>>, vector<16xf32>,
          %get3A_948 = arith.constant 16 : index
          %get3A_949 = tpu.vector_load %arg9[%get3A_948] {strides = array<i32>} : memref<512xf32, #tpu.memory_space<vmem>>, vector<16xf32>,
          %get3A_950 = vector.shape_cast %get3A_949 : vector<16xf32> to vector<16xf32>
          %get3A_951 = arith.index_cast %while3A_585 : i32 to index
          %get3A_952 = arith.constant 16 : index
          %get3A_953 = tpu.vector_load %arg6[%get3A_951, %get3A_952] {strides = array<i32>} : memref<64x512xf32, #tpu.memory_space<vmem>>, vector<1x16xf32>,
          %get3A_954 = vector.shape_cast %get3A_953 : vector<1x16xf32> to vector<16xf32>
          %mul3A_955 = arith.mulf %exp3A_930, %get3A_954 : vector<16xf32>
          %add3A_956 = arith.addf %get3A_950, %mul3A_955 : vector<16xf32>
          %swap3A_957 = arith.constant 16 : index
          %swap3A_958 = tpu.vector_load %arg9[%swap3A_957] {strides = array<i32>} : memref<512xf32, #tpu.memory_space<vmem>>, vector<16xf32>,
          %swap3A_959 = vector.shape_cast %swap3A_958 : vector<16xf32> to vector<16xf32>
          %swap3A_960 = vector.shape_cast %add3A_956 : vector<16xf32> to vector<16xf32>
          tpu.vector_store %arg9[%swap3A_957], %swap3A_960 {strides = array<i32>} : memref<512xf32, #tpu.memory_space<vmem>>, vector<16xf32>,
          %get3A_961 = arith.constant 32 : index
          %get3A_962 = tpu.vector_load %arg9[%get3A_961] {strides = array<i32>} : memref<512xf32, #tpu.memory_space<vmem>>, vector<16xf32>,
          %get3A_963 = vector.shape_cast %get3A_962 : vector<16xf32> to vector<16xf32>
          %get3A_964 = arith.index_cast %while3A_585 : i32 to index
          %get3A_965 = arith.constant 32 : index
          %get3A_966 = tpu.vector_load %arg6[%get3A_964, %get3A_965] {strides = array<i32>} : memref<64x512xf32, #tpu.memory_space<vmem>>, vector<1x16xf32>,
          %get3A_967 = vector.shape_cast %get3A_966 : vector<1x16xf32> to vector<16xf32>
          %mul3A_968 = arith.mulf %exp3A_930, %get3A_967 : vector<16xf32>
          %add3A_969 = arith.addf %get3A_963, %mul3A_968 : vector<16xf32>
          %swap3A_970 = arith.constant 32 : index
          %swap3A_971 = tpu.vector_load %arg9[%swap3A_970] {strides = array<i32>} : memref<512xf32, #tpu.memory_space<vmem>>, vector<16xf32>,
          %swap3A_972 = vector.shape_cast %swap3A_971 : vector<16xf32> to vector<16xf32>
          %swap3A_973 = vector.shape_cast %add3A_969 : vector<16xf32> to vector<16xf32>
          tpu.vector_store %arg9[%swap3A_970], %swap3A_973 {strides = array<i32>} : memref<512xf32, #tpu.memory_space<vmem>>, vector<16xf32>,
          %get3A_974 = arith.constant 48 : index
          %get3A_975 = tpu.vector_load %arg9[%get3A_974] {strides = array<i32>} : memref<512xf32, #tpu.memory_space<vmem>>, vector<16xf32>,
          %get3A_976 = vector.shape_cast %get3A_975 : vector<16xf32> to vector<16xf32>
          %get3A_977 = arith.index_cast %while3A_585 : i32 to index
          %get3A_978 = arith.constant 48 : index
          %get3A_979 = tpu.vector_load %arg6[%get3A_977, %get3A_978] {strides = array<i32>} : memref<64x512xf32, #tpu.memory_space<vmem>>, vector<1x16xf32>,
          %get3A_980 = vector.shape_cast %get3A_979 : vector<1x16xf32> to vector<16xf32>
          %mul3A_981 = arith.mulf %exp3A_930, %get3A_980 : vector<16xf32>
          %add3A_982 = arith.addf %get3A_976, %mul3A_981 : vector<16xf32>
          %swap3A_983 = arith.constant 48 : index
          %swap3A_984 = tpu.vector_load %arg9[%swap3A_983] {strides = array<i32>} : memref<512xf32, #tpu.memory_space<vmem>>, vector<16xf32>,
          %swap3A_985 = vector.shape_cast %swap3A_984 : vector<16xf32> to vector<16xf32>
          %swap3A_986 = vector.shape_cast %add3A_982 : vector<16xf32> to vector<16xf32>
          tpu.vector_store %arg9[%swap3A_983], %swap3A_986 {strides = array<i32>} : memref<512xf32, #tpu.memory_space<vmem>>, vector<16xf32>,
          %get3A_987 = arith.constant 64 : index
          %get3A_988 = tpu.vector_load %arg9[%get3A_987] {strides = array<i32>} : memref<512xf32, #tpu.memory_space<vmem>>, vector<16xf32>,
          %get3A_989 = vector.shape_cast %get3A_988 : vector<16xf32> to vector<16xf32>
          %get3A_990 = arith.index_cast %while3A_585 : i32 to index
          %get3A_991 = arith.constant 64 : index
          %get3A_992 = tpu.vector_load %arg6[%get3A_990, %get3A_991] {strides = array<i32>} : memref<64x512xf32, #tpu.memory_space<vmem>>, vector<1x16xf32>,
          %get3A_993 = vector.shape_cast %get3A_992 : vector<1x16xf32> to vector<16xf32>
          %mul3A_994 = arith.mulf %exp3A_930, %get3A_993 : vector<16xf32>
          %add3A_995 = arith.addf %get3A_989, %mul3A_994 : vector<16xf32>
          %swap3A_996 = arith.constant 64 : index
          %swap3A_997 = tpu.vector_load %arg9[%swap3A_996] {strides = array<i32>} : memref<512xf32, #tpu.memory_space<vmem>>, vector<16xf32>,
          %swap3A_998 = vector.shape_cast %swap3A_997 : vector<16xf32> to vector<16xf32>
          %swap3A_999 = vector.shape_cast %add3A_995 : vector<16xf32> to vector<16xf32>
          tpu.vector_store %arg9[%swap3A_996], %swap3A_999 {strides = array<i32>} : memref<512xf32, #tpu.memory_space<vmem>>, vector<16xf32>,
          %get3A_1000 = arith.constant 80 : index
          %get3A_1001 = tpu.vector_load %arg9[%get3A_1000] {strides = array<i32>} : memref<512xf32, #tpu.memory_space<vmem>>, vector<16xf32>,
          %get3A_1002 = vector.shape_cast %get3A_1001 : vector<16xf32> to vector<16xf32>
          %get3A_1003 = arith.index_cast %while3A_585 : i32 to index
          %get3A_1004 = arith.constant 80 : index
          %get3A_1005 = tpu.vector_load %arg6[%get3A_1003, %get3A_1004] {strides = array<i32>} : memref<64x512xf32, #tpu.memory_space<vmem>>, vector<1x16xf32>,
          %get3A_1006 = vector.shape_cast %get3A_1005 : vector<1x16xf32> to vector<16xf32>
          %mul3A_1007 = arith.mulf %exp3A_930, %get3A_1006 : vector<16xf32>
          %add3A_1008 = arith.addf %get3A_1002, %mul3A_1007 : vector<16xf32>
          %swap3A_1009 = arith.constant 80 : index
          %swap3A_1010 = tpu.vector_load %arg9[%swap3A_1009] {strides = array<i32>} : memref<512xf32, #tpu.memory_space<vmem>>, vector<16xf32>,
          %swap3A_1011 = vector.shape_cast %swap3A_1010 : vector<16xf32> to vector<16xf32>
          %swap3A_1012 = vector.shape_cast %add3A_1008 : vector<16xf32> to vector<16xf32>
          tpu.vector_store %arg9[%swap3A_1009], %swap3A_1012 {strides = array<i32>} : memref<512xf32, #tpu.memory_space<vmem>>, vector<16xf32>,
          %get3A_1013 = arith.constant 96 : index
          %get3A_1014 = tpu.vector_load %arg9[%get3A_1013] {strides = array<i32>} : memref<512xf32, #tpu.memory_space<vmem>>, vector<16xf32>,
          %get3A_1015 = vector.shape_cast %get3A_1014 : vector<16xf32> to vector<16xf32>
          %get3A_1016 = arith.index_cast %while3A_585 : i32 to index
          %get3A_1017 = arith.constant 96 : index
          %get3A_1018 = tpu.vector_load %arg6[%get3A_1016, %get3A_1017] {strides = array<i32>} : memref<64x512xf32, #tpu.memory_space<vmem>>, vector<1x16xf32>,
          %get3A_1019 = vector.shape_cast %get3A_1018 : vector<1x16xf32> to vector<16xf32>
          %mul3A_1020 = arith.mulf %exp3A_930, %get3A_1019 : vector<16xf32>
          %add3A_1021 = arith.addf %get3A_1015, %mul3A_1020 : vector<16xf32>
          %swap3A_1022 = arith.constant 96 : index
          %swap3A_1023 = tpu.vector_load %arg9[%swap3A_1022] {strides = array<i32>} : memref<512xf32, #tpu.memory_space<vmem>>, vector<16xf32>,
          %swap3A_1024 = vector.shape_cast %swap3A_1023 : vector<16xf32> to vector<16xf32>
          %swap3A_1025 = vector.shape_cast %add3A_1021 : vector<16xf32> to vector<16xf32>
          tpu.vector_store %arg9[%swap3A_1022], %swap3A_1025 {strides = array<i32>} : memref<512xf32, #tpu.memory_space<vmem>>, vector<16xf32>,
          %get3A_1026 = arith.constant 112 : index
          %get3A_1027 = tpu.vector_load %arg9[%get3A_1026] {strides = array<i32>} : memref<512xf32, #tpu.memory_space<vmem>>, vector<16xf32>,
          %get3A_1028 = vector.shape_cast %get3A_1027 : vector<16xf32> to vector<16xf32>
          %get3A_1029 = arith.index_cast %while3A_585 : i32 to index
          %get3A_1030 = arith.constant 112 : index
          %get3A_1031 = tpu.vector_load %arg6[%get3A_1029, %get3A_1030] {strides = array<i32>} : memref<64x512xf32, #tpu.memory_space<vmem>>, vector<1x16xf32>,
          %get3A_1032 = vector.shape_cast %get3A_1031 : vector<1x16xf32> to vector<16xf32>
          %mul3A_1033 = arith.mulf %exp3A_930, %get3A_1032 : vector<16xf32>
          %add3A_1034 = arith.addf %get3A_1028, %mul3A_1033 : vector<16xf32>
          %swap3A_1035 = arith.constant 112 : index
          %swap3A_1036 = tpu.vector_load %arg9[%swap3A_1035] {strides = array<i32>} : memref<512xf32, #tpu.memory_space<vmem>>, vector<16xf32>,
          %swap3A_1037 = vector.shape_cast %swap3A_1036 : vector<16xf32> to vector<16xf32>
          %swap3A_1038 = vector.shape_cast %add3A_1034 : vector<16xf32> to vector<16xf32>
          tpu.vector_store %arg9[%swap3A_1035], %swap3A_1038 {strides = array<i32>} : memref<512xf32, #tpu.memory_space<vmem>>, vector<16xf32>,
          %get3A_1039 = arith.constant 128 : index
          %get3A_1040 = tpu.vector_load %arg9[%get3A_1039] {strides = array<i32>} : memref<512xf32, #tpu.memory_space<vmem>>, vector<16xf32>,
          %get3A_1041 = vector.shape_cast %get3A_1040 : vector<16xf32> to vector<16xf32>
          %get3A_1042 = arith.index_cast %while3A_585 : i32 to index
          %get3A_1043 = arith.constant 128 : index
          %get3A_1044 = tpu.vector_load %arg6[%get3A_1042, %get3A_1043] {strides = array<i32>} : memref<64x512xf32, #tpu.memory_space<vmem>>, vector<1x16xf32>,
          %get3A_1045 = vector.shape_cast %get3A_1044 : vector<1x16xf32> to vector<16xf32>
          %mul3A_1046 = arith.mulf %exp3A_930, %get3A_1045 : vector<16xf32>
          %add3A_1047 = arith.addf %get3A_1041, %mul3A_1046 : vector<16xf32>
          %swap3A_1048 = arith.constant 128 : index
          %swap3A_1049 = tpu.vector_load %arg9[%swap3A_1048] {strides = array<i32>} : memref<512xf32, #tpu.memory_space<vmem>>, vector<16xf32>,
          %swap3A_1050 = vector.shape_cast %swap3A_1049 : vector<16xf32> to vector<16xf32>
          %swap3A_1051 = vector.shape_cast %add3A_1047 : vector<16xf32> to vector<16xf32>
          tpu.vector_store %arg9[%swap3A_1048], %swap3A_1051 {strides = array<i32>} : memref<512xf32, #tpu.memory_space<vmem>>, vector<16xf32>,
          %get3A_1052 = arith.constant 144 : index
          %get3A_1053 = tpu.vector_load %arg9[%get3A_1052] {strides = array<i32>} : memref<512xf32, #tpu.memory_space<vmem>>, vector<16xf32>,
          %get3A_1054 = vector.shape_cast %get3A_1053 : vector<16xf32> to vector<16xf32>
          %get3A_1055 = arith.index_cast %while3A_585 : i32 to index
          %get3A_1056 = arith.constant 144 : index
          %get3A_1057 = tpu.vector_load %arg6[%get3A_1055, %get3A_1056] {strides = array<i32>} : memref<64x512xf32, #tpu.memory_space<vmem>>, vector<1x16xf32>,
          %get3A_1058 = vector.shape_cast %get3A_1057 : vector<1x16xf32> to vector<16xf32>
          %mul3A_1059 = arith.mulf %exp3A_930, %get3A_1058 : vector<16xf32>
          %add3A_1060 = arith.addf %get3A_1054, %mul3A_1059 : vector<16xf32>
          %swap3A_1061 = arith.constant 144 : index
          %swap3A_1062 = tpu.vector_load %arg9[%swap3A_1061] {strides = array<i32>} : memref<512xf32, #tpu.memory_space<vmem>>, vector<16xf32>,
          %swap3A_1063 = vector.shape_cast %swap3A_1062 : vector<16xf32> to vector<16xf32>
          %swap3A_1064 = vector.shape_cast %add3A_1060 : vector<16xf32> to vector<16xf32>
          tpu.vector_store %arg9[%swap3A_1061], %swap3A_1064 {strides = array<i32>} : memref<512xf32, #tpu.memory_space<vmem>>, vector<16xf32>,
          %get3A_1065 = arith.constant 160 : index
          %get3A_1066 = tpu.vector_load %arg9[%get3A_1065] {strides = array<i32>} : memref<512xf32, #tpu.memory_space<vmem>>, vector<16xf32>,
          %get3A_1067 = vector.shape_cast %get3A_1066 : vector<16xf32> to vector<16xf32>
          %get3A_1068 = arith.index_cast %while3A_585 : i32 to index
          %get3A_1069 = arith.constant 160 : index
          %get3A_1070 = tpu.vector_load %arg6[%get3A_1068, %get3A_1069] {strides = array<i32>} : memref<64x512xf32, #tpu.memory_space<vmem>>, vector<1x16xf32>,
          %get3A_1071 = vector.shape_cast %get3A_1070 : vector<1x16xf32> to vector<16xf32>
          %mul3A_1072 = arith.mulf %exp3A_930, %get3A_1071 : vector<16xf32>
          %add3A_1073 = arith.addf %get3A_1067, %mul3A_1072 : vector<16xf32>
          %swap3A_1074 = arith.constant 160 : index
          %swap3A_1075 = tpu.vector_load %arg9[%swap3A_1074] {strides = array<i32>} : memref<512xf32, #tpu.memory_space<vmem>>, vector<16xf32>,
          %swap3A_1076 = vector.shape_cast %swap3A_1075 : vector<16xf32> to vector<16xf32>
          %swap3A_1077 = vector.shape_cast %add3A_1073 : vector<16xf32> to vector<16xf32>
          tpu.vector_store %arg9[%swap3A_1074], %swap3A_1077 {strides = array<i32>} : memref<512xf32, #tpu.memory_space<vmem>>, vector<16xf32>,
          %get3A_1078 = arith.constant 176 : index
          %get3A_1079 = tpu.vector_load %arg9[%get3A_1078] {strides = array<i32>} : memref<512xf32, #tpu.memory_space<vmem>>, vector<16xf32>,
          %get3A_1080 = vector.shape_cast %get3A_1079 : vector<16xf32> to vector<16xf32>
          %get3A_1081 = arith.index_cast %while3A_585 : i32 to index
          %get3A_1082 = arith.constant 176 : index
          %get3A_1083 = tpu.vector_load %arg6[%get3A_1081, %get3A_1082] {strides = array<i32>} : memref<64x512xf32, #tpu.memory_space<vmem>>, vector<1x16xf32>,
          %get3A_1084 = vector.shape_cast %get3A_1083 : vector<1x16xf32> to vector<16xf32>
          %mul3A_1085 = arith.mulf %exp3A_930, %get3A_1084 : vector<16xf32>
          %add3A_1086 = arith.addf %get3A_1080, %mul3A_1085 : vector<16xf32>
          %swap3A_1087 = arith.constant 176 : index
          %swap3A_1088 = tpu.vector_load %arg9[%swap3A_1087] {strides = array<i32>} : memref<512xf32, #tpu.memory_space<vmem>>, vector<16xf32>,
          %swap3A_1089 = vector.shape_cast %swap3A_1088 : vector<16xf32> to vector<16xf32>
          %swap3A_1090 = vector.shape_cast %add3A_1086 : vector<16xf32> to vector<16xf32>
          tpu.vector_store %arg9[%swap3A_1087], %swap3A_1090 {strides = array<i32>} : memref<512xf32, #tpu.memory_space<vmem>>, vector<16xf32>,
          %get3A_1091 = arith.constant 192 : index
          %get3A_1092 = tpu.vector_load %arg9[%get3A_1091] {strides = array<i32>} : memref<512xf32, #tpu.memory_space<vmem>>, vector<16xf32>,
          %get3A_1093 = vector.shape_cast %get3A_1092 : vector<16xf32> to vector<16xf32>
          %get3A_1094 = arith.index_cast %while3A_585 : i32 to index
          %get3A_1095 = arith.constant 192 : index
          %get3A_1096 = tpu.vector_load %arg6[%get3A_1094, %get3A_1095] {strides = array<i32>} : memref<64x512xf32, #tpu.memory_space<vmem>>, vector<1x16xf32>,
          %get3A_1097 = vector.shape_cast %get3A_1096 : vector<1x16xf32> to vector<16xf32>
          %mul3A_1098 = arith.mulf %exp3A_930, %get3A_1097 : vector<16xf32>
          %add3A_1099 = arith.addf %get3A_1093, %mul3A_1098 : vector<16xf32>
          %swap3A_1100 = arith.constant 192 : index
          %swap3A_1101 = tpu.vector_load %arg9[%swap3A_1100] {strides = array<i32>} : memref<512xf32, #tpu.memory_space<vmem>>, vector<16xf32>,
          %swap3A_1102 = vector.shape_cast %swap3A_1101 : vector<16xf32> to vector<16xf32>
          %swap3A_1103 = vector.shape_cast %add3A_1099 : vector<16xf32> to vector<16xf32>
          tpu.vector_store %arg9[%swap3A_1100], %swap3A_1103 {strides = array<i32>} : memref<512xf32, #tpu.memory_space<vmem>>, vector<16xf32>,
          %get3A_1104 = arith.constant 208 : index
          %get3A_1105 = tpu.vector_load %arg9[%get3A_1104] {strides = array<i32>} : memref<512xf32, #tpu.memory_space<vmem>>, vector<16xf32>,
          %get3A_1106 = vector.shape_cast %get3A_1105 : vector<16xf32> to vector<16xf32>
          %get3A_1107 = arith.index_cast %while3A_585 : i32 to index
          %get3A_1108 = arith.constant 208 : index
          %get3A_1109 = tpu.vector_load %arg6[%get3A_1107, %get3A_1108] {strides = array<i32>} : memref<64x512xf32, #tpu.memory_space<vmem>>, vector<1x16xf32>,
          %get3A_1110 = vector.shape_cast %get3A_1109 : vector<1x16xf32> to vector<16xf32>
          %mul3A_1111 = arith.mulf %exp3A_930, %get3A_1110 : vector<16xf32>
          %add3A_1112 = arith.addf %get3A_1106, %mul3A_1111 : vector<16xf32>
          %swap3A_1113 = arith.constant 208 : index
          %swap3A_1114 = tpu.vector_load %arg9[%swap3A_1113] {strides = array<i32>} : memref<512xf32, #tpu.memory_space<vmem>>, vector<16xf32>,
          %swap3A_1115 = vector.shape_cast %swap3A_1114 : vector<16xf32> to vector<16xf32>
          %swap3A_1116 = vector.shape_cast %add3A_1112 : vector<16xf32> to vector<16xf32>
          tpu.vector_store %arg9[%swap3A_1113], %swap3A_1116 {strides = array<i32>} : memref<512xf32, #tpu.memory_space<vmem>>, vector<16xf32>,
          %get3A_1117 = arith.constant 224 : index
          %get3A_1118 = tpu.vector_load %arg9[%get3A_1117] {strides = array<i32>} : memref<512xf32, #tpu.memory_space<vmem>>, vector<16xf32>,
          %get3A_1119 = vector.shape_cast %get3A_1118 : vector<16xf32> to vector<16xf32>
          %get3A_1120 = arith.index_cast %while3A_585 : i32 to index
          %get3A_1121 = arith.constant 224 : index
          %get3A_1122 = tpu.vector_load %arg6[%get3A_1120, %get3A_1121] {strides = array<i32>} : memref<64x512xf32, #tpu.memory_space<vmem>>, vector<1x16xf32>,
          %get3A_1123 = vector.shape_cast %get3A_1122 : vector<1x16xf32> to vector<16xf32>
          %mul3A_1124 = arith.mulf %exp3A_930, %get3A_1123 : vector<16xf32>
          %add3A_1125 = arith.addf %get3A_1119, %mul3A_1124 : vector<16xf32>
          %swap3A_1126 = arith.constant 224 : index
          %swap3A_1127 = tpu.vector_load %arg9[%swap3A_1126] {strides = array<i32>} : memref<512xf32, #tpu.memory_space<vmem>>, vector<16xf32>,
          %swap3A_1128 = vector.shape_cast %swap3A_1127 : vector<16xf32> to vector<16xf32>
          %swap3A_1129 = vector.shape_cast %add3A_1125 : vector<16xf32> to vector<16xf32>
          tpu.vector_store %arg9[%swap3A_1126], %swap3A_1129 {strides = array<i32>} : memref<512xf32, #tpu.memory_space<vmem>>, vector<16xf32>,
          %get3A_1130 = arith.constant 240 : index
          %get3A_1131 = tpu.vector_load %arg9[%get3A_1130] {strides = array<i32>} : memref<512xf32, #tpu.memory_space<vmem>>, vector<16xf32>,
          %get3A_1132 = vector.shape_cast %get3A_1131 : vector<16xf32> to vector<16xf32>
          %get3A_1133 = arith.index_cast %while3A_585 : i32 to index
          %get3A_1134 = arith.constant 240 : index
          %get3A_1135 = tpu.vector_load %arg6[%get3A_1133, %get3A_1134] {strides = array<i32>} : memref<64x512xf32, #tpu.memory_space<vmem>>, vector<1x16xf32>,
          %get3A_1136 = vector.shape_cast %get3A_1135 : vector<1x16xf32> to vector<16xf32>
          %mul3A_1137 = arith.mulf %exp3A_930, %get3A_1136 : vector<16xf32>
          %add3A_1138 = arith.addf %get3A_1132, %mul3A_1137 : vector<16xf32>
          %swap3A_1139 = arith.constant 240 : index
          %swap3A_1140 = tpu.vector_load %arg9[%swap3A_1139] {strides = array<i32>} : memref<512xf32, #tpu.memory_space<vmem>>, vector<16xf32>,
          %swap3A_1141 = vector.shape_cast %swap3A_1140 : vector<16xf32> to vector<16xf32>
          %swap3A_1142 = vector.shape_cast %add3A_1138 : vector<16xf32> to vector<16xf32>
          tpu.vector_store %arg9[%swap3A_1139], %swap3A_1142 {strides = array<i32>} : memref<512xf32, #tpu.memory_space<vmem>>, vector<16xf32>,
          %get3A_1143 = arith.constant 256 : index
          %get3A_1144 = tpu.vector_load %arg9[%get3A_1143] {strides = array<i32>} : memref<512xf32, #tpu.memory_space<vmem>>, vector<16xf32>,
          %get3A_1145 = vector.shape_cast %get3A_1144 : vector<16xf32> to vector<16xf32>
          %get3A_1146 = arith.index_cast %while3A_585 : i32 to index
          %get3A_1147 = arith.constant 256 : index
          %get3A_1148 = tpu.vector_load %arg6[%get3A_1146, %get3A_1147] {strides = array<i32>} : memref<64x512xf32, #tpu.memory_space<vmem>>, vector<1x16xf32>,
          %get3A_1149 = vector.shape_cast %get3A_1148 : vector<1x16xf32> to vector<16xf32>
          %mul3A_1150 = arith.mulf %exp3A_930, %get3A_1149 : vector<16xf32>
          %add3A_1151 = arith.addf %get3A_1145, %mul3A_1150 : vector<16xf32>
          %swap3A_1152 = arith.constant 256 : index
          %swap3A_1153 = tpu.vector_load %arg9[%swap3A_1152] {strides = array<i32>} : memref<512xf32, #tpu.memory_space<vmem>>, vector<16xf32>,
          %swap3A_1154 = vector.shape_cast %swap3A_1153 : vector<16xf32> to vector<16xf32>
          %swap3A_1155 = vector.shape_cast %add3A_1151 : vector<16xf32> to vector<16xf32>
          tpu.vector_store %arg9[%swap3A_1152], %swap3A_1155 {strides = array<i32>} : memref<512xf32, #tpu.memory_space<vmem>>, vector<16xf32>,
          %get3A_1156 = arith.constant 272 : index
          %get3A_1157 = tpu.vector_load %arg9[%get3A_1156] {strides = array<i32>} : memref<512xf32, #tpu.memory_space<vmem>>, vector<16xf32>,
          %get3A_1158 = vector.shape_cast %get3A_1157 : vector<16xf32> to vector<16xf32>
          %get3A_1159 = arith.index_cast %while3A_585 : i32 to index
          %get3A_1160 = arith.constant 272 : index
          %get3A_1161 = tpu.vector_load %arg6[%get3A_1159, %get3A_1160] {strides = array<i32>} : memref<64x512xf32, #tpu.memory_space<vmem>>, vector<1x16xf32>,
          %get3A_1162 = vector.shape_cast %get3A_1161 : vector<1x16xf32> to vector<16xf32>
          %mul3A_1163 = arith.mulf %exp3A_930, %get3A_1162 : vector<16xf32>
          %add3A_1164 = arith.addf %get3A_1158, %mul3A_1163 : vector<16xf32>
          %swap3A_1165 = arith.constant 272 : index
          %swap3A_1166 = tpu.vector_load %arg9[%swap3A_1165] {strides = array<i32>} : memref<512xf32, #tpu.memory_space<vmem>>, vector<16xf32>,
          %swap3A_1167 = vector.shape_cast %swap3A_1166 : vector<16xf32> to vector<16xf32>
          %swap3A_1168 = vector.shape_cast %add3A_1164 : vector<16xf32> to vector<16xf32>
          tpu.vector_store %arg9[%swap3A_1165], %swap3A_1168 {strides = array<i32>} : memref<512xf32, #tpu.memory_space<vmem>>, vector<16xf32>,
          %get3A_1169 = arith.constant 288 : index
          %get3A_1170 = tpu.vector_load %arg9[%get3A_1169] {strides = array<i32>} : memref<512xf32, #tpu.memory_space<vmem>>, vector<16xf32>,
          %get3A_1171 = vector.shape_cast %get3A_1170 : vector<16xf32> to vector<16xf32>
          %get3A_1172 = arith.index_cast %while3A_585 : i32 to index
          %get3A_1173 = arith.constant 288 : index
          %get3A_1174 = tpu.vector_load %arg6[%get3A_1172, %get3A_1173] {strides = array<i32>} : memref<64x512xf32, #tpu.memory_space<vmem>>, vector<1x16xf32>,
          %get3A_1175 = vector.shape_cast %get3A_1174 : vector<1x16xf32> to vector<16xf32>
          %mul3A_1176 = arith.mulf %exp3A_930, %get3A_1175 : vector<16xf32>
          %add3A_1177 = arith.addf %get3A_1171, %mul3A_1176 : vector<16xf32>
          %swap3A_1178 = arith.constant 288 : index
          %swap3A_1179 = tpu.vector_load %arg9[%swap3A_1178] {strides = array<i32>} : memref<512xf32, #tpu.memory_space<vmem>>, vector<16xf32>,
          %swap3A_1180 = vector.shape_cast %swap3A_1179 : vector<16xf32> to vector<16xf32>
          %swap3A_1181 = vector.shape_cast %add3A_1177 : vector<16xf32> to vector<16xf32>
          tpu.vector_store %arg9[%swap3A_1178], %swap3A_1181 {strides = array<i32>} : memref<512xf32, #tpu.memory_space<vmem>>, vector<16xf32>,
          %get3A_1182 = arith.constant 304 : index
          %get3A_1183 = tpu.vector_load %arg9[%get3A_1182] {strides = array<i32>} : memref<512xf32, #tpu.memory_space<vmem>>, vector<16xf32>,
          %get3A_1184 = vector.shape_cast %get3A_1183 : vector<16xf32> to vector<16xf32>
          %get3A_1185 = arith.index_cast %while3A_585 : i32 to index
          %get3A_1186 = arith.constant 304 : index
          %get3A_1187 = tpu.vector_load %arg6[%get3A_1185, %get3A_1186] {strides = array<i32>} : memref<64x512xf32, #tpu.memory_space<vmem>>, vector<1x16xf32>,
          %get3A_1188 = vector.shape_cast %get3A_1187 : vector<1x16xf32> to vector<16xf32>
          %mul3A_1189 = arith.mulf %exp3A_930, %get3A_1188 : vector<16xf32>
          %add3A_1190 = arith.addf %get3A_1184, %mul3A_1189 : vector<16xf32>
          %swap3A_1191 = arith.constant 304 : index
          %swap3A_1192 = tpu.vector_load %arg9[%swap3A_1191] {strides = array<i32>} : memref<512xf32, #tpu.memory_space<vmem>>, vector<16xf32>,
          %swap3A_1193 = vector.shape_cast %swap3A_1192 : vector<16xf32> to vector<16xf32>
          %swap3A_1194 = vector.shape_cast %add3A_1190 : vector<16xf32> to vector<16xf32>
          tpu.vector_store %arg9[%swap3A_1191], %swap3A_1194 {strides = array<i32>} : memref<512xf32, #tpu.memory_space<vmem>>, vector<16xf32>,
          %get3A_1195 = arith.constant 320 : index
          %get3A_1196 = tpu.vector_load %arg9[%get3A_1195] {strides = array<i32>} : memref<512xf32, #tpu.memory_space<vmem>>, vector<16xf32>,
          %get3A_1197 = vector.shape_cast %get3A_1196 : vector<16xf32> to vector<16xf32>
          %get3A_1198 = arith.index_cast %while3A_585 : i32 to index
          %get3A_1199 = arith.constant 320 : index
          %get3A_1200 = tpu.vector_load %arg6[%get3A_1198, %get3A_1199] {strides = array<i32>} : memref<64x512xf32, #tpu.memory_space<vmem>>, vector<1x16xf32>,
          %get3A_1201 = vector.shape_cast %get3A_1200 : vector<1x16xf32> to vector<16xf32>
          %mul3A_1202 = arith.mulf %exp3A_930, %get3A_1201 : vector<16xf32>
          %add3A_1203 = arith.addf %get3A_1197, %mul3A_1202 : vector<16xf32>
          %swap3A_1204 = arith.constant 320 : index
          %swap3A_1205 = tpu.vector_load %arg9[%swap3A_1204] {strides = array<i32>} : memref<512xf32, #tpu.memory_space<vmem>>, vector<16xf32>,
          %swap3A_1206 = vector.shape_cast %swap3A_1205 : vector<16xf32> to vector<16xf32>
          %swap3A_1207 = vector.shape_cast %add3A_1203 : vector<16xf32> to vector<16xf32>
          tpu.vector_store %arg9[%swap3A_1204], %swap3A_1207 {strides = array<i32>} : memref<512xf32, #tpu.memory_space<vmem>>, vector<16xf32>,
          %get3A_1208 = arith.constant 336 : index
          %get3A_1209 = tpu.vector_load %arg9[%get3A_1208] {strides = array<i32>} : memref<512xf32, #tpu.memory_space<vmem>>, vector<16xf32>,
          %get3A_1210 = vector.shape_cast %get3A_1209 : vector<16xf32> to vector<16xf32>
          %get3A_1211 = arith.index_cast %while3A_585 : i32 to index
          %get3A_1212 = arith.constant 336 : index
          %get3A_1213 = tpu.vector_load %arg6[%get3A_1211, %get3A_1212] {strides = array<i32>} : memref<64x512xf32, #tpu.memory_space<vmem>>, vector<1x16xf32>,
          %get3A_1214 = vector.shape_cast %get3A_1213 : vector<1x16xf32> to vector<16xf32>
          %mul3A_1215 = arith.mulf %exp3A_930, %get3A_1214 : vector<16xf32>
          %add3A_1216 = arith.addf %get3A_1210, %mul3A_1215 : vector<16xf32>
          %swap3A_1217 = arith.constant 336 : index
          %swap3A_1218 = tpu.vector_load %arg9[%swap3A_1217] {strides = array<i32>} : memref<512xf32, #tpu.memory_space<vmem>>, vector<16xf32>,
          %swap3A_1219 = vector.shape_cast %swap3A_1218 : vector<16xf32> to vector<16xf32>
          %swap3A_1220 = vector.shape_cast %add3A_1216 : vector<16xf32> to vector<16xf32>
          tpu.vector_store %arg9[%swap3A_1217], %swap3A_1220 {strides = array<i32>} : memref<512xf32, #tpu.memory_space<vmem>>, vector<16xf32>,
          %get3A_1221 = arith.constant 352 : index
          %get3A_1222 = tpu.vector_load %arg9[%get3A_1221] {strides = array<i32>} : memref<512xf32, #tpu.memory_space<vmem>>, vector<16xf32>,
          %get3A_1223 = vector.shape_cast %get3A_1222 : vector<16xf32> to vector<16xf32>
          %get3A_1224 = arith.index_cast %while3A_585 : i32 to index
          %get3A_1225 = arith.constant 352 : index
          %get3A_1226 = tpu.vector_load %arg6[%get3A_1224, %get3A_1225] {strides = array<i32>} : memref<64x512xf32, #tpu.memory_space<vmem>>, vector<1x16xf32>,
          %get3A_1227 = vector.shape_cast %get3A_1226 : vector<1x16xf32> to vector<16xf32>
          %mul3A_1228 = arith.mulf %exp3A_930, %get3A_1227 : vector<16xf32>
          %add3A_1229 = arith.addf %get3A_1223, %mul3A_1228 : vector<16xf32>
          %swap3A_1230 = arith.constant 352 : index
          %swap3A_1231 = tpu.vector_load %arg9[%swap3A_1230] {strides = array<i32>} : memref<512xf32, #tpu.memory_space<vmem>>, vector<16xf32>,
          %swap3A_1232 = vector.shape_cast %swap3A_1231 : vector<16xf32> to vector<16xf32>
          %swap3A_1233 = vector.shape_cast %add3A_1229 : vector<16xf32> to vector<16xf32>
          tpu.vector_store %arg9[%swap3A_1230], %swap3A_1233 {strides = array<i32>} : memref<512xf32, #tpu.memory_space<vmem>>, vector<16xf32>,
          %get3A_1234 = arith.constant 368 : index
          %get3A_1235 = tpu.vector_load %arg9[%get3A_1234] {strides = array<i32>} : memref<512xf32, #tpu.memory_space<vmem>>, vector<16xf32>,
          %get3A_1236 = vector.shape_cast %get3A_1235 : vector<16xf32> to vector<16xf32>
          %get3A_1237 = arith.index_cast %while3A_585 : i32 to index
          %get3A_1238 = arith.constant 368 : index
          %get3A_1239 = tpu.vector_load %arg6[%get3A_1237, %get3A_1238] {strides = array<i32>} : memref<64x512xf32, #tpu.memory_space<vmem>>, vector<1x16xf32>,
          %get3A_1240 = vector.shape_cast %get3A_1239 : vector<1x16xf32> to vector<16xf32>
          %mul3A_1241 = arith.mulf %exp3A_930, %get3A_1240 : vector<16xf32>
          %add3A_1242 = arith.addf %get3A_1236, %mul3A_1241 : vector<16xf32>
          %swap3A_1243 = arith.constant 368 : index
          %swap3A_1244 = tpu.vector_load %arg9[%swap3A_1243] {strides = array<i32>} : memref<512xf32, #tpu.memory_space<vmem>>, vector<16xf32>,
          %swap3A_1245 = vector.shape_cast %swap3A_1244 : vector<16xf32> to vector<16xf32>
          %swap3A_1246 = vector.shape_cast %add3A_1242 : vector<16xf32> to vector<16xf32>
          tpu.vector_store %arg9[%swap3A_1243], %swap3A_1246 {strides = array<i32>} : memref<512xf32, #tpu.memory_space<vmem>>, vector<16xf32>,
          %get3A_1247 = arith.constant 384 : index
          %get3A_1248 = tpu.vector_load %arg9[%get3A_1247] {strides = array<i32>} : memref<512xf32, #tpu.memory_space<vmem>>, vector<16xf32>,
          %get3A_1249 = vector.shape_cast %get3A_1248 : vector<16xf32> to vector<16xf32>
          %get3A_1250 = arith.index_cast %while3A_585 : i32 to index
          %get3A_1251 = arith.constant 384 : index
          %get3A_1252 = tpu.vector_load %arg6[%get3A_1250, %get3A_1251] {strides = array<i32>} : memref<64x512xf32, #tpu.memory_space<vmem>>, vector<1x16xf32>,
          %get3A_1253 = vector.shape_cast %get3A_1252 : vector<1x16xf32> to vector<16xf32>
          %mul3A_1254 = arith.mulf %exp3A_930, %get3A_1253 : vector<16xf32>
          %add3A_1255 = arith.addf %get3A_1249, %mul3A_1254 : vector<16xf32>
          %swap3A_1256 = arith.constant 384 : index
          %swap3A_1257 = tpu.vector_load %arg9[%swap3A_1256] {strides = array<i32>} : memref<512xf32, #tpu.memory_space<vmem>>, vector<16xf32>,
          %swap3A_1258 = vector.shape_cast %swap3A_1257 : vector<16xf32> to vector<16xf32>
          %swap3A_1259 = vector.shape_cast %add3A_1255 : vector<16xf32> to vector<16xf32>
          tpu.vector_store %arg9[%swap3A_1256], %swap3A_1259 {strides = array<i32>} : memref<512xf32, #tpu.memory_space<vmem>>, vector<16xf32>,
          %get3A_1260 = arith.constant 400 : index
          %get3A_1261 = tpu.vector_load %arg9[%get3A_1260] {strides = array<i32>} : memref<512xf32, #tpu.memory_space<vmem>>, vector<16xf32>,
          %get3A_1262 = vector.shape_cast %get3A_1261 : vector<16xf32> to vector<16xf32>
          %get3A_1263 = arith.index_cast %while3A_585 : i32 to index
          %get3A_1264 = arith.constant 400 : index
          %get3A_1265 = tpu.vector_load %arg6[%get3A_1263, %get3A_1264] {strides = array<i32>} : memref<64x512xf32, #tpu.memory_space<vmem>>, vector<1x16xf32>,
          %get3A_1266 = vector.shape_cast %get3A_1265 : vector<1x16xf32> to vector<16xf32>
          %mul3A_1267 = arith.mulf %exp3A_930, %get3A_1266 : vector<16xf32>
          %add3A_1268 = arith.addf %get3A_1262, %mul3A_1267 : vector<16xf32>
          %swap3A_1269 = arith.constant 400 : index
          %swap3A_1270 = tpu.vector_load %arg9[%swap3A_1269] {strides = array<i32>} : memref<512xf32, #tpu.memory_space<vmem>>, vector<16xf32>,
          %swap3A_1271 = vector.shape_cast %swap3A_1270 : vector<16xf32> to vector<16xf32>
          %swap3A_1272 = vector.shape_cast %add3A_1268 : vector<16xf32> to vector<16xf32>
          tpu.vector_store %arg9[%swap3A_1269], %swap3A_1272 {strides = array<i32>} : memref<512xf32, #tpu.memory_space<vmem>>, vector<16xf32>,
          %get3A_1273 = arith.constant 416 : index
          %get3A_1274 = tpu.vector_load %arg9[%get3A_1273] {strides = array<i32>} : memref<512xf32, #tpu.memory_space<vmem>>, vector<16xf32>,
          %get3A_1275 = vector.shape_cast %get3A_1274 : vector<16xf32> to vector<16xf32>
          %get3A_1276 = arith.index_cast %while3A_585 : i32 to index
          %get3A_1277 = arith.constant 416 : index
          %get3A_1278 = tpu.vector_load %arg6[%get3A_1276, %get3A_1277] {strides = array<i32>} : memref<64x512xf32, #tpu.memory_space<vmem>>, vector<1x16xf32>,
          %get3A_1279 = vector.shape_cast %get3A_1278 : vector<1x16xf32> to vector<16xf32>
          %mul3A_1280 = arith.mulf %exp3A_930, %get3A_1279 : vector<16xf32>
          %add3A_1281 = arith.addf %get3A_1275, %mul3A_1280 : vector<16xf32>
          %swap3A_1282 = arith.constant 416 : index
          %swap3A_1283 = tpu.vector_load %arg9[%swap3A_1282] {strides = array<i32>} : memref<512xf32, #tpu.memory_space<vmem>>, vector<16xf32>,
          %swap3A_1284 = vector.shape_cast %swap3A_1283 : vector<16xf32> to vector<16xf32>
          %swap3A_1285 = vector.shape_cast %add3A_1281 : vector<16xf32> to vector<16xf32>
          tpu.vector_store %arg9[%swap3A_1282], %swap3A_1285 {strides = array<i32>} : memref<512xf32, #tpu.memory_space<vmem>>, vector<16xf32>,
          %get3A_1286 = arith.constant 432 : index
          %get3A_1287 = tpu.vector_load %arg9[%get3A_1286] {strides = array<i32>} : memref<512xf32, #tpu.memory_space<vmem>>, vector<16xf32>,
          %get3A_1288 = vector.shape_cast %get3A_1287 : vector<16xf32> to vector<16xf32>
          %get3A_1289 = arith.index_cast %while3A_585 : i32 to index
          %get3A_1290 = arith.constant 432 : index
          %get3A_1291 = tpu.vector_load %arg6[%get3A_1289, %get3A_1290] {strides = array<i32>} : memref<64x512xf32, #tpu.memory_space<vmem>>, vector<1x16xf32>,
          %get3A_1292 = vector.shape_cast %get3A_1291 : vector<1x16xf32> to vector<16xf32>
          %mul3A_1293 = arith.mulf %exp3A_930, %get3A_1292 : vector<16xf32>
          %add3A_1294 = arith.addf %get3A_1288, %mul3A_1293 : vector<16xf32>
          %swap3A_1295 = arith.constant 432 : index
          %swap3A_1296 = tpu.vector_load %arg9[%swap3A_1295] {strides = array<i32>} : memref<512xf32, #tpu.memory_space<vmem>>, vector<16xf32>,
          %swap3A_1297 = vector.shape_cast %swap3A_1296 : vector<16xf32> to vector<16xf32>
          %swap3A_1298 = vector.shape_cast %add3A_1294 : vector<16xf32> to vector<16xf32>
          tpu.vector_store %arg9[%swap3A_1295], %swap3A_1298 {strides = array<i32>} : memref<512xf32, #tpu.memory_space<vmem>>, vector<16xf32>,
          %get3A_1299 = arith.constant 448 : index
          %get3A_1300 = tpu.vector_load %arg9[%get3A_1299] {strides = array<i32>} : memref<512xf32, #tpu.memory_space<vmem>>, vector<16xf32>,
          %get3A_1301 = vector.shape_cast %get3A_1300 : vector<16xf32> to vector<16xf32>
          %get3A_1302 = arith.index_cast %while3A_585 : i32 to index
          %get3A_1303 = arith.constant 448 : index
          %get3A_1304 = tpu.vector_load %arg6[%get3A_1302, %get3A_1303] {strides = array<i32>} : memref<64x512xf32, #tpu.memory_space<vmem>>, vector<1x16xf32>,
          %get3A_1305 = vector.shape_cast %get3A_1304 : vector<1x16xf32> to vector<16xf32>
          %mul3A_1306 = arith.mulf %exp3A_930, %get3A_1305 : vector<16xf32>
          %add3A_1307 = arith.addf %get3A_1301, %mul3A_1306 : vector<16xf32>
          %swap3A_1308 = arith.constant 448 : index
          %swap3A_1309 = tpu.vector_load %arg9[%swap3A_1308] {strides = array<i32>} : memref<512xf32, #tpu.memory_space<vmem>>, vector<16xf32>,
          %swap3A_1310 = vector.shape_cast %swap3A_1309 : vector<16xf32> to vector<16xf32>
          %swap3A_1311 = vector.shape_cast %add3A_1307 : vector<16xf32> to vector<16xf32>
          tpu.vector_store %arg9[%swap3A_1308], %swap3A_1311 {strides = array<i32>} : memref<512xf32, #tpu.memory_space<vmem>>, vector<16xf32>,
          %get3A_1312 = arith.constant 464 : index
          %get3A_1313 = tpu.vector_load %arg9[%get3A_1312] {strides = array<i32>} : memref<512xf32, #tpu.memory_space<vmem>>, vector<16xf32>,
          %get3A_1314 = vector.shape_cast %get3A_1313 : vector<16xf32> to vector<16xf32>
          %get3A_1315 = arith.index_cast %while3A_585 : i32 to index
          %get3A_1316 = arith.constant 464 : index
          %get3A_1317 = tpu.vector_load %arg6[%get3A_1315, %get3A_1316] {strides = array<i32>} : memref<64x512xf32, #tpu.memory_space<vmem>>, vector<1x16xf32>,
          %get3A_1318 = vector.shape_cast %get3A_1317 : vector<1x16xf32> to vector<16xf32>
          %mul3A_1319 = arith.mulf %exp3A_930, %get3A_1318 : vector<16xf32>
          %add3A_1320 = arith.addf %get3A_1314, %mul3A_1319 : vector<16xf32>
          %swap3A_1321 = arith.constant 464 : index
          %swap3A_1322 = tpu.vector_load %arg9[%swap3A_1321] {strides = array<i32>} : memref<512xf32, #tpu.memory_space<vmem>>, vector<16xf32>,
          %swap3A_1323 = vector.shape_cast %swap3A_1322 : vector<16xf32> to vector<16xf32>
          %swap3A_1324 = vector.shape_cast %add3A_1320 : vector<16xf32> to vector<16xf32>
          tpu.vector_store %arg9[%swap3A_1321], %swap3A_1324 {strides = array<i32>} : memref<512xf32, #tpu.memory_space<vmem>>, vector<16xf32>,
          %get3A_1325 = arith.constant 480 : index
          %get3A_1326 = tpu.vector_load %arg9[%get3A_1325] {strides = array<i32>} : memref<512xf32, #tpu.memory_space<vmem>>, vector<16xf32>,
          %get3A_1327 = vector.shape_cast %get3A_1326 : vector<16xf32> to vector<16xf32>
          %get3A_1328 = arith.index_cast %while3A_585 : i32 to index
          %get3A_1329 = arith.constant 480 : index
          %get3A_1330 = tpu.vector_load %arg6[%get3A_1328, %get3A_1329] {strides = array<i32>} : memref<64x512xf32, #tpu.memory_space<vmem>>, vector<1x16xf32>,
          %get3A_1331 = vector.shape_cast %get3A_1330 : vector<1x16xf32> to vector<16xf32>
          %mul3A_1332 = arith.mulf %exp3A_930, %get3A_1331 : vector<16xf32>
          %add3A_1333 = arith.addf %get3A_1327, %mul3A_1332 : vector<16xf32>
          %swap3A_1334 = arith.constant 480 : index
          %swap3A_1335 = tpu.vector_load %arg9[%swap3A_1334] {strides = array<i32>} : memref<512xf32, #tpu.memory_space<vmem>>, vector<16xf32>,
          %swap3A_1336 = vector.shape_cast %swap3A_1335 : vector<16xf32> to vector<16xf32>
          %swap3A_1337 = vector.shape_cast %add3A_1333 : vector<16xf32> to vector<16xf32>
          tpu.vector_store %arg9[%swap3A_1334], %swap3A_1337 {strides = array<i32>} : memref<512xf32, #tpu.memory_space<vmem>>, vector<16xf32>,
          %get3A_1338 = arith.constant 496 : index
          %get3A_1339 = tpu.vector_load %arg9[%get3A_1338] {strides = array<i32>} : memref<512xf32, #tpu.memory_space<vmem>>, vector<16xf32>,
          %get3A_1340 = vector.shape_cast %get3A_1339 : vector<16xf32> to vector<16xf32>
          %get3A_1341 = arith.index_cast %while3A_585 : i32 to index
          %get3A_1342 = arith.constant 496 : index
          %get3A_1343 = tpu.vector_load %arg6[%get3A_1341, %get3A_1342] {strides = array<i32>} : memref<64x512xf32, #tpu.memory_space<vmem>>, vector<1x16xf32>,
          %get3A_1344 = vector.shape_cast %get3A_1343 : vector<1x16xf32> to vector<16xf32>
          %mul3A_1345 = arith.mulf %exp3A_930, %get3A_1344 : vector<16xf32>
          %add3A_1346 = arith.addf %get3A_1340, %mul3A_1345 : vector<16xf32>
          %swap3A_1347 = arith.constant 496 : index
          %swap3A_1348 = tpu.vector_load %arg9[%swap3A_1347] {strides = array<i32>} : memref<512xf32, #tpu.memory_space<vmem>>, vector<16xf32>,
          %swap3A_1349 = vector.shape_cast %swap3A_1348 : vector<16xf32> to vector<16xf32>
          %swap3A_1350 = vector.shape_cast %add3A_1346 : vector<16xf32> to vector<16xf32>
          tpu.vector_store %arg9[%swap3A_1347], %swap3A_1350 {strides = array<i32>} : memref<512xf32, #tpu.memory_space<vmem>>, vector<16xf32>,
          scf.yield %max3A_925, %add3A_932 : f32, vector<16xf32>
        }
        %while3A_583 = arith.constant 1 : i32
        %while3A_584:2 = scf.for %while3A_585 = %while3A_580 to %while3A_576 step %while3A_583 iter_args(%while3A_586 = %while3A_582#0, %while3A_587 = %while3A_582#1) -> (f32, vector<16xf32>)  : i32 {
          %broadcast_in_dim3A_588 = arith.constant 0.000000e+00 : f32
          %broadcast_in_dim3A_589 = vector.broadcast %broadcast_in_dim3A_588 : f32 to vector<16xf32>
          %get3A_590 = arith.index_cast %while3A_585 : i32 to index
          %get3A_591 = arith.constant 0 : index
          %get3A_592 = tpu.vector_load %arg6[%get3A_590, %get3A_591] {strides = array<i32>} : memref<64x512xf32, #tpu.memory_space<vmem>>, vector<1x16xf32>,
          %get3A_593 = vector.shape_cast %get3A_592 : vector<1x16xf32> to vector<16xf32>
          %get3A_594 = arith.constant 0 : index
          %get3A_595 = tpu.vector_load %arg7[%get3A_594] {strides = array<i32>} : memref<512xf32, #tpu.memory_space<vmem>>, vector<16xf32>,
          %get3A_596 = vector.shape_cast %get3A_595 : vector<16xf32> to vector<16xf32>
          %mul3A_597 = arith.mulf %get3A_593, %get3A_596 : vector<16xf32>
          %add3A_598 = arith.addf %broadcast_in_dim3A_589, %mul3A_597 : vector<16xf32>
          %get3A_599 = arith.index_cast %while3A_585 : i32 to index
          %get3A_600 = arith.constant 16 : index
          %get3A_601 = tpu.vector_load %arg6[%get3A_599, %get3A_600] {strides = array<i32>} : memref<64x512xf32, #tpu.memory_space<vmem>>, vector<1x16xf32>,
          %get3A_602 = vector.shape_cast %get3A_601 : vector<1x16xf32> to vector<16xf32>
          %get3A_603 = arith.constant 16 : index
          %get3A_604 = tpu.vector_load %arg7[%get3A_603] {strides = array<i32>} : memref<512xf32, #tpu.memory_space<vmem>>, vector<16xf32>,
          %get3A_605 = vector.shape_cast %get3A_604 : vector<16xf32> to vector<16xf32>
          %mul3A_606 = arith.mulf %get3A_602, %get3A_605 : vector<16xf32>
          %add3A_607 = arith.addf %add3A_598, %mul3A_606 : vector<16xf32>
          %get3A_608 = arith.index_cast %while3A_585 : i32 to index
          %get3A_609 = arith.constant 32 : index
          %get3A_610 = tpu.vector_load %arg6[%get3A_608, %get3A_609] {strides = array<i32>} : memref<64x512xf32, #tpu.memory_space<vmem>>, vector<1x16xf32>,
          %get3A_611 = vector.shape_cast %get3A_610 : vector<1x16xf32> to vector<16xf32>
          %get3A_612 = arith.constant 32 : index
          %get3A_613 = tpu.vector_load %arg7[%get3A_612] {strides = array<i32>} : memref<512xf32, #tpu.memory_space<vmem>>, vector<16xf32>,
          %get3A_614 = vector.shape_cast %get3A_613 : vector<16xf32> to vector<16xf32>
          %mul3A_615 = arith.mulf %get3A_611, %get3A_614 : vector<16xf32>
          %add3A_616 = arith.addf %add3A_607, %mul3A_615 : vector<16xf32>
          %get3A_617 = arith.index_cast %while3A_585 : i32 to index
          %get3A_618 = arith.constant 48 : index
          %get3A_619 = tpu.vector_load %arg6[%get3A_617, %get3A_618] {strides = array<i32>} : memref<64x512xf32, #tpu.memory_space<vmem>>, vector<1x16xf32>,
          %get3A_620 = vector.shape_cast %get3A_619 : vector<1x16xf32> to vector<16xf32>
          %get3A_621 = arith.constant 48 : index
          %get3A_622 = tpu.vector_load %arg7[%get3A_621] {strides = array<i32>} : memref<512xf32, #tpu.memory_space<vmem>>, vector<16xf32>,
          %get3A_623 = vector.shape_cast %get3A_622 : vector<16xf32> to vector<16xf32>
          %mul3A_624 = arith.mulf %get3A_620, %get3A_623 : vector<16xf32>
          %add3A_625 = arith.addf %add3A_616, %mul3A_624 : vector<16xf32>
          %get3A_626 = arith.index_cast %while3A_585 : i32 to index
          %get3A_627 = arith.constant 64 : index
          %get3A_628 = tpu.vector_load %arg6[%get3A_626, %get3A_627] {strides = array<i32>} : memref<64x512xf32, #tpu.memory_space<vmem>>, vector<1x16xf32>,
          %get3A_629 = vector.shape_cast %get3A_628 : vector<1x16xf32> to vector<16xf32>
          %get3A_630 = arith.constant 64 : index
          %get3A_631 = tpu.vector_load %arg7[%get3A_630] {strides = array<i32>} : memref<512xf32, #tpu.memory_space<vmem>>, vector<16xf32>,
          %get3A_632 = vector.shape_cast %get3A_631 : vector<16xf32> to vector<16xf32>
          %mul3A_633 = arith.mulf %get3A_629, %get3A_632 : vector<16xf32>
          %add3A_634 = arith.addf %add3A_625, %mul3A_633 : vector<16xf32>
          %get3A_635 = arith.index_cast %while3A_585 : i32 to index
          %get3A_636 = arith.constant 80 : index
          %get3A_637 = tpu.vector_load %arg6[%get3A_635, %get3A_636] {strides = array<i32>} : memref<64x512xf32, #tpu.memory_space<vmem>>, vector<1x16xf32>,
          %get3A_638 = vector.shape_cast %get3A_637 : vector<1x16xf32> to vector<16xf32>
          %get3A_639 = arith.constant 80 : index
          %get3A_640 = tpu.vector_load %arg7[%get3A_639] {strides = array<i32>} : memref<512xf32, #tpu.memory_space<vmem>>, vector<16xf32>,
          %get3A_641 = vector.shape_cast %get3A_640 : vector<16xf32> to vector<16xf32>
          %mul3A_642 = arith.mulf %get3A_638, %get3A_641 : vector<16xf32>
          %add3A_643 = arith.addf %add3A_634, %mul3A_642 : vector<16xf32>
          %get3A_644 = arith.index_cast %while3A_585 : i32 to index
          %get3A_645 = arith.constant 96 : index
          %get3A_646 = tpu.vector_load %arg6[%get3A_644, %get3A_645] {strides = array<i32>} : memref<64x512xf32, #tpu.memory_space<vmem>>, vector<1x16xf32>,
          %get3A_647 = vector.shape_cast %get3A_646 : vector<1x16xf32> to vector<16xf32>
          %get3A_648 = arith.constant 96 : index
          %get3A_649 = tpu.vector_load %arg7[%get3A_648] {strides = array<i32>} : memref<512xf32, #tpu.memory_space<vmem>>, vector<16xf32>,
          %get3A_650 = vector.shape_cast %get3A_649 : vector<16xf32> to vector<16xf32>
          %mul3A_651 = arith.mulf %get3A_647, %get3A_650 : vector<16xf32>
          %add3A_652 = arith.addf %add3A_643, %mul3A_651 : vector<16xf32>
          %get3A_653 = arith.index_cast %while3A_585 : i32 to index
          %get3A_654 = arith.constant 112 : index
          %get3A_655 = tpu.vector_load %arg6[%get3A_653, %get3A_654] {strides = array<i32>} : memref<64x512xf32, #tpu.memory_space<vmem>>, vector<1x16xf32>,
          %get3A_656 = vector.shape_cast %get3A_655 : vector<1x16xf32> to vector<16xf32>
          %get3A_657 = arith.constant 112 : index
          %get3A_658 = tpu.vector_load %arg7[%get3A_657] {strides = array<i32>} : memref<512xf32, #tpu.memory_space<vmem>>, vector<16xf32>,
          %get3A_659 = vector.shape_cast %get3A_658 : vector<16xf32> to vector<16xf32>
          %mul3A_660 = arith.mulf %get3A_656, %get3A_659 : vector<16xf32>
          %add3A_661 = arith.addf %add3A_652, %mul3A_660 : vector<16xf32>
          %get3A_662 = arith.index_cast %while3A_585 : i32 to index
          %get3A_663 = arith.constant 128 : index
          %get3A_664 = tpu.vector_load %arg6[%get3A_662, %get3A_663] {strides = array<i32>} : memref<64x512xf32, #tpu.memory_space<vmem>>, vector<1x16xf32>,
          %get3A_665 = vector.shape_cast %get3A_664 : vector<1x16xf32> to vector<16xf32>
          %get3A_666 = arith.constant 128 : index
          %get3A_667 = tpu.vector_load %arg7[%get3A_666] {strides = array<i32>} : memref<512xf32, #tpu.memory_space<vmem>>, vector<16xf32>,
          %get3A_668 = vector.shape_cast %get3A_667 : vector<16xf32> to vector<16xf32>
          %mul3A_669 = arith.mulf %get3A_665, %get3A_668 : vector<16xf32>
          %add3A_670 = arith.addf %add3A_661, %mul3A_669 : vector<16xf32>
          %get3A_671 = arith.index_cast %while3A_585 : i32 to index
          %get3A_672 = arith.constant 144 : index
          %get3A_673 = tpu.vector_load %arg6[%get3A_671, %get3A_672] {strides = array<i32>} : memref<64x512xf32, #tpu.memory_space<vmem>>, vector<1x16xf32>,
          %get3A_674 = vector.shape_cast %get3A_673 : vector<1x16xf32> to vector<16xf32>
          %get3A_675 = arith.constant 144 : index
          %get3A_676 = tpu.vector_load %arg7[%get3A_675] {strides = array<i32>} : memref<512xf32, #tpu.memory_space<vmem>>, vector<16xf32>,
          %get3A_677 = vector.shape_cast %get3A_676 : vector<16xf32> to vector<16xf32>
          %mul3A_678 = arith.mulf %get3A_674, %get3A_677 : vector<16xf32>
          %add3A_679 = arith.addf %add3A_670, %mul3A_678 : vector<16xf32>
          %get3A_680 = arith.index_cast %while3A_585 : i32 to index
          %get3A_681 = arith.constant 160 : index
          %get3A_682 = tpu.vector_load %arg6[%get3A_680, %get3A_681] {strides = array<i32>} : memref<64x512xf32, #tpu.memory_space<vmem>>, vector<1x16xf32>,
          %get3A_683 = vector.shape_cast %get3A_682 : vector<1x16xf32> to vector<16xf32>
          %get3A_684 = arith.constant 160 : index
          %get3A_685 = tpu.vector_load %arg7[%get3A_684] {strides = array<i32>} : memref<512xf32, #tpu.memory_space<vmem>>, vector<16xf32>,
          %get3A_686 = vector.shape_cast %get3A_685 : vector<16xf32> to vector<16xf32>
          %mul3A_687 = arith.mulf %get3A_683, %get3A_686 : vector<16xf32>
          %add3A_688 = arith.addf %add3A_679, %mul3A_687 : vector<16xf32>
          %get3A_689 = arith.index_cast %while3A_585 : i32 to index
          %get3A_690 = arith.constant 176 : index
          %get3A_691 = tpu.vector_load %arg6[%get3A_689, %get3A_690] {strides = array<i32>} : memref<64x512xf32, #tpu.memory_space<vmem>>, vector<1x16xf32>,
          %get3A_692 = vector.shape_cast %get3A_691 : vector<1x16xf32> to vector<16xf32>
          %get3A_693 = arith.constant 176 : index
          %get3A_694 = tpu.vector_load %arg7[%get3A_693] {strides = array<i32>} : memref<512xf32, #tpu.memory_space<vmem>>, vector<16xf32>,
          %get3A_695 = vector.shape_cast %get3A_694 : vector<16xf32> to vector<16xf32>
          %mul3A_696 = arith.mulf %get3A_692, %get3A_695 : vector<16xf32>
          %add3A_697 = arith.addf %add3A_688, %mul3A_696 : vector<16xf32>
          %get3A_698 = arith.index_cast %while3A_585 : i32 to index
          %get3A_699 = arith.constant 192 : index
          %get3A_700 = tpu.vector_load %arg6[%get3A_698, %get3A_699] {strides = array<i32>} : memref<64x512xf32, #tpu.memory_space<vmem>>, vector<1x16xf32>,
          %get3A_701 = vector.shape_cast %get3A_700 : vector<1x16xf32> to vector<16xf32>
          %get3A_702 = arith.constant 192 : index
          %get3A_703 = tpu.vector_load %arg7[%get3A_702] {strides = array<i32>} : memref<512xf32, #tpu.memory_space<vmem>>, vector<16xf32>,
          %get3A_704 = vector.shape_cast %get3A_703 : vector<16xf32> to vector<16xf32>
          %mul3A_705 = arith.mulf %get3A_701, %get3A_704 : vector<16xf32>
          %add3A_706 = arith.addf %add3A_697, %mul3A_705 : vector<16xf32>
          %get3A_707 = arith.index_cast %while3A_585 : i32 to index
          %get3A_708 = arith.constant 208 : index
          %get3A_709 = tpu.vector_load %arg6[%get3A_707, %get3A_708] {strides = array<i32>} : memref<64x512xf32, #tpu.memory_space<vmem>>, vector<1x16xf32>,
          %get3A_710 = vector.shape_cast %get3A_709 : vector<1x16xf32> to vector<16xf32>
          %get3A_711 = arith.constant 208 : index
          %get3A_712 = tpu.vector_load %arg7[%get3A_711] {strides = array<i32>} : memref<512xf32, #tpu.memory_space<vmem>>, vector<16xf32>,
          %get3A_713 = vector.shape_cast %get3A_712 : vector<16xf32> to vector<16xf32>
          %mul3A_714 = arith.mulf %get3A_710, %get3A_713 : vector<16xf32>
          %add3A_715 = arith.addf %add3A_706, %mul3A_714 : vector<16xf32>
          %get3A_716 = arith.index_cast %while3A_585 : i32 to index
          %get3A_717 = arith.constant 224 : index
          %get3A_718 = tpu.vector_load %arg6[%get3A_716, %get3A_717] {strides = array<i32>} : memref<64x512xf32, #tpu.memory_space<vmem>>, vector<1x16xf32>,
          %get3A_719 = vector.shape_cast %get3A_718 : vector<1x16xf32> to vector<16xf32>
          %get3A_720 = arith.constant 224 : index
          %get3A_721 = tpu.vector_load %arg7[%get3A_720] {strides = array<i32>} : memref<512xf32, #tpu.memory_space<vmem>>, vector<16xf32>,
          %get3A_722 = vector.shape_cast %get3A_721 : vector<16xf32> to vector<16xf32>
          %mul3A_723 = arith.mulf %get3A_719, %get3A_722 : vector<16xf32>
          %add3A_724 = arith.addf %add3A_715, %mul3A_723 : vector<16xf32>
          %get3A_725 = arith.index_cast %while3A_585 : i32 to index
          %get3A_726 = arith.constant 240 : index
          %get3A_727 = tpu.vector_load %arg6[%get3A_725, %get3A_726] {strides = array<i32>} : memref<64x512xf32, #tpu.memory_space<vmem>>, vector<1x16xf32>,
          %get3A_728 = vector.shape_cast %get3A_727 : vector<1x16xf32> to vector<16xf32>
          %get3A_729 = arith.constant 240 : index
          %get3A_730 = tpu.vector_load %arg7[%get3A_729] {strides = array<i32>} : memref<512xf32, #tpu.memory_space<vmem>>, vector<16xf32>,
          %get3A_731 = vector.shape_cast %get3A_730 : vector<16xf32> to vector<16xf32>
          %mul3A_732 = arith.mulf %get3A_728, %get3A_731 : vector<16xf32>
          %add3A_733 = arith.addf %add3A_724, %mul3A_732 : vector<16xf32>
          %get3A_734 = arith.index_cast %while3A_585 : i32 to index
          %get3A_735 = arith.constant 256 : index
          %get3A_736 = tpu.vector_load %arg6[%get3A_734, %get3A_735] {strides = array<i32>} : memref<64x512xf32, #tpu.memory_space<vmem>>, vector<1x16xf32>,
          %get3A_737 = vector.shape_cast %get3A_736 : vector<1x16xf32> to vector<16xf32>
          %get3A_738 = arith.constant 256 : index
          %get3A_739 = tpu.vector_load %arg7[%get3A_738] {strides = array<i32>} : memref<512xf32, #tpu.memory_space<vmem>>, vector<16xf32>,
          %get3A_740 = vector.shape_cast %get3A_739 : vector<16xf32> to vector<16xf32>
          %mul3A_741 = arith.mulf %get3A_737, %get3A_740 : vector<16xf32>
          %add3A_742 = arith.addf %add3A_733, %mul3A_741 : vector<16xf32>
          %get3A_743 = arith.index_cast %while3A_585 : i32 to index
          %get3A_744 = arith.constant 272 : index
          %get3A_745 = tpu.vector_load %arg6[%get3A_743, %get3A_744] {strides = array<i32>} : memref<64x512xf32, #tpu.memory_space<vmem>>, vector<1x16xf32>,
          %get3A_746 = vector.shape_cast %get3A_745 : vector<1x16xf32> to vector<16xf32>
          %get3A_747 = arith.constant 272 : index
          %get3A_748 = tpu.vector_load %arg7[%get3A_747] {strides = array<i32>} : memref<512xf32, #tpu.memory_space<vmem>>, vector<16xf32>,
          %get3A_749 = vector.shape_cast %get3A_748 : vector<16xf32> to vector<16xf32>
          %mul3A_750 = arith.mulf %get3A_746, %get3A_749 : vector<16xf32>
          %add3A_751 = arith.addf %add3A_742, %mul3A_750 : vector<16xf32>
          %get3A_752 = arith.index_cast %while3A_585 : i32 to index
          %get3A_753 = arith.constant 288 : index
          %get3A_754 = tpu.vector_load %arg6[%get3A_752, %get3A_753] {strides = array<i32>} : memref<64x512xf32, #tpu.memory_space<vmem>>, vector<1x16xf32>,
          %get3A_755 = vector.shape_cast %get3A_754 : vector<1x16xf32> to vector<16xf32>
          %get3A_756 = arith.constant 288 : index
          %get3A_757 = tpu.vector_load %arg7[%get3A_756] {strides = array<i32>} : memref<512xf32, #tpu.memory_space<vmem>>, vector<16xf32>,
          %get3A_758 = vector.shape_cast %get3A_757 : vector<16xf32> to vector<16xf32>
          %mul3A_759 = arith.mulf %get3A_755, %get3A_758 : vector<16xf32>
          %add3A_760 = arith.addf %add3A_751, %mul3A_759 : vector<16xf32>
          %get3A_761 = arith.index_cast %while3A_585 : i32 to index
          %get3A_762 = arith.constant 304 : index
          %get3A_763 = tpu.vector_load %arg6[%get3A_761, %get3A_762] {strides = array<i32>} : memref<64x512xf32, #tpu.memory_space<vmem>>, vector<1x16xf32>,
          %get3A_764 = vector.shape_cast %get3A_763 : vector<1x16xf32> to vector<16xf32>
          %get3A_765 = arith.constant 304 : index
          %get3A_766 = tpu.vector_load %arg7[%get3A_765] {strides = array<i32>} : memref<512xf32, #tpu.memory_space<vmem>>, vector<16xf32>,
          %get3A_767 = vector.shape_cast %get3A_766 : vector<16xf32> to vector<16xf32>
          %mul3A_768 = arith.mulf %get3A_764, %get3A_767 : vector<16xf32>
          %add3A_769 = arith.addf %add3A_760, %mul3A_768 : vector<16xf32>
          %get3A_770 = arith.index_cast %while3A_585 : i32 to index
          %get3A_771 = arith.constant 320 : index
          %get3A_772 = tpu.vector_load %arg6[%get3A_770, %get3A_771] {strides = array<i32>} : memref<64x512xf32, #tpu.memory_space<vmem>>, vector<1x16xf32>,
          %get3A_773 = vector.shape_cast %get3A_772 : vector<1x16xf32> to vector<16xf32>
          %get3A_774 = arith.constant 320 : index
          %get3A_775 = tpu.vector_load %arg7[%get3A_774] {strides = array<i32>} : memref<512xf32, #tpu.memory_space<vmem>>, vector<16xf32>,
          %get3A_776 = vector.shape_cast %get3A_775 : vector<16xf32> to vector<16xf32>
          %mul3A_777 = arith.mulf %get3A_773, %get3A_776 : vector<16xf32>
          %add3A_778 = arith.addf %add3A_769, %mul3A_777 : vector<16xf32>
          %get3A_779 = arith.index_cast %while3A_585 : i32 to index
          %get3A_780 = arith.constant 336 : index
          %get3A_781 = tpu.vector_load %arg6[%get3A_779, %get3A_780] {strides = array<i32>} : memref<64x512xf32, #tpu.memory_space<vmem>>, vector<1x16xf32>,
          %get3A_782 = vector.shape_cast %get3A_781 : vector<1x16xf32> to vector<16xf32>
          %get3A_783 = arith.constant 336 : index
          %get3A_784 = tpu.vector_load %arg7[%get3A_783] {strides = array<i32>} : memref<512xf32, #tpu.memory_space<vmem>>, vector<16xf32>,
          %get3A_785 = vector.shape_cast %get3A_784 : vector<16xf32> to vector<16xf32>
          %mul3A_786 = arith.mulf %get3A_782, %get3A_785 : vector<16xf32>
          %add3A_787 = arith.addf %add3A_778, %mul3A_786 : vector<16xf32>
          %get3A_788 = arith.index_cast %while3A_585 : i32 to index
          %get3A_789 = arith.constant 352 : index
          %get3A_790 = tpu.vector_load %arg6[%get3A_788, %get3A_789] {strides = array<i32>} : memref<64x512xf32, #tpu.memory_space<vmem>>, vector<1x16xf32>,
          %get3A_791 = vector.shape_cast %get3A_790 : vector<1x16xf32> to vector<16xf32>
          %get3A_792 = arith.constant 352 : index
          %get3A_793 = tpu.vector_load %arg7[%get3A_792] {strides = array<i32>} : memref<512xf32, #tpu.memory_space<vmem>>, vector<16xf32>,
          %get3A_794 = vector.shape_cast %get3A_793 : vector<16xf32> to vector<16xf32>
          %mul3A_795 = arith.mulf %get3A_791, %get3A_794 : vector<16xf32>
          %add3A_796 = arith.addf %add3A_787, %mul3A_795 : vector<16xf32>
          %get3A_797 = arith.index_cast %while3A_585 : i32 to index
          %get3A_798 = arith.constant 368 : index
          %get3A_799 = tpu.vector_load %arg6[%get3A_797, %get3A_798] {strides = array<i32>} : memref<64x512xf32, #tpu.memory_space<vmem>>, vector<1x16xf32>,
          %get3A_800 = vector.shape_cast %get3A_799 : vector<1x16xf32> to vector<16xf32>
          %get3A_801 = arith.constant 368 : index
          %get3A_802 = tpu.vector_load %arg7[%get3A_801] {strides = array<i32>} : memref<512xf32, #tpu.memory_space<vmem>>, vector<16xf32>,
          %get3A_803 = vector.shape_cast %get3A_802 : vector<16xf32> to vector<16xf32>
          %mul3A_804 = arith.mulf %get3A_800, %get3A_803 : vector<16xf32>
          %add3A_805 = arith.addf %add3A_796, %mul3A_804 : vector<16xf32>
          %get3A_806 = arith.index_cast %while3A_585 : i32 to index
          %get3A_807 = arith.constant 384 : index
          %get3A_808 = tpu.vector_load %arg6[%get3A_806, %get3A_807] {strides = array<i32>} : memref<64x512xf32, #tpu.memory_space<vmem>>, vector<1x16xf32>,
          %get3A_809 = vector.shape_cast %get3A_808 : vector<1x16xf32> to vector<16xf32>
          %get3A_810 = arith.constant 384 : index
          %get3A_811 = tpu.vector_load %arg7[%get3A_810] {strides = array<i32>} : memref<512xf32, #tpu.memory_space<vmem>>, vector<16xf32>,
          %get3A_812 = vector.shape_cast %get3A_811 : vector<16xf32> to vector<16xf32>
          %mul3A_813 = arith.mulf %get3A_809, %get3A_812 : vector<16xf32>
          %add3A_814 = arith.addf %add3A_805, %mul3A_813 : vector<16xf32>
          %get3A_815 = arith.index_cast %while3A_585 : i32 to index
          %get3A_816 = arith.constant 400 : index
          %get3A_817 = tpu.vector_load %arg6[%get3A_815, %get3A_816] {strides = array<i32>} : memref<64x512xf32, #tpu.memory_space<vmem>>, vector<1x16xf32>,
          %get3A_818 = vector.shape_cast %get3A_817 : vector<1x16xf32> to vector<16xf32>
          %get3A_819 = arith.constant 400 : index
          %get3A_820 = tpu.vector_load %arg7[%get3A_819] {strides = array<i32>} : memref<512xf32, #tpu.memory_space<vmem>>, vector<16xf32>,
          %get3A_821 = vector.shape_cast %get3A_820 : vector<16xf32> to vector<16xf32>
          %mul3A_822 = arith.mulf %get3A_818, %get3A_821 : vector<16xf32>
          %add3A_823 = arith.addf %add3A_814, %mul3A_822 : vector<16xf32>
          %get3A_824 = arith.index_cast %while3A_585 : i32 to index
          %get3A_825 = arith.constant 416 : index
          %get3A_826 = tpu.vector_load %arg6[%get3A_824, %get3A_825] {strides = array<i32>} : memref<64x512xf32, #tpu.memory_space<vmem>>, vector<1x16xf32>,
          %get3A_827 = vector.shape_cast %get3A_826 : vector<1x16xf32> to vector<16xf32>
          %get3A_828 = arith.constant 416 : index
          %get3A_829 = tpu.vector_load %arg7[%get3A_828] {strides = array<i32>} : memref<512xf32, #tpu.memory_space<vmem>>, vector<16xf32>,
          %get3A_830 = vector.shape_cast %get3A_829 : vector<16xf32> to vector<16xf32>
          %mul3A_831 = arith.mulf %get3A_827, %get3A_830 : vector<16xf32>
          %add3A_832 = arith.addf %add3A_823, %mul3A_831 : vector<16xf32>
          %get3A_833 = arith.index_cast %while3A_585 : i32 to index
          %get3A_834 = arith.constant 432 : index
          %get3A_835 = tpu.vector_load %arg6[%get3A_833, %get3A_834] {strides = array<i32>} : memref<64x512xf32, #tpu.memory_space<vmem>>, vector<1x16xf32>,
          %get3A_836 = vector.shape_cast %get3A_835 : vector<1x16xf32> to vector<16xf32>
          %get3A_837 = arith.constant 432 : index
          %get3A_838 = tpu.vector_load %arg7[%get3A_837] {strides = array<i32>} : memref<512xf32, #tpu.memory_space<vmem>>, vector<16xf32>,
          %get3A_839 = vector.shape_cast %get3A_838 : vector<16xf32> to vector<16xf32>
          %mul3A_840 = arith.mulf %get3A_836, %get3A_839 : vector<16xf32>
          %add3A_841 = arith.addf %add3A_832, %mul3A_840 : vector<16xf32>
          %get3A_842 = arith.index_cast %while3A_585 : i32 to index
          %get3A_843 = arith.constant 448 : index
          %get3A_844 = tpu.vector_load %arg6[%get3A_842, %get3A_843] {strides = array<i32>} : memref<64x512xf32, #tpu.memory_space<vmem>>, vector<1x16xf32>,
          %get3A_845 = vector.shape_cast %get3A_844 : vector<1x16xf32> to vector<16xf32>
          %get3A_846 = arith.constant 448 : index
          %get3A_847 = tpu.vector_load %arg7[%get3A_846] {strides = array<i32>} : memref<512xf32, #tpu.memory_space<vmem>>, vector<16xf32>,
          %get3A_848 = vector.shape_cast %get3A_847 : vector<16xf32> to vector<16xf32>
          %mul3A_849 = arith.mulf %get3A_845, %get3A_848 : vector<16xf32>
          %add3A_850 = arith.addf %add3A_841, %mul3A_849 : vector<16xf32>
          %get3A_851 = arith.index_cast %while3A_585 : i32 to index
          %get3A_852 = arith.constant 464 : index
          %get3A_853 = tpu.vector_load %arg6[%get3A_851, %get3A_852] {strides = array<i32>} : memref<64x512xf32, #tpu.memory_space<vmem>>, vector<1x16xf32>,
          %get3A_854 = vector.shape_cast %get3A_853 : vector<1x16xf32> to vector<16xf32>
          %get3A_855 = arith.constant 464 : index
          %get3A_856 = tpu.vector_load %arg7[%get3A_855] {strides = array<i32>} : memref<512xf32, #tpu.memory_space<vmem>>, vector<16xf32>,
          %get3A_857 = vector.shape_cast %get3A_856 : vector<16xf32> to vector<16xf32>
          %mul3A_858 = arith.mulf %get3A_854, %get3A_857 : vector<16xf32>
          %add3A_859 = arith.addf %add3A_850, %mul3A_858 : vector<16xf32>
          %get3A_860 = arith.index_cast %while3A_585 : i32 to index
          %get3A_861 = arith.constant 480 : index
          %get3A_862 = tpu.vector_load %arg6[%get3A_860, %get3A_861] {strides = array<i32>} : memref<64x512xf32, #tpu.memory_space<vmem>>, vector<1x16xf32>,
          %get3A_863 = vector.shape_cast %get3A_862 : vector<1x16xf32> to vector<16xf32>
          %get3A_864 = arith.constant 480 : index
          %get3A_865 = tpu.vector_load %arg7[%get3A_864] {strides = array<i32>} : memref<512xf32, #tpu.memory_space<vmem>>, vector<16xf32>,
          %get3A_866 = vector.shape_cast %get3A_865 : vector<16xf32> to vector<16xf32>
          %mul3A_867 = arith.mulf %get3A_863, %get3A_866 : vector<16xf32>
          %add3A_868 = arith.addf %add3A_859, %mul3A_867 : vector<16xf32>
          %get3A_869 = arith.index_cast %while3A_585 : i32 to index
          %get3A_870 = arith.constant 496 : index
          %get3A_871 = tpu.vector_load %arg6[%get3A_869, %get3A_870] {strides = array<i32>} : memref<64x512xf32, #tpu.memory_space<vmem>>, vector<1x16xf32>,
          %get3A_872 = vector.shape_cast %get3A_871 : vector<1x16xf32> to vector<16xf32>
          %get3A_873 = arith.constant 496 : index
          %get3A_874 = tpu.vector_load %arg7[%get3A_873] {strides = array<i32>} : memref<512xf32, #tpu.memory_space<vmem>>, vector<16xf32>,
          %get3A_875 = vector.shape_cast %get3A_874 : vector<16xf32> to vector<16xf32>
          %mul3A_876 = arith.mulf %get3A_872, %get3A_875 : vector<16xf32>
          %add3A_877 = arith.addf %add3A_868, %mul3A_876 : vector<16xf32>
          %slice3A_878 = vector.extract_strided_slice %add3A_877 {offsets = [0], sizes = [1], strides = [1]} : vector<16xf32> to vector<1xf32>
          %squeeze3A_879 = vector.extract %slice3A_878[0] : f32 from vector<1xf32>
          %slice3A_880 = vector.extract_strided_slice %add3A_877 {offsets = [1], sizes = [1], strides = [1]} : vector<16xf32> to vector<1xf32>
          %squeeze3A_881 = vector.extract %slice3A_880[0] : f32 from vector<1xf32>
          %add3A_882 = arith.addf %squeeze3A_879, %squeeze3A_881 : f32
          %slice3A_883 = vector.extract_strided_slice %add3A_877 {offsets = [2], sizes = [1], strides = [1]} : vector<16xf32> to vector<1xf32>
          %squeeze3A_884 = vector.extract %slice3A_883[0] : f32 from vector<1xf32>
          %add3A_885 = arith.addf %add3A_882, %squeeze3A_884 : f32
          %slice3A_886 = vector.extract_strided_slice %add3A_877 {offsets = [3], sizes = [1], strides = [1]} : vector<16xf32> to vector<1xf32>
          %squeeze3A_887 = vector.extract %slice3A_886[0] : f32 from vector<1xf32>
          %add3A_888 = arith.addf %add3A_885, %squeeze3A_887 : f32
          %slice3A_889 = vector.extract_strided_slice %add3A_877 {offsets = [4], sizes = [1], strides = [1]} : vector<16xf32> to vector<1xf32>
          %squeeze3A_890 = vector.extract %slice3A_889[0] : f32 from vector<1xf32>
          %add3A_891 = arith.addf %add3A_888, %squeeze3A_890 : f32
          %slice3A_892 = vector.extract_strided_slice %add3A_877 {offsets = [5], sizes = [1], strides = [1]} : vector<16xf32> to vector<1xf32>
          %squeeze3A_893 = vector.extract %slice3A_892[0] : f32 from vector<1xf32>
          %add3A_894 = arith.addf %add3A_891, %squeeze3A_893 : f32
          %slice3A_895 = vector.extract_strided_slice %add3A_877 {offsets = [6], sizes = [1], strides = [1]} : vector<16xf32> to vector<1xf32>
          %squeeze3A_896 = vector.extract %slice3A_895[0] : f32 from vector<1xf32>
          %add3A_897 = arith.addf %add3A_894, %squeeze3A_896 : f32
          %slice3A_898 = vector.extract_strided_slice %add3A_877 {offsets = [7], sizes = [1], strides = [1]} : vector<16xf32> to vector<1xf32>
          %squeeze3A_899 = vector.extract %slice3A_898[0] : f32 from vector<1xf32>
          %add3A_900 = arith.addf %add3A_897, %squeeze3A_899 : f32
          %slice3A_901 = vector.extract_strided_slice %add3A_877 {offsets = [8], sizes = [1], strides = [1]} : vector<16xf32> to vector<1xf32>
          %squeeze3A_902 = vector.extract %slice3A_901[0] : f32 from vector<1xf32>
          %add3A_903 = arith.addf %add3A_900, %squeeze3A_902 : f32
          %slice3A_904 = vector.extract_strided_slice %add3A_877 {offsets = [9], sizes = [1], strides = [1]} : vector<16xf32> to vector<1xf32>
          %squeeze3A_905 = vector.extract %slice3A_904[0] : f32 from vector<1xf32>
          %add3A_906 = arith.addf %add3A_903, %squeeze3A_905 : f32
          %slice3A_907 = vector.extract_strided_slice %add3A_877 {offsets = [10], sizes = [1], strides = [1]} : vector<16xf32> to vector<1xf32>
          %squeeze3A_908 = vector.extract %slice3A_907[0] : f32 from vector<1xf32>
          %add3A_909 = arith.addf %add3A_906, %squeeze3A_908 : f32
          %slice3A_910 = vector.extract_strided_slice %add3A_877 {offsets = [11], sizes = [1], strides = [1]} : vector<16xf32> to vector<1xf32>
          %squeeze3A_911 = vector.extract %slice3A_910[0] : f32 from vector<1xf32>
          %add3A_912 = arith.addf %add3A_909, %squeeze3A_911 : f32
          %slice3A_913 = vector.extract_strided_slice %add3A_877 {offsets = [12], sizes = [1], strides = [1]} : vector<16xf32> to vector<1xf32>
          %squeeze3A_914 = vector.extract %slice3A_913[0] : f32 from vector<1xf32>
          %add3A_915 = arith.addf %add3A_912, %squeeze3A_914 : f32
          %slice3A_916 = vector.extract_strided_slice %add3A_877 {offsets = [13], sizes = [1], strides = [1]} : vector<16xf32> to vector<1xf32>
          %squeeze3A_917 = vector.extract %slice3A_916[0] : f32 from vector<1xf32>
          %add3A_918 = arith.addf %add3A_915, %squeeze3A_917 : f32
          %slice3A_919 = vector.extract_strided_slice %add3A_877 {offsets = [14], sizes = [1], strides = [1]} : vector<16xf32> to vector<1xf32>
          %squeeze3A_920 = vector.extract %slice3A_919[0] : f32 from vector<1xf32>
          %add3A_921 = arith.addf %add3A_918, %squeeze3A_920 : f32
          %slice3A_922 = vector.extract_strided_slice %add3A_877 {offsets = [15], sizes = [1], strides = [1]} : vector<16xf32> to vector<1xf32>
          %squeeze3A_923 = vector.extract %slice3A_922[0] : f32 from vector<1xf32>
          %add3A_924 = arith.addf %add3A_921, %squeeze3A_923 : f32
          %max3A_925 = arith.maximumf %while3A_586, %add3A_924 : f32
          %sub3A_926 = arith.subf %while3A_586, %max3A_925 : f32
          %broadcast_in_dim3A_927 = vector.broadcast %sub3A_926 : f32 to vector<16xf32>
          %exp3A = math.exp %broadcast_in_dim3A_927 : vector<16xf32>
          %sub3A_928 = arith.subf %add3A_924, %max3A_925 : f32
          %broadcast_in_dim3A_929 = vector.broadcast %sub3A_928 : f32 to vector<16xf32>
          %exp3A_930 = math.exp %broadcast_in_dim3A_929 : vector<16xf32>
          %mul3A_931 = arith.mulf %while3A_587, %exp3A : vector<16xf32>
          %add3A_932 = arith.addf %mul3A_931, %exp3A_930 : vector<16xf32>
          %gt3A_933 = arith.cmpf ogt, %max3A_925, %while3A_586 : f32
          %convert_element_type3A = arith.extui %gt3A_933 : i1 to i32
          %cond3A = arith.constant 0 : i32
          %cond3A_934 = arith.cmpi ne, %convert_element_type3A, %cond3A : i32
          scf.if %cond3A_934 {
            %get3A_1351 = arith.constant 0 : index
            %get3A_1352 = tpu.vector_load %arg9[%get3A_1351] {strides = array<i32>} : memref<512xf32, #tpu.memory_space<vmem>>, vector<16xf32>,
            %get3A_1353 = vector.shape_cast %get3A_1352 : vector<16xf32> to vector<16xf32>
            %mul3A_1354 = arith.mulf %get3A_1353, %exp3A : vector<16xf32>
            %swap3A_1355 = arith.constant 0 : index
            %swap3A_1356 = tpu.vector_load %arg9[%swap3A_1355] {strides = array<i32>} : memref<512xf32, #tpu.memory_space<vmem>>, vector<16xf32>,
            %swap3A_1357 = vector.shape_cast %swap3A_1356 : vector<16xf32> to vector<16xf32>
            %swap3A_1358 = vector.shape_cast %mul3A_1354 : vector<16xf32> to vector<16xf32>
            tpu.vector_store %arg9[%swap3A_1355], %swap3A_1358 {strides = array<i32>} : memref<512xf32, #tpu.memory_space<vmem>>, vector<16xf32>,
            %get3A_1359 = arith.constant 16 : index
            %get3A_1360 = tpu.vector_load %arg9[%get3A_1359] {strides = array<i32>} : memref<512xf32, #tpu.memory_space<vmem>>, vector<16xf32>,
            %get3A_1361 = vector.shape_cast %get3A_1360 : vector<16xf32> to vector<16xf32>
            %mul3A_1362 = arith.mulf %get3A_1361, %exp3A : vector<16xf32>
            %swap3A_1363 = arith.constant 16 : index
            %swap3A_1364 = tpu.vector_load %arg9[%swap3A_1363] {strides = array<i32>} : memref<512xf32, #tpu.memory_space<vmem>>, vector<16xf32>,
            %swap3A_1365 = vector.shape_cast %swap3A_1364 : vector<16xf32> to vector<16xf32>
            %swap3A_1366 = vector.shape_cast %mul3A_1362 : vector<16xf32> to vector<16xf32>
            tpu.vector_store %arg9[%swap3A_1363], %swap3A_1366 {strides = array<i32>} : memref<512xf32, #tpu.memory_space<vmem>>, vector<16xf32>,
            %get3A_1367 = arith.constant 32 : index
            %get3A_1368 = tpu.vector_load %arg9[%get3A_1367] {strides = array<i32>} : memref<512xf32, #tpu.memory_space<vmem>>, vector<16xf32>,
            %get3A_1369 = vector.shape_cast %get3A_1368 : vector<16xf32> to vector<16xf32>
            %mul3A_1370 = arith.mulf %get3A_1369, %exp3A : vector<16xf32>
            %swap3A_1371 = arith.constant 32 : index
            %swap3A_1372 = tpu.vector_load %arg9[%swap3A_1371] {strides = array<i32>} : memref<512xf32, #tpu.memory_space<vmem>>, vector<16xf32>,
            %swap3A_1373 = vector.shape_cast %swap3A_1372 : vector<16xf32> to vector<16xf32>
            %swap3A_1374 = vector.shape_cast %mul3A_1370 : vector<16xf32> to vector<16xf32>
            tpu.vector_store %arg9[%swap3A_1371], %swap3A_1374 {strides = array<i32>} : memref<512xf32, #tpu.memory_space<vmem>>, vector<16xf32>,
            %get3A_1375 = arith.constant 48 : index
            %get3A_1376 = tpu.vector_load %arg9[%get3A_1375] {strides = array<i32>} : memref<512xf32, #tpu.memory_space<vmem>>, vector<16xf32>,
            %get3A_1377 = vector.shape_cast %get3A_1376 : vector<16xf32> to vector<16xf32>
            %mul3A_1378 = arith.mulf %get3A_1377, %exp3A : vector<16xf32>
            %swap3A_1379 = arith.constant 48 : index
            %swap3A_1380 = tpu.vector_load %arg9[%swap3A_1379] {strides = array<i32>} : memref<512xf32, #tpu.memory_space<vmem>>, vector<16xf32>,
            %swap3A_1381 = vector.shape_cast %swap3A_1380 : vector<16xf32> to vector<16xf32>
            %swap3A_1382 = vector.shape_cast %mul3A_1378 : vector<16xf32> to vector<16xf32>
            tpu.vector_store %arg9[%swap3A_1379], %swap3A_1382 {strides = array<i32>} : memref<512xf32, #tpu.memory_space<vmem>>, vector<16xf32>,
            %get3A_1383 = arith.constant 64 : index
            %get3A_1384 = tpu.vector_load %arg9[%get3A_1383] {strides = array<i32>} : memref<512xf32, #tpu.memory_space<vmem>>, vector<16xf32>,
            %get3A_1385 = vector.shape_cast %get3A_1384 : vector<16xf32> to vector<16xf32>
            %mul3A_1386 = arith.mulf %get3A_1385, %exp3A : vector<16xf32>
            %swap3A_1387 = arith.constant 64 : index
            %swap3A_1388 = tpu.vector_load %arg9[%swap3A_1387] {strides = array<i32>} : memref<512xf32, #tpu.memory_space<vmem>>, vector<16xf32>,
            %swap3A_1389 = vector.shape_cast %swap3A_1388 : vector<16xf32> to vector<16xf32>
            %swap3A_1390 = vector.shape_cast %mul3A_1386 : vector<16xf32> to vector<16xf32>
            tpu.vector_store %arg9[%swap3A_1387], %swap3A_1390 {strides = array<i32>} : memref<512xf32, #tpu.memory_space<vmem>>, vector<16xf32>,
            %get3A_1391 = arith.constant 80 : index
            %get3A_1392 = tpu.vector_load %arg9[%get3A_1391] {strides = array<i32>} : memref<512xf32, #tpu.memory_space<vmem>>, vector<16xf32>,
            %get3A_1393 = vector.shape_cast %get3A_1392 : vector<16xf32> to vector<16xf32>
            %mul3A_1394 = arith.mulf %get3A_1393, %exp3A : vector<16xf32>
            %swap3A_1395 = arith.constant 80 : index
            %swap3A_1396 = tpu.vector_load %arg9[%swap3A_1395] {strides = array<i32>} : memref<512xf32, #tpu.memory_space<vmem>>, vector<16xf32>,
            %swap3A_1397 = vector.shape_cast %swap3A_1396 : vector<16xf32> to vector<16xf32>
            %swap3A_1398 = vector.shape_cast %mul3A_1394 : vector<16xf32> to vector<16xf32>
            tpu.vector_store %arg9[%swap3A_1395], %swap3A_1398 {strides = array<i32>} : memref<512xf32, #tpu.memory_space<vmem>>, vector<16xf32>,
            %get3A_1399 = arith.constant 96 : index
            %get3A_1400 = tpu.vector_load %arg9[%get3A_1399] {strides = array<i32>} : memref<512xf32, #tpu.memory_space<vmem>>, vector<16xf32>,
            %get3A_1401 = vector.shape_cast %get3A_1400 : vector<16xf32> to vector<16xf32>
            %mul3A_1402 = arith.mulf %get3A_1401, %exp3A : vector<16xf32>
            %swap3A_1403 = arith.constant 96 : index
            %swap3A_1404 = tpu.vector_load %arg9[%swap3A_1403] {strides = array<i32>} : memref<512xf32, #tpu.memory_space<vmem>>, vector<16xf32>,
            %swap3A_1405 = vector.shape_cast %swap3A_1404 : vector<16xf32> to vector<16xf32>
            %swap3A_1406 = vector.shape_cast %mul3A_1402 : vector<16xf32> to vector<16xf32>
            tpu.vector_store %arg9[%swap3A_1403], %swap3A_1406 {strides = array<i32>} : memref<512xf32, #tpu.memory_space<vmem>>, vector<16xf32>,
            %get3A_1407 = arith.constant 112 : index
            %get3A_1408 = tpu.vector_load %arg9[%get3A_1407] {strides = array<i32>} : memref<512xf32, #tpu.memory_space<vmem>>, vector<16xf32>,
            %get3A_1409 = vector.shape_cast %get3A_1408 : vector<16xf32> to vector<16xf32>
            %mul3A_1410 = arith.mulf %get3A_1409, %exp3A : vector<16xf32>
            %swap3A_1411 = arith.constant 112 : index
            %swap3A_1412 = tpu.vector_load %arg9[%swap3A_1411] {strides = array<i32>} : memref<512xf32, #tpu.memory_space<vmem>>, vector<16xf32>,
            %swap3A_1413 = vector.shape_cast %swap3A_1412 : vector<16xf32> to vector<16xf32>
            %swap3A_1414 = vector.shape_cast %mul3A_1410 : vector<16xf32> to vector<16xf32>
            tpu.vector_store %arg9[%swap3A_1411], %swap3A_1414 {strides = array<i32>} : memref<512xf32, #tpu.memory_space<vmem>>, vector<16xf32>,
            %get3A_1415 = arith.constant 128 : index
            %get3A_1416 = tpu.vector_load %arg9[%get3A_1415] {strides = array<i32>} : memref<512xf32, #tpu.memory_space<vmem>>, vector<16xf32>,
            %get3A_1417 = vector.shape_cast %get3A_1416 : vector<16xf32> to vector<16xf32>
            %mul3A_1418 = arith.mulf %get3A_1417, %exp3A : vector<16xf32>
            %swap3A_1419 = arith.constant 128 : index
            %swap3A_1420 = tpu.vector_load %arg9[%swap3A_1419] {strides = array<i32>} : memref<512xf32, #tpu.memory_space<vmem>>, vector<16xf32>,
            %swap3A_1421 = vector.shape_cast %swap3A_1420 : vector<16xf32> to vector<16xf32>
            %swap3A_1422 = vector.shape_cast %mul3A_1418 : vector<16xf32> to vector<16xf32>
            tpu.vector_store %arg9[%swap3A_1419], %swap3A_1422 {strides = array<i32>} : memref<512xf32, #tpu.memory_space<vmem>>, vector<16xf32>,
            %get3A_1423 = arith.constant 144 : index
            %get3A_1424 = tpu.vector_load %arg9[%get3A_1423] {strides = array<i32>} : memref<512xf32, #tpu.memory_space<vmem>>, vector<16xf32>,
            %get3A_1425 = vector.shape_cast %get3A_1424 : vector<16xf32> to vector<16xf32>
            %mul3A_1426 = arith.mulf %get3A_1425, %exp3A : vector<16xf32>
            %swap3A_1427 = arith.constant 144 : index
            %swap3A_1428 = tpu.vector_load %arg9[%swap3A_1427] {strides = array<i32>} : memref<512xf32, #tpu.memory_space<vmem>>, vector<16xf32>,
            %swap3A_1429 = vector.shape_cast %swap3A_1428 : vector<16xf32> to vector<16xf32>
            %swap3A_1430 = vector.shape_cast %mul3A_1426 : vector<16xf32> to vector<16xf32>
            tpu.vector_store %arg9[%swap3A_1427], %swap3A_1430 {strides = array<i32>} : memref<512xf32, #tpu.memory_space<vmem>>, vector<16xf32>,
            %get3A_1431 = arith.constant 160 : index
            %get3A_1432 = tpu.vector_load %arg9[%get3A_1431] {strides = array<i32>} : memref<512xf32, #tpu.memory_space<vmem>>, vector<16xf32>,
            %get3A_1433 = vector.shape_cast %get3A_1432 : vector<16xf32> to vector<16xf32>
            %mul3A_1434 = arith.mulf %get3A_1433, %exp3A : vector<16xf32>
            %swap3A_1435 = arith.constant 160 : index
            %swap3A_1436 = tpu.vector_load %arg9[%swap3A_1435] {strides = array<i32>} : memref<512xf32, #tpu.memory_space<vmem>>, vector<16xf32>,
            %swap3A_1437 = vector.shape_cast %swap3A_1436 : vector<16xf32> to vector<16xf32>
            %swap3A_1438 = vector.shape_cast %mul3A_1434 : vector<16xf32> to vector<16xf32>
            tpu.vector_store %arg9[%swap3A_1435], %swap3A_1438 {strides = array<i32>} : memref<512xf32, #tpu.memory_space<vmem>>, vector<16xf32>,
            %get3A_1439 = arith.constant 176 : index
            %get3A_1440 = tpu.vector_load %arg9[%get3A_1439] {strides = array<i32>} : memref<512xf32, #tpu.memory_space<vmem>>, vector<16xf32>,
            %get3A_1441 = vector.shape_cast %get3A_1440 : vector<16xf32> to vector<16xf32>
            %mul3A_1442 = arith.mulf %get3A_1441, %exp3A : vector<16xf32>
            %swap3A_1443 = arith.constant 176 : index
            %swap3A_1444 = tpu.vector_load %arg9[%swap3A_1443] {strides = array<i32>} : memref<512xf32, #tpu.memory_space<vmem>>, vector<16xf32>,
            %swap3A_1445 = vector.shape_cast %swap3A_1444 : vector<16xf32> to vector<16xf32>
            %swap3A_1446 = vector.shape_cast %mul3A_1442 : vector<16xf32> to vector<16xf32>
            tpu.vector_store %arg9[%swap3A_1443], %swap3A_1446 {strides = array<i32>} : memref<512xf32, #tpu.memory_space<vmem>>, vector<16xf32>,
            %get3A_1447 = arith.constant 192 : index
            %get3A_1448 = tpu.vector_load %arg9[%get3A_1447] {strides = array<i32>} : memref<512xf32, #tpu.memory_space<vmem>>, vector<16xf32>,
            %get3A_1449 = vector.shape_cast %get3A_1448 : vector<16xf32> to vector<16xf32>
            %mul3A_1450 = arith.mulf %get3A_1449, %exp3A : vector<16xf32>
            %swap3A_1451 = arith.constant 192 : index
            %swap3A_1452 = tpu.vector_load %arg9[%swap3A_1451] {strides = array<i32>} : memref<512xf32, #tpu.memory_space<vmem>>, vector<16xf32>,
            %swap3A_1453 = vector.shape_cast %swap3A_1452 : vector<16xf32> to vector<16xf32>
            %swap3A_1454 = vector.shape_cast %mul3A_1450 : vector<16xf32> to vector<16xf32>
            tpu.vector_store %arg9[%swap3A_1451], %swap3A_1454 {strides = array<i32>} : memref<512xf32, #tpu.memory_space<vmem>>, vector<16xf32>,
            %get3A_1455 = arith.constant 208 : index
            %get3A_1456 = tpu.vector_load %arg9[%get3A_1455] {strides = array<i32>} : memref<512xf32, #tpu.memory_space<vmem>>, vector<16xf32>,
            %get3A_1457 = vector.shape_cast %get3A_1456 : vector<16xf32> to vector<16xf32>
            %mul3A_1458 = arith.mulf %get3A_1457, %exp3A : vector<16xf32>
            %swap3A_1459 = arith.constant 208 : index
            %swap3A_1460 = tpu.vector_load %arg9[%swap3A_1459] {strides = array<i32>} : memref<512xf32, #tpu.memory_space<vmem>>, vector<16xf32>,
            %swap3A_1461 = vector.shape_cast %swap3A_1460 : vector<16xf32> to vector<16xf32>
            %swap3A_1462 = vector.shape_cast %mul3A_1458 : vector<16xf32> to vector<16xf32>
            tpu.vector_store %arg9[%swap3A_1459], %swap3A_1462 {strides = array<i32>} : memref<512xf32, #tpu.memory_space<vmem>>, vector<16xf32>,
            %get3A_1463 = arith.constant 224 : index
            %get3A_1464 = tpu.vector_load %arg9[%get3A_1463] {strides = array<i32>} : memref<512xf32, #tpu.memory_space<vmem>>, vector<16xf32>,
            %get3A_1465 = vector.shape_cast %get3A_1464 : vector<16xf32> to vector<16xf32>
            %mul3A_1466 = arith.mulf %get3A_1465, %exp3A : vector<16xf32>
            %swap3A_1467 = arith.constant 224 : index
            %swap3A_1468 = tpu.vector_load %arg9[%swap3A_1467] {strides = array<i32>} : memref<512xf32, #tpu.memory_space<vmem>>, vector<16xf32>,
            %swap3A_1469 = vector.shape_cast %swap3A_1468 : vector<16xf32> to vector<16xf32>
            %swap3A_1470 = vector.shape_cast %mul3A_1466 : vector<16xf32> to vector<16xf32>
            tpu.vector_store %arg9[%swap3A_1467], %swap3A_1470 {strides = array<i32>} : memref<512xf32, #tpu.memory_space<vmem>>, vector<16xf32>,
            %get3A_1471 = arith.constant 240 : index
            %get3A_1472 = tpu.vector_load %arg9[%get3A_1471] {strides = array<i32>} : memref<512xf32, #tpu.memory_space<vmem>>, vector<16xf32>,
            %get3A_1473 = vector.shape_cast %get3A_1472 : vector<16xf32> to vector<16xf32>
            %mul3A_1474 = arith.mulf %get3A_1473, %exp3A : vector<16xf32>
            %swap3A_1475 = arith.constant 240 : index
            %swap3A_1476 = tpu.vector_load %arg9[%swap3A_1475] {strides = array<i32>} : memref<512xf32, #tpu.memory_space<vmem>>, vector<16xf32>,
            %swap3A_1477 = vector.shape_cast %swap3A_1476 : vector<16xf32> to vector<16xf32>
            %swap3A_1478 = vector.shape_cast %mul3A_1474 : vector<16xf32> to vector<16xf32>
            tpu.vector_store %arg9[%swap3A_1475], %swap3A_1478 {strides = array<i32>} : memref<512xf32, #tpu.memory_space<vmem>>, vector<16xf32>,
            %get3A_1479 = arith.constant 256 : index
            %get3A_1480 = tpu.vector_load %arg9[%get3A_1479] {strides = array<i32>} : memref<512xf32, #tpu.memory_space<vmem>>, vector<16xf32>,
            %get3A_1481 = vector.shape_cast %get3A_1480 : vector<16xf32> to vector<16xf32>
            %mul3A_1482 = arith.mulf %get3A_1481, %exp3A : vector<16xf32>
            %swap3A_1483 = arith.constant 256 : index
            %swap3A_1484 = tpu.vector_load %arg9[%swap3A_1483] {strides = array<i32>} : memref<512xf32, #tpu.memory_space<vmem>>, vector<16xf32>,
            %swap3A_1485 = vector.shape_cast %swap3A_1484 : vector<16xf32> to vector<16xf32>
            %swap3A_1486 = vector.shape_cast %mul3A_1482 : vector<16xf32> to vector<16xf32>
            tpu.vector_store %arg9[%swap3A_1483], %swap3A_1486 {strides = array<i32>} : memref<512xf32, #tpu.memory_space<vmem>>, vector<16xf32>,
            %get3A_1487 = arith.constant 272 : index
            %get3A_1488 = tpu.vector_load %arg9[%get3A_1487] {strides = array<i32>} : memref<512xf32, #tpu.memory_space<vmem>>, vector<16xf32>,
            %get3A_1489 = vector.shape_cast %get3A_1488 : vector<16xf32> to vector<16xf32>
            %mul3A_1490 = arith.mulf %get3A_1489, %exp3A : vector<16xf32>
            %swap3A_1491 = arith.constant 272 : index
            %swap3A_1492 = tpu.vector_load %arg9[%swap3A_1491] {strides = array<i32>} : memref<512xf32, #tpu.memory_space<vmem>>, vector<16xf32>,
            %swap3A_1493 = vector.shape_cast %swap3A_1492 : vector<16xf32> to vector<16xf32>
            %swap3A_1494 = vector.shape_cast %mul3A_1490 : vector<16xf32> to vector<16xf32>
            tpu.vector_store %arg9[%swap3A_1491], %swap3A_1494 {strides = array<i32>} : memref<512xf32, #tpu.memory_space<vmem>>, vector<16xf32>,
            %get3A_1495 = arith.constant 288 : index
            %get3A_1496 = tpu.vector_load %arg9[%get3A_1495] {strides = array<i32>} : memref<512xf32, #tpu.memory_space<vmem>>, vector<16xf32>,
            %get3A_1497 = vector.shape_cast %get3A_1496 : vector<16xf32> to vector<16xf32>
            %mul3A_1498 = arith.mulf %get3A_1497, %exp3A : vector<16xf32>
            %swap3A_1499 = arith.constant 288 : index
            %swap3A_1500 = tpu.vector_load %arg9[%swap3A_1499] {strides = array<i32>} : memref<512xf32, #tpu.memory_space<vmem>>, vector<16xf32>,
            %swap3A_1501 = vector.shape_cast %swap3A_1500 : vector<16xf32> to vector<16xf32>
            %swap3A_1502 = vector.shape_cast %mul3A_1498 : vector<16xf32> to vector<16xf32>
            tpu.vector_store %arg9[%swap3A_1499], %swap3A_1502 {strides = array<i32>} : memref<512xf32, #tpu.memory_space<vmem>>, vector<16xf32>,
            %get3A_1503 = arith.constant 304 : index
            %get3A_1504 = tpu.vector_load %arg9[%get3A_1503] {strides = array<i32>} : memref<512xf32, #tpu.memory_space<vmem>>, vector<16xf32>,
            %get3A_1505 = vector.shape_cast %get3A_1504 : vector<16xf32> to vector<16xf32>
            %mul3A_1506 = arith.mulf %get3A_1505, %exp3A : vector<16xf32>
            %swap3A_1507 = arith.constant 304 : index
            %swap3A_1508 = tpu.vector_load %arg9[%swap3A_1507] {strides = array<i32>} : memref<512xf32, #tpu.memory_space<vmem>>, vector<16xf32>,
            %swap3A_1509 = vector.shape_cast %swap3A_1508 : vector<16xf32> to vector<16xf32>
            %swap3A_1510 = vector.shape_cast %mul3A_1506 : vector<16xf32> to vector<16xf32>
            tpu.vector_store %arg9[%swap3A_1507], %swap3A_1510 {strides = array<i32>} : memref<512xf32, #tpu.memory_space<vmem>>, vector<16xf32>,
            %get3A_1511 = arith.constant 320 : index
            %get3A_1512 = tpu.vector_load %arg9[%get3A_1511] {strides = array<i32>} : memref<512xf32, #tpu.memory_space<vmem>>, vector<16xf32>,
            %get3A_1513 = vector.shape_cast %get3A_1512 : vector<16xf32> to vector<16xf32>
            %mul3A_1514 = arith.mulf %get3A_1513, %exp3A : vector<16xf32>
            %swap3A_1515 = arith.constant 320 : index
            %swap3A_1516 = tpu.vector_load %arg9[%swap3A_1515] {strides = array<i32>} : memref<512xf32, #tpu.memory_space<vmem>>, vector<16xf32>,
            %swap3A_1517 = vector.shape_cast %swap3A_1516 : vector<16xf32> to vector<16xf32>
            %swap3A_1518 = vector.shape_cast %mul3A_1514 : vector<16xf32> to vector<16xf32>
            tpu.vector_store %arg9[%swap3A_1515], %swap3A_1518 {strides = array<i32>} : memref<512xf32, #tpu.memory_space<vmem>>, vector<16xf32>,
            %get3A_1519 = arith.constant 336 : index
            %get3A_1520 = tpu.vector_load %arg9[%get3A_1519] {strides = array<i32>} : memref<512xf32, #tpu.memory_space<vmem>>, vector<16xf32>,
            %get3A_1521 = vector.shape_cast %get3A_1520 : vector<16xf32> to vector<16xf32>
            %mul3A_1522 = arith.mulf %get3A_1521, %exp3A : vector<16xf32>
            %swap3A_1523 = arith.constant 336 : index
            %swap3A_1524 = tpu.vector_load %arg9[%swap3A_1523] {strides = array<i32>} : memref<512xf32, #tpu.memory_space<vmem>>, vector<16xf32>,
            %swap3A_1525 = vector.shape_cast %swap3A_1524 : vector<16xf32> to vector<16xf32>
            %swap3A_1526 = vector.shape_cast %mul3A_1522 : vector<16xf32> to vector<16xf32>
            tpu.vector_store %arg9[%swap3A_1523], %swap3A_1526 {strides = array<i32>} : memref<512xf32, #tpu.memory_space<vmem>>, vector<16xf32>,
            %get3A_1527 = arith.constant 352 : index
            %get3A_1528 = tpu.vector_load %arg9[%get3A_1527] {strides = array<i32>} : memref<512xf32, #tpu.memory_space<vmem>>, vector<16xf32>,
            %get3A_1529 = vector.shape_cast %get3A_1528 : vector<16xf32> to vector<16xf32>
            %mul3A_1530 = arith.mulf %get3A_1529, %exp3A : vector<16xf32>
            %swap3A_1531 = arith.constant 352 : index
            %swap3A_1532 = tpu.vector_load %arg9[%swap3A_1531] {strides = array<i32>} : memref<512xf32, #tpu.memory_space<vmem>>, vector<16xf32>,
            %swap3A_1533 = vector.shape_cast %swap3A_1532 : vector<16xf32> to vector<16xf32>
            %swap3A_1534 = vector.shape_cast %mul3A_1530 : vector<16xf32> to vector<16xf32>
            tpu.vector_store %arg9[%swap3A_1531], %swap3A_1534 {strides = array<i32>} : memref<512xf32, #tpu.memory_space<vmem>>, vector<16xf32>,
            %get3A_1535 = arith.constant 368 : index
            %get3A_1536 = tpu.vector_load %arg9[%get3A_1535] {strides = array<i32>} : memref<512xf32, #tpu.memory_space<vmem>>, vector<16xf32>,
            %get3A_1537 = vector.shape_cast %get3A_1536 : vector<16xf32> to vector<16xf32>
            %mul3A_1538 = arith.mulf %get3A_1537, %exp3A : vector<16xf32>
            %swap3A_1539 = arith.constant 368 : index
            %swap3A_1540 = tpu.vector_load %arg9[%swap3A_1539] {strides = array<i32>} : memref<512xf32, #tpu.memory_space<vmem>>, vector<16xf32>,
            %swap3A_1541 = vector.shape_cast %swap3A_1540 : vector<16xf32> to vector<16xf32>
            %swap3A_1542 = vector.shape_cast %mul3A_1538 : vector<16xf32> to vector<16xf32>
            tpu.vector_store %arg9[%swap3A_1539], %swap3A_1542 {strides = array<i32>} : memref<512xf32, #tpu.memory_space<vmem>>, vector<16xf32>,
            %get3A_1543 = arith.constant 384 : index
            %get3A_1544 = tpu.vector_load %arg9[%get3A_1543] {strides = array<i32>} : memref<512xf32, #tpu.memory_space<vmem>>, vector<16xf32>,
            %get3A_1545 = vector.shape_cast %get3A_1544 : vector<16xf32> to vector<16xf32>
            %mul3A_1546 = arith.mulf %get3A_1545, %exp3A : vector<16xf32>
            %swap3A_1547 = arith.constant 384 : index
            %swap3A_1548 = tpu.vector_load %arg9[%swap3A_1547] {strides = array<i32>} : memref<512xf32, #tpu.memory_space<vmem>>, vector<16xf32>,
            %swap3A_1549 = vector.shape_cast %swap3A_1548 : vector<16xf32> to vector<16xf32>
            %swap3A_1550 = vector.shape_cast %mul3A_1546 : vector<16xf32> to vector<16xf32>
            tpu.vector_store %arg9[%swap3A_1547], %swap3A_1550 {strides = array<i32>} : memref<512xf32, #tpu.memory_space<vmem>>, vector<16xf32>,
            %get3A_1551 = arith.constant 400 : index
            %get3A_1552 = tpu.vector_load %arg9[%get3A_1551] {strides = array<i32>} : memref<512xf32, #tpu.memory_space<vmem>>, vector<16xf32>,
            %get3A_1553 = vector.shape_cast %get3A_1552 : vector<16xf32> to vector<16xf32>
            %mul3A_1554 = arith.mulf %get3A_1553, %exp3A : vector<16xf32>
            %swap3A_1555 = arith.constant 400 : index
            %swap3A_1556 = tpu.vector_load %arg9[%swap3A_1555] {strides = array<i32>} : memref<512xf32, #tpu.memory_space<vmem>>, vector<16xf32>,
            %swap3A_1557 = vector.shape_cast %swap3A_1556 : vector<16xf32> to vector<16xf32>
            %swap3A_1558 = vector.shape_cast %mul3A_1554 : vector<16xf32> to vector<16xf32>
            tpu.vector_store %arg9[%swap3A_1555], %swap3A_1558 {strides = array<i32>} : memref<512xf32, #tpu.memory_space<vmem>>, vector<16xf32>,
            %get3A_1559 = arith.constant 416 : index
            %get3A_1560 = tpu.vector_load %arg9[%get3A_1559] {strides = array<i32>} : memref<512xf32, #tpu.memory_space<vmem>>, vector<16xf32>,
            %get3A_1561 = vector.shape_cast %get3A_1560 : vector<16xf32> to vector<16xf32>
            %mul3A_1562 = arith.mulf %get3A_1561, %exp3A : vector<16xf32>
            %swap3A_1563 = arith.constant 416 : index
            %swap3A_1564 = tpu.vector_load %arg9[%swap3A_1563] {strides = array<i32>} : memref<512xf32, #tpu.memory_space<vmem>>, vector<16xf32>,
            %swap3A_1565 = vector.shape_cast %swap3A_1564 : vector<16xf32> to vector<16xf32>
            %swap3A_1566 = vector.shape_cast %mul3A_1562 : vector<16xf32> to vector<16xf32>
            tpu.vector_store %arg9[%swap3A_1563], %swap3A_1566 {strides = array<i32>} : memref<512xf32, #tpu.memory_space<vmem>>, vector<16xf32>,
            %get3A_1567 = arith.constant 432 : index
            %get3A_1568 = tpu.vector_load %arg9[%get3A_1567] {strides = array<i32>} : memref<512xf32, #tpu.memory_space<vmem>>, vector<16xf32>,
            %get3A_1569 = vector.shape_cast %get3A_1568 : vector<16xf32> to vector<16xf32>
            %mul3A_1570 = arith.mulf %get3A_1569, %exp3A : vector<16xf32>
            %swap3A_1571 = arith.constant 432 : index
            %swap3A_1572 = tpu.vector_load %arg9[%swap3A_1571] {strides = array<i32>} : memref<512xf32, #tpu.memory_space<vmem>>, vector<16xf32>,
            %swap3A_1573 = vector.shape_cast %swap3A_1572 : vector<16xf32> to vector<16xf32>
            %swap3A_1574 = vector.shape_cast %mul3A_1570 : vector<16xf32> to vector<16xf32>
            tpu.vector_store %arg9[%swap3A_1571], %swap3A_1574 {strides = array<i32>} : memref<512xf32, #tpu.memory_space<vmem>>, vector<16xf32>,
            %get3A_1575 = arith.constant 448 : index
            %get3A_1576 = tpu.vector_load %arg9[%get3A_1575] {strides = array<i32>} : memref<512xf32, #tpu.memory_space<vmem>>, vector<16xf32>,
            %get3A_1577 = vector.shape_cast %get3A_1576 : vector<16xf32> to vector<16xf32>
            %mul3A_1578 = arith.mulf %get3A_1577, %exp3A : vector<16xf32>
            %swap3A_1579 = arith.constant 448 : index
            %swap3A_1580 = tpu.vector_load %arg9[%swap3A_1579] {strides = array<i32>} : memref<512xf32, #tpu.memory_space<vmem>>, vector<16xf32>,
            %swap3A_1581 = vector.shape_cast %swap3A_1580 : vector<16xf32> to vector<16xf32>
            %swap3A_1582 = vector.shape_cast %mul3A_1578 : vector<16xf32> to vector<16xf32>
            tpu.vector_store %arg9[%swap3A_1579], %swap3A_1582 {strides = array<i32>} : memref<512xf32, #tpu.memory_space<vmem>>, vector<16xf32>,
            %get3A_1583 = arith.constant 464 : index
            %get3A_1584 = tpu.vector_load %arg9[%get3A_1583] {strides = array<i32>} : memref<512xf32, #tpu.memory_space<vmem>>, vector<16xf32>,
            %get3A_1585 = vector.shape_cast %get3A_1584 : vector<16xf32> to vector<16xf32>
            %mul3A_1586 = arith.mulf %get3A_1585, %exp3A : vector<16xf32>
            %swap3A_1587 = arith.constant 464 : index
            %swap3A_1588 = tpu.vector_load %arg9[%swap3A_1587] {strides = array<i32>} : memref<512xf32, #tpu.memory_space<vmem>>, vector<16xf32>,
            %swap3A_1589 = vector.shape_cast %swap3A_1588 : vector<16xf32> to vector<16xf32>
            %swap3A_1590 = vector.shape_cast %mul3A_1586 : vector<16xf32> to vector<16xf32>
            tpu.vector_store %arg9[%swap3A_1587], %swap3A_1590 {strides = array<i32>} : memref<512xf32, #tpu.memory_space<vmem>>, vector<16xf32>,
            %get3A_1591 = arith.constant 480 : index
            %get3A_1592 = tpu.vector_load %arg9[%get3A_1591] {strides = array<i32>} : memref<512xf32, #tpu.memory_space<vmem>>, vector<16xf32>,
            %get3A_1593 = vector.shape_cast %get3A_1592 : vector<16xf32> to vector<16xf32>
            %mul3A_1594 = arith.mulf %get3A_1593, %exp3A : vector<16xf32>
            %swap3A_1595 = arith.constant 480 : index
            %swap3A_1596 = tpu.vector_load %arg9[%swap3A_1595] {strides = array<i32>} : memref<512xf32, #tpu.memory_space<vmem>>, vector<16xf32>,
            %swap3A_1597 = vector.shape_cast %swap3A_1596 : vector<16xf32> to vector<16xf32>
            %swap3A_1598 = vector.shape_cast %mul3A_1594 : vector<16xf32> to vector<16xf32>
            tpu.vector_store %arg9[%swap3A_1595], %swap3A_1598 {strides = array<i32>} : memref<512xf32, #tpu.memory_space<vmem>>, vector<16xf32>,
            %get3A_1599 = arith.constant 496 : index
            %get3A_1600 = tpu.vector_load %arg9[%get3A_1599] {strides = array<i32>} : memref<512xf32, #tpu.memory_space<vmem>>, vector<16xf32>,
            %get3A_1601 = vector.shape_cast %get3A_1600 : vector<16xf32> to vector<16xf32>
            %mul3A_1602 = arith.mulf %get3A_1601, %exp3A : vector<16xf32>
            %swap3A_1603 = arith.constant 496 : index
            %swap3A_1604 = tpu.vector_load %arg9[%swap3A_1603] {strides = array<i32>} : memref<512xf32, #tpu.memory_space<vmem>>, vector<16xf32>,
            %swap3A_1605 = vector.shape_cast %swap3A_1604 : vector<16xf32> to vector<16xf32>
            %swap3A_1606 = vector.shape_cast %mul3A_1602 : vector<16xf32> to vector<16xf32>
            tpu.vector_store %arg9[%swap3A_1603], %swap3A_1606 {strides = array<i32>} : memref<512xf32, #tpu.memory_space<vmem>>, vector<16xf32>,
          } else {
          }
          %get3A_935 = arith.constant 0 : index
          %get3A_936 = tpu.vector_load %arg9[%get3A_935] {strides = array<i32>} : memref<512xf32, #tpu.memory_space<vmem>>, vector<16xf32>,
          %get3A_937 = vector.shape_cast %get3A_936 : vector<16xf32> to vector<16xf32>
          %get3A_938 = arith.index_cast %while3A_585 : i32 to index
          %get3A_939 = arith.constant 0 : index
          %get3A_940 = tpu.vector_load %arg6[%get3A_938, %get3A_939] {strides = array<i32>} : memref<64x512xf32, #tpu.memory_space<vmem>>, vector<1x16xf32>,
          %get3A_941 = vector.shape_cast %get3A_940 : vector<1x16xf32> to vector<16xf32>
          %mul3A_942 = arith.mulf %exp3A_930, %get3A_941 : vector<16xf32>
          %add3A_943 = arith.addf %get3A_937, %mul3A_942 : vector<16xf32>
          %swap3A_944 = arith.constant 0 : index
          %swap3A_945 = tpu.vector_load %arg9[%swap3A_944] {strides = array<i32>} : memref<512xf32, #tpu.memory_space<vmem>>, vector<16xf32>,
          %swap3A_946 = vector.shape_cast %swap3A_945 : vector<16xf32> to vector<16xf32>
          %swap3A_947 = vector.shape_cast %add3A_943 : vector<16xf32> to vector<16xf32>
          tpu.vector_store %arg9[%swap3A_944], %swap3A_947 {strides = array<i32>} : memref<512xf32, #tpu.memory_space<vmem>>, vector<16xf32>,
          %get3A_948 = arith.constant 16 : index
          %get3A_949 = tpu.vector_load %arg9[%get3A_948] {strides = array<i32>} : memref<512xf32, #tpu.memory_space<vmem>>, vector<16xf32>,
          %get3A_950 = vector.shape_cast %get3A_949 : vector<16xf32> to vector<16xf32>
          %get3A_951 = arith.index_cast %while3A_585 : i32 to index
          %get3A_952 = arith.constant 16 : index
          %get3A_953 = tpu.vector_load %arg6[%get3A_951, %get3A_952] {strides = array<i32>} : memref<64x512xf32, #tpu.memory_space<vmem>>, vector<1x16xf32>,
          %get3A_954 = vector.shape_cast %get3A_953 : vector<1x16xf32> to vector<16xf32>
          %mul3A_955 = arith.mulf %exp3A_930, %get3A_954 : vector<16xf32>
          %add3A_956 = arith.addf %get3A_950, %mul3A_955 : vector<16xf32>
          %swap3A_957 = arith.constant 16 : index
          %swap3A_958 = tpu.vector_load %arg9[%swap3A_957] {strides = array<i32>} : memref<512xf32, #tpu.memory_space<vmem>>, vector<16xf32>,
          %swap3A_959 = vector.shape_cast %swap3A_958 : vector<16xf32> to vector<16xf32>
          %swap3A_960 = vector.shape_cast %add3A_956 : vector<16xf32> to vector<16xf32>
          tpu.vector_store %arg9[%swap3A_957], %swap3A_960 {strides = array<i32>} : memref<512xf32, #tpu.memory_space<vmem>>, vector<16xf32>,
          %get3A_961 = arith.constant 32 : index
          %get3A_962 = tpu.vector_load %arg9[%get3A_961] {strides = array<i32>} : memref<512xf32, #tpu.memory_space<vmem>>, vector<16xf32>,
          %get3A_963 = vector.shape_cast %get3A_962 : vector<16xf32> to vector<16xf32>
          %get3A_964 = arith.index_cast %while3A_585 : i32 to index
          %get3A_965 = arith.constant 32 : index
          %get3A_966 = tpu.vector_load %arg6[%get3A_964, %get3A_965] {strides = array<i32>} : memref<64x512xf32, #tpu.memory_space<vmem>>, vector<1x16xf32>,
          %get3A_967 = vector.shape_cast %get3A_966 : vector<1x16xf32> to vector<16xf32>
          %mul3A_968 = arith.mulf %exp3A_930, %get3A_967 : vector<16xf32>
          %add3A_969 = arith.addf %get3A_963, %mul3A_968 : vector<16xf32>
          %swap3A_970 = arith.constant 32 : index
          %swap3A_971 = tpu.vector_load %arg9[%swap3A_970] {strides = array<i32>} : memref<512xf32, #tpu.memory_space<vmem>>, vector<16xf32>,
          %swap3A_972 = vector.shape_cast %swap3A_971 : vector<16xf32> to vector<16xf32>
          %swap3A_973 = vector.shape_cast %add3A_969 : vector<16xf32> to vector<16xf32>
          tpu.vector_store %arg9[%swap3A_970], %swap3A_973 {strides = array<i32>} : memref<512xf32, #tpu.memory_space<vmem>>, vector<16xf32>,
          %get3A_974 = arith.constant 48 : index
          %get3A_975 = tpu.vector_load %arg9[%get3A_974] {strides = array<i32>} : memref<512xf32, #tpu.memory_space<vmem>>, vector<16xf32>,
          %get3A_976 = vector.shape_cast %get3A_975 : vector<16xf32> to vector<16xf32>
          %get3A_977 = arith.index_cast %while3A_585 : i32 to index
          %get3A_978 = arith.constant 48 : index
          %get3A_979 = tpu.vector_load %arg6[%get3A_977, %get3A_978] {strides = array<i32>} : memref<64x512xf32, #tpu.memory_space<vmem>>, vector<1x16xf32>,
          %get3A_980 = vector.shape_cast %get3A_979 : vector<1x16xf32> to vector<16xf32>
          %mul3A_981 = arith.mulf %exp3A_930, %get3A_980 : vector<16xf32>
          %add3A_982 = arith.addf %get3A_976, %mul3A_981 : vector<16xf32>
          %swap3A_983 = arith.constant 48 : index
          %swap3A_984 = tpu.vector_load %arg9[%swap3A_983] {strides = array<i32>} : memref<512xf32, #tpu.memory_space<vmem>>, vector<16xf32>,
          %swap3A_985 = vector.shape_cast %swap3A_984 : vector<16xf32> to vector<16xf32>
          %swap3A_986 = vector.shape_cast %add3A_982 : vector<16xf32> to vector<16xf32>
          tpu.vector_store %arg9[%swap3A_983], %swap3A_986 {strides = array<i32>} : memref<512xf32, #tpu.memory_space<vmem>>, vector<16xf32>,
          %get3A_987 = arith.constant 64 : index
          %get3A_988 = tpu.vector_load %arg9[%get3A_987] {strides = array<i32>} : memref<512xf32, #tpu.memory_space<vmem>>, vector<16xf32>,
          %get3A_989 = vector.shape_cast %get3A_988 : vector<16xf32> to vector<16xf32>
          %get3A_990 = arith.index_cast %while3A_585 : i32 to index
          %get3A_991 = arith.constant 64 : index
          %get3A_992 = tpu.vector_load %arg6[%get3A_990, %get3A_991] {strides = array<i32>} : memref<64x512xf32, #tpu.memory_space<vmem>>, vector<1x16xf32>,
          %get3A_993 = vector.shape_cast %get3A_992 : vector<1x16xf32> to vector<16xf32>
          %mul3A_994 = arith.mulf %exp3A_930, %get3A_993 : vector<16xf32>
          %add3A_995 = arith.addf %get3A_989, %mul3A_994 : vector<16xf32>
          %swap3A_996 = arith.constant 64 : index
          %swap3A_997 = tpu.vector_load %arg9[%swap3A_996] {strides = array<i32>} : memref<512xf32, #tpu.memory_space<vmem>>, vector<16xf32>,
          %swap3A_998 = vector.shape_cast %swap3A_997 : vector<16xf32> to vector<16xf32>
          %swap3A_999 = vector.shape_cast %add3A_995 : vector<16xf32> to vector<16xf32>
          tpu.vector_store %arg9[%swap3A_996], %swap3A_999 {strides = array<i32>} : memref<512xf32, #tpu.memory_space<vmem>>, vector<16xf32>,
          %get3A_1000 = arith.constant 80 : index
          %get3A_1001 = tpu.vector_load %arg9[%get3A_1000] {strides = array<i32>} : memref<512xf32, #tpu.memory_space<vmem>>, vector<16xf32>,
          %get3A_1002 = vector.shape_cast %get3A_1001 : vector<16xf32> to vector<16xf32>
          %get3A_1003 = arith.index_cast %while3A_585 : i32 to index
          %get3A_1004 = arith.constant 80 : index
          %get3A_1005 = tpu.vector_load %arg6[%get3A_1003, %get3A_1004] {strides = array<i32>} : memref<64x512xf32, #tpu.memory_space<vmem>>, vector<1x16xf32>,
          %get3A_1006 = vector.shape_cast %get3A_1005 : vector<1x16xf32> to vector<16xf32>
          %mul3A_1007 = arith.mulf %exp3A_930, %get3A_1006 : vector<16xf32>
          %add3A_1008 = arith.addf %get3A_1002, %mul3A_1007 : vector<16xf32>
          %swap3A_1009 = arith.constant 80 : index
          %swap3A_1010 = tpu.vector_load %arg9[%swap3A_1009] {strides = array<i32>} : memref<512xf32, #tpu.memory_space<vmem>>, vector<16xf32>,
          %swap3A_1011 = vector.shape_cast %swap3A_1010 : vector<16xf32> to vector<16xf32>
          %swap3A_1012 = vector.shape_cast %add3A_1008 : vector<16xf32> to vector<16xf32>
          tpu.vector_store %arg9[%swap3A_1009], %swap3A_1012 {strides = array<i32>} : memref<512xf32, #tpu.memory_space<vmem>>, vector<16xf32>,
          %get3A_1013 = arith.constant 96 : index
          %get3A_1014 = tpu.vector_load %arg9[%get3A_1013] {strides = array<i32>} : memref<512xf32, #tpu.memory_space<vmem>>, vector<16xf32>,
          %get3A_1015 = vector.shape_cast %get3A_1014 : vector<16xf32> to vector<16xf32>
          %get3A_1016 = arith.index_cast %while3A_585 : i32 to index
          %get3A_1017 = arith.constant 96 : index
          %get3A_1018 = tpu.vector_load %arg6[%get3A_1016, %get3A_1017] {strides = array<i32>} : memref<64x512xf32, #tpu.memory_space<vmem>>, vector<1x16xf32>,
          %get3A_1019 = vector.shape_cast %get3A_1018 : vector<1x16xf32> to vector<16xf32>
          %mul3A_1020 = arith.mulf %exp3A_930, %get3A_1019 : vector<16xf32>
          %add3A_1021 = arith.addf %get3A_1015, %mul3A_1020 : vector<16xf32>
          %swap3A_1022 = arith.constant 96 : index
          %swap3A_1023 = tpu.vector_load %arg9[%swap3A_1022] {strides = array<i32>} : memref<512xf32, #tpu.memory_space<vmem>>, vector<16xf32>,
          %swap3A_1024 = vector.shape_cast %swap3A_1023 : vector<16xf32> to vector<16xf32>
          %swap3A_1025 = vector.shape_cast %add3A_1021 : vector<16xf32> to vector<16xf32>
          tpu.vector_store %arg9[%swap3A_1022], %swap3A_1025 {strides = array<i32>} : memref<512xf32, #tpu.memory_space<vmem>>, vector<16xf32>,
          %get3A_1026 = arith.constant 112 : index
          %get3A_1027 = tpu.vector_load %arg9[%get3A_1026] {strides = array<i32>} : memref<512xf32, #tpu.memory_space<vmem>>, vector<16xf32>,
          %get3A_1028 = vector.shape_cast %get3A_1027 : vector<16xf32> to vector<16xf32>
          %get3A_1029 = arith.index_cast %while3A_585 : i32 to index
          %get3A_1030 = arith.constant 112 : index
          %get3A_1031 = tpu.vector_load %arg6[%get3A_1029, %get3A_1030] {strides = array<i32>} : memref<64x512xf32, #tpu.memory_space<vmem>>, vector<1x16xf32>,
          %get3A_1032 = vector.shape_cast %get3A_1031 : vector<1x16xf32> to vector<16xf32>
          %mul3A_1033 = arith.mulf %exp3A_930, %get3A_1032 : vector<16xf32>
          %add3A_1034 = arith.addf %get3A_1028, %mul3A_1033 : vector<16xf32>
          %swap3A_1035 = arith.constant 112 : index
          %swap3A_1036 = tpu.vector_load %arg9[%swap3A_1035] {strides = array<i32>} : memref<512xf32, #tpu.memory_space<vmem>>, vector<16xf32>,
          %swap3A_1037 = vector.shape_cast %swap3A_1036 : vector<16xf32> to vector<16xf32>
          %swap3A_1038 = vector.shape_cast %add3A_1034 : vector<16xf32> to vector<16xf32>
          tpu.vector_store %arg9[%swap3A_1035], %swap3A_1038 {strides = array<i32>} : memref<512xf32, #tpu.memory_space<vmem>>, vector<16xf32>,
          %get3A_1039 = arith.constant 128 : index
          %get3A_1040 = tpu.vector_load %arg9[%get3A_1039] {strides = array<i32>} : memref<512xf32, #tpu.memory_space<vmem>>, vector<16xf32>,
          %get3A_1041 = vector.shape_cast %get3A_1040 : vector<16xf32> to vector<16xf32>
          %get3A_1042 = arith.index_cast %while3A_585 : i32 to index
          %get3A_1043 = arith.constant 128 : index
          %get3A_1044 = tpu.vector_load %arg6[%get3A_1042, %get3A_1043] {strides = array<i32>} : memref<64x512xf32, #tpu.memory_space<vmem>>, vector<1x16xf32>,
          %get3A_1045 = vector.shape_cast %get3A_1044 : vector<1x16xf32> to vector<16xf32>
          %mul3A_1046 = arith.mulf %exp3A_930, %get3A_1045 : vector<16xf32>
          %add3A_1047 = arith.addf %get3A_1041, %mul3A_1046 : vector<16xf32>
          %swap3A_1048 = arith.constant 128 : index
          %swap3A_1049 = tpu.vector_load %arg9[%swap3A_1048] {strides = array<i32>} : memref<512xf32, #tpu.memory_space<vmem>>, vector<16xf32>,
          %swap3A_1050 = vector.shape_cast %swap3A_1049 : vector<16xf32> to vector<16xf32>
          %swap3A_1051 = vector.shape_cast %add3A_1047 : vector<16xf32> to vector<16xf32>
          tpu.vector_store %arg9[%swap3A_1048], %swap3A_1051 {strides = array<i32>} : memref<512xf32, #tpu.memory_space<vmem>>, vector<16xf32>,
          %get3A_1052 = arith.constant 144 : index
          %get3A_1053 = tpu.vector_load %arg9[%get3A_1052] {strides = array<i32>} : memref<512xf32, #tpu.memory_space<vmem>>, vector<16xf32>,
          %get3A_1054 = vector.shape_cast %get3A_1053 : vector<16xf32> to vector<16xf32>
          %get3A_1055 = arith.index_cast %while3A_585 : i32 to index
          %get3A_1056 = arith.constant 144 : index
          %get3A_1057 = tpu.vector_load %arg6[%get3A_1055, %get3A_1056] {strides = array<i32>} : memref<64x512xf32, #tpu.memory_space<vmem>>, vector<1x16xf32>,
          %get3A_1058 = vector.shape_cast %get3A_1057 : vector<1x16xf32> to vector<16xf32>
          %mul3A_1059 = arith.mulf %exp3A_930, %get3A_1058 : vector<16xf32>
          %add3A_1060 = arith.addf %get3A_1054, %mul3A_1059 : vector<16xf32>
          %swap3A_1061 = arith.constant 144 : index
          %swap3A_1062 = tpu.vector_load %arg9[%swap3A_1061] {strides = array<i32>} : memref<512xf32, #tpu.memory_space<vmem>>, vector<16xf32>,
          %swap3A_1063 = vector.shape_cast %swap3A_1062 : vector<16xf32> to vector<16xf32>
          %swap3A_1064 = vector.shape_cast %add3A_1060 : vector<16xf32> to vector<16xf32>
          tpu.vector_store %arg9[%swap3A_1061], %swap3A_1064 {strides = array<i32>} : memref<512xf32, #tpu.memory_space<vmem>>, vector<16xf32>,
          %get3A_1065 = arith.constant 160 : index
          %get3A_1066 = tpu.vector_load %arg9[%get3A_1065] {strides = array<i32>} : memref<512xf32, #tpu.memory_space<vmem>>, vector<16xf32>,
          %get3A_1067 = vector.shape_cast %get3A_1066 : vector<16xf32> to vector<16xf32>
          %get3A_1068 = arith.index_cast %while3A_585 : i32 to index
          %get3A_1069 = arith.constant 160 : index
          %get3A_1070 = tpu.vector_load %arg6[%get3A_1068, %get3A_1069] {strides = array<i32>} : memref<64x512xf32, #tpu.memory_space<vmem>>, vector<1x16xf32>,
          %get3A_1071 = vector.shape_cast %get3A_1070 : vector<1x16xf32> to vector<16xf32>
          %mul3A_1072 = arith.mulf %exp3A_930, %get3A_1071 : vector<16xf32>
          %add3A_1073 = arith.addf %get3A_1067, %mul3A_1072 : vector<16xf32>
          %swap3A_1074 = arith.constant 160 : index
          %swap3A_1075 = tpu.vector_load %arg9[%swap3A_1074] {strides = array<i32>} : memref<512xf32, #tpu.memory_space<vmem>>, vector<16xf32>,
          %swap3A_1076 = vector.shape_cast %swap3A_1075 : vector<16xf32> to vector<16xf32>
          %swap3A_1077 = vector.shape_cast %add3A_1073 : vector<16xf32> to vector<16xf32>
          tpu.vector_store %arg9[%swap3A_1074], %swap3A_1077 {strides = array<i32>} : memref<512xf32, #tpu.memory_space<vmem>>, vector<16xf32>,
          %get3A_1078 = arith.constant 176 : index
          %get3A_1079 = tpu.vector_load %arg9[%get3A_1078] {strides = array<i32>} : memref<512xf32, #tpu.memory_space<vmem>>, vector<16xf32>,
          %get3A_1080 = vector.shape_cast %get3A_1079 : vector<16xf32> to vector<16xf32>
          %get3A_1081 = arith.index_cast %while3A_585 : i32 to index
          %get3A_1082 = arith.constant 176 : index
          %get3A_1083 = tpu.vector_load %arg6[%get3A_1081, %get3A_1082] {strides = array<i32>} : memref<64x512xf32, #tpu.memory_space<vmem>>, vector<1x16xf32>,
          %get3A_1084 = vector.shape_cast %get3A_1083 : vector<1x16xf32> to vector<16xf32>
          %mul3A_1085 = arith.mulf %exp3A_930, %get3A_1084 : vector<16xf32>
          %add3A_1086 = arith.addf %get3A_1080, %mul3A_1085 : vector<16xf32>
          %swap3A_1087 = arith.constant 176 : index
          %swap3A_1088 = tpu.vector_load %arg9[%swap3A_1087] {strides = array<i32>} : memref<512xf32, #tpu.memory_space<vmem>>, vector<16xf32>,
          %swap3A_1089 = vector.shape_cast %swap3A_1088 : vector<16xf32> to vector<16xf32>
          %swap3A_1090 = vector.shape_cast %add3A_1086 : vector<16xf32> to vector<16xf32>
          tpu.vector_store %arg9[%swap3A_1087], %swap3A_1090 {strides = array<i32>} : memref<512xf32, #tpu.memory_space<vmem>>, vector<16xf32>,
          %get3A_1091 = arith.constant 192 : index
          %get3A_1092 = tpu.vector_load %arg9[%get3A_1091] {strides = array<i32>} : memref<512xf32, #tpu.memory_space<vmem>>, vector<16xf32>,
          %get3A_1093 = vector.shape_cast %get3A_1092 : vector<16xf32> to vector<16xf32>
          %get3A_1094 = arith.index_cast %while3A_585 : i32 to index
          %get3A_1095 = arith.constant 192 : index
          %get3A_1096 = tpu.vector_load %arg6[%get3A_1094, %get3A_1095] {strides = array<i32>} : memref<64x512xf32, #tpu.memory_space<vmem>>, vector<1x16xf32>,
          %get3A_1097 = vector.shape_cast %get3A_1096 : vector<1x16xf32> to vector<16xf32>
          %mul3A_1098 = arith.mulf %exp3A_930, %get3A_1097 : vector<16xf32>
          %add3A_1099 = arith.addf %get3A_1093, %mul3A_1098 : vector<16xf32>
          %swap3A_1100 = arith.constant 192 : index
          %swap3A_1101 = tpu.vector_load %arg9[%swap3A_1100] {strides = array<i32>} : memref<512xf32, #tpu.memory_space<vmem>>, vector<16xf32>,
          %swap3A_1102 = vector.shape_cast %swap3A_1101 : vector<16xf32> to vector<16xf32>
          %swap3A_1103 = vector.shape_cast %add3A_1099 : vector<16xf32> to vector<16xf32>
          tpu.vector_store %arg9[%swap3A_1100], %swap3A_1103 {strides = array<i32>} : memref<512xf32, #tpu.memory_space<vmem>>, vector<16xf32>,
          %get3A_1104 = arith.constant 208 : index
          %get3A_1105 = tpu.vector_load %arg9[%get3A_1104] {strides = array<i32>} : memref<512xf32, #tpu.memory_space<vmem>>, vector<16xf32>,
          %get3A_1106 = vector.shape_cast %get3A_1105 : vector<16xf32> to vector<16xf32>
          %get3A_1107 = arith.index_cast %while3A_585 : i32 to index
          %get3A_1108 = arith.constant 208 : index
          %get3A_1109 = tpu.vector_load %arg6[%get3A_1107, %get3A_1108] {strides = array<i32>} : memref<64x512xf32, #tpu.memory_space<vmem>>, vector<1x16xf32>,
          %get3A_1110 = vector.shape_cast %get3A_1109 : vector<1x16xf32> to vector<16xf32>
          %mul3A_1111 = arith.mulf %exp3A_930, %get3A_1110 : vector<16xf32>
          %add3A_1112 = arith.addf %get3A_1106, %mul3A_1111 : vector<16xf32>
          %swap3A_1113 = arith.constant 208 : index
          %swap3A_1114 = tpu.vector_load %arg9[%swap3A_1113] {strides = array<i32>} : memref<512xf32, #tpu.memory_space<vmem>>, vector<16xf32>,
          %swap3A_1115 = vector.shape_cast %swap3A_1114 : vector<16xf32> to vector<16xf32>
          %swap3A_1116 = vector.shape_cast %add3A_1112 : vector<16xf32> to vector<16xf32>
          tpu.vector_store %arg9[%swap3A_1113], %swap3A_1116 {strides = array<i32>} : memref<512xf32, #tpu.memory_space<vmem>>, vector<16xf32>,
          %get3A_1117 = arith.constant 224 : index
          %get3A_1118 = tpu.vector_load %arg9[%get3A_1117] {strides = array<i32>} : memref<512xf32, #tpu.memory_space<vmem>>, vector<16xf32>,
          %get3A_1119 = vector.shape_cast %get3A_1118 : vector<16xf32> to vector<16xf32>
          %get3A_1120 = arith.index_cast %while3A_585 : i32 to index
          %get3A_1121 = arith.constant 224 : index
          %get3A_1122 = tpu.vector_load %arg6[%get3A_1120, %get3A_1121] {strides = array<i32>} : memref<64x512xf32, #tpu.memory_space<vmem>>, vector<1x16xf32>,
          %get3A_1123 = vector.shape_cast %get3A_1122 : vector<1x16xf32> to vector<16xf32>
          %mul3A_1124 = arith.mulf %exp3A_930, %get3A_1123 : vector<16xf32>
          %add3A_1125 = arith.addf %get3A_1119, %mul3A_1124 : vector<16xf32>
          %swap3A_1126 = arith.constant 224 : index
          %swap3A_1127 = tpu.vector_load %arg9[%swap3A_1126] {strides = array<i32>} : memref<512xf32, #tpu.memory_space<vmem>>, vector<16xf32>,
          %swap3A_1128 = vector.shape_cast %swap3A_1127 : vector<16xf32> to vector<16xf32>
          %swap3A_1129 = vector.shape_cast %add3A_1125 : vector<16xf32> to vector<16xf32>
          tpu.vector_store %arg9[%swap3A_1126], %swap3A_1129 {strides = array<i32>} : memref<512xf32, #tpu.memory_space<vmem>>, vector<16xf32>,
          %get3A_1130 = arith.constant 240 : index
          %get3A_1131 = tpu.vector_load %arg9[%get3A_1130] {strides = array<i32>} : memref<512xf32, #tpu.memory_space<vmem>>, vector<16xf32>,
          %get3A_1132 = vector.shape_cast %get3A_1131 : vector<16xf32> to vector<16xf32>
          %get3A_1133 = arith.index_cast %while3A_585 : i32 to index
          %get3A_1134 = arith.constant 240 : index
          %get3A_1135 = tpu.vector_load %arg6[%get3A_1133, %get3A_1134] {strides = array<i32>} : memref<64x512xf32, #tpu.memory_space<vmem>>, vector<1x16xf32>,
          %get3A_1136 = vector.shape_cast %get3A_1135 : vector<1x16xf32> to vector<16xf32>
          %mul3A_1137 = arith.mulf %exp3A_930, %get3A_1136 : vector<16xf32>
          %add3A_1138 = arith.addf %get3A_1132, %mul3A_1137 : vector<16xf32>
          %swap3A_1139 = arith.constant 240 : index
          %swap3A_1140 = tpu.vector_load %arg9[%swap3A_1139] {strides = array<i32>} : memref<512xf32, #tpu.memory_space<vmem>>, vector<16xf32>,
          %swap3A_1141 = vector.shape_cast %swap3A_1140 : vector<16xf32> to vector<16xf32>
          %swap3A_1142 = vector.shape_cast %add3A_1138 : vector<16xf32> to vector<16xf32>
          tpu.vector_store %arg9[%swap3A_1139], %swap3A_1142 {strides = array<i32>} : memref<512xf32, #tpu.memory_space<vmem>>, vector<16xf32>,
          %get3A_1143 = arith.constant 256 : index
          %get3A_1144 = tpu.vector_load %arg9[%get3A_1143] {strides = array<i32>} : memref<512xf32, #tpu.memory_space<vmem>>, vector<16xf32>,
          %get3A_1145 = vector.shape_cast %get3A_1144 : vector<16xf32> to vector<16xf32>
          %get3A_1146 = arith.index_cast %while3A_585 : i32 to index
          %get3A_1147 = arith.constant 256 : index
          %get3A_1148 = tpu.vector_load %arg6[%get3A_1146, %get3A_1147] {strides = array<i32>} : memref<64x512xf32, #tpu.memory_space<vmem>>, vector<1x16xf32>,
          %get3A_1149 = vector.shape_cast %get3A_1148 : vector<1x16xf32> to vector<16xf32>
          %mul3A_1150 = arith.mulf %exp3A_930, %get3A_1149 : vector<16xf32>
          %add3A_1151 = arith.addf %get3A_1145, %mul3A_1150 : vector<16xf32>
          %swap3A_1152 = arith.constant 256 : index
          %swap3A_1153 = tpu.vector_load %arg9[%swap3A_1152] {strides = array<i32>} : memref<512xf32, #tpu.memory_space<vmem>>, vector<16xf32>,
          %swap3A_1154 = vector.shape_cast %swap3A_1153 : vector<16xf32> to vector<16xf32>
          %swap3A_1155 = vector.shape_cast %add3A_1151 : vector<16xf32> to vector<16xf32>
          tpu.vector_store %arg9[%swap3A_1152], %swap3A_1155 {strides = array<i32>} : memref<512xf32, #tpu.memory_space<vmem>>, vector<16xf32>,
          %get3A_1156 = arith.constant 272 : index
          %get3A_1157 = tpu.vector_load %arg9[%get3A_1156] {strides = array<i32>} : memref<512xf32, #tpu.memory_space<vmem>>, vector<16xf32>,
          %get3A_1158 = vector.shape_cast %get3A_1157 : vector<16xf32> to vector<16xf32>
          %get3A_1159 = arith.index_cast %while3A_585 : i32 to index
          %get3A_1160 = arith.constant 272 : index
          %get3A_1161 = tpu.vector_load %arg6[%get3A_1159, %get3A_1160] {strides = array<i32>} : memref<64x512xf32, #tpu.memory_space<vmem>>, vector<1x16xf32>,
          %get3A_1162 = vector.shape_cast %get3A_1161 : vector<1x16xf32> to vector<16xf32>
          %mul3A_1163 = arith.mulf %exp3A_930, %get3A_1162 : vector<16xf32>
          %add3A_1164 = arith.addf %get3A_1158, %mul3A_1163 : vector<16xf32>
          %swap3A_1165 = arith.constant 272 : index
          %swap3A_1166 = tpu.vector_load %arg9[%swap3A_1165] {strides = array<i32>} : memref<512xf32, #tpu.memory_space<vmem>>, vector<16xf32>,
          %swap3A_1167 = vector.shape_cast %swap3A_1166 : vector<16xf32> to vector<16xf32>
          %swap3A_1168 = vector.shape_cast %add3A_1164 : vector<16xf32> to vector<16xf32>
          tpu.vector_store %arg9[%swap3A_1165], %swap3A_1168 {strides = array<i32>} : memref<512xf32, #tpu.memory_space<vmem>>, vector<16xf32>,
          %get3A_1169 = arith.constant 288 : index
          %get3A_1170 = tpu.vector_load %arg9[%get3A_1169] {strides = array<i32>} : memref<512xf32, #tpu.memory_space<vmem>>, vector<16xf32>,
          %get3A_1171 = vector.shape_cast %get3A_1170 : vector<16xf32> to vector<16xf32>
          %get3A_1172 = arith.index_cast %while3A_585 : i32 to index
          %get3A_1173 = arith.constant 288 : index
          %get3A_1174 = tpu.vector_load %arg6[%get3A_1172, %get3A_1173] {strides = array<i32>} : memref<64x512xf32, #tpu.memory_space<vmem>>, vector<1x16xf32>,
          %get3A_1175 = vector.shape_cast %get3A_1174 : vector<1x16xf32> to vector<16xf32>
          %mul3A_1176 = arith.mulf %exp3A_930, %get3A_1175 : vector<16xf32>
          %add3A_1177 = arith.addf %get3A_1171, %mul3A_1176 : vector<16xf32>
          %swap3A_1178 = arith.constant 288 : index
          %swap3A_1179 = tpu.vector_load %arg9[%swap3A_1178] {strides = array<i32>} : memref<512xf32, #tpu.memory_space<vmem>>, vector<16xf32>,
          %swap3A_1180 = vector.shape_cast %swap3A_1179 : vector<16xf32> to vector<16xf32>
          %swap3A_1181 = vector.shape_cast %add3A_1177 : vector<16xf32> to vector<16xf32>
          tpu.vector_store %arg9[%swap3A_1178], %swap3A_1181 {strides = array<i32>} : memref<512xf32, #tpu.memory_space<vmem>>, vector<16xf32>,
          %get3A_1182 = arith.constant 304 : index
          %get3A_1183 = tpu.vector_load %arg9[%get3A_1182] {strides = array<i32>} : memref<512xf32, #tpu.memory_space<vmem>>, vector<16xf32>,
          %get3A_1184 = vector.shape_cast %get3A_1183 : vector<16xf32> to vector<16xf32>
          %get3A_1185 = arith.index_cast %while3A_585 : i32 to index
          %get3A_1186 = arith.constant 304 : index
          %get3A_1187 = tpu.vector_load %arg6[%get3A_1185, %get3A_1186] {strides = array<i32>} : memref<64x512xf32, #tpu.memory_space<vmem>>, vector<1x16xf32>,
          %get3A_1188 = vector.shape_cast %get3A_1187 : vector<1x16xf32> to vector<16xf32>
          %mul3A_1189 = arith.mulf %exp3A_930, %get3A_1188 : vector<16xf32>
          %add3A_1190 = arith.addf %get3A_1184, %mul3A_1189 : vector<16xf32>
          %swap3A_1191 = arith.constant 304 : index
          %swap3A_1192 = tpu.vector_load %arg9[%swap3A_1191] {strides = array<i32>} : memref<512xf32, #tpu.memory_space<vmem>>, vector<16xf32>,
          %swap3A_1193 = vector.shape_cast %swap3A_1192 : vector<16xf32> to vector<16xf32>
          %swap3A_1194 = vector.shape_cast %add3A_1190 : vector<16xf32> to vector<16xf32>
          tpu.vector_store %arg9[%swap3A_1191], %swap3A_1194 {strides = array<i32>} : memref<512xf32, #tpu.memory_space<vmem>>, vector<16xf32>,
          %get3A_1195 = arith.constant 320 : index
          %get3A_1196 = tpu.vector_load %arg9[%get3A_1195] {strides = array<i32>} : memref<512xf32, #tpu.memory_space<vmem>>, vector<16xf32>,
          %get3A_1197 = vector.shape_cast %get3A_1196 : vector<16xf32> to vector<16xf32>
          %get3A_1198 = arith.index_cast %while3A_585 : i32 to index
          %get3A_1199 = arith.constant 320 : index
          %get3A_1200 = tpu.vector_load %arg6[%get3A_1198, %get3A_1199] {strides = array<i32>} : memref<64x512xf32, #tpu.memory_space<vmem>>, vector<1x16xf32>,
          %get3A_1201 = vector.shape_cast %get3A_1200 : vector<1x16xf32> to vector<16xf32>
          %mul3A_1202 = arith.mulf %exp3A_930, %get3A_1201 : vector<16xf32>
          %add3A_1203 = arith.addf %get3A_1197, %mul3A_1202 : vector<16xf32>
          %swap3A_1204 = arith.constant 320 : index
          %swap3A_1205 = tpu.vector_load %arg9[%swap3A_1204] {strides = array<i32>} : memref<512xf32, #tpu.memory_space<vmem>>, vector<16xf32>,
          %swap3A_1206 = vector.shape_cast %swap3A_1205 : vector<16xf32> to vector<16xf32>
          %swap3A_1207 = vector.shape_cast %add3A_1203 : vector<16xf32> to vector<16xf32>
          tpu.vector_store %arg9[%swap3A_1204], %swap3A_1207 {strides = array<i32>} : memref<512xf32, #tpu.memory_space<vmem>>, vector<16xf32>,
          %get3A_1208 = arith.constant 336 : index
          %get3A_1209 = tpu.vector_load %arg9[%get3A_1208] {strides = array<i32>} : memref<512xf32, #tpu.memory_space<vmem>>, vector<16xf32>,
          %get3A_1210 = vector.shape_cast %get3A_1209 : vector<16xf32> to vector<16xf32>
          %get3A_1211 = arith.index_cast %while3A_585 : i32 to index
          %get3A_1212 = arith.constant 336 : index
          %get3A_1213 = tpu.vector_load %arg6[%get3A_1211, %get3A_1212] {strides = array<i32>} : memref<64x512xf32, #tpu.memory_space<vmem>>, vector<1x16xf32>,
          %get3A_1214 = vector.shape_cast %get3A_1213 : vector<1x16xf32> to vector<16xf32>
          %mul3A_1215 = arith.mulf %exp3A_930, %get3A_1214 : vector<16xf32>
          %add3A_1216 = arith.addf %get3A_1210, %mul3A_1215 : vector<16xf32>
          %swap3A_1217 = arith.constant 336 : index
          %swap3A_1218 = tpu.vector_load %arg9[%swap3A_1217] {strides = array<i32>} : memref<512xf32, #tpu.memory_space<vmem>>, vector<16xf32>,
          %swap3A_1219 = vector.shape_cast %swap3A_1218 : vector<16xf32> to vector<16xf32>
          %swap3A_1220 = vector.shape_cast %add3A_1216 : vector<16xf32> to vector<16xf32>
          tpu.vector_store %arg9[%swap3A_1217], %swap3A_1220 {strides = array<i32>} : memref<512xf32, #tpu.memory_space<vmem>>, vector<16xf32>,
          %get3A_1221 = arith.constant 352 : index
          %get3A_1222 = tpu.vector_load %arg9[%get3A_1221] {strides = array<i32>} : memref<512xf32, #tpu.memory_space<vmem>>, vector<16xf32>,
          %get3A_1223 = vector.shape_cast %get3A_1222 : vector<16xf32> to vector<16xf32>
          %get3A_1224 = arith.index_cast %while3A_585 : i32 to index
          %get3A_1225 = arith.constant 352 : index
          %get3A_1226 = tpu.vector_load %arg6[%get3A_1224, %get3A_1225] {strides = array<i32>} : memref<64x512xf32, #tpu.memory_space<vmem>>, vector<1x16xf32>,
          %get3A_1227 = vector.shape_cast %get3A_1226 : vector<1x16xf32> to vector<16xf32>
          %mul3A_1228 = arith.mulf %exp3A_930, %get3A_1227 : vector<16xf32>
          %add3A_1229 = arith.addf %get3A_1223, %mul3A_1228 : vector<16xf32>
          %swap3A_1230 = arith.constant 352 : index
          %swap3A_1231 = tpu.vector_load %arg9[%swap3A_1230] {strides = array<i32>} : memref<512xf32, #tpu.memory_space<vmem>>, vector<16xf32>,
          %swap3A_1232 = vector.shape_cast %swap3A_1231 : vector<16xf32> to vector<16xf32>
          %swap3A_1233 = vector.shape_cast %add3A_1229 : vector<16xf32> to vector<16xf32>
          tpu.vector_store %arg9[%swap3A_1230], %swap3A_1233 {strides = array<i32>} : memref<512xf32, #tpu.memory_space<vmem>>, vector<16xf32>,
          %get3A_1234 = arith.constant 368 : index
          %get3A_1235 = tpu.vector_load %arg9[%get3A_1234] {strides = array<i32>} : memref<512xf32, #tpu.memory_space<vmem>>, vector<16xf32>,
          %get3A_1236 = vector.shape_cast %get3A_1235 : vector<16xf32> to vector<16xf32>
          %get3A_1237 = arith.index_cast %while3A_585 : i32 to index
          %get3A_1238 = arith.constant 368 : index
          %get3A_1239 = tpu.vector_load %arg6[%get3A_1237, %get3A_1238] {strides = array<i32>} : memref<64x512xf32, #tpu.memory_space<vmem>>, vector<1x16xf32>,
          %get3A_1240 = vector.shape_cast %get3A_1239 : vector<1x16xf32> to vector<16xf32>
          %mul3A_1241 = arith.mulf %exp3A_930, %get3A_1240 : vector<16xf32>
          %add3A_1242 = arith.addf %get3A_1236, %mul3A_1241 : vector<16xf32>
          %swap3A_1243 = arith.constant 368 : index
          %swap3A_1244 = tpu.vector_load %arg9[%swap3A_1243] {strides = array<i32>} : memref<512xf32, #tpu.memory_space<vmem>>, vector<16xf32>,
          %swap3A_1245 = vector.shape_cast %swap3A_1244 : vector<16xf32> to vector<16xf32>
          %swap3A_1246 = vector.shape_cast %add3A_1242 : vector<16xf32> to vector<16xf32>
          tpu.vector_store %arg9[%swap3A_1243], %swap3A_1246 {strides = array<i32>} : memref<512xf32, #tpu.memory_space<vmem>>, vector<16xf32>,
          %get3A_1247 = arith.constant 384 : index
          %get3A_1248 = tpu.vector_load %arg9[%get3A_1247] {strides = array<i32>} : memref<512xf32, #tpu.memory_space<vmem>>, vector<16xf32>,
          %get3A_1249 = vector.shape_cast %get3A_1248 : vector<16xf32> to vector<16xf32>
          %get3A_1250 = arith.index_cast %while3A_585 : i32 to index
          %get3A_1251 = arith.constant 384 : index
          %get3A_1252 = tpu.vector_load %arg6[%get3A_1250, %get3A_1251] {strides = array<i32>} : memref<64x512xf32, #tpu.memory_space<vmem>>, vector<1x16xf32>,
          %get3A_1253 = vector.shape_cast %get3A_1252 : vector<1x16xf32> to vector<16xf32>
          %mul3A_1254 = arith.mulf %exp3A_930, %get3A_1253 : vector<16xf32>
          %add3A_1255 = arith.addf %get3A_1249, %mul3A_1254 : vector<16xf32>
          %swap3A_1256 = arith.constant 384 : index
          %swap3A_1257 = tpu.vector_load %arg9[%swap3A_1256] {strides = array<i32>} : memref<512xf32, #tpu.memory_space<vmem>>, vector<16xf32>,
          %swap3A_1258 = vector.shape_cast %swap3A_1257 : vector<16xf32> to vector<16xf32>
          %swap3A_1259 = vector.shape_cast %add3A_1255 : vector<16xf32> to vector<16xf32>
          tpu.vector_store %arg9[%swap3A_1256], %swap3A_1259 {strides = array<i32>} : memref<512xf32, #tpu.memory_space<vmem>>, vector<16xf32>,
          %get3A_1260 = arith.constant 400 : index
          %get3A_1261 = tpu.vector_load %arg9[%get3A_1260] {strides = array<i32>} : memref<512xf32, #tpu.memory_space<vmem>>, vector<16xf32>,
          %get3A_1262 = vector.shape_cast %get3A_1261 : vector<16xf32> to vector<16xf32>
          %get3A_1263 = arith.index_cast %while3A_585 : i32 to index
          %get3A_1264 = arith.constant 400 : index
          %get3A_1265 = tpu.vector_load %arg6[%get3A_1263, %get3A_1264] {strides = array<i32>} : memref<64x512xf32, #tpu.memory_space<vmem>>, vector<1x16xf32>,
          %get3A_1266 = vector.shape_cast %get3A_1265 : vector<1x16xf32> to vector<16xf32>
          %mul3A_1267 = arith.mulf %exp3A_930, %get3A_1266 : vector<16xf32>
          %add3A_1268 = arith.addf %get3A_1262, %mul3A_1267 : vector<16xf32>
          %swap3A_1269 = arith.constant 400 : index
          %swap3A_1270 = tpu.vector_load %arg9[%swap3A_1269] {strides = array<i32>} : memref<512xf32, #tpu.memory_space<vmem>>, vector<16xf32>,
          %swap3A_1271 = vector.shape_cast %swap3A_1270 : vector<16xf32> to vector<16xf32>
          %swap3A_1272 = vector.shape_cast %add3A_1268 : vector<16xf32> to vector<16xf32>
          tpu.vector_store %arg9[%swap3A_1269], %swap3A_1272 {strides = array<i32>} : memref<512xf32, #tpu.memory_space<vmem>>, vector<16xf32>,
          %get3A_1273 = arith.constant 416 : index
          %get3A_1274 = tpu.vector_load %arg9[%get3A_1273] {strides = array<i32>} : memref<512xf32, #tpu.memory_space<vmem>>, vector<16xf32>,
          %get3A_1275 = vector.shape_cast %get3A_1274 : vector<16xf32> to vector<16xf32>
          %get3A_1276 = arith.index_cast %while3A_585 : i32 to index
          %get3A_1277 = arith.constant 416 : index
          %get3A_1278 = tpu.vector_load %arg6[%get3A_1276, %get3A_1277] {strides = array<i32>} : memref<64x512xf32, #tpu.memory_space<vmem>>, vector<1x16xf32>,
          %get3A_1279 = vector.shape_cast %get3A_1278 : vector<1x16xf32> to vector<16xf32>
          %mul3A_1280 = arith.mulf %exp3A_930, %get3A_1279 : vector<16xf32>
          %add3A_1281 = arith.addf %get3A_1275, %mul3A_1280 : vector<16xf32>
          %swap3A_1282 = arith.constant 416 : index
          %swap3A_1283 = tpu.vector_load %arg9[%swap3A_1282] {strides = array<i32>} : memref<512xf32, #tpu.memory_space<vmem>>, vector<16xf32>,
          %swap3A_1284 = vector.shape_cast %swap3A_1283 : vector<16xf32> to vector<16xf32>
          %swap3A_1285 = vector.shape_cast %add3A_1281 : vector<16xf32> to vector<16xf32>
          tpu.vector_store %arg9[%swap3A_1282], %swap3A_1285 {strides = array<i32>} : memref<512xf32, #tpu.memory_space<vmem>>, vector<16xf32>,
          %get3A_1286 = arith.constant 432 : index
          %get3A_1287 = tpu.vector_load %arg9[%get3A_1286] {strides = array<i32>} : memref<512xf32, #tpu.memory_space<vmem>>, vector<16xf32>,
          %get3A_1288 = vector.shape_cast %get3A_1287 : vector<16xf32> to vector<16xf32>
          %get3A_1289 = arith.index_cast %while3A_585 : i32 to index
          %get3A_1290 = arith.constant 432 : index
          %get3A_1291 = tpu.vector_load %arg6[%get3A_1289, %get3A_1290] {strides = array<i32>} : memref<64x512xf32, #tpu.memory_space<vmem>>, vector<1x16xf32>,
          %get3A_1292 = vector.shape_cast %get3A_1291 : vector<1x16xf32> to vector<16xf32>
          %mul3A_1293 = arith.mulf %exp3A_930, %get3A_1292 : vector<16xf32>
          %add3A_1294 = arith.addf %get3A_1288, %mul3A_1293 : vector<16xf32>
          %swap3A_1295 = arith.constant 432 : index
          %swap3A_1296 = tpu.vector_load %arg9[%swap3A_1295] {strides = array<i32>} : memref<512xf32, #tpu.memory_space<vmem>>, vector<16xf32>,
          %swap3A_1297 = vector.shape_cast %swap3A_1296 : vector<16xf32> to vector<16xf32>
          %swap3A_1298 = vector.shape_cast %add3A_1294 : vector<16xf32> to vector<16xf32>
          tpu.vector_store %arg9[%swap3A_1295], %swap3A_1298 {strides = array<i32>} : memref<512xf32, #tpu.memory_space<vmem>>, vector<16xf32>,
          %get3A_1299 = arith.constant 448 : index
          %get3A_1300 = tpu.vector_load %arg9[%get3A_1299] {strides = array<i32>} : memref<512xf32, #tpu.memory_space<vmem>>, vector<16xf32>,
          %get3A_1301 = vector.shape_cast %get3A_1300 : vector<16xf32> to vector<16xf32>
          %get3A_1302 = arith.index_cast %while3A_585 : i32 to index
          %get3A_1303 = arith.constant 448 : index
          %get3A_1304 = tpu.vector_load %arg6[%get3A_1302, %get3A_1303] {strides = array<i32>} : memref<64x512xf32, #tpu.memory_space<vmem>>, vector<1x16xf32>,
          %get3A_1305 = vector.shape_cast %get3A_1304 : vector<1x16xf32> to vector<16xf32>
          %mul3A_1306 = arith.mulf %exp3A_930, %get3A_1305 : vector<16xf32>
          %add3A_1307 = arith.addf %get3A_1301, %mul3A_1306 : vector<16xf32>
          %swap3A_1308 = arith.constant 448 : index
          %swap3A_1309 = tpu.vector_load %arg9[%swap3A_1308] {strides = array<i32>} : memref<512xf32, #tpu.memory_space<vmem>>, vector<16xf32>,
          %swap3A_1310 = vector.shape_cast %swap3A_1309 : vector<16xf32> to vector<16xf32>
          %swap3A_1311 = vector.shape_cast %add3A_1307 : vector<16xf32> to vector<16xf32>
          tpu.vector_store %arg9[%swap3A_1308], %swap3A_1311 {strides = array<i32>} : memref<512xf32, #tpu.memory_space<vmem>>, vector<16xf32>,
          %get3A_1312 = arith.constant 464 : index
          %get3A_1313 = tpu.vector_load %arg9[%get3A_1312] {strides = array<i32>} : memref<512xf32, #tpu.memory_space<vmem>>, vector<16xf32>,
          %get3A_1314 = vector.shape_cast %get3A_1313 : vector<16xf32> to vector<16xf32>
          %get3A_1315 = arith.index_cast %while3A_585 : i32 to index
          %get3A_1316 = arith.constant 464 : index
          %get3A_1317 = tpu.vector_load %arg6[%get3A_1315, %get3A_1316] {strides = array<i32>} : memref<64x512xf32, #tpu.memory_space<vmem>>, vector<1x16xf32>,
          %get3A_1318 = vector.shape_cast %get3A_1317 : vector<1x16xf32> to vector<16xf32>
          %mul3A_1319 = arith.mulf %exp3A_930, %get3A_1318 : vector<16xf32>
          %add3A_1320 = arith.addf %get3A_1314, %mul3A_1319 : vector<16xf32>
          %swap3A_1321 = arith.constant 464 : index
          %swap3A_1322 = tpu.vector_load %arg9[%swap3A_1321] {strides = array<i32>} : memref<512xf32, #tpu.memory_space<vmem>>, vector<16xf32>,
          %swap3A_1323 = vector.shape_cast %swap3A_1322 : vector<16xf32> to vector<16xf32>
          %swap3A_1324 = vector.shape_cast %add3A_1320 : vector<16xf32> to vector<16xf32>
          tpu.vector_store %arg9[%swap3A_1321], %swap3A_1324 {strides = array<i32>} : memref<512xf32, #tpu.memory_space<vmem>>, vector<16xf32>,
          %get3A_1325 = arith.constant 480 : index
          %get3A_1326 = tpu.vector_load %arg9[%get3A_1325] {strides = array<i32>} : memref<512xf32, #tpu.memory_space<vmem>>, vector<16xf32>,
          %get3A_1327 = vector.shape_cast %get3A_1326 : vector<16xf32> to vector<16xf32>
          %get3A_1328 = arith.index_cast %while3A_585 : i32 to index
          %get3A_1329 = arith.constant 480 : index
          %get3A_1330 = tpu.vector_load %arg6[%get3A_1328, %get3A_1329] {strides = array<i32>} : memref<64x512xf32, #tpu.memory_space<vmem>>, vector<1x16xf32>,
          %get3A_1331 = vector.shape_cast %get3A_1330 : vector<1x16xf32> to vector<16xf32>
          %mul3A_1332 = arith.mulf %exp3A_930, %get3A_1331 : vector<16xf32>
          %add3A_1333 = arith.addf %get3A_1327, %mul3A_1332 : vector<16xf32>
          %swap3A_1334 = arith.constant 480 : index
          %swap3A_1335 = tpu.vector_load %arg9[%swap3A_1334] {strides = array<i32>} : memref<512xf32, #tpu.memory_space<vmem>>, vector<16xf32>,
          %swap3A_1336 = vector.shape_cast %swap3A_1335 : vector<16xf32> to vector<16xf32>
          %swap3A_1337 = vector.shape_cast %add3A_1333 : vector<16xf32> to vector<16xf32>
          tpu.vector_store %arg9[%swap3A_1334], %swap3A_1337 {strides = array<i32>} : memref<512xf32, #tpu.memory_space<vmem>>, vector<16xf32>,
          %get3A_1338 = arith.constant 496 : index
          %get3A_1339 = tpu.vector_load %arg9[%get3A_1338] {strides = array<i32>} : memref<512xf32, #tpu.memory_space<vmem>>, vector<16xf32>,
          %get3A_1340 = vector.shape_cast %get3A_1339 : vector<16xf32> to vector<16xf32>
          %get3A_1341 = arith.index_cast %while3A_585 : i32 to index
          %get3A_1342 = arith.constant 496 : index
          %get3A_1343 = tpu.vector_load %arg6[%get3A_1341, %get3A_1342] {strides = array<i32>} : memref<64x512xf32, #tpu.memory_space<vmem>>, vector<1x16xf32>,
          %get3A_1344 = vector.shape_cast %get3A_1343 : vector<1x16xf32> to vector<16xf32>
          %mul3A_1345 = arith.mulf %exp3A_930, %get3A_1344 : vector<16xf32>
          %add3A_1346 = arith.addf %get3A_1340, %mul3A_1345 : vector<16xf32>
          %swap3A_1347 = arith.constant 496 : index
          %swap3A_1348 = tpu.vector_load %arg9[%swap3A_1347] {strides = array<i32>} : memref<512xf32, #tpu.memory_space<vmem>>, vector<16xf32>,
          %swap3A_1349 = vector.shape_cast %swap3A_1348 : vector<16xf32> to vector<16xf32>
          %swap3A_1350 = vector.shape_cast %add3A_1346 : vector<16xf32> to vector<16xf32>
          tpu.vector_store %arg9[%swap3A_1347], %swap3A_1350 {strides = array<i32>} : memref<512xf32, #tpu.memory_space<vmem>>, vector<16xf32>,
          scf.yield %max3A_925, %add3A_932 : f32, vector<16xf32>
        }
        scf.yield %while3A_584#0, %while3A_584#1 : f32, vector<16xf32>
      }
      %gt3A = arith.constant 0.000000e+00 : f32
      %gt3A_266 = vector.broadcast %gt3A : f32 to vector<16xf32>
      %gt3A_267 = arith.cmpf ogt, %while3A_265#1, %gt3A_266 : vector<16xf32>
      %div3A_268 = arith.constant 1.000000e+00 : f32
      %div3A_269 = vector.broadcast %div3A_268 : f32 to vector<16xf32>
      %div3A_270 = arith.divf %div3A_269, %while3A_265#1 : vector<16xf32>
      %jit3A_271 = arith.constant 0.000000e+00 : f32
      %broadcast_in_dim3A_272 = vector.broadcast %jit3A_271 : f32 to vector<16xf32>
      %select_n3A_273 = arith.select %gt3A_267, %div3A_270, %broadcast_in_dim3A_272 : vector<16xi1>, vector<16xf32>
      %get3A_274 = arith.constant 0 : index
      %get3A_275 = tpu.vector_load %arg9[%get3A_274] {strides = array<i32>} : memref<512xf32, #tpu.memory_space<vmem>>, vector<16xf32>,
      %get3A_276 = vector.shape_cast %get3A_275 : vector<16xf32> to vector<16xf32>
      %mul3A_277 = arith.mulf %get3A_276, %select_n3A_273 : vector<16xf32>
      %swap3A_278 = arith.index_cast %scan3A_9 : i32 to index
      %swap3A_279 = arith.constant 0 : index
      %swap3A_280 = tpu.vector_load %arg10[%swap3A_278, %swap3A_279] {strides = array<i32>} : memref<16x512xf32, #tpu.memory_space<vmem>>, vector<1x16xf32>,
      %swap3A_281 = vector.shape_cast %swap3A_280 : vector<1x16xf32> to vector<16xf32>
      %swap3A_282 = vector.shape_cast %mul3A_277 : vector<16xf32> to vector<1x16xf32>
      tpu.vector_store %arg10[%swap3A_278, %swap3A_279], %swap3A_282 {strides = array<i32>} : memref<16x512xf32, #tpu.memory_space<vmem>>, vector<1x16xf32>,
      %get3A_283 = arith.constant 16 : index
      %get3A_284 = tpu.vector_load %arg9[%get3A_283] {strides = array<i32>} : memref<512xf32, #tpu.memory_space<vmem>>, vector<16xf32>,
      %get3A_285 = vector.shape_cast %get3A_284 : vector<16xf32> to vector<16xf32>
      %mul3A_286 = arith.mulf %get3A_285, %select_n3A_273 : vector<16xf32>
      %swap3A_287 = arith.index_cast %scan3A_9 : i32 to index
      %swap3A_288 = arith.constant 16 : index
      %swap3A_289 = tpu.vector_load %arg10[%swap3A_287, %swap3A_288] {strides = array<i32>} : memref<16x512xf32, #tpu.memory_space<vmem>>, vector<1x16xf32>,
      %swap3A_290 = vector.shape_cast %swap3A_289 : vector<1x16xf32> to vector<16xf32>
      %swap3A_291 = vector.shape_cast %mul3A_286 : vector<16xf32> to vector<1x16xf32>
      tpu.vector_store %arg10[%swap3A_287, %swap3A_288], %swap3A_291 {strides = array<i32>} : memref<16x512xf32, #tpu.memory_space<vmem>>, vector<1x16xf32>,
      %get3A_292 = arith.constant 32 : index
      %get3A_293 = tpu.vector_load %arg9[%get3A_292] {strides = array<i32>} : memref<512xf32, #tpu.memory_space<vmem>>, vector<16xf32>,
      %get3A_294 = vector.shape_cast %get3A_293 : vector<16xf32> to vector<16xf32>
      %mul3A_295 = arith.mulf %get3A_294, %select_n3A_273 : vector<16xf32>
      %swap3A_296 = arith.index_cast %scan3A_9 : i32 to index
      %swap3A_297 = arith.constant 32 : index
      %swap3A_298 = tpu.vector_load %arg10[%swap3A_296, %swap3A_297] {strides = array<i32>} : memref<16x512xf32, #tpu.memory_space<vmem>>, vector<1x16xf32>,
      %swap3A_299 = vector.shape_cast %swap3A_298 : vector<1x16xf32> to vector<16xf32>
      %swap3A_300 = vector.shape_cast %mul3A_295 : vector<16xf32> to vector<1x16xf32>
      tpu.vector_store %arg10[%swap3A_296, %swap3A_297], %swap3A_300 {strides = array<i32>} : memref<16x512xf32, #tpu.memory_space<vmem>>, vector<1x16xf32>,
      %get3A_301 = arith.constant 48 : index
      %get3A_302 = tpu.vector_load %arg9[%get3A_301] {strides = array<i32>} : memref<512xf32, #tpu.memory_space<vmem>>, vector<16xf32>,
      %get3A_303 = vector.shape_cast %get3A_302 : vector<16xf32> to vector<16xf32>
      %mul3A_304 = arith.mulf %get3A_303, %select_n3A_273 : vector<16xf32>
      %swap3A_305 = arith.index_cast %scan3A_9 : i32 to index
      %swap3A_306 = arith.constant 48 : index
      %swap3A_307 = tpu.vector_load %arg10[%swap3A_305, %swap3A_306] {strides = array<i32>} : memref<16x512xf32, #tpu.memory_space<vmem>>, vector<1x16xf32>,
      %swap3A_308 = vector.shape_cast %swap3A_307 : vector<1x16xf32> to vector<16xf32>
      %swap3A_309 = vector.shape_cast %mul3A_304 : vector<16xf32> to vector<1x16xf32>
      tpu.vector_store %arg10[%swap3A_305, %swap3A_306], %swap3A_309 {strides = array<i32>} : memref<16x512xf32, #tpu.memory_space<vmem>>, vector<1x16xf32>,
      %get3A_310 = arith.constant 64 : index
      %get3A_311 = tpu.vector_load %arg9[%get3A_310] {strides = array<i32>} : memref<512xf32, #tpu.memory_space<vmem>>, vector<16xf32>,
      %get3A_312 = vector.shape_cast %get3A_311 : vector<16xf32> to vector<16xf32>
      %mul3A_313 = arith.mulf %get3A_312, %select_n3A_273 : vector<16xf32>
      %swap3A_314 = arith.index_cast %scan3A_9 : i32 to index
      %swap3A_315 = arith.constant 64 : index
      %swap3A_316 = tpu.vector_load %arg10[%swap3A_314, %swap3A_315] {strides = array<i32>} : memref<16x512xf32, #tpu.memory_space<vmem>>, vector<1x16xf32>,
      %swap3A_317 = vector.shape_cast %swap3A_316 : vector<1x16xf32> to vector<16xf32>
      %swap3A_318 = vector.shape_cast %mul3A_313 : vector<16xf32> to vector<1x16xf32>
      tpu.vector_store %arg10[%swap3A_314, %swap3A_315], %swap3A_318 {strides = array<i32>} : memref<16x512xf32, #tpu.memory_space<vmem>>, vector<1x16xf32>,
      %get3A_319 = arith.constant 80 : index
      %get3A_320 = tpu.vector_load %arg9[%get3A_319] {strides = array<i32>} : memref<512xf32, #tpu.memory_space<vmem>>, vector<16xf32>,
      %get3A_321 = vector.shape_cast %get3A_320 : vector<16xf32> to vector<16xf32>
      %mul3A_322 = arith.mulf %get3A_321, %select_n3A_273 : vector<16xf32>
      %swap3A_323 = arith.index_cast %scan3A_9 : i32 to index
      %swap3A_324 = arith.constant 80 : index
      %swap3A_325 = tpu.vector_load %arg10[%swap3A_323, %swap3A_324] {strides = array<i32>} : memref<16x512xf32, #tpu.memory_space<vmem>>, vector<1x16xf32>,
      %swap3A_326 = vector.shape_cast %swap3A_325 : vector<1x16xf32> to vector<16xf32>
      %swap3A_327 = vector.shape_cast %mul3A_322 : vector<16xf32> to vector<1x16xf32>
      tpu.vector_store %arg10[%swap3A_323, %swap3A_324], %swap3A_327 {strides = array<i32>} : memref<16x512xf32, #tpu.memory_space<vmem>>, vector<1x16xf32>,
      %get3A_328 = arith.constant 96 : index
      %get3A_329 = tpu.vector_load %arg9[%get3A_328] {strides = array<i32>} : memref<512xf32, #tpu.memory_space<vmem>>, vector<16xf32>,
      %get3A_330 = vector.shape_cast %get3A_329 : vector<16xf32> to vector<16xf32>
      %mul3A_331 = arith.mulf %get3A_330, %select_n3A_273 : vector<16xf32>
      %swap3A_332 = arith.index_cast %scan3A_9 : i32 to index
      %swap3A_333 = arith.constant 96 : index
      %swap3A_334 = tpu.vector_load %arg10[%swap3A_332, %swap3A_333] {strides = array<i32>} : memref<16x512xf32, #tpu.memory_space<vmem>>, vector<1x16xf32>,
      %swap3A_335 = vector.shape_cast %swap3A_334 : vector<1x16xf32> to vector<16xf32>
      %swap3A_336 = vector.shape_cast %mul3A_331 : vector<16xf32> to vector<1x16xf32>
      tpu.vector_store %arg10[%swap3A_332, %swap3A_333], %swap3A_336 {strides = array<i32>} : memref<16x512xf32, #tpu.memory_space<vmem>>, vector<1x16xf32>,
      %get3A_337 = arith.constant 112 : index
      %get3A_338 = tpu.vector_load %arg9[%get3A_337] {strides = array<i32>} : memref<512xf32, #tpu.memory_space<vmem>>, vector<16xf32>,
      %get3A_339 = vector.shape_cast %get3A_338 : vector<16xf32> to vector<16xf32>
      %mul3A_340 = arith.mulf %get3A_339, %select_n3A_273 : vector<16xf32>
      %swap3A_341 = arith.index_cast %scan3A_9 : i32 to index
      %swap3A_342 = arith.constant 112 : index
      %swap3A_343 = tpu.vector_load %arg10[%swap3A_341, %swap3A_342] {strides = array<i32>} : memref<16x512xf32, #tpu.memory_space<vmem>>, vector<1x16xf32>,
      %swap3A_344 = vector.shape_cast %swap3A_343 : vector<1x16xf32> to vector<16xf32>
      %swap3A_345 = vector.shape_cast %mul3A_340 : vector<16xf32> to vector<1x16xf32>
      tpu.vector_store %arg10[%swap3A_341, %swap3A_342], %swap3A_345 {strides = array<i32>} : memref<16x512xf32, #tpu.memory_space<vmem>>, vector<1x16xf32>,
      %get3A_346 = arith.constant 128 : index
      %get3A_347 = tpu.vector_load %arg9[%get3A_346] {strides = array<i32>} : memref<512xf32, #tpu.memory_space<vmem>>, vector<16xf32>,
      %get3A_348 = vector.shape_cast %get3A_347 : vector<16xf32> to vector<16xf32>
      %mul3A_349 = arith.mulf %get3A_348, %select_n3A_273 : vector<16xf32>
      %swap3A_350 = arith.index_cast %scan3A_9 : i32 to index
      %swap3A_351 = arith.constant 128 : index
      %swap3A_352 = tpu.vector_load %arg10[%swap3A_350, %swap3A_351] {strides = array<i32>} : memref<16x512xf32, #tpu.memory_space<vmem>>, vector<1x16xf32>,
      %swap3A_353 = vector.shape_cast %swap3A_352 : vector<1x16xf32> to vector<16xf32>
      %swap3A_354 = vector.shape_cast %mul3A_349 : vector<16xf32> to vector<1x16xf32>
      tpu.vector_store %arg10[%swap3A_350, %swap3A_351], %swap3A_354 {strides = array<i32>} : memref<16x512xf32, #tpu.memory_space<vmem>>, vector<1x16xf32>,
      %get3A_355 = arith.constant 144 : index
      %get3A_356 = tpu.vector_load %arg9[%get3A_355] {strides = array<i32>} : memref<512xf32, #tpu.memory_space<vmem>>, vector<16xf32>,
      %get3A_357 = vector.shape_cast %get3A_356 : vector<16xf32> to vector<16xf32>
      %mul3A_358 = arith.mulf %get3A_357, %select_n3A_273 : vector<16xf32>
      %swap3A_359 = arith.index_cast %scan3A_9 : i32 to index
      %swap3A_360 = arith.constant 144 : index
      %swap3A_361 = tpu.vector_load %arg10[%swap3A_359, %swap3A_360] {strides = array<i32>} : memref<16x512xf32, #tpu.memory_space<vmem>>, vector<1x16xf32>,
      %swap3A_362 = vector.shape_cast %swap3A_361 : vector<1x16xf32> to vector<16xf32>
      %swap3A_363 = vector.shape_cast %mul3A_358 : vector<16xf32> to vector<1x16xf32>
      tpu.vector_store %arg10[%swap3A_359, %swap3A_360], %swap3A_363 {strides = array<i32>} : memref<16x512xf32, #tpu.memory_space<vmem>>, vector<1x16xf32>,
      %get3A_364 = arith.constant 160 : index
      %get3A_365 = tpu.vector_load %arg9[%get3A_364] {strides = array<i32>} : memref<512xf32, #tpu.memory_space<vmem>>, vector<16xf32>,
      %get3A_366 = vector.shape_cast %get3A_365 : vector<16xf32> to vector<16xf32>
      %mul3A_367 = arith.mulf %get3A_366, %select_n3A_273 : vector<16xf32>
      %swap3A_368 = arith.index_cast %scan3A_9 : i32 to index
      %swap3A_369 = arith.constant 160 : index
      %swap3A_370 = tpu.vector_load %arg10[%swap3A_368, %swap3A_369] {strides = array<i32>} : memref<16x512xf32, #tpu.memory_space<vmem>>, vector<1x16xf32>,
      %swap3A_371 = vector.shape_cast %swap3A_370 : vector<1x16xf32> to vector<16xf32>
      %swap3A_372 = vector.shape_cast %mul3A_367 : vector<16xf32> to vector<1x16xf32>
      tpu.vector_store %arg10[%swap3A_368, %swap3A_369], %swap3A_372 {strides = array<i32>} : memref<16x512xf32, #tpu.memory_space<vmem>>, vector<1x16xf32>,
      %get3A_373 = arith.constant 176 : index
      %get3A_374 = tpu.vector_load %arg9[%get3A_373] {strides = array<i32>} : memref<512xf32, #tpu.memory_space<vmem>>, vector<16xf32>,
      %get3A_375 = vector.shape_cast %get3A_374 : vector<16xf32> to vector<16xf32>
      %mul3A_376 = arith.mulf %get3A_375, %select_n3A_273 : vector<16xf32>
      %swap3A_377 = arith.index_cast %scan3A_9 : i32 to index
      %swap3A_378 = arith.constant 176 : index
      %swap3A_379 = tpu.vector_load %arg10[%swap3A_377, %swap3A_378] {strides = array<i32>} : memref<16x512xf32, #tpu.memory_space<vmem>>, vector<1x16xf32>,
      %swap3A_380 = vector.shape_cast %swap3A_379 : vector<1x16xf32> to vector<16xf32>
      %swap3A_381 = vector.shape_cast %mul3A_376 : vector<16xf32> to vector<1x16xf32>
      tpu.vector_store %arg10[%swap3A_377, %swap3A_378], %swap3A_381 {strides = array<i32>} : memref<16x512xf32, #tpu.memory_space<vmem>>, vector<1x16xf32>,
      %get3A_382 = arith.constant 192 : index
      %get3A_383 = tpu.vector_load %arg9[%get3A_382] {strides = array<i32>} : memref<512xf32, #tpu.memory_space<vmem>>, vector<16xf32>,
      %get3A_384 = vector.shape_cast %get3A_383 : vector<16xf32> to vector<16xf32>
      %mul3A_385 = arith.mulf %get3A_384, %select_n3A_273 : vector<16xf32>
      %swap3A_386 = arith.index_cast %scan3A_9 : i32 to index
      %swap3A_387 = arith.constant 192 : index
      %swap3A_388 = tpu.vector_load %arg10[%swap3A_386, %swap3A_387] {strides = array<i32>} : memref<16x512xf32, #tpu.memory_space<vmem>>, vector<1x16xf32>,
      %swap3A_389 = vector.shape_cast %swap3A_388 : vector<1x16xf32> to vector<16xf32>
      %swap3A_390 = vector.shape_cast %mul3A_385 : vector<16xf32> to vector<1x16xf32>
      tpu.vector_store %arg10[%swap3A_386, %swap3A_387], %swap3A_390 {strides = array<i32>} : memref<16x512xf32, #tpu.memory_space<vmem>>, vector<1x16xf32>,
      %get3A_391 = arith.constant 208 : index
      %get3A_392 = tpu.vector_load %arg9[%get3A_391] {strides = array<i32>} : memref<512xf32, #tpu.memory_space<vmem>>, vector<16xf32>,
      %get3A_393 = vector.shape_cast %get3A_392 : vector<16xf32> to vector<16xf32>
      %mul3A_394 = arith.mulf %get3A_393, %select_n3A_273 : vector<16xf32>
      %swap3A_395 = arith.index_cast %scan3A_9 : i32 to index
      %swap3A_396 = arith.constant 208 : index
      %swap3A_397 = tpu.vector_load %arg10[%swap3A_395, %swap3A_396] {strides = array<i32>} : memref<16x512xf32, #tpu.memory_space<vmem>>, vector<1x16xf32>,
      %swap3A_398 = vector.shape_cast %swap3A_397 : vector<1x16xf32> to vector<16xf32>
      %swap3A_399 = vector.shape_cast %mul3A_394 : vector<16xf32> to vector<1x16xf32>
      tpu.vector_store %arg10[%swap3A_395, %swap3A_396], %swap3A_399 {strides = array<i32>} : memref<16x512xf32, #tpu.memory_space<vmem>>, vector<1x16xf32>,
      %get3A_400 = arith.constant 224 : index
      %get3A_401 = tpu.vector_load %arg9[%get3A_400] {strides = array<i32>} : memref<512xf32, #tpu.memory_space<vmem>>, vector<16xf32>,
      %get3A_402 = vector.shape_cast %get3A_401 : vector<16xf32> to vector<16xf32>
      %mul3A_403 = arith.mulf %get3A_402, %select_n3A_273 : vector<16xf32>
      %swap3A_404 = arith.index_cast %scan3A_9 : i32 to index
      %swap3A_405 = arith.constant 224 : index
      %swap3A_406 = tpu.vector_load %arg10[%swap3A_404, %swap3A_405] {strides = array<i32>} : memref<16x512xf32, #tpu.memory_space<vmem>>, vector<1x16xf32>,
      %swap3A_407 = vector.shape_cast %swap3A_406 : vector<1x16xf32> to vector<16xf32>
      %swap3A_408 = vector.shape_cast %mul3A_403 : vector<16xf32> to vector<1x16xf32>
      tpu.vector_store %arg10[%swap3A_404, %swap3A_405], %swap3A_408 {strides = array<i32>} : memref<16x512xf32, #tpu.memory_space<vmem>>, vector<1x16xf32>,
      %get3A_409 = arith.constant 240 : index
      %get3A_410 = tpu.vector_load %arg9[%get3A_409] {strides = array<i32>} : memref<512xf32, #tpu.memory_space<vmem>>, vector<16xf32>,
      %get3A_411 = vector.shape_cast %get3A_410 : vector<16xf32> to vector<16xf32>
      %mul3A_412 = arith.mulf %get3A_411, %select_n3A_273 : vector<16xf32>
      %swap3A_413 = arith.index_cast %scan3A_9 : i32 to index
      %swap3A_414 = arith.constant 240 : index
      %swap3A_415 = tpu.vector_load %arg10[%swap3A_413, %swap3A_414] {strides = array<i32>} : memref<16x512xf32, #tpu.memory_space<vmem>>, vector<1x16xf32>,
      %swap3A_416 = vector.shape_cast %swap3A_415 : vector<1x16xf32> to vector<16xf32>
      %swap3A_417 = vector.shape_cast %mul3A_412 : vector<16xf32> to vector<1x16xf32>
      tpu.vector_store %arg10[%swap3A_413, %swap3A_414], %swap3A_417 {strides = array<i32>} : memref<16x512xf32, #tpu.memory_space<vmem>>, vector<1x16xf32>,
      %get3A_418 = arith.constant 256 : index
      %get3A_419 = tpu.vector_load %arg9[%get3A_418] {strides = array<i32>} : memref<512xf32, #tpu.memory_space<vmem>>, vector<16xf32>,
      %get3A_420 = vector.shape_cast %get3A_419 : vector<16xf32> to vector<16xf32>
      %mul3A_421 = arith.mulf %get3A_420, %select_n3A_273 : vector<16xf32>
      %swap3A_422 = arith.index_cast %scan3A_9 : i32 to index
      %swap3A_423 = arith.constant 256 : index
      %swap3A_424 = tpu.vector_load %arg10[%swap3A_422, %swap3A_423] {strides = array<i32>} : memref<16x512xf32, #tpu.memory_space<vmem>>, vector<1x16xf32>,
      %swap3A_425 = vector.shape_cast %swap3A_424 : vector<1x16xf32> to vector<16xf32>
      %swap3A_426 = vector.shape_cast %mul3A_421 : vector<16xf32> to vector<1x16xf32>
      tpu.vector_store %arg10[%swap3A_422, %swap3A_423], %swap3A_426 {strides = array<i32>} : memref<16x512xf32, #tpu.memory_space<vmem>>, vector<1x16xf32>,
      %get3A_427 = arith.constant 272 : index
      %get3A_428 = tpu.vector_load %arg9[%get3A_427] {strides = array<i32>} : memref<512xf32, #tpu.memory_space<vmem>>, vector<16xf32>,
      %get3A_429 = vector.shape_cast %get3A_428 : vector<16xf32> to vector<16xf32>
      %mul3A_430 = arith.mulf %get3A_429, %select_n3A_273 : vector<16xf32>
      %swap3A_431 = arith.index_cast %scan3A_9 : i32 to index
      %swap3A_432 = arith.constant 272 : index
      %swap3A_433 = tpu.vector_load %arg10[%swap3A_431, %swap3A_432] {strides = array<i32>} : memref<16x512xf32, #tpu.memory_space<vmem>>, vector<1x16xf32>,
      %swap3A_434 = vector.shape_cast %swap3A_433 : vector<1x16xf32> to vector<16xf32>
      %swap3A_435 = vector.shape_cast %mul3A_430 : vector<16xf32> to vector<1x16xf32>
      tpu.vector_store %arg10[%swap3A_431, %swap3A_432], %swap3A_435 {strides = array<i32>} : memref<16x512xf32, #tpu.memory_space<vmem>>, vector<1x16xf32>,
      %get3A_436 = arith.constant 288 : index
      %get3A_437 = tpu.vector_load %arg9[%get3A_436] {strides = array<i32>} : memref<512xf32, #tpu.memory_space<vmem>>, vector<16xf32>,
      %get3A_438 = vector.shape_cast %get3A_437 : vector<16xf32> to vector<16xf32>
      %mul3A_439 = arith.mulf %get3A_438, %select_n3A_273 : vector<16xf32>
      %swap3A_440 = arith.index_cast %scan3A_9 : i32 to index
      %swap3A_441 = arith.constant 288 : index
      %swap3A_442 = tpu.vector_load %arg10[%swap3A_440, %swap3A_441] {strides = array<i32>} : memref<16x512xf32, #tpu.memory_space<vmem>>, vector<1x16xf32>,
      %swap3A_443 = vector.shape_cast %swap3A_442 : vector<1x16xf32> to vector<16xf32>
      %swap3A_444 = vector.shape_cast %mul3A_439 : vector<16xf32> to vector<1x16xf32>
      tpu.vector_store %arg10[%swap3A_440, %swap3A_441], %swap3A_444 {strides = array<i32>} : memref<16x512xf32, #tpu.memory_space<vmem>>, vector<1x16xf32>,
      %get3A_445 = arith.constant 304 : index
      %get3A_446 = tpu.vector_load %arg9[%get3A_445] {strides = array<i32>} : memref<512xf32, #tpu.memory_space<vmem>>, vector<16xf32>,
      %get3A_447 = vector.shape_cast %get3A_446 : vector<16xf32> to vector<16xf32>
      %mul3A_448 = arith.mulf %get3A_447, %select_n3A_273 : vector<16xf32>
      %swap3A_449 = arith.index_cast %scan3A_9 : i32 to index
      %swap3A_450 = arith.constant 304 : index
      %swap3A_451 = tpu.vector_load %arg10[%swap3A_449, %swap3A_450] {strides = array<i32>} : memref<16x512xf32, #tpu.memory_space<vmem>>, vector<1x16xf32>,
      %swap3A_452 = vector.shape_cast %swap3A_451 : vector<1x16xf32> to vector<16xf32>
      %swap3A_453 = vector.shape_cast %mul3A_448 : vector<16xf32> to vector<1x16xf32>
      tpu.vector_store %arg10[%swap3A_449, %swap3A_450], %swap3A_453 {strides = array<i32>} : memref<16x512xf32, #tpu.memory_space<vmem>>, vector<1x16xf32>,
      %get3A_454 = arith.constant 320 : index
      %get3A_455 = tpu.vector_load %arg9[%get3A_454] {strides = array<i32>} : memref<512xf32, #tpu.memory_space<vmem>>, vector<16xf32>,
      %get3A_456 = vector.shape_cast %get3A_455 : vector<16xf32> to vector<16xf32>
      %mul3A_457 = arith.mulf %get3A_456, %select_n3A_273 : vector<16xf32>
      %swap3A_458 = arith.index_cast %scan3A_9 : i32 to index
      %swap3A_459 = arith.constant 320 : index
      %swap3A_460 = tpu.vector_load %arg10[%swap3A_458, %swap3A_459] {strides = array<i32>} : memref<16x512xf32, #tpu.memory_space<vmem>>, vector<1x16xf32>,
      %swap3A_461 = vector.shape_cast %swap3A_460 : vector<1x16xf32> to vector<16xf32>
      %swap3A_462 = vector.shape_cast %mul3A_457 : vector<16xf32> to vector<1x16xf32>
      tpu.vector_store %arg10[%swap3A_458, %swap3A_459], %swap3A_462 {strides = array<i32>} : memref<16x512xf32, #tpu.memory_space<vmem>>, vector<1x16xf32>,
      %get3A_463 = arith.constant 336 : index
      %get3A_464 = tpu.vector_load %arg9[%get3A_463] {strides = array<i32>} : memref<512xf32, #tpu.memory_space<vmem>>, vector<16xf32>,
      %get3A_465 = vector.shape_cast %get3A_464 : vector<16xf32> to vector<16xf32>
      %mul3A_466 = arith.mulf %get3A_465, %select_n3A_273 : vector<16xf32>
      %swap3A_467 = arith.index_cast %scan3A_9 : i32 to index
      %swap3A_468 = arith.constant 336 : index
      %swap3A_469 = tpu.vector_load %arg10[%swap3A_467, %swap3A_468] {strides = array<i32>} : memref<16x512xf32, #tpu.memory_space<vmem>>, vector<1x16xf32>,
      %swap3A_470 = vector.shape_cast %swap3A_469 : vector<1x16xf32> to vector<16xf32>
      %swap3A_471 = vector.shape_cast %mul3A_466 : vector<16xf32> to vector<1x16xf32>
      tpu.vector_store %arg10[%swap3A_467, %swap3A_468], %swap3A_471 {strides = array<i32>} : memref<16x512xf32, #tpu.memory_space<vmem>>, vector<1x16xf32>,
      %get3A_472 = arith.constant 352 : index
      %get3A_473 = tpu.vector_load %arg9[%get3A_472] {strides = array<i32>} : memref<512xf32, #tpu.memory_space<vmem>>, vector<16xf32>,
      %get3A_474 = vector.shape_cast %get3A_473 : vector<16xf32> to vector<16xf32>
      %mul3A_475 = arith.mulf %get3A_474, %select_n3A_273 : vector<16xf32>
      %swap3A_476 = arith.index_cast %scan3A_9 : i32 to index
      %swap3A_477 = arith.constant 352 : index
      %swap3A_478 = tpu.vector_load %arg10[%swap3A_476, %swap3A_477] {strides = array<i32>} : memref<16x512xf32, #tpu.memory_space<vmem>>, vector<1x16xf32>,
      %swap3A_479 = vector.shape_cast %swap3A_478 : vector<1x16xf32> to vector<16xf32>
      %swap3A_480 = vector.shape_cast %mul3A_475 : vector<16xf32> to vector<1x16xf32>
      tpu.vector_store %arg10[%swap3A_476, %swap3A_477], %swap3A_480 {strides = array<i32>} : memref<16x512xf32, #tpu.memory_space<vmem>>, vector<1x16xf32>,
      %get3A_481 = arith.constant 368 : index
      %get3A_482 = tpu.vector_load %arg9[%get3A_481] {strides = array<i32>} : memref<512xf32, #tpu.memory_space<vmem>>, vector<16xf32>,
      %get3A_483 = vector.shape_cast %get3A_482 : vector<16xf32> to vector<16xf32>
      %mul3A_484 = arith.mulf %get3A_483, %select_n3A_273 : vector<16xf32>
      %swap3A_485 = arith.index_cast %scan3A_9 : i32 to index
      %swap3A_486 = arith.constant 368 : index
      %swap3A_487 = tpu.vector_load %arg10[%swap3A_485, %swap3A_486] {strides = array<i32>} : memref<16x512xf32, #tpu.memory_space<vmem>>, vector<1x16xf32>,
      %swap3A_488 = vector.shape_cast %swap3A_487 : vector<1x16xf32> to vector<16xf32>
      %swap3A_489 = vector.shape_cast %mul3A_484 : vector<16xf32> to vector<1x16xf32>
      tpu.vector_store %arg10[%swap3A_485, %swap3A_486], %swap3A_489 {strides = array<i32>} : memref<16x512xf32, #tpu.memory_space<vmem>>, vector<1x16xf32>,
      %get3A_490 = arith.constant 384 : index
      %get3A_491 = tpu.vector_load %arg9[%get3A_490] {strides = array<i32>} : memref<512xf32, #tpu.memory_space<vmem>>, vector<16xf32>,
      %get3A_492 = vector.shape_cast %get3A_491 : vector<16xf32> to vector<16xf32>
      %mul3A_493 = arith.mulf %get3A_492, %select_n3A_273 : vector<16xf32>
      %swap3A_494 = arith.index_cast %scan3A_9 : i32 to index
      %swap3A_495 = arith.constant 384 : index
      %swap3A_496 = tpu.vector_load %arg10[%swap3A_494, %swap3A_495] {strides = array<i32>} : memref<16x512xf32, #tpu.memory_space<vmem>>, vector<1x16xf32>,
      %swap3A_497 = vector.shape_cast %swap3A_496 : vector<1x16xf32> to vector<16xf32>
      %swap3A_498 = vector.shape_cast %mul3A_493 : vector<16xf32> to vector<1x16xf32>
      tpu.vector_store %arg10[%swap3A_494, %swap3A_495], %swap3A_498 {strides = array<i32>} : memref<16x512xf32, #tpu.memory_space<vmem>>, vector<1x16xf32>,
      %get3A_499 = arith.constant 400 : index
      %get3A_500 = tpu.vector_load %arg9[%get3A_499] {strides = array<i32>} : memref<512xf32, #tpu.memory_space<vmem>>, vector<16xf32>,
      %get3A_501 = vector.shape_cast %get3A_500 : vector<16xf32> to vector<16xf32>
      %mul3A_502 = arith.mulf %get3A_501, %select_n3A_273 : vector<16xf32>
      %swap3A_503 = arith.index_cast %scan3A_9 : i32 to index
      %swap3A_504 = arith.constant 400 : index
      %swap3A_505 = tpu.vector_load %arg10[%swap3A_503, %swap3A_504] {strides = array<i32>} : memref<16x512xf32, #tpu.memory_space<vmem>>, vector<1x16xf32>,
      %swap3A_506 = vector.shape_cast %swap3A_505 : vector<1x16xf32> to vector<16xf32>
      %swap3A_507 = vector.shape_cast %mul3A_502 : vector<16xf32> to vector<1x16xf32>
      tpu.vector_store %arg10[%swap3A_503, %swap3A_504], %swap3A_507 {strides = array<i32>} : memref<16x512xf32, #tpu.memory_space<vmem>>, vector<1x16xf32>,
      %get3A_508 = arith.constant 416 : index
      %get3A_509 = tpu.vector_load %arg9[%get3A_508] {strides = array<i32>} : memref<512xf32, #tpu.memory_space<vmem>>, vector<16xf32>,
      %get3A_510 = vector.shape_cast %get3A_509 : vector<16xf32> to vector<16xf32>
      %mul3A_511 = arith.mulf %get3A_510, %select_n3A_273 : vector<16xf32>
      %swap3A_512 = arith.index_cast %scan3A_9 : i32 to index
      %swap3A_513 = arith.constant 416 : index
      %swap3A_514 = tpu.vector_load %arg10[%swap3A_512, %swap3A_513] {strides = array<i32>} : memref<16x512xf32, #tpu.memory_space<vmem>>, vector<1x16xf32>,
      %swap3A_515 = vector.shape_cast %swap3A_514 : vector<1x16xf32> to vector<16xf32>
      %swap3A_516 = vector.shape_cast %mul3A_511 : vector<16xf32> to vector<1x16xf32>
      tpu.vector_store %arg10[%swap3A_512, %swap3A_513], %swap3A_516 {strides = array<i32>} : memref<16x512xf32, #tpu.memory_space<vmem>>, vector<1x16xf32>,
      %get3A_517 = arith.constant 432 : index
      %get3A_518 = tpu.vector_load %arg9[%get3A_517] {strides = array<i32>} : memref<512xf32, #tpu.memory_space<vmem>>, vector<16xf32>,
      %get3A_519 = vector.shape_cast %get3A_518 : vector<16xf32> to vector<16xf32>
      %mul3A_520 = arith.mulf %get3A_519, %select_n3A_273 : vector<16xf32>
      %swap3A_521 = arith.index_cast %scan3A_9 : i32 to index
      %swap3A_522 = arith.constant 432 : index
      %swap3A_523 = tpu.vector_load %arg10[%swap3A_521, %swap3A_522] {strides = array<i32>} : memref<16x512xf32, #tpu.memory_space<vmem>>, vector<1x16xf32>,
      %swap3A_524 = vector.shape_cast %swap3A_523 : vector<1x16xf32> to vector<16xf32>
      %swap3A_525 = vector.shape_cast %mul3A_520 : vector<16xf32> to vector<1x16xf32>
      tpu.vector_store %arg10[%swap3A_521, %swap3A_522], %swap3A_525 {strides = array<i32>} : memref<16x512xf32, #tpu.memory_space<vmem>>, vector<1x16xf32>,
      %get3A_526 = arith.constant 448 : index
      %get3A_527 = tpu.vector_load %arg9[%get3A_526] {strides = array<i32>} : memref<512xf32, #tpu.memory_space<vmem>>, vector<16xf32>,
      %get3A_528 = vector.shape_cast %get3A_527 : vector<16xf32> to vector<16xf32>
      %mul3A_529 = arith.mulf %get3A_528, %select_n3A_273 : vector<16xf32>
      %swap3A_530 = arith.index_cast %scan3A_9 : i32 to index
      %swap3A_531 = arith.constant 448 : index
      %swap3A_532 = tpu.vector_load %arg10[%swap3A_530, %swap3A_531] {strides = array<i32>} : memref<16x512xf32, #tpu.memory_space<vmem>>, vector<1x16xf32>,
      %swap3A_533 = vector.shape_cast %swap3A_532 : vector<1x16xf32> to vector<16xf32>
      %swap3A_534 = vector.shape_cast %mul3A_529 : vector<16xf32> to vector<1x16xf32>
      tpu.vector_store %arg10[%swap3A_530, %swap3A_531], %swap3A_534 {strides = array<i32>} : memref<16x512xf32, #tpu.memory_space<vmem>>, vector<1x16xf32>,
      %get3A_535 = arith.constant 464 : index
      %get3A_536 = tpu.vector_load %arg9[%get3A_535] {strides = array<i32>} : memref<512xf32, #tpu.memory_space<vmem>>, vector<16xf32>,
      %get3A_537 = vector.shape_cast %get3A_536 : vector<16xf32> to vector<16xf32>
      %mul3A_538 = arith.mulf %get3A_537, %select_n3A_273 : vector<16xf32>
      %swap3A_539 = arith.index_cast %scan3A_9 : i32 to index
      %swap3A_540 = arith.constant 464 : index
      %swap3A_541 = tpu.vector_load %arg10[%swap3A_539, %swap3A_540] {strides = array<i32>} : memref<16x512xf32, #tpu.memory_space<vmem>>, vector<1x16xf32>,
      %swap3A_542 = vector.shape_cast %swap3A_541 : vector<1x16xf32> to vector<16xf32>
      %swap3A_543 = vector.shape_cast %mul3A_538 : vector<16xf32> to vector<1x16xf32>
      tpu.vector_store %arg10[%swap3A_539, %swap3A_540], %swap3A_543 {strides = array<i32>} : memref<16x512xf32, #tpu.memory_space<vmem>>, vector<1x16xf32>,
      %get3A_544 = arith.constant 480 : index
      %get3A_545 = tpu.vector_load %arg9[%get3A_544] {strides = array<i32>} : memref<512xf32, #tpu.memory_space<vmem>>, vector<16xf32>,
      %get3A_546 = vector.shape_cast %get3A_545 : vector<16xf32> to vector<16xf32>
      %mul3A_547 = arith.mulf %get3A_546, %select_n3A_273 : vector<16xf32>
      %swap3A_548 = arith.index_cast %scan3A_9 : i32 to index
      %swap3A_549 = arith.constant 480 : index
      %swap3A_550 = tpu.vector_load %arg10[%swap3A_548, %swap3A_549] {strides = array<i32>} : memref<16x512xf32, #tpu.memory_space<vmem>>, vector<1x16xf32>,
      %swap3A_551 = vector.shape_cast %swap3A_550 : vector<1x16xf32> to vector<16xf32>
      %swap3A_552 = vector.shape_cast %mul3A_547 : vector<16xf32> to vector<1x16xf32>
      tpu.vector_store %arg10[%swap3A_548, %swap3A_549], %swap3A_552 {strides = array<i32>} : memref<16x512xf32, #tpu.memory_space<vmem>>, vector<1x16xf32>,
      %get3A_553 = arith.constant 496 : index
      %get3A_554 = tpu.vector_load %arg9[%get3A_553] {strides = array<i32>} : memref<512xf32, #tpu.memory_space<vmem>>, vector<16xf32>,
      %get3A_555 = vector.shape_cast %get3A_554 : vector<16xf32> to vector<16xf32>
      %mul3A_556 = arith.mulf %get3A_555, %select_n3A_273 : vector<16xf32>
      %swap3A_557 = arith.index_cast %scan3A_9 : i32 to index
      %swap3A_558 = arith.constant 496 : index
      %swap3A_559 = tpu.vector_load %arg10[%swap3A_557, %swap3A_558] {strides = array<i32>} : memref<16x512xf32, #tpu.memory_space<vmem>>, vector<1x16xf32>,
      %swap3A_560 = vector.shape_cast %swap3A_559 : vector<1x16xf32> to vector<16xf32>
      %swap3A_561 = vector.shape_cast %mul3A_556 : vector<16xf32> to vector<1x16xf32>
      tpu.vector_store %arg10[%swap3A_557, %swap3A_558], %swap3A_561 {strides = array<i32>} : memref<16x512xf32, #tpu.memory_space<vmem>>, vector<1x16xf32>,
      %scan3A_562 = arith.constant 0 : i32
      scf.yield %scan3A_562 : i32
    }
    %scan3A_8 = arith.constant 16 : i32
    "tpu.region"() ({
      %run_scoped3A = tpu.sem_alloc : memref<!tpu.dma_semaphore, #tpu.memory_space<semaphore_mem>>
      %dma_start3A = arith.constant 0 : i32
      %dma_start3A_9 = tpu.memref_slice %arg5[%mul3A_2, %dma_start3A] : memref<512x512xf32, #tpu.memory_space<hbm>> -> memref<16x512xf32, #tpu.memory_space<hbm>>
      %dma_start3A_10 = arith.constant 0 : i32
      %dma_start3A_11 = tpu.memref_slice %arg5[%mul3A_2, %dma_start3A_10] : memref<512x512xf32, #tpu.memory_space<hbm>> -> memref<16x512xf32, #tpu.memory_space<hbm>>
      tpu.enqueue_dma source(%arg10 : memref<16x512xf32, #tpu.memory_space<vmem>>) target(%dma_start3A_11 : memref<16x512xf32, #tpu.memory_space<hbm>>) target_semaphore(%run_scoped3A : memref<!tpu.dma_semaphore, #tpu.memory_space<semaphore_mem>>)
      %dma_wait3A = arith.constant 0 : i32
      %dma_wait3A_12 = tpu.memref_slice %arg5[%mul3A_2, %dma_wait3A] : memref<512x512xf32, #tpu.memory_space<hbm>> -> memref<16x512xf32, #tpu.memory_space<hbm>>
      %dma_wait3A_13 = arith.constant 0 : i32
      %dma_wait3A_14 = tpu.memref_slice %arg5[%mul3A_2, %dma_wait3A_13] : memref<512x512xf32, #tpu.memory_space<hbm>> -> memref<16x512xf32, #tpu.memory_space<hbm>>
      tpu.wait_dma2 semaphore(%run_scoped3A : memref<!tpu.dma_semaphore, #tpu.memory_space<semaphore_mem>>) src(%arg10 : memref<16x512xf32, #tpu.memory_space<vmem>>) dst(%dma_wait3A_14 : memref<16x512xf32, #tpu.memory_space<hbm>>)
      tpu.yield
    }) : () -> ()
    return
  }
}

</mosaic_0001>

<sc_bundles>
// kernel: kernel.3.cloned.1.call-start
scs
__scs_entry_jumppad:
0x0: {  	(pc) =	sbr.rel $0x88, $3  }
0x1: {  	(tag) =	ssettag $0x0;
	lr =	simm.s32 $0x1  }
0x2: {  	[smem:$0x3F9E] =	sst lr;
	_ =	strace $0xD0000000  }
0x3: {  	_ = 	snop  }
0x4: {  	_ = 	snop  }
0x5: {  	_ = 	snop  }
0x6: {  	_ = 	snop  }
0x7: {  	_ = 	snop  }
__scs_overlays_trampoline_lowered:
0x8: {  	[smem:$0x3FAD] =	sst s0  }
0x9: {  	[smem:$0x3FAE] =	sst s1  }
0xa: {  	[smem:$0x3FAF] =	sst s2  }
0xb: {  	[smem:$0x3FB0] =	sst s3  }
0xc: {  	[smem:$0x3FB1] =	sst s4  }
0xd: {  	[smem:$0x3FB2] =	sst s5  }
0xe: {  	[smem:$0x3FB3] =	sst s6  }
0xf: {  	[smem:$0x3FB4] =	sst s7  }
0x10: {  	[smem:$0x3FB5] =	sst s8  }
0x11: {  	[smem:$0x3FB6] =	sst s9;
	s0 =	simm.s32 @!p0 $0x0  }
0x12: {  	s1 =	sld [smem:$0x3F9C];
	s0 =	simm.s32 @p0 $0x1  }
0x13: {  	[smem:$0x3FB7] =	sst s0;
	s0 =	simm.s32 @!p1 $0x0  }
0x14: {  	s2 =	sld [smem:$0x3F9B];
	s0 =	simm.s32 @p1 $0x1  }
0x15: {  	[smem:$0x3FB8] =	sst s0;
	s0 =	simm.s32 @!p2 $0x0  }
0x16: {  	s3 =	sld [smem:$0x3FDB];
	s0 =	simm.s32 @p2 $0x1  }
0x17: {  	s4 =	simm.s32 $0x1BF5;
	[smem:$0x3FBA] =	sst s0  }
0x18: {  	s0 =	sld [smem:$0x3F9D];
	_ =	swait.ge [sflag:s4], $0x0  }
0x19: {  	s7 =	sld [smem:$0x3F9E]  }
0x1a: {  	s8 =	sadd.s32 $0xFFFFE003, lr  }
0x1b: {  	s9 =	sadd.s32 $0xFFFFFEF7, lr;
	s5 =	simm.s32 $0xFFFFFFFF;
	p2 =	slt.u32 s8, $0xFFFFF086  }
0x1c: {  	p1 =	slt.u32 s9, $0xF7A;
	s5 =	simm.s32 @!p2 $0x0  }
0x1d: {  	s5 =	simm.s32 @p1 $0x1;
	p0 =	seq.s32 s7, s2  }
0x1e: {  	s7 =	smul.u32 @!p0 $0xF7A, s2;
	p2 =	seq.s32 @!p0 s5, $0x0  }
0x1f: {  	s9 =	smul.u32 $0xF7A, s1;
	s8 =	simm.s32 @!p0 $0x1BF5;
	p2 =	por !p2, p0  }
0x20: {  	[sflag:s8] =	ssyncset.s32 @!p0 $0xFFFFF086;
	s6 =	sadd.s32 @!p0 s3, s7;
	s7 =	simm.s32 @!p0 $0x108  }
0x21: {  	s3 =	sadd.s32 s3, s9;
	s6 =	sadd.s32 @!p0 $0x88, s6;
	s7 =	simm.s32 @p2 $0x1082  }
0x22: {  	[simem:s7], [sflag:s8] =	dma.local @!p0 [hbm:s6], $0xF7A  }
0x23: {  	s9 =	sor.u32 $0xD0000000, s2;
	s6 =	simm.s32 $0x108;
	_ =	swait.ge @!p0 [sflag:s8], $0x0  }
0x24: {  	s3 =	sadd.s32 $0x88, s3;
	s6 =	simm.s32 @!p1 $0x1082;
	[sflag:s4] =	ssyncset.s32 $0xFFFFF086  }
0x25: {  	[simem:s6], [sflag:s4] =	dma.local [hbm:s3], $0xF7A  }
0x26: {  	[smem:$0x3F9E] =	sst s1;
	(tag) =	ssettag s2;
	_ =	strace s9  }
0x27: {  	s1 =	sld [smem:$0x3FAE]  }
0x28: {  	s2 =	sld [smem:$0x3FAF]  }
0x29: {  	s4 =	sld [smem:$0x3FB1]  }
0x2a: {  	p0 =	seq.s32 s5, $0x0;
	s5 =	sld [smem:$0x3FB2]  }
0x2b: {  	s6 =	sld [smem:$0x3FB3]  }
0x2c: {  	s7 =	sld [smem:$0x3FB4]  }
0x2d: {  	s3 =	simm.s32 $0x108;
	s8 =	sld [smem:$0x3FB5]  }
0x2e: {  	s3 =	simm.s32 @!p0 $0x1082;
	s9 =	sld [smem:$0x3FB6]  }
0x2f: {  	lr =	sadd.s32 s0, s3;
	s0 =	sld [smem:$0x3FAD]  }
0x30: {  	s3 =	sld [smem:$0x3FB0]  }
0x31: {  	[smem:$0x3FB9] =	sst s10  }
0x32: {  	s10 =	sld [smem:$0x3FB7];
	_ =	sdelay $0x3  }
0x33: {  	p0 =	seq.s32 s10, $0x1;
	s10 =	sld [smem:$0x3FB9];
	_ =	sdelay $0x3  }
0x34: {  	[smem:$0x3FB9] =	sst s10  }
0x35: {  	s10 =	sld [smem:$0x3FB8];
	_ =	sdelay $0x3  }
0x36: {  	p1 =	seq.s32 s10, $0x1;
	s10 =	sld [smem:$0x3FB9];
	_ =	sdelay $0x3  }
0x37: {  	[smem:$0x3FB9] =	sst s10  }
0x38: {  	s10 =	sld [smem:$0x3FBA]  }
0x39: {  	_ = 	snop;
	(pc) =	sbr.ind lr, $3  }
0x3a: {  	_ = 	snop  }
0x3b: {  	_ = 	snop  }
0x3c: {  	p2 =	seq.s32 s10, $0x1;
	s10 =	sld [smem:$0x3FB9]  }
0x3d: {  	_ =	shalt  }
0x3e: {  	_ =	shalt  }
0x3f: {  	_ =	shalt  }
0x40: {  	_ =	shalt  }
0x41: {  	_ =	shalt  }
0x42: {  	_ =	shalt  }
0x43: {  	_ =	shalt  }
0x44: {  	_ =	shalt  }
0x45: {  	_ =	shalt  }
0x46: {  	_ =	shalt  }
0x47: {  	_ =	shalt  }
0x48: {  	_ =	shalt  }
0x49: {  	_ =	shalt  }
0x4a: {  	_ =	shalt  }
0x4b: {  	_ =	shalt  }
0x4c: {  	_ =	shalt  }
0x4d: {  	_ =	shalt  }
0x4e: {  	_ =	shalt  }
0x4f: {  	_ =	shalt  }
0x50: {  	_ =	shalt  }
0x51: {  	_ =	shalt  }
0x52: {  	_ =	shalt  }
0x53: {  	_ =	shalt  }
0x54: {  	_ =	shalt  }
0x55: {  	_ =	shalt  }
0x56: {  	_ =	shalt  }
0x57: {  	_ =	shalt  }
0x58: {  	_ =	shalt  }
0x59: {  	_ =	shalt  }
0x5a: {  	_ =	shalt  }
0x5b: {  	_ =	shalt  }
0x5c: {  	_ =	shalt  }
0x5d: {  	_ =	shalt  }
0x5e: {  	_ =	shalt  }
0x5f: {  	_ =	shalt  }
0x60: {  	_ =	shalt  }
0x61: {  	_ =	shalt  }
0x62: {  	_ =	shalt  }
0x63: {  	_ =	shalt  }
0x64: {  	_ =	shalt  }
0x65: {  	_ =	shalt  }
0x66: {  	_ =	shalt  }
0x67: {  	_ =	shalt  }
0x68: {  	_ =	shalt  }
0x69: {  	_ =	shalt  }
0x6a: {  	_ =	shalt  }
0x6b: {  	_ =	shalt  }
0x6c: {  	_ =	shalt  }
0x6d: {  	_ =	shalt  }
0x6e: {  	_ =	shalt  }
0x6f: {  	_ =	shalt  }
0x70: {  	_ =	shalt  }
0x71: {  	_ =	shalt  }
0x72: {  	_ =	shalt  }
0x73: {  	_ =	shalt  }
0x74: {  	_ =	shalt  }
0x75: {  	_ =	shalt  }
0x76: {  	_ =	shalt  }
0x77: {  	_ =	shalt  }
0x78: {  	_ =	shalt  }
0x79: {  	_ =	shalt  }
0x7a: {  	_ =	shalt  }
0x7b: {  	_ =	shalt  }
0x7c: {  	_ =	shalt  }
0x7d: {  	_ =	shalt  }
0x7e: {  	_ =	shalt  }
0x7f: {  	_ =	shalt  }
0x80: {  	_ =	shalt  }
0x81: {  	_ =	shalt  }
0x82: {  	_ =	shalt  }
0x83: {  	_ =	shalt  }
0x84: {  	_ =	shalt  }
0x85: {  	_ =	shalt  }
0x86: {  	_ =	shalt  }
0x87: {  	_ =	shalt  }
.Lfunc_end0:
.L_simem_size_0:
called_computation_lowered:
.L_overlay_start_0:
0x88: {  	s2 =	sld [smem:$0x3FD9]  }
0x89: {  	s3 =	sld [smem:$0x3FFE];
	_ =	sdelay $0x1  }
0x8a: {  	s1 =	srdreg.scid  }
0x8b: {  	s0 =	sand.u32 $0x1, s1  }
0x8c: {  	s17 =	sshll.u32 s0, $0xA;
	s2 =	sadd.s32 s3, s2  }
0x8d: {  	s2 =	sadd.s32 s2, s17  }
0x8e: {  	[smem:$0x3FC5] =	sst s2  }
0x8f: {  	_ = 	snop  }
0x90: {  	s2 =	sld [smem:$0x3FC9]  }
0x91: {  	s18 =	sld [smem:$0x3FC7]  }
0x92: {  	s4 =	sld [smem:$0x3FD0];
	(tm) =	ssettm $0x1  }
0x93: {  	s5 =	sld [smem:$0x3FFB];
	_ =	sdelay $0x3  }
0x94: {  	_ =	strace s5  }
0x95: {  	s5 =	sld [smem:$0x3FFC];
	_ =	sdelay $0x3  }
0x96: {  	_ =	strace s5  }
0x97: {  	s5 =	sld [smem:$0x3FFD];
	_ =	sdelay $0x3  }
0x98: {  	_ =	strace s5  }
0x99: {  	_ =	strace $0x8FFFFFFF  }
0x9a: {  	s19 =	sld [smem:$0x3FDB];
	_ =	sdelay $0x1  }
0x9b: {  	s6 =	simm.s32 $_scs_section_size  }
0x9c: {  	s7 =	simm.s32 $_size__tile_overlayer_lowered;
	s8 =	simm.s32 $_tile_overlayer_lowered  }
0x9d: {  	s22 =	simm.s32 $0x1BFF;
	s21 =	sshll.u32 s8, $0x1;
	s5 =	sadd.s32 s6, s19  }
0x9e: {  	s9 =	simm.s32 $0x0;
	s20 =	sshll.u32 s7, $0x1;
	s7 =	sadd.s32 s21, s5  }
0x9f: {  	[timem:s9], [sflag:s22] =	dma.local [hbm:s7], s20  }
0xa0: {  	_ =	swait.ge [sflag:s22], s20  }
0xa1: {  	s6 =	ssub.s32 $0x0, s20;
	[sflag:s22] =	ssyncset.done $0x0  }
0xa2: {  	[sflag:s22] =	ssyncadd.s32 s6;
	_ =	sdelay $0x1  }
0xa3: {  	s23 =	simm.s32 $0x1B8B  }
0xa4: {  	_ =	swait.ge [sflag:s23], $0x1  }
0xa5: {  	[sflag:s23] =	ssyncset.done $0x0  }
0xa6: {  	s25 =	simm.s32 $0x1B8E;
	s24 =	sld [smem:$0x3FFE];
	[sflag:s23] =	ssyncadd.s32 $0xFFFFFFFF  }
0xa7: {  	s26 =	simm.s32 $execute0_lowered;
	[smem:$0x3FD2] =	sst s25  }
0xa8: {  	s7 =	sshll.u32 s26, $0x1;
	_ =	strace $0x80000046;
	[dreg:$0x1] =	wrdreg $0xFFFFFFFF  }
0xa9: {  	s28 =	simm.s32 $_size_execute0_lowered;
	s5 =	sadd.s32 s5, s7;
	[dreg:$0x0] =	wrdreg $0x0  }
0xaa: {  	s7 =	sshll.u32 s28, $0x1;
	[dreg:$0x2] =	wrdreg s5  }
0xab: {  	[dreg:$0x3] =	wrdreg s7  }
0xac: {  	[dreg:$0x4] =	wrdreg $0xC0  }
0xad: {  	_ =	task [dreg:s9], $0x5FFFF  }
0xae: {  	[dreg:$0x1] =	wrdreg $0xFFFFFFFF  }
0xaf: {  	[dreg:$0x0] =	wrdreg $0x60  }
0xb0: {  	[dreg:$0x2] =	wrdreg s2  }
0xb1: {  	[dreg:$0x3] =	wrdreg s18  }
0xb2: {  	[dreg:$0x4] =	wrdreg s24  }
0xb3: {  	[dreg:$0x5] =	wrdreg s4  }
0xb4: {  	[dreg:$0x6] =	wrdreg $0x9  }
0xb5: {  	_ =	task.clear_ibuf [dreg:s9], $0x7FFFF;
	_ =	strace $0x90000046  }
0xb6: {  	s29 =	simm.s32 $0x9;
	_ =	strace $0x80000048  }
0xb7: {  	_ =	swait.ge [sflag:s29], $0x1  }
0xb8: {  	[sflag:s29] =	ssyncadd.s32 $0xFFFFFFFF  }
0xb9: {  	_ =	strace $0x90000048  }
0xba: {  	_ =	sfence  }
0xbb: {  	s30 =	sld [smem:$0x0];
	_ =	sdelay $0x2  }
0xbc: {  	s31 =	sshll.u32 s1, $0xD;
	s1 =	sshrl.u32 s1, $0x2  }
0xbd: {  	s3 =	sand.u32 $0x4000, s31;
	s1 =	sadd.s32 s1, s30  }
0xbe: {  	s0 =	sor.u32 s3, s0;
	s1 =	sshll.u32 s1, $0x11  }
0xbf: {  	s0 =	sor.u32 s1, s0  }
0xc0: {  	s0 =	sadd.s32 $0x8F2B, s0  }
0xc1: {  	[sflag:s0] =	ssyncadd.remote.s32 $0x1  }
0xc2: {  	_ =	sfence.sel $0xFFFF  }
0xc3: {  	[dreg:$0x0] =	wrdreg $0xFFFFFFFF;
	(pc) =	sbr.abs _section_cstart, $3  }
0xc4: {  	[dreg:$0x1] =	wrdreg $0xFFFFFFFF  }
0xc5: {  	_ =	task.clear_ibuf [dreg:s9], $0x2FFFF;
	_ =	strace $0x9FFFFFFF  }
0xc6: {  	(tm) =	ssettm $0x7FFFFFFF  }
0xc7: {  	_ =	shalt  }
tec
execute0_lowered:
.L_overlay_start_1:
0x0: {  	(tag) =	ssettag $0x1  }
0x1: {  	s1 =	rddreg [dreg:$0x0]  }
0x2: {  	s2 =	rddreg [dreg:$0x1]  }
0x3: {  	s5 =	rddreg [dreg:$0x2]  }
0x4: {  	s6 =	rddreg [dreg:$0x3]  }
0x5: {  	s0 =	rddreg [dreg:$0x4];
	s7 =	srdreg.scid;
	s4 =	simm.s32 $0x0  }
0x6: {  	s3 =	stileid.u32;
	s11 =	simm.s32 $0x8680;
	s7 =	sand.u32 $0x1, s7  }
0x7: {  	[smem:$0x7FF] =	sst s4;
	s8 =	sshll.u32 s3, $0x5;
	s5 =	sadd.s32 $0x800, s5  }
.Ltmp0:
0x8: {  	s9 =	sshll.u32 s7, $0x4;
	s7 =	ssub.s32 $0x2, s7;
	(pc) =	sbr.rel .LBB2_1-.Ltmp0, $4  }
0x9: {  	_ =	strace $0x80000047;
	s8 =	sor.u32 s9, s8;
	s31 =	sshrl.u32 s7, $0x1  }
0xa: {  	s9 =	simm.s32 $0x1;
	s10 =	sshll.u32 s8, $0x6;
	s7 =	ssub.s32 s7, s31  }
0xb: {  	s12 =	sor.u32 $0x8200, s8;
	s8 =	simm.s32 $0x8000;
	s6 =	sadd.s32 s6, s10  }
0xc: {  	s7 =	smax.u32 s7, $0x1;
	s10 =	simm.s32 $0x8200;
	v0 =	vmov s12;
	s12 =	simm.s32 $0x0  }
.LBB2_11:
0xd: {  	s12 =	sadd.s32 $0x1, s12  }
0xe: {  	p0 =	sne.s32 s12, s7  }
.Ltmp1:
0xf: {  	_ = 	snop;
	(pc) =	sbr.rel @!p0 .LBB2_12-.Ltmp1, $4  }
0x10: {  	[hbm4b:s6+s4] =	stream.linear.scatter [tilespmem:s11], [sflag:$0x1], $0x2000, $0x38;
	[tilespmem:$0xA680] =	vst v63  }
0x11: {  	_ =	swait.ge [sflag:s9], $0x2000  }
0x12: {  	[sflag:s9] =	ssyncset.done $0x0  }
0x13: {  	[sflag:s9] =	ssyncadd.s32 $0xFFFFE000  }
.LBB2_1:
0x14: {  	[tilespmem:s8], [sflag:$0x1] =	stream.linear.gather [hbm4b:s2+s4], $0x200, $0x38;
	[tilespmem:$0xA680] =	vst v63  }
0x15: {  	_ =	swait.ge [sflag:s9], $0x200  }
0x16: {  	[sflag:s9] =	ssyncset.done $0x0  }
.Ltmp2:
0x17: {  	[sflag:s9] =	ssyncadd.s32 $0xFFFFFE00;
	(pc) =	sbr.rel .LBB2_2-.Ltmp2, $4  }
0x18: {  	[tilespmem:s10], [sflag:$0x1] =	stream.linear.gather [hbm4b:s5+s4], $0x280, $0x38;
	[tilespmem:$0xA680] =	vst v63  }
0x19: {  	_ =	swait.ge [sflag:s9], $0x280  }
0x1a: {  	[sflag:s9] =	ssyncset.done $0x0  }
0x1b: {  	s13 =	simm.s32 $0x0;
	[sflag:s9] =	ssyncadd.s32 $0xFFFFFD80  }
.LBB2_10:
0x1c: {  	(erf) = vrcp.f32 v1;
	_ =	sdelay $0x5  }
0x1d: {  	v2 =	vld [tilespmem:$0x8480];
	_ =	sdelay $0x2  }
0x1e: {  	vm0 =	vgt.f32 v1, $0.0e+00;
	v1 =	vpop (erf)  }
0x1f: {  	s14 =	sshll.u32 s13, $0x9;
	s15 =	sshll.u32 s13, $0x7;
	v1 =	vnsel vm0, $0x0, v1  }
0x20: {  	s14 =	sand.u32 $0x1000, s14;
	s15 =	sand.u32 $0x380, s15;
	v2 =	vmul.f32 v2, v1  }
0x21: {  	s14 =	sor.u32 s15, s14  }
0x22: {  	[tilespmem:s14+$0x8680] =	vst v2  }
0x23: {  	v2 =	vld [tilespmem:$0x8490];
	_ =	sdelay $0x4  }
0x24: {  	v2 =	vmul.f32 v2, v1;
	_ =	sdelay $0x1  }
0x25: {  	[tilespmem:s14+$0x8690] =	vst v2  }
0x26: {  	v2 =	vld [tilespmem:$0x84A0];
	_ =	sdelay $0x4  }
0x27: {  	v2 =	vmul.f32 v2, v1;
	_ =	sdelay $0x1  }
0x28: {  	[tilespmem:s14+$0x86A0] =	vst v2  }
0x29: {  	v2 =	vld [tilespmem:$0x84B0];
	_ =	sdelay $0x4  }
0x2a: {  	v2 =	vmul.f32 v2, v1;
	_ =	sdelay $0x1  }
0x2b: {  	[tilespmem:s14+$0x86B0] =	vst v2  }
0x2c: {  	v2 =	vld [tilespmem:$0x84C0];
	_ =	sdelay $0x4  }
0x2d: {  	v2 =	vmul.f32 v2, v1;
	_ =	sdelay $0x1  }
0x2e: {  	[tilespmem:s14+$0x86C0] =	vst v2  }
0x2f: {  	v2 =	vld [tilespmem:$0x84D0];
	_ =	sdelay $0x4  }
0x30: {  	v2 =	vmul.f32 v2, v1;
	_ =	sdelay $0x1  }
0x31: {  	[tilespmem:s14+$0x86D0] =	vst v2  }
0x32: {  	v2 =	vld [tilespmem:$0x84E0];
	_ =	sdelay $0x4  }
0x33: {  	v2 =	vmul.f32 v2, v1;
	_ =	sdelay $0x1  }
0x34: {  	[tilespmem:s14+$0x86E0] =	vst v2  }
0x35: {  	v2 =	vld [tilespmem:$0x84F0];
	_ =	sdelay $0x4  }
0x36: {  	v2 =	vmul.f32 v2, v1;
	_ =	sdelay $0x1  }
0x37: {  	[tilespmem:s14+$0x86F0] =	vst v2  }
0x38: {  	v2 =	vld [tilespmem:$0x8500];
	_ =	sdelay $0x4  }
0x39: {  	v2 =	vmul.f32 v2, v1;
	_ =	sdelay $0x1  }
0x3a: {  	[tilespmem:s14+$0x8A80] =	vst v2  }
0x3b: {  	v2 =	vld [tilespmem:$0x8510];
	_ =	sdelay $0x4  }
0x3c: {  	v2 =	vmul.f32 v2, v1;
	_ =	sdelay $0x1  }
0x3d: {  	[tilespmem:s14+$0x8A90] =	vst v2  }
0x3e: {  	v2 =	vld [tilespmem:$0x8520];
	_ =	sdelay $0x4  }
0x3f: {  	v2 =	vmul.f32 v2, v1;
	_ =	sdelay $0x1  }
0x40: {  	[tilespmem:s14+$0x8AA0] =	vst v2  }
0x41: {  	v2 =	vld [tilespmem:$0x8530];
	_ =	sdelay $0x4  }
0x42: {  	v2 =	vmul.f32 v2, v1;
	_ =	sdelay $0x1  }
0x43: {  	[tilespmem:s14+$0x8AB0] =	vst v2  }
0x44: {  	v2 =	vld [tilespmem:$0x8540];
	_ =	sdelay $0x4  }
0x45: {  	v2 =	vmul.f32 v2, v1;
	_ =	sdelay $0x1  }
0x46: {  	[tilespmem:s14+$0x8AC0] =	vst v2  }
0x47: {  	v2 =	vld [tilespmem:$0x8550];
	_ =	sdelay $0x4  }
0x48: {  	v2 =	vmul.f32 v2, v1;
	_ =	sdelay $0x1  }
0x49: {  	[tilespmem:s14+$0x8AD0] =	vst v2  }
0x4a: {  	v2 =	vld [tilespmem:$0x8560];
	_ =	sdelay $0x4  }
0x4b: {  	v2 =	vmul.f32 v2, v1;
	_ =	sdelay $0x1  }
0x4c: {  	[tilespmem:s14+$0x8AE0] =	vst v2  }
0x4d: {  	v2 =	vld [tilespmem:$0x8570];
	_ =	sdelay $0x4  }
0x4e: {  	v2 =	vmul.f32 v2, v1;
	_ =	sdelay $0x1  }
0x4f: {  	[tilespmem:s14+$0x8AF0] =	vst v2  }
0x50: {  	v2 =	vld [tilespmem:$0x8580];
	_ =	sdelay $0x4  }
0x51: {  	v2 =	vmul.f32 v2, v1;
	_ =	sdelay $0x1  }
0x52: {  	[tilespmem:s14+$0x8E80] =	vst v2  }
0x53: {  	v2 =	vld [tilespmem:$0x8590];
	_ =	sdelay $0x4  }
0x54: {  	v2 =	vmul.f32 v2, v1;
	_ =	sdelay $0x1  }
0x55: {  	[tilespmem:s14+$0x8E90] =	vst v2  }
0x56: {  	v2 =	vld [tilespmem:$0x85A0];
	_ =	sdelay $0x4  }
0x57: {  	v2 =	vmul.f32 v2, v1;
	_ =	sdelay $0x1  }
0x58: {  	[tilespmem:s14+$0x8EA0] =	vst v2  }
0x59: {  	v2 =	vld [tilespmem:$0x85B0];
	_ =	sdelay $0x4  }
0x5a: {  	v2 =	vmul.f32 v2, v1;
	_ =	sdelay $0x1  }
0x5b: {  	[tilespmem:s14+$0x8EB0] =	vst v2  }
0x5c: {  	v2 =	vld [tilespmem:$0x85C0];
	_ =	sdelay $0x4  }
0x5d: {  	v2 =	vmul.f32 v2, v1;
	_ =	sdelay $0x1  }
0x5e: {  	[tilespmem:s14+$0x8EC0] =	vst v2  }
0x5f: {  	v2 =	vld [tilespmem:$0x85D0];
	_ =	sdelay $0x4  }
0x60: {  	v2 =	vmul.f32 v2, v1;
	_ =	sdelay $0x1  }
0x61: {  	[tilespmem:s14+$0x8ED0] =	vst v2  }
0x62: {  	v2 =	vld [tilespmem:$0x85E0];
	_ =	sdelay $0x4  }
0x63: {  	v2 =	vmul.f32 v2, v1;
	_ =	sdelay $0x1  }
0x64: {  	[tilespmem:s14+$0x8EE0] =	vst v2  }
0x65: {  	v2 =	vld [tilespmem:$0x85F0];
	_ =	sdelay $0x4  }
0x66: {  	v2 =	vmul.f32 v2, v1;
	_ =	sdelay $0x1  }
0x67: {  	[tilespmem:s14+$0x8EF0] =	vst v2  }
0x68: {  	v2 =	vld [tilespmem:$0x8600];
	_ =	sdelay $0x4  }
0x69: {  	v2 =	vmul.f32 v2, v1;
	_ =	sdelay $0x1  }
0x6a: {  	[tilespmem:s14+$0x9280] =	vst v2  }
0x6b: {  	v2 =	vld [tilespmem:$0x8610];
	_ =	sdelay $0x4  }
0x6c: {  	v2 =	vmul.f32 v2, v1;
	_ =	sdelay $0x1  }
0x6d: {  	[tilespmem:s14+$0x9290] =	vst v2  }
0x6e: {  	v2 =	vld [tilespmem:$0x8620];
	_ =	sdelay $0x4  }
0x6f: {  	v2 =	vmul.f32 v2, v1;
	_ =	sdelay $0x1  }
0x70: {  	[tilespmem:s14+$0x92A0] =	vst v2  }
0x71: {  	v2 =	vld [tilespmem:$0x8630];
	_ =	sdelay $0x4  }
0x72: {  	v2 =	vmul.f32 v2, v1;
	_ =	sdelay $0x1  }
0x73: {  	[tilespmem:s14+$0x92B0] =	vst v2  }
0x74: {  	v2 =	vld [tilespmem:$0x8640];
	_ =	sdelay $0x4  }
0x75: {  	v2 =	vmul.f32 v2, v1;
	_ =	sdelay $0x1  }
0x76: {  	[tilespmem:s14+$0x92C0] =	vst v2  }
0x77: {  	v2 =	vld [tilespmem:$0x8650];
	_ =	sdelay $0x4  }
0x78: {  	v2 =	vmul.f32 v2, v1;
	_ =	sdelay $0x1  }
0x79: {  	[tilespmem:s14+$0x92D0] =	vst v2  }
0x7a: {  	v2 =	vld [tilespmem:$0x8660];
	_ =	sdelay $0x4  }
0x7b: {  	v2 =	vmul.f32 v2, v1;
	_ =	sdelay $0x1  }
0x7c: {  	[tilespmem:s14+$0x92E0] =	vst v2  }
0x7d: {  	v2 =	vld [tilespmem:$0x8670]  }
0x7e: {  	s13 =	sadd.s32 $0x1, s13  }
0x7f: {  	p0 =	sne.s32 s13, $0x10  }
.Ltmp3:
0x80: {  	_ = 	snop;
	(pc) =	sbr.rel @!p0 .LBB2_11-.Ltmp3, $3  }
0x81: {  	_ = 	snop  }
0x82: {  	v1 =	vmul.f32 v2, v1;
	_ =	sdelay $0x1  }
0x83: {  	[tilespmem:s14+$0x92F0] =	vst v1  }
.LBB2_2:
0x84: {  	_ =	sdelay $0x3  }
0x85: {  	v2 =	vld.idx.msk [tilespmem:v0+s13+$0x0 ss:$0x1], $0xffff;
	_ =	sdelay $0x4  }
0x86: {  	(v2sf) =	vpush v2, $0x0;
	_ =	sdelay $0x3  }
0x87: {  	v1 =	vimm.f32 $0.0e+00  }
0x88: {  	[tilespmem:$0x8480] =	vst v1  }
0x89: {  	[tilespmem:$0x8490] =	vst v1  }
0x8a: {  	[tilespmem:$0x84A0] =	vst v1;
	(v2sf) =	vpush v2, $0x1  }
0x8b: {  	[tilespmem:$0x84B0] =	vst v1  }
0x8c: {  	[tilespmem:$0x84C0] =	vst v1  }
0x8d: {  	[tilespmem:$0x84D0] =	vst v1  }
0x8e: {  	[tilespmem:$0x84E0] =	vst v1  }
0x8f: {  	[tilespmem:$0x84F0] =	vst v1  }
0x90: {  	[tilespmem:$0x8500] =	vst v1  }
0x91: {  	[tilespmem:$0x8510] =	vst v1  }
0x92: {  	[tilespmem:$0x8520] =	vst v1;
	s14 =	spop (v2sf)  }
0x93: {  	[tilespmem:$0x8530] =	vst v1;
	s15 =	sand.u32 $0x7, s14  }
0x94: {  	[tilespmem:$0x8540] =	vst v1;
	s16 =	sshra.s32 s14, $0x1F;
	p0 =	slt.s32 s14, $0x1;
	p1 =	sne.s32 s15, $0x0  }
0x95: {  	[tilespmem:$0x8550] =	vst v1;
	s30 =	sshrl.u32 s16, $0x1D;
	p0 =	por !p0, !p1  }
0x96: {  	[tilespmem:$0x8560] =	vst v1;
	s16 =	simm.s32 $0x1;
	s15 =	sadd.s32 s30, s14;
	p0 =	por !p0, !p0  }
0x97: {  	[tilespmem:$0x8570] =	vst v1;
	s15 =	sshrl.u32 s15, $0x3;
	s16 =	simm.s32 @!p0 $0x0  }
0x98: {  	[tilespmem:$0x8580] =	vst v1;
	s16 =	ssub.s32 s15, s16  }
0x99: {  	[tilespmem:$0x8590] =	vst v1;
	s15 =	spop (v2sf);
	s16 =	sshll.u32 s16, $0x3  }
0x9a: {  	[tilespmem:$0x85A0] =	vst v1;
	s17 =	ssub.s32 s15, s16  }
0x9b: {  	[tilespmem:$0x85B0] =	vst v1;
	s17 =	sadd.s32 $0x3F, s17  }
0x9c: {  	[tilespmem:$0x85C0] =	vst v1;
	s18 =	sand.u32 $0x3F, s17  }
0x9d: {  	[tilespmem:$0x85D0] =	vst v1;
	s31 =	sshra.s32 s17, $0x1F;
	p6 =	slt.s32 s17, $0x1;
	p5 =	sne.s32 s18, $0x0  }
0x9e: {  	[tilespmem:$0x85E0] =	vst v1;
	s18 =	sshrl.u32 s31, $0x1A;
	p0 =	por !p6, !p5  }
0x9f: {  	[tilespmem:$0x85F0] =	vst v1;
	s17 =	sadd.s32 s18, s17;
	s18 =	simm.s32 $0x1;
	p0 =	por !p0, !p0  }
0xa0: {  	[tilespmem:$0x8600] =	vst v1;
	s17 =	sshra.s32 s17, $0x6;
	s18 =	simm.s32 @!p0 $0x0  }
0xa1: {  	[tilespmem:$0x8610] =	vst v1;
	s17 =	ssub.s32 s17, s18  }
0xa2: {  	[tilespmem:$0x8620] =	vst v1;
	p0 =	slt.s32 s17, $0x1  }
.Ltmp4:
0xa3: {  	[tilespmem:$0x8630] =	vst v1;
	(pc) =	sbr.rel @p0 .LBB2_10-.Ltmp4, $4  }
0xa4: {  	[tilespmem:$0x8640] =	vst v1  }
0xa5: {  	[tilespmem:$0x8650] =	vst v1  }
0xa6: {  	[tilespmem:$0x8660] =	vst v1  }
0xa7: {  	[tilespmem:$0x8670] =	vst v1  }
.Ltmp5:
0xa8: {  	(pc) =	sbr.rel .LBB2_4-.Ltmp5, $2  }
0xa9: {  	_ =	sdelay $0x2  }
0xaa: {  	s18 =	simm.s32 $0x0;
	s20 =	simm.f32 $-3.000000010e+38;
	s19 =	smov.u32 s16  }
.LBB2_9:
0xab: {  	s18 =	sadd.s32 $0x1, s18  }
0xac: {  	p0 =	sne.s32 s18, s17  }
.Ltmp6:
0xad: {  	_ = 	snop;
	(pc) =	sbr.rel @!p0 .LBB2_10-.Ltmp6, $2  }
0xae: {  	_ =	sdelay $0x2  }
0xaf: {  	s19 =	sadd.s32 $0x40, s19  }
.LBB2_4:
0xb0: {  	s21 =	sshll.u32 s18, $0x6  }
0xb1: {  	s22 =	sadd.s32 s16, s21  }
0xb2: {  	p0 =	slt.s32 s22, $0x18660;
	s23 =	smov.u32 s22  }
0xb3: {  	s23 =	simm.s32 @!p0 $0x18660  }
0xb4: {  	s31 =	sshll.u32 s23, $0x6  }
0xb5: {  	s21 =	sadd.s32 s1, s31  }
0xb6: {  	[tilespmem:s4], [sflag:$0x1] =	stream.linear.gather [hbm4b:s21+s4], $0x8000, $0x38;
	[tilespmem:$0xA680] =	vst v63  }
0xb7: {  	s21 =	sadd.s32 $0x40, s22  }
0xb8: {  	p1 =	sgt.s32 s14, s22;
	p0 =	slt.s32 s15, s21  }
0xb9: {  	s22 =	smov.u32 @p1 s14;
	s21 =	smov.u32 @p0 s15  }
0xba: {  	s22 =	ssub.s32 s22, s23;
	s21 =	ssub.s32 s21, s23  }
0xbb: {  	p0 =	sge.s32 s22, s21  }
.Ltmp7:
0xbc: {  	_ = 	snop;
	(pc) =	sbr.rel @p0 .LBB2_9-.Ltmp7, $4  }
0xbd: {  	_ = 	snop  }
0xbe: {  	_ =	swait.ge [sflag:s9], $0x8000  }
0xbf: {  	[sflag:s9] =	ssyncset.done $0x0  }
0xc0: {  	[sflag:s9] =	ssyncadd.s32 $0xFFFF8000  }
.Ltmp8:
0xc1: {  	p0 =	sgt.s32 s14, s19;
	s23 =	smov.u32 s19;
	(pc) =	sbr.rel .LBB2_6-.Ltmp8, $4  }
0xc2: {  	s24 =	smov.u32 s19;
	s23 =	smov.u32 @p0 s14;
	p0 =	slt.s32 s19, $0x18660  }
0xc3: {  	s25 =	sshll.u32 s23, $0x7;
	s24 =	simm.s32 @!p0 $0x18660  }
0xc4: {  	s28 =	sshll.u32 s23, $0x9;
	s26 =	sshll.u32 s24, $0x7;
	s24 =	sshll.u32 s24, $0x9  }
0xc5: {  	s23 =	ssub.s32 s25, s26;
	s24 =	ssub.s32 s28, s24  }
.LBB2_8:
0xc6: {  	v4 =	vld [tilespmem:s25+$0x0];
	_ =	sdelay $0x1  }
0xc7: {  	v5 =	vld [tilespmem:$0x8480];
	_ =	sdelay $0x2  }
0xc8: {  	v4 =	vmul.f32 v4, v2;
	_ =	sdelay $0x1  }
0xc9: {  	v4 =	vadd.f32 v4, v5;
	_ =	sdelay $0x1  }
0xca: {  	[tilespmem:$0x8480] =	vst v4  }
0xcb: {  	v4 =	vld [tilespmem:s25+$0x10];
	_ =	sdelay $0x1  }
0xcc: {  	v33 =	vld [tilespmem:$0x8490];
	_ =	sdelay $0x2  }
0xcd: {  	v4 =	vmul.f32 v4, v2;
	_ =	sdelay $0x1  }
0xce: {  	v4 =	vadd.f32 v4, v33;
	_ =	sdelay $0x1  }
0xcf: {  	[tilespmem:$0x8490] =	vst v4  }
0xd0: {  	v4 =	vld [tilespmem:s25+$0x20];
	_ =	sdelay $0x1  }
0xd1: {  	v34 =	vld [tilespmem:$0x84A0];
	_ =	sdelay $0x2  }
0xd2: {  	v4 =	vmul.f32 v4, v2;
	_ =	sdelay $0x1  }
0xd3: {  	v4 =	vadd.f32 v4, v34;
	_ =	sdelay $0x1  }
0xd4: {  	[tilespmem:$0x84A0] =	vst v4  }
0xd5: {  	v4 =	vld [tilespmem:s25+$0x30];
	_ =	sdelay $0x1  }
0xd6: {  	v35 =	vld [tilespmem:$0x84B0];
	_ =	sdelay $0x2  }
0xd7: {  	v4 =	vmul.f32 v4, v2;
	_ =	sdelay $0x1  }
0xd8: {  	v4 =	vadd.f32 v4, v35;
	_ =	sdelay $0x1  }
0xd9: {  	[tilespmem:$0x84B0] =	vst v4  }
0xda: {  	v4 =	vld [tilespmem:s25+$0x40];
	_ =	sdelay $0x1  }
0xdb: {  	v36 =	vld [tilespmem:$0x84C0];
	_ =	sdelay $0x2  }
0xdc: {  	v4 =	vmul.f32 v4, v2;
	_ =	sdelay $0x1  }
0xdd: {  	v4 =	vadd.f32 v4, v36;
	_ =	sdelay $0x1  }
0xde: {  	[tilespmem:$0x84C0] =	vst v4  }
0xdf: {  	v4 =	vld [tilespmem:s25+$0x50];
	_ =	sdelay $0x1  }
0xe0: {  	v37 =	vld [tilespmem:$0x84D0];
	_ =	sdelay $0x2  }
0xe1: {  	v4 =	vmul.f32 v4, v2;
	_ =	sdelay $0x1  }
0xe2: {  	v4 =	vadd.f32 v4, v37;
	_ =	sdelay $0x1  }
0xe3: {  	[tilespmem:$0x84D0] =	vst v4  }
0xe4: {  	v4 =	vld [tilespmem:s25+$0x60];
	_ =	sdelay $0x1  }
0xe5: {  	v38 =	vld [tilespmem:$0x84E0];
	_ =	sdelay $0x2  }
0xe6: {  	v4 =	vmul.f32 v4, v2;
	_ =	sdelay $0x1  }
0xe7: {  	v4 =	vadd.f32 v4, v38;
	_ =	sdelay $0x1  }
0xe8: {  	[tilespmem:$0x84E0] =	vst v4  }
0xe9: {  	v4 =	vld [tilespmem:s25+$0x70];
	_ =	sdelay $0x1  }
0xea: {  	v39 =	vld [tilespmem:$0x84F0];
	_ =	sdelay $0x2  }
0xeb: {  	v4 =	vmul.f32 v4, v2;
	_ =	sdelay $0x1  }
0xec: {  	v4 =	vadd.f32 v4, v39;
	_ =	sdelay $0x1  }
0xed: {  	[tilespmem:$0x84F0] =	vst v4  }
0xee: {  	v4 =	vld [tilespmem:s25+$0x400];
	_ =	sdelay $0x1  }
0xef: {  	v40 =	vld [tilespmem:$0x8500];
	_ =	sdelay $0x2  }
0xf0: {  	v4 =	vmul.f32 v4, v2;
	_ =	sdelay $0x1  }
0xf1: {  	v4 =	vadd.f32 v4, v40;
	_ =	sdelay $0x1  }
0xf2: {  	[tilespmem:$0x8500] =	vst v4  }
0xf3: {  	v4 =	vld [tilespmem:s25+$0x410];
	_ =	sdelay $0x1  }
0xf4: {  	v41 =	vld [tilespmem:$0x8510];
	_ =	sdelay $0x2  }
0xf5: {  	v4 =	vmul.f32 v4, v2;
	_ =	sdelay $0x1  }
0xf6: {  	v4 =	vadd.f32 v4, v41;
	_ =	sdelay $0x1  }
0xf7: {  	[tilespmem:$0x8510] =	vst v4  }
0xf8: {  	v4 =	vld [tilespmem:s25+$0x420];
	_ =	sdelay $0x1  }
0xf9: {  	v42 =	vld [tilespmem:$0x8520];
	_ =	sdelay $0x2  }
0xfa: {  	v4 =	vmul.f32 v4, v2;
	_ =	sdelay $0x1  }
0xfb: {  	v4 =	vadd.f32 v4, v42;
	_ =	sdelay $0x1  }
0xfc: {  	[tilespmem:$0x8520] =	vst v4  }
0xfd: {  	v4 =	vld [tilespmem:s25+$0x430];
	_ =	sdelay $0x1  }
0xfe: {  	v43 =	vld [tilespmem:$0x8530];
	_ =	sdelay $0x2  }
0xff: {  	v4 =	vmul.f32 v4, v2;
	_ =	sdelay $0x1  }
0x100: {  	v4 =	vadd.f32 v4, v43;
	_ =	sdelay $0x1  }
0x101: {  	[tilespmem:$0x8530] =	vst v4  }
0x102: {  	v4 =	vld [tilespmem:s25+$0x440];
	_ =	sdelay $0x1  }
0x103: {  	v44 =	vld [tilespmem:$0x8540];
	_ =	sdelay $0x2  }
0x104: {  	v4 =	vmul.f32 v4, v2;
	_ =	sdelay $0x1  }
0x105: {  	v4 =	vadd.f32 v4, v44;
	_ =	sdelay $0x1  }
0x106: {  	[tilespmem:$0x8540] =	vst v4  }
0x107: {  	v4 =	vld [tilespmem:s25+$0x450];
	_ =	sdelay $0x1  }
0x108: {  	v45 =	vld [tilespmem:$0x8550];
	_ =	sdelay $0x2  }
0x109: {  	v4 =	vmul.f32 v4, v2;
	_ =	sdelay $0x1  }
0x10a: {  	v4 =	vadd.f32 v4, v45;
	_ =	sdelay $0x1  }
0x10b: {  	[tilespmem:$0x8550] =	vst v4  }
0x10c: {  	v4 =	vld [tilespmem:s25+$0x460];
	_ =	sdelay $0x1  }
0x10d: {  	v46 =	vld [tilespmem:$0x8560];
	_ =	sdelay $0x2  }
0x10e: {  	v4 =	vmul.f32 v4, v2;
	_ =	sdelay $0x1  }
0x10f: {  	v4 =	vadd.f32 v4, v46;
	_ =	sdelay $0x1  }
0x110: {  	[tilespmem:$0x8560] =	vst v4  }
0x111: {  	v4 =	vld [tilespmem:s25+$0x470];
	_ =	sdelay $0x1  }
0x112: {  	v47 =	vld [tilespmem:$0x8570];
	_ =	sdelay $0x2  }
0x113: {  	v4 =	vmul.f32 v4, v2;
	_ =	sdelay $0x1  }
0x114: {  	v4 =	vadd.f32 v4, v47;
	_ =	sdelay $0x1  }
0x115: {  	[tilespmem:$0x8570] =	vst v4  }
0x116: {  	v4 =	vld [tilespmem:s25+$0x800];
	_ =	sdelay $0x1  }
0x117: {  	v48 =	vld [tilespmem:$0x8580];
	_ =	sdelay $0x2  }
0x118: {  	v4 =	vmul.f32 v4, v2;
	_ =	sdelay $0x1  }
0x119: {  	v4 =	vadd.f32 v4, v48;
	_ =	sdelay $0x1  }
0x11a: {  	[tilespmem:$0x8580] =	vst v4  }
0x11b: {  	v4 =	vld [tilespmem:s25+$0x810];
	_ =	sdelay $0x1  }
0x11c: {  	v49 =	vld [tilespmem:$0x8590];
	_ =	sdelay $0x2  }
0x11d: {  	v4 =	vmul.f32 v4, v2;
	_ =	sdelay $0x1  }
0x11e: {  	v4 =	vadd.f32 v4, v49;
	_ =	sdelay $0x1  }
0x11f: {  	[tilespmem:$0x8590] =	vst v4  }
0x120: {  	v4 =	vld [tilespmem:s25+$0x820];
	_ =	sdelay $0x1  }
0x121: {  	v50 =	vld [tilespmem:$0x85A0];
	_ =	sdelay $0x2  }
0x122: {  	v4 =	vmul.f32 v4, v2;
	_ =	sdelay $0x1  }
0x123: {  	v4 =	vadd.f32 v4, v50;
	_ =	sdelay $0x1  }
0x124: {  	[tilespmem:$0x85A0] =	vst v4  }
0x125: {  	v4 =	vld [tilespmem:s25+$0x830];
	_ =	sdelay $0x1  }
0x126: {  	v51 =	vld [tilespmem:$0x85B0];
	_ =	sdelay $0x2  }
0x127: {  	v4 =	vmul.f32 v4, v2;
	_ =	sdelay $0x1  }
0x128: {  	v4 =	vadd.f32 v4, v51;
	_ =	sdelay $0x1  }
0x129: {  	[tilespmem:$0x85B0] =	vst v4  }
0x12a: {  	v4 =	vld [tilespmem:s25+$0x840];
	_ =	sdelay $0x1  }
0x12b: {  	v52 =	vld [tilespmem:$0x85C0];
	_ =	sdelay $0x2  }
0x12c: {  	v4 =	vmul.f32 v4, v2;
	_ =	sdelay $0x1  }
0x12d: {  	v4 =	vadd.f32 v4, v52;
	_ =	sdelay $0x1  }
0x12e: {  	[tilespmem:$0x85C0] =	vst v4  }
0x12f: {  	v4 =	vld [tilespmem:s25+$0x850];
	_ =	sdelay $0x1  }
0x130: {  	v53 =	vld [tilespmem:$0x85D0];
	_ =	sdelay $0x2  }
0x131: {  	v4 =	vmul.f32 v4, v2;
	_ =	sdelay $0x1  }
0x132: {  	v4 =	vadd.f32 v4, v53;
	_ =	sdelay $0x1  }
0x133: {  	[tilespmem:$0x85D0] =	vst v4  }
0x134: {  	v4 =	vld [tilespmem:s25+$0x860];
	_ =	sdelay $0x1  }
0x135: {  	v54 =	vld [tilespmem:$0x85E0];
	_ =	sdelay $0x2  }
0x136: {  	v4 =	vmul.f32 v4, v2;
	_ =	sdelay $0x1  }
0x137: {  	v4 =	vadd.f32 v4, v54;
	_ =	sdelay $0x1  }
0x138: {  	[tilespmem:$0x85E0] =	vst v4  }
0x139: {  	v4 =	vld [tilespmem:s25+$0x870];
	_ =	sdelay $0x1  }
0x13a: {  	v55 =	vld [tilespmem:$0x85F0];
	_ =	sdelay $0x2  }
0x13b: {  	v4 =	vmul.f32 v4, v2;
	_ =	sdelay $0x1  }
0x13c: {  	v4 =	vadd.f32 v4, v55;
	_ =	sdelay $0x1  }
0x13d: {  	[tilespmem:$0x85F0] =	vst v4  }
0x13e: {  	v4 =	vld [tilespmem:s25+$0xC00];
	_ =	sdelay $0x1  }
0x13f: {  	v56 =	vld [tilespmem:$0x8600];
	_ =	sdelay $0x2  }
0x140: {  	v4 =	vmul.f32 v4, v2;
	_ =	sdelay $0x1  }
0x141: {  	v4 =	vadd.f32 v4, v56;
	_ =	sdelay $0x1  }
0x142: {  	[tilespmem:$0x8600] =	vst v4  }
0x143: {  	v4 =	vld [tilespmem:s25+$0xC10];
	_ =	sdelay $0x1  }
0x144: {  	v57 =	vld [tilespmem:$0x8610];
	_ =	sdelay $0x2  }
0x145: {  	v4 =	vmul.f32 v4, v2;
	_ =	sdelay $0x1  }
0x146: {  	v4 =	vadd.f32 v4, v57;
	_ =	sdelay $0x1  }
0x147: {  	[tilespmem:$0x8610] =	vst v4  }
0x148: {  	v4 =	vld [tilespmem:s25+$0xC20];
	_ =	sdelay $0x1  }
0x149: {  	v58 =	vld [tilespmem:$0x8620];
	_ =	sdelay $0x2  }
0x14a: {  	v4 =	vmul.f32 v4, v2;
	_ =	sdelay $0x1  }
0x14b: {  	v4 =	vadd.f32 v4, v58;
	_ =	sdelay $0x1  }
0x14c: {  	[tilespmem:$0x8620] =	vst v4  }
0x14d: {  	v4 =	vld [tilespmem:s25+$0xC30];
	_ =	sdelay $0x1  }
0x14e: {  	v59 =	vld [tilespmem:$0x8630];
	_ =	sdelay $0x2  }
0x14f: {  	v4 =	vmul.f32 v4, v2;
	_ =	sdelay $0x1  }
0x150: {  	v4 =	vadd.f32 v4, v59;
	_ =	sdelay $0x1  }
0x151: {  	[tilespmem:$0x8630] =	vst v4  }
0x152: {  	v4 =	vld [tilespmem:s25+$0xC40];
	_ =	sdelay $0x1  }
0x153: {  	v60 =	vld [tilespmem:$0x8640];
	_ =	sdelay $0x2  }
0x154: {  	v4 =	vmul.f32 v4, v2;
	_ =	sdelay $0x1  }
0x155: {  	v4 =	vadd.f32 v4, v60;
	_ =	sdelay $0x1  }
0x156: {  	[tilespmem:$0x8640] =	vst v4  }
0x157: {  	v4 =	vld [tilespmem:s25+$0xC50];
	_ =	sdelay $0x1  }
0x158: {  	v61 =	vld [tilespmem:$0x8650];
	_ =	sdelay $0x2  }
0x159: {  	v4 =	vmul.f32 v4, v2;
	_ =	sdelay $0x1  }
0x15a: {  	v4 =	vadd.f32 v4, v61;
	_ =	sdelay $0x1  }
0x15b: {  	[tilespmem:$0x8650] =	vst v4  }
0x15c: {  	v4 =	vld [tilespmem:s25+$0xC60];
	_ =	sdelay $0x1  }
0x15d: {  	v62 =	vld [tilespmem:$0x8660];
	_ =	sdelay $0x2  }
0x15e: {  	v4 =	vmul.f32 v4, v2;
	_ =	sdelay $0x1  }
0x15f: {  	v4 =	vadd.f32 v4, v62;
	_ =	sdelay $0x1  }
0x160: {  	[tilespmem:$0x8660] =	vst v4  }
0x161: {  	v4 =	vld [tilespmem:s25+$0xC70];
	_ =	sdelay $0x1  }
0x162: {  	v63 =	vld [tilespmem:$0x8670]  }
0x163: {  	s22 =	sadd.s32 $0x1, s22  }
0x164: {  	p0 =	slt.s32 s22, s21  }
.Ltmp9:
0x165: {  	v4 =	vmul.f32 v4, v2;
	(pc) =	sbr.rel @!p0 .LBB2_9-.Ltmp9, $4  }
0x166: {  	v1 =	vmul.f32 v3, v1  }
0x167: {  	v3 =	vadd.f32 v4, v63  }
0x168: {  	v1 =	vadd.f32 v1, v2  }
0x169: {  	s23 =	sadd.s32 $0x80, s23;
	s24 =	sadd.s32 $0x200, s24;
	[tilespmem:$0x8670] =	vst v3  }
.LBB2_6:
0x16a: {  	s25 =	sand.u32 $0xFFFFF000, s24;
	s26 =	sand.u32 $0x380, s23  }
0x16b: {  	v3 =	vld [tilespmem:$0x8000];
	s25 =	sor.u32 s26, s25  }
0x16c: {  	v2 =	vld [tilespmem:s25+$0x0]  }
0x16d: {  	v5 =	vld [tilespmem:$0x8010]  }
0x16e: {  	v4 =	vld [tilespmem:s25+$0x10]  }
0x16f: {  	v7 =	vld [tilespmem:$0x8020]  }
0x170: {  	v6 =	vld [tilespmem:s25+$0x20]  }
0x171: {  	v8 =	vld [tilespmem:$0x8030];
	v2 =	vmul.f32 v3, v2  }
0x172: {  	v3 =	vld [tilespmem:s25+$0x30]  }
0x173: {  	v9 =	vld [tilespmem:$0x8040];
	v4 =	vmul.f32 v5, v4;
	v2 =	vadd.f32 $0.0e+00, v2  }
0x174: {  	v5 =	vld [tilespmem:s25+$0x40]  }
0x175: {  	v29 =	vld [tilespmem:$0x8050];
	v2 =	vadd.f32 v4, v2;
	v4 =	vmul.f32 v7, v6  }
0x176: {  	v28 =	vld [tilespmem:s25+$0x50]  }
0x177: {  	v30 =	vld [tilespmem:$0x8060];
	v3 =	vmul.f32 v8, v3;
	v2 =	vadd.f32 v4, v2  }
0x178: {  	v4 =	vld [tilespmem:s25+$0x60]  }
0x179: {  	v31 =	vld [tilespmem:$0x8070];
	v2 =	vadd.f32 v3, v2;
	v3 =	vmul.f32 v9, v5  }
0x17a: {  	v5 =	vld [tilespmem:s25+$0x70]  }
0x17b: {  	v33 =	vld [tilespmem:$0x8080];
	v2 =	vadd.f32 v3, v2;
	v3 =	vmul.f32 v29, v28  }
0x17c: {  	v32 =	vld [tilespmem:s25+$0x400]  }
0x17d: {  	v34 =	vld [tilespmem:$0x8090];
	v2 =	vadd.f32 v3, v2;
	v3 =	vmul.f32 v30, v4  }
0x17e: {  	v4 =	vld [tilespmem:s25+$0x410]  }
0x17f: {  	v35 =	vld [tilespmem:$0x80A0];
	v2 =	vadd.f32 v3, v2;
	v3 =	vmul.f32 v31, v5  }
0x180: {  	v5 =	vld [tilespmem:s25+$0x420]  }
0x181: {  	v37 =	vld [tilespmem:$0x80B0];
	v2 =	vadd.f32 v3, v2;
	v3 =	vmul.f32 v33, v32  }
0x182: {  	v36 =	vld [tilespmem:s25+$0x430]  }
0x183: {  	v38 =	vld [tilespmem:$0x80C0];
	v2 =	vadd.f32 v3, v2;
	v3 =	vmul.f32 v34, v4  }
0x184: {  	v4 =	vld [tilespmem:s25+$0x440]  }
0x185: {  	v39 =	vld [tilespmem:$0x80D0];
	v2 =	vadd.f32 v3, v2;
	v3 =	vmul.f32 v35, v5  }
0x186: {  	v5 =	vld [tilespmem:s25+$0x450]  }
0x187: {  	v41 =	vld [tilespmem:$0x80E0];
	v2 =	vadd.f32 v3, v2;
	v3 =	vmul.f32 v37, v36  }
0x188: {  	v40 =	vld [tilespmem:s25+$0x460]  }
0x189: {  	v42 =	vld [tilespmem:$0x80F0];
	v2 =	vadd.f32 v3, v2;
	v3 =	vmul.f32 v38, v4  }
0x18a: {  	v4 =	vld [tilespmem:s25+$0x470]  }
0x18b: {  	v43 =	vld [tilespmem:$0x8100];
	v2 =	vadd.f32 v3, v2;
	v3 =	vmul.f32 v39, v5  }
0x18c: {  	v5 =	vld [tilespmem:s25+$0x800]  }
0x18d: {  	v45 =	vld [tilespmem:$0x8110];
	v2 =	vadd.f32 v3, v2;
	v3 =	vmul.f32 v41, v40  }
0x18e: {  	v44 =	vld [tilespmem:s25+$0x810]  }
0x18f: {  	v46 =	vld [tilespmem:$0x8120];
	v2 =	vadd.f32 v3, v2;
	v3 =	vmul.f32 v42, v4  }
0x190: {  	v4 =	vld [tilespmem:s25+$0x820]  }
0x191: {  	v47 =	vld [tilespmem:$0x8130];
	v2 =	vadd.f32 v3, v2;
	v3 =	vmul.f32 v43, v5  }
0x192: {  	v5 =	vld [tilespmem:s25+$0x830]  }
0x193: {  	v49 =	vld [tilespmem:$0x8140];
	v2 =	vadd.f32 v3, v2;
	v3 =	vmul.f32 v45, v44  }
0x194: {  	v48 =	vld [tilespmem:s25+$0x840]  }
0x195: {  	v50 =	vld [tilespmem:$0x8150];
	v2 =	vadd.f32 v3, v2;
	v3 =	vmul.f32 v46, v4  }
0x196: {  	v4 =	vld [tilespmem:s25+$0x850]  }
0x197: {  	v51 =	vld [tilespmem:$0x8160];
	v2 =	vadd.f32 v3, v2;
	v3 =	vmul.f32 v47, v5  }
0x198: {  	v5 =	vld [tilespmem:s25+$0x860]  }
0x199: {  	v53 =	vld [tilespmem:$0x8170];
	v2 =	vadd.f32 v3, v2;
	v3 =	vmul.f32 v49, v48  }
0x19a: {  	v52 =	vld [tilespmem:s25+$0x870]  }
0x19b: {  	v54 =	vld [tilespmem:$0x8180];
	v2 =	vadd.f32 v3, v2;
	v3 =	vmul.f32 v50, v4  }
0x19c: {  	v4 =	vld [tilespmem:s25+$0xC00]  }
0x19d: {  	v55 =	vld [tilespmem:$0x8190];
	v2 =	vadd.f32 v3, v2;
	v3 =	vmul.f32 v51, v5  }
0x19e: {  	v5 =	vld [tilespmem:s25+$0xC10]  }
0x19f: {  	v57 =	vld [tilespmem:$0x81A0];
	v2 =	vadd.f32 v3, v2;
	v3 =	vmul.f32 v53, v52  }
0x1a0: {  	v56 =	vld [tilespmem:s25+$0xC20]  }
0x1a1: {  	v58 =	vld [tilespmem:$0x81B0];
	v2 =	vadd.f32 v3, v2;
	v3 =	vmul.f32 v54, v4  }
0x1a2: {  	v4 =	vld [tilespmem:s25+$0xC30]  }
0x1a3: {  	v59 =	vld [tilespmem:$0x81C0];
	v2 =	vadd.f32 v3, v2;
	v3 =	vmul.f32 v55, v5  }
0x1a4: {  	v5 =	vld [tilespmem:s25+$0xC40]  }
0x1a5: {  	v61 =	vld [tilespmem:$0x81D0];
	v2 =	vadd.f32 v3, v2;
	v3 =	vmul.f32 v57, v56  }
0x1a6: {  	v60 =	vld [tilespmem:s25+$0xC50]  }
0x1a7: {  	v62 =	vld [tilespmem:$0x81E0];
	v2 =	vadd.f32 v3, v2;
	v3 =	vmul.f32 v58, v4  }
0x1a8: {  	v4 =	vld [tilespmem:s25+$0xC60]  }
0x1a9: {  	v63 =	vld [tilespmem:$0x81F0];
	v2 =	vadd.f32 v3, v2;
	v3 =	vmul.f32 v59, v5  }
0x1aa: {  	v5 =	vld [tilespmem:s25+$0xC70]  }
0x1ab: {  	v2 =	vadd.f32 v3, v2;
	v3 =	vmul.f32 v61, v60;
	_ =	sdelay $0x1  }
0x1ac: {  	v2 =	vadd.f32 v3, v2;
	v3 =	vmul.f32 v62, v4;
	_ =	sdelay $0x1  }
0x1ad: {  	v2 =	vadd.f32 v3, v2;
	v3 =	vmul.f32 v63, v5;
	_ =	sdelay $0x1  }
0x1ae: {  	v2 =	vadd.f32 v3, v2;
	_ =	sdelay $0x1  }
0x1af: {  	(v2sf) =	vpush v2, $0x0  }
0x1b0: {  	(v2sf) =	vpush v2, $0x1;
	_ =	sdelay $0x1  }
0x1b1: {  	(v2sf) =	vpush v2, $0x2;
	_ =	sdelay $0x1  }
0x1b2: {  	(v2sf) =	vpush v2, $0x3;
	_ =	sdelay $0x1  }
0x1b3: {  	(v2sf) =	vpush v2, $0x4;
	_ =	sdelay $0x1  }
0x1b4: {  	(v2sf) =	vpush v2, $0x5;
	_ =	sdelay $0x1  }
0x1b5: {  	(v2sf) =	vpush v2, $0x6;
	_ =	sdelay $0x1  }
0x1b6: {  	(v2sf) =	vpush v2, $0x7;
	_ =	sdelay $0x1  }
0x1b7: {  	s31 =	spop (v2sf);
	(v2sf) =	vpush v2, $0x8  }
0x1b8: {  	s28 =	spop (v2sf)  }
0x1b9: {  	(v2sf) =	vpush v2, $0x9;
	s26 =	sadd.f32 s28, s31  }
0x1ba: {  	s29 =	spop (v2sf)  }
0x1bb: {  	(v2sf) =	vpush v2, $0xA;
	s26 =	sadd.f32 s26, s29  }
0x1bc: {  	s30 =	spop (v2sf)  }
0x1bd: {  	(v2sf) =	vpush v2, $0xB;
	s26 =	sadd.f32 s26, s30  }
0x1be: {  	s31 =	spop (v2sf)  }
0x1bf: {  	(v2sf) =	vpush v2, $0xC;
	s26 =	sadd.f32 s26, s31  }
0x1c0: {  	s29 =	spop (v2sf)  }
0x1c1: {  	(v2sf) =	vpush v2, $0xD;
	s26 =	sadd.f32 s26, s29  }
0x1c2: {  	s30 =	spop (v2sf)  }
0x1c3: {  	(v2sf) =	vpush v2, $0xE;
	s26 =	sadd.f32 s26, s30  }
0x1c4: {  	s31 =	spop (v2sf)  }
0x1c5: {  	(v2sf) =	vpush v2, $0xF;
	s26 =	sadd.f32 s26, s31  }
0x1c6: {  	s29 =	spop (v2sf)  }
0x1c7: {  	s26 =	sadd.f32 s26, s29  }
0x1c8: {  	s30 =	spop (v2sf)  }
0x1c9: {  	s26 =	sadd.f32 s26, s30  }
0x1ca: {  	s31 =	spop (v2sf)  }
0x1cb: {  	s26 =	sadd.f32 s26, s31  }
0x1cc: {  	s29 =	spop (v2sf)  }
0x1cd: {  	s26 =	sadd.f32 s26, s29  }
0x1ce: {  	s30 =	spop (v2sf)  }
0x1cf: {  	s26 =	sadd.f32 s26, s30  }
0x1d0: {  	s31 =	spop (v2sf)  }
0x1d1: {  	s26 =	sadd.f32 s26, s31  }
0x1d2: {  	s29 =	spop (v2sf)  }
0x1d3: {  	s26 =	sadd.f32 s26, s29  }
0x1d4: {  	s30 =	spop (v2sf)  }
0x1d5: {  	s26 =	sadd.f32 s26, s30;
	_ =	sdelay $0x1  }
0x1d6: {  	s31 =	smov.u32 s20;
	s20 =	smax.f32 s20, s26  }
0x1d7: {  	s29 =	ssub.f32 s31, s20  }
0x1d8: {  	s26 =	ssub.f32 s26, s20  }
0x1d9: {  	v2 =	vmov s29  }
0x1da: {  	v3 =	vmov s26;
	v2 =	vmul.f32 $1.442695020e+00, v2  }
0x1db: {  	v3 =	vmul.f32 $1.442695020e+00, v3  }
0x1dc: {  	v2 =	vbroadcast v2, $0x0  }
0x1dd: {  	v3 =	vbroadcast v3, $0x0  }
0x1de: {  	(erf) = vpow2.f32 v2  }
0x1df: {  	(erf) = vpow2.f32 v3;
	_ =	sdelay $0x3  }
0x1e0: {  	p0 =	sgt.f32 s20, s31  }
.Ltmp10:
0x1e1: {  	_ = 	snop;
	(pc) =	sbr.rel @!p0 .LBB2_8-.Ltmp10, $3  }
0x1e2: {  	_ =	sdelay $0x1  }
0x1e3: {  	v3 =	vpop (erf)  }
0x1e4: {  	v2 =	vpop (erf)  }
0x1e5: {  	v4 =	vld [tilespmem:$0x8480]  }
0x1e6: {  	v5 =	vld [tilespmem:$0x8490]  }
0x1e7: {  	v6 =	vld [tilespmem:$0x84A0]  }
0x1e8: {  	v7 =	vld [tilespmem:$0x84B0]  }
0x1e9: {  	v8 =	vld [tilespmem:$0x84C0]  }
0x1ea: {  	v9 =	vld [tilespmem:$0x84D0];
	v4 =	vmul.f32 v4, v3  }
0x1eb: {  	v10 =	vld [tilespmem:$0x84E0];
	v5 =	vmul.f32 v5, v3  }
0x1ec: {  	v39 =	vld [tilespmem:$0x84F0];
	[tilespmem:$0x8480] =	vst v4;
	v4 =	vmul.f32 v6, v3  }
0x1ed: {  	v40 =	vld [tilespmem:$0x8500];
	[tilespmem:$0x8490] =	vst v5;
	v5 =	vmul.f32 v7, v3  }
0x1ee: {  	v41 =	vld [tilespmem:$0x8510];
	[tilespmem:$0x84A0] =	vst v4;
	v4 =	vmul.f32 v8, v3  }
0x1ef: {  	v42 =	vld [tilespmem:$0x8520];
	[tilespmem:$0x84B0] =	vst v5;
	v5 =	vmul.f32 v9, v3  }
0x1f0: {  	v43 =	vld [tilespmem:$0x8530];
	[tilespmem:$0x84C0] =	vst v4;
	v4 =	vmul.f32 v10, v3  }
0x1f1: {  	v44 =	vld [tilespmem:$0x8540];
	[tilespmem:$0x84D0] =	vst v5;
	v5 =	vmul.f32 v39, v3  }
0x1f2: {  	v45 =	vld [tilespmem:$0x8550];
	[tilespmem:$0x84E0] =	vst v4;
	v4 =	vmul.f32 v40, v3  }
0x1f3: {  	v46 =	vld [tilespmem:$0x8560];
	[tilespmem:$0x84F0] =	vst v5;
	v5 =	vmul.f32 v41, v3  }
0x1f4: {  	v47 =	vld [tilespmem:$0x8570];
	[tilespmem:$0x8500] =	vst v4;
	v4 =	vmul.f32 v42, v3  }
0x1f5: {  	v48 =	vld [tilespmem:$0x8580];
	[tilespmem:$0x8510] =	vst v5;
	v5 =	vmul.f32 v43, v3  }
0x1f6: {  	v49 =	vld [tilespmem:$0x8590];
	[tilespmem:$0x8520] =	vst v4;
	v4 =	vmul.f32 v44, v3  }
0x1f7: {  	v50 =	vld [tilespmem:$0x85A0];
	[tilespmem:$0x8530] =	vst v5;
	v5 =	vmul.f32 v45, v3  }
0x1f8: {  	v51 =	vld [tilespmem:$0x85B0];
	[tilespmem:$0x8540] =	vst v4;
	v4 =	vmul.f32 v46, v3  }
0x1f9: {  	v52 =	vld [tilespmem:$0x85C0];
	[tilespmem:$0x8550] =	vst v5;
	v5 =	vmul.f32 v47, v3  }
0x1fa: {  	v53 =	vld [tilespmem:$0x85D0];
	[tilespmem:$0x8560] =	vst v4;
	v4 =	vmul.f32 v48, v3  }
0x1fb: {  	v54 =	vld [tilespmem:$0x85E0];
	[tilespmem:$0x8570] =	vst v5;
	v5 =	vmul.f32 v49, v3  }
0x1fc: {  	v55 =	vld [tilespmem:$0x85F0];
	[tilespmem:$0x8580] =	vst v4;
	v4 =	vmul.f32 v50, v3  }
0x1fd: {  	v56 =	vld [tilespmem:$0x8600];
	[tilespmem:$0x8590] =	vst v5;
	v5 =	vmul.f32 v51, v3  }
0x1fe: {  	v57 =	vld [tilespmem:$0x8610];
	[tilespmem:$0x85A0] =	vst v4;
	v4 =	vmul.f32 v52, v3  }
0x1ff: {  	v58 =	vld [tilespmem:$0x8620];
	[tilespmem:$0x85B0] =	vst v5;
	v5 =	vmul.f32 v53, v3  }
0x200: {  	v59 =	vld [tilespmem:$0x8630];
	[tilespmem:$0x85C0] =	vst v4;
	v4 =	vmul.f32 v54, v3  }
0x201: {  	v60 =	vld [tilespmem:$0x8640];
	[tilespmem:$0x85D0] =	vst v5;
	v5 =	vmul.f32 v55, v3  }
0x202: {  	v61 =	vld [tilespmem:$0x8650];
	[tilespmem:$0x85E0] =	vst v4;
	v4 =	vmul.f32 v56, v3  }
0x203: {  	v62 =	vld [tilespmem:$0x8660];
	[tilespmem:$0x85F0] =	vst v5;
	v5 =	vmul.f32 v57, v3  }
0x204: {  	v63 =	vld [tilespmem:$0x8670];
	[tilespmem:$0x8600] =	vst v4;
	v4 =	vmul.f32 v58, v3  }
0x205: {  	[tilespmem:$0x8610] =	vst v5;
	v5 =	vmul.f32 v59, v3  }
0x206: {  	[tilespmem:$0x8620] =	vst v4;
	v4 =	vmul.f32 v60, v3  }
.Ltmp11:
0x207: {  	[tilespmem:$0x8630] =	vst v5;
	v5 =	vmul.f32 v61, v3;
	(pc) =	sbr.rel .LBB2_8-.Ltmp11, $4  }
0x208: {  	[tilespmem:$0x8640] =	vst v4;
	v4 =	vmul.f32 v62, v3  }
0x209: {  	[tilespmem:$0x8650] =	vst v5;
	v5 =	vmul.f32 v63, v3  }
0x20a: {  	[tilespmem:$0x8660] =	vst v4  }
0x20b: {  	[tilespmem:$0x8670] =	vst v5  }
.LBB2_12:
0x20c: {  	_ =	sfence.sel $0x180000  }
0x20d: {  	[bflag:$0x0] =	sbarrier.arrive $0xFFFF  }
0x20e: {  	p0 =	sne.s32 s3, $0x0;
	_ =	strace $0x90000047  }
0x20f: {  	s0 =	sadd.s32 @!p0 $0x100000, s0;
	[bflag:$0x2] =	sbarrier.arrive $0xFFFF  }
0x210: {  	[sflag:s0] =	ssyncadd.tile.s32 @!p0 $0x1;
	_ =	shalt  }
.Lfunc_end2:
_tile_overlayer_lowered:
.L_overlay_start_2:
0x211: {  	(tag) =	ssettag $0x2  }
0x212: {  	s0 =	rddreg [dreg:$0x0];
	s2 =	stileid.u32  }
0x213: {  	s1 =	rddreg [dreg:$0x1];
	p0 =	sne.s32 s2, $0x0  }
0x214: {  	s3 =	rddreg [dreg:$0x2];
	[bflag:$0x3] =	sbarrier.arrive $0xFFFF;
	s2 =	simm.s32 @!p0 $0x1C01  }
0x215: {  	[timem:s3], [sflag:s2] =	dma.local @!p0 [hbm:s0], s1  }
0x216: {  	s0 =	simm.s32 @!p0 $0x1  }
0x217: {  	_ =	swait.ge @!p0 [sflag:s0], s1  }
0x218: {  	s1 =	ssub.s32 @!p0 $0x0, s1;
	[sflag:s0] =	ssyncset.done @!p0 $0x0  }
0x219: {  	[sflag:s0] =	ssyncadd.s32 @!p0 s1  }
0x21a: {  	[bflag:$0x3] =	sbarrier.arrive $0xFFFF  }
0x21b: {  	_ =	shalt  }

</sc_bundles>
